<compile_context>
chip_gen: v7x
topology: tpu7x:2x2x1
jax: 0.10.2.dev20260603
libtpu: 0.0.44.dev20260713+nightly
codegen_flags: <defaults>
</compile_context>

<pallas_src>
import functools

import jax
import jax.numpy as jnp
from jax import lax
from jax.experimental import pallas as pl
from jax.experimental.pallas import tpu as pltpu
from jax.experimental.pallas import tpu_sc as plsc

N, E, F = 10000, 320000, 128
NC, NS = 2, 16
NW = NC * NS
L = 16
NSL = F // L

EW = E // NW
CB = 80
NCH = EW // CB
NPAIR = (NCH + 1) // 2

PT = 320
NLAST = N - (NW - 1) * PT
DC = 4000
NDC = E // DC
GRP = 1
MB_CAP = 512
FLUSH_AT = MB_CAP - GRP * L

BN = 1000
BE = 2560


def _uv_body(x_ref, w_ref, b_ref, u_ref, v_ref):
    uv = jnp.dot(x_ref[...], w_ref[...], preferred_element_type=jnp.float32)
    uv = uv + b_ref[...]
    u_ref[...] = uv[:, :F]
    v_ref[...] = uv[:, F:]


def _mlp_body(xl_ref, g_ref, w1t_ref, w2t_ref, b2_ref, m_ref):
    l1 = jnp.dot(xl_ref[...], w1t_ref[...], preferred_element_type=jnp.float32)
    h = jnp.maximum(g_ref[...] + l1, 0.0)
    m_ref[...] = (
        jnp.dot(h, w2t_ref[...], preferred_element_type=jnp.float32) + b2_ref[...]
    )


def _gather_body(u_hbm, v_hbm, dst_hbm, src_hbm, g_hbm,
                 didx, sidx, ua, va, ub, vb, usemA, vsemA, usemB, vsemB):
    wid = lax.axis_index("s") * NC + lax.axis_index("c")
    base = wid * EW
    pltpu.sync_copy(dst_hbm.at[pl.ds(base, EW)], didx)
    pltpu.sync_copy(src_hbm.at[pl.ds(base, EW)], sidx)

    def fire(c, urows, vrows, us, vs):
        off = c * CB
        pltpu.async_copy(u_hbm.at[didx.at[pl.ds(off, CB)]], urows, us)
        pltpu.async_copy(v_hbm.at[sidx.at[pl.ds(off, CB)]], vrows, vs)

    def drain(urows, vrows, us, vs):
        pltpu.make_async_copy(u_hbm.at[didx.at[pl.ds(0, CB)]], urows, us).wait()
        pltpu.make_async_copy(v_hbm.at[sidx.at[pl.ds(0, CB)]], vrows, vs).wait()

    def add_and_store(c, urows, vrows):
        def addrow(r, carry):
            for rr in (2 * r, 2 * r + 1):
                for j in range(NSL):
                    sl = pl.ds(j * L, L)
                    plsc.addupdate(urows.at[rr, sl], vrows[rr, sl])
            return carry

        lax.fori_loop(0, CB // 2, addrow, 0)
        pltpu.sync_copy(urows, g_hbm.at[pl.ds(base + c * CB, CB)])

    fire(0, ua, va, usemA, vsemA)

    def pair(p, carry):
        c0 = 2 * p
        c1 = jnp.minimum(2 * p + 1, NCH - 1)
        fire(c1, ub, vb, usemB, vsemB)
        drain(ua, va, usemA, vsemA)
        add_and_store(c0, ua, va)
        fire(jnp.minimum(c0 + 2, NCH - 1), ua, va, usemA, vsemA)
        drain(ub, vb, usemB, vsemB)
        add_and_store(c1, ub, vb)
        return carry

    lax.fori_loop(0, NPAIR, pair, 0)
    drain(ua, va, usemA, vsemA)


def _segmax_body(dst_hbm, m_hbm, out_hbm, dca, dcb, mid, mld, rows, acc,
                 gsems, dsemA, dsemB):
    wid = lax.axis_index("s") * NC + lax.axis_index("c")
    lo = wid * PT
    neg_inf = jnp.full((L,), -jnp.inf, dtype=jnp.float32)

    def init_acc(i, carry):
        for j in range(NSL):
            acc[i, pl.ds(j * L, L)] = neg_inf
        return carry

    lax.fori_loop(0, PT, init_acc, 0)
    zeros_i = jnp.zeros((L,), dtype=jnp.int32)
    for b in range(MB_CAP // L):
        mid[pl.ds(b * L, L)] = zeros_i
    for b in range(MB_CAP // L + 1):
        mld[pl.ds(b * L, L)] = zeros_i

    def flush(nm):
        for q in range(MB_CAP // 128):
            pltpu.async_copy(
                m_hbm.at[mid.at[pl.ds(q * 128, 128)]],
                rows.at[pl.ds(q * 128, 128)], gsems.at[q])

        def apply1(k, carry):
            ld = mld[pl.ds(k, L)][0]
            for j in range(NSL):
                sl = pl.ds(j * L, L)
                acc[ld, sl] = jnp.maximum(acc[ld, sl], rows[k, sl])
            return carry

        for q in range(MB_CAP // 128):
            pltpu.make_async_copy(
                m_hbm.at[mid.at[pl.ds(q * 128, 128)]],
                rows.at[pl.ds(q * 128, 128)], gsems.at[q]).wait()
            hi = jnp.minimum(nm, (q + 1) * 128)
            lax.fori_loop(jnp.minimum(hi, q * 128), hi, apply1, 0)
        return jnp.int32(0)

    iota = lax.iota(jnp.int32, L)

    def scan_chunk(dstc, c, nm):
        def group(g, nm):
            for u in range(GRP):
                s = g * GRP + u
                d = dstc[pl.ds(s * L, L)]
                ldv = d - lo
                msk = plsc.bitcast(ldv, jnp.uint32) < jnp.uint32(PT)
                cnt = plsc.all_reduce_population_count(msk)[0]
                eids = (c * DC + s * L) + iota
                plsc.store_compressed(mid.at[pl.ds(nm, L)], eids, mask=msk)
                plsc.store_compressed(mld.at[pl.ds(nm, L)], ldv, mask=msk)
                nm = nm + cnt
            return lax.cond(nm >= FLUSH_AT, flush, lambda x: x, nm)

        return lax.fori_loop(0, DC // L // GRP, group, nm)

    def dfire(c, buf, sem):
        pltpu.async_copy(dst_hbm.at[pl.ds(c * DC, DC)], buf, sem)

    def ddrain(buf, sem):
        pltpu.make_async_copy(dst_hbm.at[pl.ds(0, DC)], buf, sem).wait()

    def dfire(c, buf, sem):
        pltpu.async_copy(dst_hbm.at[pl.ds(c * DC, DC)], buf, sem)

    def ddrain(buf, sem):
        pltpu.make_async_copy(dst_hbm.at[pl.ds(0, DC)], buf, sem).wait()

    dfire(0, dca, dsemA)

    def pair(p, nm):
        c0 = 2 * p
        c1 = 2 * p + 1
        dfire(c1, dcb, dsemB)
        ddrain(dca, dsemA)
        nm = scan_chunk(dca, c0, nm)
        dfire(jnp.minimum(c0 + 2, NDC - 1), dca, dsemA)
        ddrain(dcb, dsemB)
        nm = scan_chunk(dcb, c1, nm)
        return nm

    nm = lax.fori_loop(0, NDC // 2, pair, jnp.int32(0))
    ddrain(dca, dsemA)
    flush(nm)

    def finish(i, carry):
        for j in range(NSL):
            sl = pl.ds(j * L, L)
            v = acc[i, sl]
            acc[i, sl] = jnp.where(v == -jnp.inf, 0.0, v)
        return carry

    lax.fori_loop(0, PT, finish, 0)

    @pl.when(wid < NW - 1)
    def _():
        pltpu.sync_copy(acc, out_hbm.at[pl.ds(lo, PT)])

    @pl.when(wid == NW - 1)
    def _():
        pltpu.sync_copy(acc.at[pl.ds(0, NLAST)], out_hbm.at[pl.ds(lo, NLAST)])


_sc_mesh = plsc.VectorSubcoreMesh(
    core_axis_name="c", subcore_axis_name="s", num_cores=NC, num_subcores=NS
)

_sc_params = pltpu.CompilerParams(needs_layout_passes=False)

_gather_kernel = functools.partial(
    pl.kernel,
    mesh=_sc_mesh,
    compiler_params=_sc_params,
    out_type=jax.ShapeDtypeStruct((E, F), jnp.float32),
    scratch_types=[
        pltpu.VMEM((EW,), jnp.int32),
        pltpu.VMEM((EW,), jnp.int32),
        pltpu.VMEM((CB, F), jnp.float32),
        pltpu.VMEM((CB, F), jnp.float32),
        pltpu.VMEM((CB, F), jnp.float32),
        pltpu.VMEM((CB, F), jnp.float32),
        pltpu.SemaphoreType.DMA,
        pltpu.SemaphoreType.DMA,
        pltpu.SemaphoreType.DMA,
        pltpu.SemaphoreType.DMA,
    ],
)(_gather_body)

_segmax_kernel = functools.partial(
    pl.kernel,
    mesh=_sc_mesh,
    compiler_params=_sc_params,
    out_type=jax.ShapeDtypeStruct((N, F), jnp.float32),
    scratch_types=[
        pltpu.VMEM((DC,), jnp.int32),
        pltpu.VMEM((DC,), jnp.int32),
        pltpu.VMEM((MB_CAP,), jnp.int32),
        pltpu.VMEM((MB_CAP + L,), jnp.int32),
        pltpu.VMEM((MB_CAP, F), jnp.float32),
        pltpu.VMEM((PT, F), jnp.float32),
        pltpu.SemaphoreType.DMA((MB_CAP // 128,)),
        pltpu.SemaphoreType.DMA,
        pltpu.SemaphoreType.DMA,
    ],
)(_segmax_body)


def kernel(x, edge_index, x_label, W_label, W1, b1, W2, b2):
    src = edge_index[0]
    dst = edge_index[1]
    P = W_label[:, :F].T
    Q = W_label[:, F:].T
    w_uv = jnp.concatenate([(P - Q) @ W1.T, Q @ W1.T], axis=1)
    b_uv = jnp.concatenate([b1, jnp.zeros((F,), jnp.float32)])[None, :]

    u, v = pl.pallas_call(
        _uv_body,
        grid=(N // BN,),
        in_specs=[
            pl.BlockSpec((BN, F), lambda i: (i, 0)),
            pl.BlockSpec((F, 2 * F), lambda i: (0, 0)),
            pl.BlockSpec((1, 2 * F), lambda i: (0, 0)),
        ],
        out_specs=[
            pl.BlockSpec((BN, F), lambda i: (i, 0)),
            pl.BlockSpec((BN, F), lambda i: (i, 0)),
        ],
        out_shape=[
            jax.ShapeDtypeStruct((N, F), jnp.float32),
            jax.ShapeDtypeStruct((N, F), jnp.float32),
        ],
    )(x, w_uv, b_uv)

    g = _gather_kernel(u, v, dst, src)

    m = pl.pallas_call(
        _mlp_body,
        grid=(E // BE,),
        in_specs=[
            pl.BlockSpec((BE, F), lambda i: (i, 0)),
            pl.BlockSpec((BE, F), lambda i: (i, 0)),
            pl.BlockSpec((F, F), lambda i: (0, 0)),
            pl.BlockSpec((F, F), lambda i: (0, 0)),
            pl.BlockSpec((1, F), lambda i: (0, 0)),
        ],
        out_specs=pl.BlockSpec((BE, F), lambda i: (i, 0)),
        out_shape=jax.ShapeDtypeStruct((E, F), jnp.float32),
    )(x_label, g, W1.T, W2.T, b2[None, :])

    return _segmax_kernel(dst, m)

# --- scband reference (transcript-rebuilt; emitter-appended) ---
"""Pipeline reference for scband-uccaencoder-13280038879907 (READ-ONLY COPY).

The authoritative reference and input builder live on the scoring server;
editing this copy changes nothing except your own understanding.
"""

import jax, jax.numpy as jnp
import numpy as np

N, E, F_IN, F_OUT = 10000, 320000, 128, 128


def setup_inputs(seed: int = 0) -> dict:
    key = jax.random.key(seed)
    ks = jax.random.split(key, 8)
    x = jax.random.normal(ks[0], (N, F_IN), dtype=jnp.float32)
    edge_index = jax.random.randint(ks[1], (2, E), 0, N, dtype=jnp.int32)
    x_label = jax.random.normal(ks[2], (E, F_IN), dtype=jnp.float32) * 0.05
    # learned parameters (xavier-ish scale), bias filled with 0.01 per init_weights
    W_label = jax.random.normal(ks[3], (F_IN, 2 * F_IN), dtype=jnp.float32) * (1.0 / np.sqrt(2 * F_IN))
    W1 = jax.random.normal(ks[4], (F_OUT, F_IN), dtype=jnp.float32) * (1.0 / np.sqrt(F_IN))
    b1 = jnp.full((F_OUT,), 0.01, dtype=jnp.float32)
    W2 = jax.random.normal(ks[5], (F_OUT, F_OUT), dtype=jnp.float32) * (1.0 / np.sqrt(F_OUT))
    b2 = jnp.full((F_OUT,), 0.01, dtype=jnp.float32)
    return {"x": x, "edge_index": edge_index, "x_label": x_label,
            "W_label": W_label, "W1": W1, "b1": b1, "W2": W2, "b2": b2}


def reference(x, edge_index, x_label, W_label, W1, b1, W2, b2):
    # EdgeConv (MessagePassing, aggr='max') forward:
    #   message: ef = cat([x_i, x_j - x_i]); ef = label_linear(ef) + x_label; return mlp(ef)
    #   mlp: fc2(relu(fc1(.)))  (dropout is identity in eval)
    src = edge_index[0]
    dst = edge_index[1]
    x_i = jnp.take(x, dst, axis=0)  # target node features (PyG x_i)
    x_j = jnp.take(x, src, axis=0)  # source node features (PyG x_j)
    ef = jnp.concatenate([x_i, x_j - x_i], axis=1)          # [E, 2*F_in]
    ef = ef @ W_label.T + x_label                            # label_linear (no bias) + x_label
    h = jax.nn.relu(ef @ W1.T + b1)                          # fc1 + relu
    m = h @ W2.T + b2                                        # fc2
    agg = jax.ops.segment_max(m, dst, num_segments=N)        # aggr='max' over dst nodes
    out = jnp.where(jnp.isfinite(agg), agg, 0.0)             # empty segments -> 0
    return out

if __name__ == "__main__":
    import jax
    _d = setup_inputs()
    print(jax.jit(kernel)(*tuple(_d.values())))

</pallas_src>

<mosaic_0001>
#map = affine_map<(d0, d1) -> (0)>
#map1 = affine_map<(d0, d1) -> (0, 0)>
module attributes {stable_mosaic.version = 14 : i64} {
  func.func @_segmax_body(%arg0: i32, %arg1: i32, %arg2: memref<320000xi32, #tpu.memory_space<hbm>>, %arg3: memref<320000x128xf32, #tpu.memory_space<hbm>>, %arg4: memref<10000x128xf32, #tpu.memory_space<hbm>>, %arg5: memref<4000xi32, #tpu.memory_space<vmem>>, %arg6: memref<4000xi32, #tpu.memory_space<vmem>>, %arg7: memref<512xi32, #tpu.memory_space<vmem>>, %arg8: memref<528xi32, #tpu.memory_space<vmem>>, %arg9: memref<512x128xf32, #tpu.memory_space<vmem>>, %arg10: memref<320x128xf32, #tpu.memory_space<vmem>>, %arg11: memref<4x!tpu.dma_semaphore, #tpu.memory_space<semaphore_mem>>, %arg12: memref<!tpu.dma_semaphore, #tpu.memory_space<semaphore_mem>>, %arg13: memref<!tpu.dma_semaphore, #tpu.memory_space<semaphore_mem>>) attributes {dimension_semantics = [#tpu.dimension_semantics<core_parallel>, #tpu.dimension_semantics<subcore_parallel>], iteration_bounds = array<i64: 2, 16>, scalar_prefetch = 0 : i64, scratch_operands = 9 : i64, tpu.core_type = #tpu.core_type<sc_vector_subcore>, window_params = [{transform_indices = #map}, {transform_indices = #map1}, {transform_indices = #map1}]} {
    %mul3A = arith.constant 2 : i32
    %mul3A_0 = arith.muli %arg1, %mul3A : i32
    %add3A = arith.addi %mul3A_0, %arg0 : i32
    %mul3A_1 = arith.constant 320 : i32
    %mul3A_2 = arith.muli %add3A, %mul3A_1 : i32
    %broadcast_in_dim3A = arith.constant 0xFF800000 : f32
    %broadcast_in_dim3A_3 = vector.broadcast %broadcast_in_dim3A : f32 to vector<16xf32>
    %scan3A = arith.constant 0 : i32
    %scan3A_4 = arith.constant 0 : i32
    %scan3A_5 = arith.constant 320 : i32
    %scan3A_6 = arith.addi %scan3A_4, %scan3A_5 : i32
    %scan3A_7 = arith.constant 1 : i32
    scf.for %scan3A_303 = %scan3A_4 to %scan3A_6 step %scan3A_7  : i32 {
      %swap3A_304 = arith.index_cast %scan3A_303 : i32 to index
      %swap3A_305 = arith.constant 0 : index
      %swap3A_306 = tpu.vector_load %arg10[%swap3A_304, %swap3A_305] {strides = array<i32>} : memref<320x128xf32, #tpu.memory_space<vmem>>, vector<16xf32>,
      tpu.vector_store %arg10[%swap3A_304, %swap3A_305], %broadcast_in_dim3A_3 {strides = array<i32>} : memref<320x128xf32, #tpu.memory_space<vmem>>, vector<16xf32>,
      %swap3A_307 = arith.index_cast %scan3A_303 : i32 to index
      %swap3A_308 = arith.constant 16 : index
      %swap3A_309 = tpu.vector_load %arg10[%swap3A_307, %swap3A_308] {strides = array<i32>} : memref<320x128xf32, #tpu.memory_space<vmem>>, vector<16xf32>,
      tpu.vector_store %arg10[%swap3A_307, %swap3A_308], %broadcast_in_dim3A_3 {strides = array<i32>} : memref<320x128xf32, #tpu.memory_space<vmem>>, vector<16xf32>,
      %swap3A_310 = arith.index_cast %scan3A_303 : i32 to index
      %swap3A_311 = arith.constant 32 : index
      %swap3A_312 = tpu.vector_load %arg10[%swap3A_310, %swap3A_311] {strides = array<i32>} : memref<320x128xf32, #tpu.memory_space<vmem>>, vector<16xf32>,
      tpu.vector_store %arg10[%swap3A_310, %swap3A_311], %broadcast_in_dim3A_3 {strides = array<i32>} : memref<320x128xf32, #tpu.memory_space<vmem>>, vector<16xf32>,
      %swap3A_313 = arith.index_cast %scan3A_303 : i32 to index
      %swap3A_314 = arith.constant 48 : index
      %swap3A_315 = tpu.vector_load %arg10[%swap3A_313, %swap3A_314] {strides = array<i32>} : memref<320x128xf32, #tpu.memory_space<vmem>>, vector<16xf32>,
      tpu.vector_store %arg10[%swap3A_313, %swap3A_314], %broadcast_in_dim3A_3 {strides = array<i32>} : memref<320x128xf32, #tpu.memory_space<vmem>>, vector<16xf32>,
      %swap3A_316 = arith.index_cast %scan3A_303 : i32 to index
      %swap3A_317 = arith.constant 64 : index
      %swap3A_318 = tpu.vector_load %arg10[%swap3A_316, %swap3A_317] {strides = array<i32>} : memref<320x128xf32, #tpu.memory_space<vmem>>, vector<16xf32>,
      tpu.vector_store %arg10[%swap3A_316, %swap3A_317], %broadcast_in_dim3A_3 {strides = array<i32>} : memref<320x128xf32, #tpu.memory_space<vmem>>, vector<16xf32>,
      %swap3A_319 = arith.index_cast %scan3A_303 : i32 to index
      %swap3A_320 = arith.constant 80 : index
      %swap3A_321 = tpu.vector_load %arg10[%swap3A_319, %swap3A_320] {strides = array<i32>} : memref<320x128xf32, #tpu.memory_space<vmem>>, vector<16xf32>,
      tpu.vector_store %arg10[%swap3A_319, %swap3A_320], %broadcast_in_dim3A_3 {strides = array<i32>} : memref<320x128xf32, #tpu.memory_space<vmem>>, vector<16xf32>,
      %swap3A_322 = arith.index_cast %scan3A_303 : i32 to index
      %swap3A_323 = arith.constant 96 : index
      %swap3A_324 = tpu.vector_load %arg10[%swap3A_322, %swap3A_323] {strides = array<i32>} : memref<320x128xf32, #tpu.memory_space<vmem>>, vector<16xf32>,
      tpu.vector_store %arg10[%swap3A_322, %swap3A_323], %broadcast_in_dim3A_3 {strides = array<i32>} : memref<320x128xf32, #tpu.memory_space<vmem>>, vector<16xf32>,
      %swap3A_325 = arith.index_cast %scan3A_303 : i32 to index
      %swap3A_326 = arith.constant 112 : index
      %swap3A_327 = tpu.vector_load %arg10[%swap3A_325, %swap3A_326] {strides = array<i32>} : memref<320x128xf32, #tpu.memory_space<vmem>>, vector<16xf32>,
      tpu.vector_store %arg10[%swap3A_325, %swap3A_326], %broadcast_in_dim3A_3 {strides = array<i32>} : memref<320x128xf32, #tpu.memory_space<vmem>>, vector<16xf32>,
    }
    %scan3A_8 = arith.constant 320 : i32
    %broadcast_in_dim3A_9 = arith.constant 0 : i32
    %broadcast_in_dim3A_10 = vector.broadcast %broadcast_in_dim3A_9 : i32 to vector<16xi32>
    %swap3A = arith.constant 0 : index
    %swap3A_11 = tpu.vector_load %arg7[%swap3A] {strides = array<i32>} : memref<512xi32, #tpu.memory_space<vmem>>, vector<16xi32>,
    tpu.vector_store %arg7[%swap3A], %broadcast_in_dim3A_10 {strides = array<i32>} : memref<512xi32, #tpu.memory_space<vmem>>, vector<16xi32>,
    %swap3A_12 = arith.constant 16 : index
    %swap3A_13 = tpu.vector_load %arg7[%swap3A_12] {strides = array<i32>} : memref<512xi32, #tpu.memory_space<vmem>>, vector<16xi32>,
    tpu.vector_store %arg7[%swap3A_12], %broadcast_in_dim3A_10 {strides = array<i32>} : memref<512xi32, #tpu.memory_space<vmem>>, vector<16xi32>,
    %swap3A_14 = arith.constant 32 : index
    %swap3A_15 = tpu.vector_load %arg7[%swap3A_14] {strides = array<i32>} : memref<512xi32, #tpu.memory_space<vmem>>, vector<16xi32>,
    tpu.vector_store %arg7[%swap3A_14], %broadcast_in_dim3A_10 {strides = array<i32>} : memref<512xi32, #tpu.memory_space<vmem>>, vector<16xi32>,
    %swap3A_16 = arith.constant 48 : index
    %swap3A_17 = tpu.vector_load %arg7[%swap3A_16] {strides = array<i32>} : memref<512xi32, #tpu.memory_space<vmem>>, vector<16xi32>,
    tpu.vector_store %arg7[%swap3A_16], %broadcast_in_dim3A_10 {strides = array<i32>} : memref<512xi32, #tpu.memory_space<vmem>>, vector<16xi32>,
    %swap3A_18 = arith.constant 64 : index
    %swap3A_19 = tpu.vector_load %arg7[%swap3A_18] {strides = array<i32>} : memref<512xi32, #tpu.memory_space<vmem>>, vector<16xi32>,
    tpu.vector_store %arg7[%swap3A_18], %broadcast_in_dim3A_10 {strides = array<i32>} : memref<512xi32, #tpu.memory_space<vmem>>, vector<16xi32>,
    %swap3A_20 = arith.constant 80 : index
    %swap3A_21 = tpu.vector_load %arg7[%swap3A_20] {strides = array<i32>} : memref<512xi32, #tpu.memory_space<vmem>>, vector<16xi32>,
    tpu.vector_store %arg7[%swap3A_20], %broadcast_in_dim3A_10 {strides = array<i32>} : memref<512xi32, #tpu.memory_space<vmem>>, vector<16xi32>,
    %swap3A_22 = arith.constant 96 : index
    %swap3A_23 = tpu.vector_load %arg7[%swap3A_22] {strides = array<i32>} : memref<512xi32, #tpu.memory_space<vmem>>, vector<16xi32>,
    tpu.vector_store %arg7[%swap3A_22], %broadcast_in_dim3A_10 {strides = array<i32>} : memref<512xi32, #tpu.memory_space<vmem>>, vector<16xi32>,
    %swap3A_24 = arith.constant 112 : index
    %swap3A_25 = tpu.vector_load %arg7[%swap3A_24] {strides = array<i32>} : memref<512xi32, #tpu.memory_space<vmem>>, vector<16xi32>,
    tpu.vector_store %arg7[%swap3A_24], %broadcast_in_dim3A_10 {strides = array<i32>} : memref<512xi32, #tpu.memory_space<vmem>>, vector<16xi32>,
    %swap3A_26 = arith.constant 128 : index
    %swap3A_27 = tpu.vector_load %arg7[%swap3A_26] {strides = array<i32>} : memref<512xi32, #tpu.memory_space<vmem>>, vector<16xi32>,
    tpu.vector_store %arg7[%swap3A_26], %broadcast_in_dim3A_10 {strides = array<i32>} : memref<512xi32, #tpu.memory_space<vmem>>, vector<16xi32>,
    %swap3A_28 = arith.constant 144 : index
    %swap3A_29 = tpu.vector_load %arg7[%swap3A_28] {strides = array<i32>} : memref<512xi32, #tpu.memory_space<vmem>>, vector<16xi32>,
    tpu.vector_store %arg7[%swap3A_28], %broadcast_in_dim3A_10 {strides = array<i32>} : memref<512xi32, #tpu.memory_space<vmem>>, vector<16xi32>,
    %swap3A_30 = arith.constant 160 : index
    %swap3A_31 = tpu.vector_load %arg7[%swap3A_30] {strides = array<i32>} : memref<512xi32, #tpu.memory_space<vmem>>, vector<16xi32>,
    tpu.vector_store %arg7[%swap3A_30], %broadcast_in_dim3A_10 {strides = array<i32>} : memref<512xi32, #tpu.memory_space<vmem>>, vector<16xi32>,
    %swap3A_32 = arith.constant 176 : index
    %swap3A_33 = tpu.vector_load %arg7[%swap3A_32] {strides = array<i32>} : memref<512xi32, #tpu.memory_space<vmem>>, vector<16xi32>,
    tpu.vector_store %arg7[%swap3A_32], %broadcast_in_dim3A_10 {strides = array<i32>} : memref<512xi32, #tpu.memory_space<vmem>>, vector<16xi32>,
    %swap3A_34 = arith.constant 192 : index
    %swap3A_35 = tpu.vector_load %arg7[%swap3A_34] {strides = array<i32>} : memref<512xi32, #tpu.memory_space<vmem>>, vector<16xi32>,
    tpu.vector_store %arg7[%swap3A_34], %broadcast_in_dim3A_10 {strides = array<i32>} : memref<512xi32, #tpu.memory_space<vmem>>, vector<16xi32>,
    %swap3A_36 = arith.constant 208 : index
    %swap3A_37 = tpu.vector_load %arg7[%swap3A_36] {strides = array<i32>} : memref<512xi32, #tpu.memory_space<vmem>>, vector<16xi32>,
    tpu.vector_store %arg7[%swap3A_36], %broadcast_in_dim3A_10 {strides = array<i32>} : memref<512xi32, #tpu.memory_space<vmem>>, vector<16xi32>,
    %swap3A_38 = arith.constant 224 : index
    %swap3A_39 = tpu.vector_load %arg7[%swap3A_38] {strides = array<i32>} : memref<512xi32, #tpu.memory_space<vmem>>, vector<16xi32>,
    tpu.vector_store %arg7[%swap3A_38], %broadcast_in_dim3A_10 {strides = array<i32>} : memref<512xi32, #tpu.memory_space<vmem>>, vector<16xi32>,
    %swap3A_40 = arith.constant 240 : index
    %swap3A_41 = tpu.vector_load %arg7[%swap3A_40] {strides = array<i32>} : memref<512xi32, #tpu.memory_space<vmem>>, vector<16xi32>,
    tpu.vector_store %arg7[%swap3A_40], %broadcast_in_dim3A_10 {strides = array<i32>} : memref<512xi32, #tpu.memory_space<vmem>>, vector<16xi32>,
    %swap3A_42 = arith.constant 256 : index
    %swap3A_43 = tpu.vector_load %arg7[%swap3A_42] {strides = array<i32>} : memref<512xi32, #tpu.memory_space<vmem>>, vector<16xi32>,
    tpu.vector_store %arg7[%swap3A_42], %broadcast_in_dim3A_10 {strides = array<i32>} : memref<512xi32, #tpu.memory_space<vmem>>, vector<16xi32>,
    %swap3A_44 = arith.constant 272 : index
    %swap3A_45 = tpu.vector_load %arg7[%swap3A_44] {strides = array<i32>} : memref<512xi32, #tpu.memory_space<vmem>>, vector<16xi32>,
    tpu.vector_store %arg7[%swap3A_44], %broadcast_in_dim3A_10 {strides = array<i32>} : memref<512xi32, #tpu.memory_space<vmem>>, vector<16xi32>,
    %swap3A_46 = arith.constant 288 : index
    %swap3A_47 = tpu.vector_load %arg7[%swap3A_46] {strides = array<i32>} : memref<512xi32, #tpu.memory_space<vmem>>, vector<16xi32>,
    tpu.vector_store %arg7[%swap3A_46], %broadcast_in_dim3A_10 {strides = array<i32>} : memref<512xi32, #tpu.memory_space<vmem>>, vector<16xi32>,
    %swap3A_48 = arith.constant 304 : index
    %swap3A_49 = tpu.vector_load %arg7[%swap3A_48] {strides = array<i32>} : memref<512xi32, #tpu.memory_space<vmem>>, vector<16xi32>,
    tpu.vector_store %arg7[%swap3A_48], %broadcast_in_dim3A_10 {strides = array<i32>} : memref<512xi32, #tpu.memory_space<vmem>>, vector<16xi32>,
    %swap3A_50 = arith.constant 320 : index
    %swap3A_51 = tpu.vector_load %arg7[%swap3A_50] {strides = array<i32>} : memref<512xi32, #tpu.memory_space<vmem>>, vector<16xi32>,
    tpu.vector_store %arg7[%swap3A_50], %broadcast_in_dim3A_10 {strides = array<i32>} : memref<512xi32, #tpu.memory_space<vmem>>, vector<16xi32>,
    %swap3A_52 = arith.constant 336 : index
    %swap3A_53 = tpu.vector_load %arg7[%swap3A_52] {strides = array<i32>} : memref<512xi32, #tpu.memory_space<vmem>>, vector<16xi32>,
    tpu.vector_store %arg7[%swap3A_52], %broadcast_in_dim3A_10 {strides = array<i32>} : memref<512xi32, #tpu.memory_space<vmem>>, vector<16xi32>,
    %swap3A_54 = arith.constant 352 : index
    %swap3A_55 = tpu.vector_load %arg7[%swap3A_54] {strides = array<i32>} : memref<512xi32, #tpu.memory_space<vmem>>, vector<16xi32>,
    tpu.vector_store %arg7[%swap3A_54], %broadcast_in_dim3A_10 {strides = array<i32>} : memref<512xi32, #tpu.memory_space<vmem>>, vector<16xi32>,
    %swap3A_56 = arith.constant 368 : index
    %swap3A_57 = tpu.vector_load %arg7[%swap3A_56] {strides = array<i32>} : memref<512xi32, #tpu.memory_space<vmem>>, vector<16xi32>,
    tpu.vector_store %arg7[%swap3A_56], %broadcast_in_dim3A_10 {strides = array<i32>} : memref<512xi32, #tpu.memory_space<vmem>>, vector<16xi32>,
    %swap3A_58 = arith.constant 384 : index
    %swap3A_59 = tpu.vector_load %arg7[%swap3A_58] {strides = array<i32>} : memref<512xi32, #tpu.memory_space<vmem>>, vector<16xi32>,
    tpu.vector_store %arg7[%swap3A_58], %broadcast_in_dim3A_10 {strides = array<i32>} : memref<512xi32, #tpu.memory_space<vmem>>, vector<16xi32>,
    %swap3A_60 = arith.constant 400 : index
    %swap3A_61 = tpu.vector_load %arg7[%swap3A_60] {strides = array<i32>} : memref<512xi32, #tpu.memory_space<vmem>>, vector<16xi32>,
    tpu.vector_store %arg7[%swap3A_60], %broadcast_in_dim3A_10 {strides = array<i32>} : memref<512xi32, #tpu.memory_space<vmem>>, vector<16xi32>,
    %swap3A_62 = arith.constant 416 : index
    %swap3A_63 = tpu.vector_load %arg7[%swap3A_62] {strides = array<i32>} : memref<512xi32, #tpu.memory_space<vmem>>, vector<16xi32>,
    tpu.vector_store %arg7[%swap3A_62], %broadcast_in_dim3A_10 {strides = array<i32>} : memref<512xi32, #tpu.memory_space<vmem>>, vector<16xi32>,
    %swap3A_64 = arith.constant 432 : index
    %swap3A_65 = tpu.vector_load %arg7[%swap3A_64] {strides = array<i32>} : memref<512xi32, #tpu.memory_space<vmem>>, vector<16xi32>,
    tpu.vector_store %arg7[%swap3A_64], %broadcast_in_dim3A_10 {strides = array<i32>} : memref<512xi32, #tpu.memory_space<vmem>>, vector<16xi32>,
    %swap3A_66 = arith.constant 448 : index
    %swap3A_67 = tpu.vector_load %arg7[%swap3A_66] {strides = array<i32>} : memref<512xi32, #tpu.memory_space<vmem>>, vector<16xi32>,
    tpu.vector_store %arg7[%swap3A_66], %broadcast_in_dim3A_10 {strides = array<i32>} : memref<512xi32, #tpu.memory_space<vmem>>, vector<16xi32>,
    %swap3A_68 = arith.constant 464 : index
    %swap3A_69 = tpu.vector_load %arg7[%swap3A_68] {strides = array<i32>} : memref<512xi32, #tpu.memory_space<vmem>>, vector<16xi32>,
    tpu.vector_store %arg7[%swap3A_68], %broadcast_in_dim3A_10 {strides = array<i32>} : memref<512xi32, #tpu.memory_space<vmem>>, vector<16xi32>,
    %swap3A_70 = arith.constant 480 : index
    %swap3A_71 = tpu.vector_load %arg7[%swap3A_70] {strides = array<i32>} : memref<512xi32, #tpu.memory_space<vmem>>, vector<16xi32>,
    tpu.vector_store %arg7[%swap3A_70], %broadcast_in_dim3A_10 {strides = array<i32>} : memref<512xi32, #tpu.memory_space<vmem>>, vector<16xi32>,
    %swap3A_72 = arith.constant 496 : index
    %swap3A_73 = tpu.vector_load %arg7[%swap3A_72] {strides = array<i32>} : memref<512xi32, #tpu.memory_space<vmem>>, vector<16xi32>,
    tpu.vector_store %arg7[%swap3A_72], %broadcast_in_dim3A_10 {strides = array<i32>} : memref<512xi32, #tpu.memory_space<vmem>>, vector<16xi32>,
    %swap3A_74 = arith.constant 0 : index
    %swap3A_75 = tpu.vector_load %arg8[%swap3A_74] {strides = array<i32>} : memref<528xi32, #tpu.memory_space<vmem>>, vector<16xi32>,
    tpu.vector_store %arg8[%swap3A_74], %broadcast_in_dim3A_10 {strides = array<i32>} : memref<528xi32, #tpu.memory_space<vmem>>, vector<16xi32>,
    %swap3A_76 = arith.constant 16 : index
    %swap3A_77 = tpu.vector_load %arg8[%swap3A_76] {strides = array<i32>} : memref<528xi32, #tpu.memory_space<vmem>>, vector<16xi32>,
    tpu.vector_store %arg8[%swap3A_76], %broadcast_in_dim3A_10 {strides = array<i32>} : memref<528xi32, #tpu.memory_space<vmem>>, vector<16xi32>,
    %swap3A_78 = arith.constant 32 : index
    %swap3A_79 = tpu.vector_load %arg8[%swap3A_78] {strides = array<i32>} : memref<528xi32, #tpu.memory_space<vmem>>, vector<16xi32>,
    tpu.vector_store %arg8[%swap3A_78], %broadcast_in_dim3A_10 {strides = array<i32>} : memref<528xi32, #tpu.memory_space<vmem>>, vector<16xi32>,
    %swap3A_80 = arith.constant 48 : index
    %swap3A_81 = tpu.vector_load %arg8[%swap3A_80] {strides = array<i32>} : memref<528xi32, #tpu.memory_space<vmem>>, vector<16xi32>,
    tpu.vector_store %arg8[%swap3A_80], %broadcast_in_dim3A_10 {strides = array<i32>} : memref<528xi32, #tpu.memory_space<vmem>>, vector<16xi32>,
    %swap3A_82 = arith.constant 64 : index
    %swap3A_83 = tpu.vector_load %arg8[%swap3A_82] {strides = array<i32>} : memref<528xi32, #tpu.memory_space<vmem>>, vector<16xi32>,
    tpu.vector_store %arg8[%swap3A_82], %broadcast_in_dim3A_10 {strides = array<i32>} : memref<528xi32, #tpu.memory_space<vmem>>, vector<16xi32>,
    %swap3A_84 = arith.constant 80 : index
    %swap3A_85 = tpu.vector_load %arg8[%swap3A_84] {strides = array<i32>} : memref<528xi32, #tpu.memory_space<vmem>>, vector<16xi32>,
    tpu.vector_store %arg8[%swap3A_84], %broadcast_in_dim3A_10 {strides = array<i32>} : memref<528xi32, #tpu.memory_space<vmem>>, vector<16xi32>,
    %swap3A_86 = arith.constant 96 : index
    %swap3A_87 = tpu.vector_load %arg8[%swap3A_86] {strides = array<i32>} : memref<528xi32, #tpu.memory_space<vmem>>, vector<16xi32>,
    tpu.vector_store %arg8[%swap3A_86], %broadcast_in_dim3A_10 {strides = array<i32>} : memref<528xi32, #tpu.memory_space<vmem>>, vector<16xi32>,
    %swap3A_88 = arith.constant 112 : index
    %swap3A_89 = tpu.vector_load %arg8[%swap3A_88] {strides = array<i32>} : memref<528xi32, #tpu.memory_space<vmem>>, vector<16xi32>,
    tpu.vector_store %arg8[%swap3A_88], %broadcast_in_dim3A_10 {strides = array<i32>} : memref<528xi32, #tpu.memory_space<vmem>>, vector<16xi32>,
    %swap3A_90 = arith.constant 128 : index
    %swap3A_91 = tpu.vector_load %arg8[%swap3A_90] {strides = array<i32>} : memref<528xi32, #tpu.memory_space<vmem>>, vector<16xi32>,
    tpu.vector_store %arg8[%swap3A_90], %broadcast_in_dim3A_10 {strides = array<i32>} : memref<528xi32, #tpu.memory_space<vmem>>, vector<16xi32>,
    %swap3A_92 = arith.constant 144 : index
    %swap3A_93 = tpu.vector_load %arg8[%swap3A_92] {strides = array<i32>} : memref<528xi32, #tpu.memory_space<vmem>>, vector<16xi32>,
    tpu.vector_store %arg8[%swap3A_92], %broadcast_in_dim3A_10 {strides = array<i32>} : memref<528xi32, #tpu.memory_space<vmem>>, vector<16xi32>,
    %swap3A_94 = arith.constant 160 : index
    %swap3A_95 = tpu.vector_load %arg8[%swap3A_94] {strides = array<i32>} : memref<528xi32, #tpu.memory_space<vmem>>, vector<16xi32>,
    tpu.vector_store %arg8[%swap3A_94], %broadcast_in_dim3A_10 {strides = array<i32>} : memref<528xi32, #tpu.memory_space<vmem>>, vector<16xi32>,
    %swap3A_96 = arith.constant 176 : index
    %swap3A_97 = tpu.vector_load %arg8[%swap3A_96] {strides = array<i32>} : memref<528xi32, #tpu.memory_space<vmem>>, vector<16xi32>,
    tpu.vector_store %arg8[%swap3A_96], %broadcast_in_dim3A_10 {strides = array<i32>} : memref<528xi32, #tpu.memory_space<vmem>>, vector<16xi32>,
    %swap3A_98 = arith.constant 192 : index
    %swap3A_99 = tpu.vector_load %arg8[%swap3A_98] {strides = array<i32>} : memref<528xi32, #tpu.memory_space<vmem>>, vector<16xi32>,
    tpu.vector_store %arg8[%swap3A_98], %broadcast_in_dim3A_10 {strides = array<i32>} : memref<528xi32, #tpu.memory_space<vmem>>, vector<16xi32>,
    %swap3A_100 = arith.constant 208 : index
    %swap3A_101 = tpu.vector_load %arg8[%swap3A_100] {strides = array<i32>} : memref<528xi32, #tpu.memory_space<vmem>>, vector<16xi32>,
    tpu.vector_store %arg8[%swap3A_100], %broadcast_in_dim3A_10 {strides = array<i32>} : memref<528xi32, #tpu.memory_space<vmem>>, vector<16xi32>,
    %swap3A_102 = arith.constant 224 : index
    %swap3A_103 = tpu.vector_load %arg8[%swap3A_102] {strides = array<i32>} : memref<528xi32, #tpu.memory_space<vmem>>, vector<16xi32>,
    tpu.vector_store %arg8[%swap3A_102], %broadcast_in_dim3A_10 {strides = array<i32>} : memref<528xi32, #tpu.memory_space<vmem>>, vector<16xi32>,
    %swap3A_104 = arith.constant 240 : index
    %swap3A_105 = tpu.vector_load %arg8[%swap3A_104] {strides = array<i32>} : memref<528xi32, #tpu.memory_space<vmem>>, vector<16xi32>,
    tpu.vector_store %arg8[%swap3A_104], %broadcast_in_dim3A_10 {strides = array<i32>} : memref<528xi32, #tpu.memory_space<vmem>>, vector<16xi32>,
    %swap3A_106 = arith.constant 256 : index
    %swap3A_107 = tpu.vector_load %arg8[%swap3A_106] {strides = array<i32>} : memref<528xi32, #tpu.memory_space<vmem>>, vector<16xi32>,
    tpu.vector_store %arg8[%swap3A_106], %broadcast_in_dim3A_10 {strides = array<i32>} : memref<528xi32, #tpu.memory_space<vmem>>, vector<16xi32>,
    %swap3A_108 = arith.constant 272 : index
    %swap3A_109 = tpu.vector_load %arg8[%swap3A_108] {strides = array<i32>} : memref<528xi32, #tpu.memory_space<vmem>>, vector<16xi32>,
    tpu.vector_store %arg8[%swap3A_108], %broadcast_in_dim3A_10 {strides = array<i32>} : memref<528xi32, #tpu.memory_space<vmem>>, vector<16xi32>,
    %swap3A_110 = arith.constant 288 : index
    %swap3A_111 = tpu.vector_load %arg8[%swap3A_110] {strides = array<i32>} : memref<528xi32, #tpu.memory_space<vmem>>, vector<16xi32>,
    tpu.vector_store %arg8[%swap3A_110], %broadcast_in_dim3A_10 {strides = array<i32>} : memref<528xi32, #tpu.memory_space<vmem>>, vector<16xi32>,
    %swap3A_112 = arith.constant 304 : index
    %swap3A_113 = tpu.vector_load %arg8[%swap3A_112] {strides = array<i32>} : memref<528xi32, #tpu.memory_space<vmem>>, vector<16xi32>,
    tpu.vector_store %arg8[%swap3A_112], %broadcast_in_dim3A_10 {strides = array<i32>} : memref<528xi32, #tpu.memory_space<vmem>>, vector<16xi32>,
    %swap3A_114 = arith.constant 320 : index
    %swap3A_115 = tpu.vector_load %arg8[%swap3A_114] {strides = array<i32>} : memref<528xi32, #tpu.memory_space<vmem>>, vector<16xi32>,
    tpu.vector_store %arg8[%swap3A_114], %broadcast_in_dim3A_10 {strides = array<i32>} : memref<528xi32, #tpu.memory_space<vmem>>, vector<16xi32>,
    %swap3A_116 = arith.constant 336 : index
    %swap3A_117 = tpu.vector_load %arg8[%swap3A_116] {strides = array<i32>} : memref<528xi32, #tpu.memory_space<vmem>>, vector<16xi32>,
    tpu.vector_store %arg8[%swap3A_116], %broadcast_in_dim3A_10 {strides = array<i32>} : memref<528xi32, #tpu.memory_space<vmem>>, vector<16xi32>,
    %swap3A_118 = arith.constant 352 : index
    %swap3A_119 = tpu.vector_load %arg8[%swap3A_118] {strides = array<i32>} : memref<528xi32, #tpu.memory_space<vmem>>, vector<16xi32>,
    tpu.vector_store %arg8[%swap3A_118], %broadcast_in_dim3A_10 {strides = array<i32>} : memref<528xi32, #tpu.memory_space<vmem>>, vector<16xi32>,
    %swap3A_120 = arith.constant 368 : index
    %swap3A_121 = tpu.vector_load %arg8[%swap3A_120] {strides = array<i32>} : memref<528xi32, #tpu.memory_space<vmem>>, vector<16xi32>,
    tpu.vector_store %arg8[%swap3A_120], %broadcast_in_dim3A_10 {strides = array<i32>} : memref<528xi32, #tpu.memory_space<vmem>>, vector<16xi32>,
    %swap3A_122 = arith.constant 384 : index
    %swap3A_123 = tpu.vector_load %arg8[%swap3A_122] {strides = array<i32>} : memref<528xi32, #tpu.memory_space<vmem>>, vector<16xi32>,
    tpu.vector_store %arg8[%swap3A_122], %broadcast_in_dim3A_10 {strides = array<i32>} : memref<528xi32, #tpu.memory_space<vmem>>, vector<16xi32>,
    %swap3A_124 = arith.constant 400 : index
    %swap3A_125 = tpu.vector_load %arg8[%swap3A_124] {strides = array<i32>} : memref<528xi32, #tpu.memory_space<vmem>>, vector<16xi32>,
    tpu.vector_store %arg8[%swap3A_124], %broadcast_in_dim3A_10 {strides = array<i32>} : memref<528xi32, #tpu.memory_space<vmem>>, vector<16xi32>,
    %swap3A_126 = arith.constant 416 : index
    %swap3A_127 = tpu.vector_load %arg8[%swap3A_126] {strides = array<i32>} : memref<528xi32, #tpu.memory_space<vmem>>, vector<16xi32>,
    tpu.vector_store %arg8[%swap3A_126], %broadcast_in_dim3A_10 {strides = array<i32>} : memref<528xi32, #tpu.memory_space<vmem>>, vector<16xi32>,
    %swap3A_128 = arith.constant 432 : index
    %swap3A_129 = tpu.vector_load %arg8[%swap3A_128] {strides = array<i32>} : memref<528xi32, #tpu.memory_space<vmem>>, vector<16xi32>,
    tpu.vector_store %arg8[%swap3A_128], %broadcast_in_dim3A_10 {strides = array<i32>} : memref<528xi32, #tpu.memory_space<vmem>>, vector<16xi32>,
    %swap3A_130 = arith.constant 448 : index
    %swap3A_131 = tpu.vector_load %arg8[%swap3A_130] {strides = array<i32>} : memref<528xi32, #tpu.memory_space<vmem>>, vector<16xi32>,
    tpu.vector_store %arg8[%swap3A_130], %broadcast_in_dim3A_10 {strides = array<i32>} : memref<528xi32, #tpu.memory_space<vmem>>, vector<16xi32>,
    %swap3A_132 = arith.constant 464 : index
    %swap3A_133 = tpu.vector_load %arg8[%swap3A_132] {strides = array<i32>} : memref<528xi32, #tpu.memory_space<vmem>>, vector<16xi32>,
    tpu.vector_store %arg8[%swap3A_132], %broadcast_in_dim3A_10 {strides = array<i32>} : memref<528xi32, #tpu.memory_space<vmem>>, vector<16xi32>,
    %swap3A_134 = arith.constant 480 : index
    %swap3A_135 = tpu.vector_load %arg8[%swap3A_134] {strides = array<i32>} : memref<528xi32, #tpu.memory_space<vmem>>, vector<16xi32>,
    tpu.vector_store %arg8[%swap3A_134], %broadcast_in_dim3A_10 {strides = array<i32>} : memref<528xi32, #tpu.memory_space<vmem>>, vector<16xi32>,
    %swap3A_136 = arith.constant 496 : index
    %swap3A_137 = tpu.vector_load %arg8[%swap3A_136] {strides = array<i32>} : memref<528xi32, #tpu.memory_space<vmem>>, vector<16xi32>,
    tpu.vector_store %arg8[%swap3A_136], %broadcast_in_dim3A_10 {strides = array<i32>} : memref<528xi32, #tpu.memory_space<vmem>>, vector<16xi32>,
    %swap3A_138 = arith.constant 512 : index
    %swap3A_139 = tpu.vector_load %arg8[%swap3A_138] {strides = array<i32>} : memref<528xi32, #tpu.memory_space<vmem>>, vector<16xi32>,
    tpu.vector_store %arg8[%swap3A_138], %broadcast_in_dim3A_10 {strides = array<i32>} : memref<528xi32, #tpu.memory_space<vmem>>, vector<16xi32>,
    %iota3A = tpu.iota {dimensions = array<i32: 0>} : vector<16xi32>
    %dma_start3A = arith.constant 0 : i32
    %dma_start3A_140 = tpu.memref_slice %arg2[%dma_start3A] : memref<320000xi32, #tpu.memory_space<hbm>> -> memref<4000xi32, #tpu.memory_space<hbm>>
    %dma_start3A_141 = arith.constant 0 : i32
    %dma_start3A_142 = tpu.memref_slice %arg2[%dma_start3A_141] : memref<320000xi32, #tpu.memory_space<hbm>> -> memref<4000xi32, #tpu.memory_space<hbm>>
    tpu.enqueue_dma source(%dma_start3A_142 : memref<4000xi32, #tpu.memory_space<hbm>>) target(%arg5 : memref<4000xi32, #tpu.memory_space<vmem>>) target_semaphore(%arg12 : memref<!tpu.dma_semaphore, #tpu.memory_space<semaphore_mem>>)
    %scan3A_143 = arith.constant 0 : i32
    %scan3A_144 = arith.constant 0 : i32
    %scan3A_145 = arith.constant 40 : i32
    %scan3A_146 = arith.addi %scan3A_144, %scan3A_145 : i32
    %scan3A_147 = arith.constant 1 : i32
    %scan3A_148 = scf.for %scan3A_303 = %scan3A_144 to %scan3A_146 step %scan3A_147 iter_args(%scan3A_304 = %scan3A_143) -> (i32)  : i32 {
      %mul3A_305 = arith.constant 2 : i32
      %mul3A_306 = arith.muli %mul3A_305, %scan3A_303 : i32
      %mul3A_307 = arith.constant 2 : i32
      %mul3A_308 = arith.muli %mul3A_307, %scan3A_303 : i32
      %add3A_309 = arith.constant 1 : i32
      %add3A_310 = arith.addi %mul3A_308, %add3A_309 : i32
      %mul3A_311 = arith.constant 4000 : i32
      %mul3A_312 = arith.muli %add3A_310, %mul3A_311 : i32
      %dma_start3A_313 = tpu.memref_slice %arg2[%mul3A_312] : memref<320000xi32, #tpu.memory_space<hbm>> -> memref<4000xi32, #tpu.memory_space<hbm>>
      %dma_start3A_314 = tpu.memref_slice %arg2[%mul3A_312] : memref<320000xi32, #tpu.memory_space<hbm>> -> memref<4000xi32, #tpu.memory_space<hbm>>
      tpu.enqueue_dma source(%dma_start3A_314 : memref<4000xi32, #tpu.memory_space<hbm>>) target(%arg6 : memref<4000xi32, #tpu.memory_space<vmem>>) target_semaphore(%arg13 : memref<!tpu.dma_semaphore, #tpu.memory_space<semaphore_mem>>)
      %dma_wait3A_315 = arith.constant 0 : i32
      %dma_wait3A_316 = tpu.memref_slice %arg2[%dma_wait3A_315] : memref<320000xi32, #tpu.memory_space<hbm>> -> memref<4000xi32, #tpu.memory_space<hbm>>
      %dma_wait3A_317 = arith.constant 0 : i32
      %dma_wait3A_318 = tpu.memref_slice %arg2[%dma_wait3A_317] : memref<320000xi32, #tpu.memory_space<hbm>> -> memref<4000xi32, #tpu.memory_space<hbm>>
      tpu.wait_dma2 semaphore(%arg12 : memref<!tpu.dma_semaphore, #tpu.memory_space<semaphore_mem>>) src(%dma_wait3A_318 : memref<4000xi32, #tpu.memory_space<hbm>>) dst(%arg5 : memref<4000xi32, #tpu.memory_space<vmem>>)
      %scan3A_319 = arith.constant 0 : i32
      %scan3A_320 = arith.constant 250 : i32
      %scan3A_321 = arith.addi %scan3A_319, %scan3A_320 : i32
      %scan3A_322 = arith.constant 1 : i32
      %scan3A_323 = scf.for %scan3A_343 = %scan3A_319 to %scan3A_321 step %scan3A_322 iter_args(%scan3A_344 = %scan3A_304) -> (i32)  : i32 {
        %mul3A_345 = arith.constant 1 : i32
        %mul3A_346 = arith.muli %scan3A_343, %mul3A_345 : i32
        %add3A_347 = arith.constant 0 : i32
        %add3A_348 = arith.addi %mul3A_346, %add3A_347 : i32
        %mul3A_349 = arith.constant 16 : i32
        %mul3A_350 = arith.muli %add3A_348, %mul3A_349 : i32
        %get3A = arith.index_cast %mul3A_350 : i32 to index
        %get3A_351 = tpu.vector_load %arg5[%get3A] {strides = array<i32>} : memref<4000xi32, #tpu.memory_space<vmem>>, vector<16xi32>,
        %sub3A = vector.broadcast %mul3A_2 : i32 to vector<16xi32>
        %sub3A_352 = arith.subi %get3A_351, %sub3A : vector<16xi32>
        %bitcast3A = vector.bitcast %sub3A_352 : vector<16xi32> to vector<16xi32>
        %lt3A_353 = arith.constant 320 : i32
        %lt3A_354 = vector.broadcast %lt3A_353 : i32 to vector<16xi32>
        %lt3A_355 = arith.cmpi ult, %bitcast3A, %lt3A_354 : vector<16xi32>
        %all_reduce_population_count3A = tpu.all_reduce %lt3A_355 {dim = 0 : i64, kind = #tpu.reduction_kind<sum>} : vector<16xi1> -> vector<16xi32>
        %slice3A = vector.extract_strided_slice %all_reduce_population_count3A {offsets = [0], sizes = [1], strides = [1]} : vector<16xi32> to vector<1xi32>
        %squeeze3A = vector.extract %slice3A[0] : i32 from vector<1xi32>
        %mul3A_356 = arith.constant 4000 : i32
        %mul3A_357 = arith.muli %mul3A_306, %mul3A_356 : i32
        %mul3A_358 = arith.constant 16 : i32
        %mul3A_359 = arith.muli %add3A_348, %mul3A_358 : i32
        %add3A_360 = arith.addi %mul3A_357, %mul3A_359 : i32
        %add3A_361 = vector.broadcast %add3A_360 : i32 to vector<16xi32>
        %add3A_362 = arith.addi %add3A_361, %iota3A : vector<16xi32>
        %swap3A_363 = arith.index_cast %scan3A_344 : i32 to index
        %swap3A_364 = tpu.vector_load %arg7[%swap3A_363] masked %lt3A_355 {strides = array<i32>} : memref<512xi32, #tpu.memory_space<vmem>>, vector<16xi32>, vector<16xi1>
        tpu.vector_store %arg7[%swap3A_363], %add3A_362 masked %lt3A_355 {strides = array<i32>} : memref<512xi32, #tpu.memory_space<vmem>>, vector<16xi32>, vector<16xi1>
        %swap3A_365 = arith.index_cast %scan3A_344 : i32 to index
        %swap3A_366 = tpu.vector_load %arg8[%swap3A_365] masked %lt3A_355 {strides = array<i32>} : memref<528xi32, #tpu.memory_space<vmem>>, vector<16xi32>, vector<16xi1>
        tpu.vector_store %arg8[%swap3A_365], %sub3A_352 masked %lt3A_355 {strides = array<i32>} : memref<528xi32, #tpu.memory_space<vmem>>, vector<16xi32>, vector<16xi1>
        %add3A_367 = arith.addi %scan3A_344, %squeeze3A : i32
        %ge3A = arith.constant 496 : i32
        %ge3A_368 = arith.cmpi sge, %add3A_367, %ge3A : i32
        %convert_element_type3A_369 = arith.extui %ge3A_368 : i1 to i32
        %cond3A_370 = arith.constant 0 : i32
        %cond3A_371 = arith.cmpi ne, %convert_element_type3A_369, %cond3A_370 : i32
        %cond3A_372 = scf.if %cond3A_371 -> (i32) {
          %dma_start3A_373 = arith.constant 0 : i32
          %dma_start3A_374 = arith.constant 0 : i32
          %dma_start3A_375 = arith.constant 0 : i32
          %dma_start3A_376 = tpu.memref_slice %arg9[%dma_start3A_374, %dma_start3A_375] : memref<512x128xf32, #tpu.memory_space<vmem>> -> memref<128x128xf32, #tpu.memory_space<vmem>>
          %dma_start3A_377 = arith.constant 0 : i32
          %dma_start3A_378 = tpu.memref_slice %arg7[%dma_start3A_377] : memref<512xi32, #tpu.memory_space<vmem>> -> memref<128xi32, #tpu.memory_space<vmem>>
          %dma_start3A_379 = arith.constant 0 : i32
          %dma_start3A_380 = arith.constant 0 : i32
          %dma_start3A_381 = tpu.memref_slice %arg3[%dma_start3A_379, %dma_start3A_380] : memref<320000x128xf32, #tpu.memory_space<hbm>> -> memref<320000x128xf32, #tpu.memory_space<hbm>>
          %dma_start3A_382 = tpu.memref_slice %arg11[%dma_start3A_373] : memref<4x!tpu.dma_semaphore, #tpu.memory_space<semaphore_mem>> -> memref<1x!tpu.dma_semaphore, #tpu.memory_space<semaphore_mem>>
          %dma_start3A_383 = tpu.memref_squeeze %dma_start3A_382 : memref<1x!tpu.dma_semaphore, #tpu.memory_space<semaphore_mem>> -> memref<!tpu.dma_semaphore, #tpu.memory_space<semaphore_mem>>
          tpu.enqueue_indirect_dma source(%dma_start3A_381 : memref<320000x128xf32, #tpu.memory_space<hbm>>) target(%dma_start3A_376 : memref<128x128xf32, #tpu.memory_space<vmem>>) offsets(%dma_start3A_378 : memref<128xi32, #tpu.memory_space<vmem>>) semaphore(%dma_start3A_383 : memref<!tpu.dma_semaphore, #tpu.memory_space<semaphore_mem>>)
          %dma_start3A_384 = arith.constant 1 : i32
          %dma_start3A_385 = arith.constant 128 : i32
          %dma_start3A_386 = arith.constant 0 : i32
          %dma_start3A_387 = tpu.memref_slice %arg9[%dma_start3A_385, %dma_start3A_386] : memref<512x128xf32, #tpu.memory_space<vmem>> -> memref<128x128xf32, #tpu.memory_space<vmem>>
          %dma_start3A_388 = arith.constant 128 : i32
          %dma_start3A_389 = tpu.memref_slice %arg7[%dma_start3A_388] : memref<512xi32, #tpu.memory_space<vmem>> -> memref<128xi32, #tpu.memory_space<vmem>>
          %dma_start3A_390 = arith.constant 0 : i32
          %dma_start3A_391 = arith.constant 0 : i32
          %dma_start3A_392 = tpu.memref_slice %arg3[%dma_start3A_390, %dma_start3A_391] : memref<320000x128xf32, #tpu.memory_space<hbm>> -> memref<320000x128xf32, #tpu.memory_space<hbm>>
          %dma_start3A_393 = tpu.memref_slice %arg11[%dma_start3A_384] : memref<4x!tpu.dma_semaphore, #tpu.memory_space<semaphore_mem>> -> memref<1x!tpu.dma_semaphore, #tpu.memory_space<semaphore_mem>>
          %dma_start3A_394 = tpu.memref_squeeze %dma_start3A_393 : memref<1x!tpu.dma_semaphore, #tpu.memory_space<semaphore_mem>> -> memref<!tpu.dma_semaphore, #tpu.memory_space<semaphore_mem>>
          tpu.enqueue_indirect_dma source(%dma_start3A_392 : memref<320000x128xf32, #tpu.memory_space<hbm>>) target(%dma_start3A_387 : memref<128x128xf32, #tpu.memory_space<vmem>>) offsets(%dma_start3A_389 : memref<128xi32, #tpu.memory_space<vmem>>) semaphore(%dma_start3A_394 : memref<!tpu.dma_semaphore, #tpu.memory_space<semaphore_mem>>)
          %dma_start3A_395 = arith.constant 2 : i32
          %dma_start3A_396 = arith.constant 256 : i32
          %dma_start3A_397 = arith.constant 0 : i32
          %dma_start3A_398 = tpu.memref_slice %arg9[%dma_start3A_396, %dma_start3A_397] : memref<512x128xf32, #tpu.memory_space<vmem>> -> memref<128x128xf32, #tpu.memory_space<vmem>>
          %dma_start3A_399 = arith.constant 256 : i32
          %dma_start3A_400 = tpu.memref_slice %arg7[%dma_start3A_399] : memref<512xi32, #tpu.memory_space<vmem>> -> memref<128xi32, #tpu.memory_space<vmem>>
          %dma_start3A_401 = arith.constant 0 : i32
          %dma_start3A_402 = arith.constant 0 : i32
          %dma_start3A_403 = tpu.memref_slice %arg3[%dma_start3A_401, %dma_start3A_402] : memref<320000x128xf32, #tpu.memory_space<hbm>> -> memref<320000x128xf32, #tpu.memory_space<hbm>>
          %dma_start3A_404 = tpu.memref_slice %arg11[%dma_start3A_395] : memref<4x!tpu.dma_semaphore, #tpu.memory_space<semaphore_mem>> -> memref<1x!tpu.dma_semaphore, #tpu.memory_space<semaphore_mem>>
          %dma_start3A_405 = tpu.memref_squeeze %dma_start3A_404 : memref<1x!tpu.dma_semaphore, #tpu.memory_space<semaphore_mem>> -> memref<!tpu.dma_semaphore, #tpu.memory_space<semaphore_mem>>
          tpu.enqueue_indirect_dma source(%dma_start3A_403 : memref<320000x128xf32, #tpu.memory_space<hbm>>) target(%dma_start3A_398 : memref<128x128xf32, #tpu.memory_space<vmem>>) offsets(%dma_start3A_400 : memref<128xi32, #tpu.memory_space<vmem>>) semaphore(%dma_start3A_405 : memref<!tpu.dma_semaphore, #tpu.memory_space<semaphore_mem>>)
          %dma_start3A_406 = arith.constant 3 : i32
          %dma_start3A_407 = arith.constant 384 : i32
          %dma_start3A_408 = arith.constant 0 : i32
          %dma_start3A_409 = tpu.memref_slice %arg9[%dma_start3A_407, %dma_start3A_408] : memref<512x128xf32, #tpu.memory_space<vmem>> -> memref<128x128xf32, #tpu.memory_space<vmem>>
          %dma_start3A_410 = arith.constant 384 : i32
          %dma_start3A_411 = tpu.memref_slice %arg7[%dma_start3A_410] : memref<512xi32, #tpu.memory_space<vmem>> -> memref<128xi32, #tpu.memory_space<vmem>>
          %dma_start3A_412 = arith.constant 0 : i32
          %dma_start3A_413 = arith.constant 0 : i32
          %dma_start3A_414 = tpu.memref_slice %arg3[%dma_start3A_412, %dma_start3A_413] : memref<320000x128xf32, #tpu.memory_space<hbm>> -> memref<320000x128xf32, #tpu.memory_space<hbm>>
          %dma_start3A_415 = tpu.memref_slice %arg11[%dma_start3A_406] : memref<4x!tpu.dma_semaphore, #tpu.memory_space<semaphore_mem>> -> memref<1x!tpu.dma_semaphore, #tpu.memory_space<semaphore_mem>>
          %dma_start3A_416 = tpu.memref_squeeze %dma_start3A_415 : memref<1x!tpu.dma_semaphore, #tpu.memory_space<semaphore_mem>> -> memref<!tpu.dma_semaphore, #tpu.memory_space<semaphore_mem>>
          tpu.enqueue_indirect_dma source(%dma_start3A_414 : memref<320000x128xf32, #tpu.memory_space<hbm>>) target(%dma_start3A_409 : memref<128x128xf32, #tpu.memory_space<vmem>>) offsets(%dma_start3A_411 : memref<128xi32, #tpu.memory_space<vmem>>) semaphore(%dma_start3A_416 : memref<!tpu.dma_semaphore, #tpu.memory_space<semaphore_mem>>)
          %dma_wait3A_417 = arith.constant 0 : i32
          %dma_wait3A_418 = arith.constant 0 : i32
          %dma_wait3A_419 = arith.constant 0 : i32
          %dma_wait3A_420 = tpu.memref_slice %arg9[%dma_wait3A_418, %dma_wait3A_419] : memref<512x128xf32, #tpu.memory_space<vmem>> -> memref<128x128xf32, #tpu.memory_space<vmem>>
          %dma_wait3A_421 = arith.constant 0 : i32
          %dma_wait3A_422 = tpu.memref_slice %arg7[%dma_wait3A_421] : memref<512xi32, #tpu.memory_space<vmem>> -> memref<128xi32, #tpu.memory_space<vmem>>
          %dma_wait3A_423 = arith.constant 0 : i32
          %dma_wait3A_424 = arith.constant 0 : i32
          %dma_wait3A_425 = tpu.memref_slice %arg3[%dma_wait3A_423, %dma_wait3A_424] : memref<320000x128xf32, #tpu.memory_space<hbm>> -> memref<320000x128xf32, #tpu.memory_space<hbm>>
          %dma_wait3A_426 = tpu.memref_slice %arg11[%dma_wait3A_417] : memref<4x!tpu.dma_semaphore, #tpu.memory_space<semaphore_mem>> -> memref<1x!tpu.dma_semaphore, #tpu.memory_space<semaphore_mem>>
          %dma_wait3A_427 = tpu.memref_squeeze %dma_wait3A_426 : memref<1x!tpu.dma_semaphore, #tpu.memory_space<semaphore_mem>> -> memref<!tpu.dma_semaphore, #tpu.memory_space<semaphore_mem>>
          tpu.wait_indirect_dma semaphore(%dma_wait3A_427 : memref<!tpu.dma_semaphore, #tpu.memory_space<semaphore_mem>>) src(%dma_wait3A_425 : memref<320000x128xf32, #tpu.memory_space<hbm>>) dst(%dma_wait3A_420 : memref<128x128xf32, #tpu.memory_space<vmem>>)
          %min3A_428 = arith.constant 128 : i32
          %min3A_429 = arith.minsi %add3A_367, %min3A_428 : i32
          %min3A_430 = arith.constant 0 : i32
          %min3A_431 = arith.minsi %min3A_429, %min3A_430 : i32
          %while3A_432 = arith.constant 0 : i32
          %while3A_433 = arith.subi %min3A_429, %min3A_431 : i32
          %while3A_434 = arith.addi %min3A_431, %while3A_433 : i32
          %while3A_435 = arith.constant 1 : i32
          %while3A_436 = arith.divsi %while3A_433, %while3A_435 : i32
          %while3A_437 = arith.muli %while3A_436, %while3A_435 : i32
          %while3A_438 = arith.addi %min3A_431, %while3A_437 : i32
          %while3A_439 = arith.constant 1 : i32
          scf.for %while3A_514 = %min3A_431 to %while3A_438 step %while3A_439  : i32 {
            %get3A_515 = arith.index_cast %while3A_514 : i32 to index
            %get3A_516 = tpu.vector_load %arg8[%get3A_515] {strides = array<i32>} : memref<528xi32, #tpu.memory_space<vmem>>, vector<16xi32>,
            %slice3A_517 = vector.extract_strided_slice %get3A_516 {offsets = [0], sizes = [1], strides = [1]} : vector<16xi32> to vector<1xi32>
            %squeeze3A_518 = vector.extract %slice3A_517[0] : i32 from vector<1xi32>
            %get3A_519 = arith.index_cast %squeeze3A_518 : i32 to index
            %get3A_520 = arith.constant 0 : index
            %get3A_521 = tpu.vector_load %arg10[%get3A_519, %get3A_520] {strides = array<i32>} : memref<320x128xf32, #tpu.memory_space<vmem>>, vector<16xf32>,
            %get3A_522 = arith.index_cast %while3A_514 : i32 to index
            %get3A_523 = arith.constant 0 : index
            %get3A_524 = tpu.vector_load %arg9[%get3A_522, %get3A_523] {strides = array<i32>} : memref<512x128xf32, #tpu.memory_space<vmem>>, vector<16xf32>,
            %max3A = arith.maximumf %get3A_521, %get3A_524 : vector<16xf32>
            %swap3A_525 = arith.index_cast %squeeze3A_518 : i32 to index
            %swap3A_526 = arith.constant 0 : index
            %swap3A_527 = tpu.vector_load %arg10[%swap3A_525, %swap3A_526] {strides = array<i32>} : memref<320x128xf32, #tpu.memory_space<vmem>>, vector<16xf32>,
            tpu.vector_store %arg10[%swap3A_525, %swap3A_526], %max3A {strides = array<i32>} : memref<320x128xf32, #tpu.memory_space<vmem>>, vector<16xf32>,
            %get3A_528 = arith.index_cast %squeeze3A_518 : i32 to index
            %get3A_529 = arith.constant 16 : index
            %get3A_530 = tpu.vector_load %arg10[%get3A_528, %get3A_529] {strides = array<i32>} : memref<320x128xf32, #tpu.memory_space<vmem>>, vector<16xf32>,
            %get3A_531 = arith.index_cast %while3A_514 : i32 to index
            %get3A_532 = arith.constant 16 : index
            %get3A_533 = tpu.vector_load %arg9[%get3A_531, %get3A_532] {strides = array<i32>} : memref<512x128xf32, #tpu.memory_space<vmem>>, vector<16xf32>,
            %max3A_534 = arith.maximumf %get3A_530, %get3A_533 : vector<16xf32>
            %swap3A_535 = arith.index_cast %squeeze3A_518 : i32 to index
            %swap3A_536 = arith.constant 16 : index
            %swap3A_537 = tpu.vector_load %arg10[%swap3A_535, %swap3A_536] {strides = array<i32>} : memref<320x128xf32, #tpu.memory_space<vmem>>, vector<16xf32>,
            tpu.vector_store %arg10[%swap3A_535, %swap3A_536], %max3A_534 {strides = array<i32>} : memref<320x128xf32, #tpu.memory_space<vmem>>, vector<16xf32>,
            %get3A_538 = arith.index_cast %squeeze3A_518 : i32 to index
            %get3A_539 = arith.constant 32 : index
            %get3A_540 = tpu.vector_load %arg10[%get3A_538, %get3A_539] {strides = array<i32>} : memref<320x128xf32, #tpu.memory_space<vmem>>, vector<16xf32>,
            %get3A_541 = arith.index_cast %while3A_514 : i32 to index
            %get3A_542 = arith.constant 32 : index
            %get3A_543 = tpu.vector_load %arg9[%get3A_541, %get3A_542] {strides = array<i32>} : memref<512x128xf32, #tpu.memory_space<vmem>>, vector<16xf32>,
            %max3A_544 = arith.maximumf %get3A_540, %get3A_543 : vector<16xf32>
            %swap3A_545 = arith.index_cast %squeeze3A_518 : i32 to index
            %swap3A_546 = arith.constant 32 : index
            %swap3A_547 = tpu.vector_load %arg10[%swap3A_545, %swap3A_546] {strides = array<i32>} : memref<320x128xf32, #tpu.memory_space<vmem>>, vector<16xf32>,
            tpu.vector_store %arg10[%swap3A_545, %swap3A_546], %max3A_544 {strides = array<i32>} : memref<320x128xf32, #tpu.memory_space<vmem>>, vector<16xf32>,
            %get3A_548 = arith.index_cast %squeeze3A_518 : i32 to index
            %get3A_549 = arith.constant 48 : index
            %get3A_550 = tpu.vector_load %arg10[%get3A_548, %get3A_549] {strides = array<i32>} : memref<320x128xf32, #tpu.memory_space<vmem>>, vector<16xf32>,
            %get3A_551 = arith.index_cast %while3A_514 : i32 to index
            %get3A_552 = arith.constant 48 : index
            %get3A_553 = tpu.vector_load %arg9[%get3A_551, %get3A_552] {strides = array<i32>} : memref<512x128xf32, #tpu.memory_space<vmem>>, vector<16xf32>,
            %max3A_554 = arith.maximumf %get3A_550, %get3A_553 : vector<16xf32>
            %swap3A_555 = arith.index_cast %squeeze3A_518 : i32 to index
            %swap3A_556 = arith.constant 48 : index
            %swap3A_557 = tpu.vector_load %arg10[%swap3A_555, %swap3A_556] {strides = array<i32>} : memref<320x128xf32, #tpu.memory_space<vmem>>, vector<16xf32>,
            tpu.vector_store %arg10[%swap3A_555, %swap3A_556], %max3A_554 {strides = array<i32>} : memref<320x128xf32, #tpu.memory_space<vmem>>, vector<16xf32>,
            %get3A_558 = arith.index_cast %squeeze3A_518 : i32 to index
            %get3A_559 = arith.constant 64 : index
            %get3A_560 = tpu.vector_load %arg10[%get3A_558, %get3A_559] {strides = array<i32>} : memref<320x128xf32, #tpu.memory_space<vmem>>, vector<16xf32>,
            %get3A_561 = arith.index_cast %while3A_514 : i32 to index
            %get3A_562 = arith.constant 64 : index
            %get3A_563 = tpu.vector_load %arg9[%get3A_561, %get3A_562] {strides = array<i32>} : memref<512x128xf32, #tpu.memory_space<vmem>>, vector<16xf32>,
            %max3A_564 = arith.maximumf %get3A_560, %get3A_563 : vector<16xf32>
            %swap3A_565 = arith.index_cast %squeeze3A_518 : i32 to index
            %swap3A_566 = arith.constant 64 : index
            %swap3A_567 = tpu.vector_load %arg10[%swap3A_565, %swap3A_566] {strides = array<i32>} : memref<320x128xf32, #tpu.memory_space<vmem>>, vector<16xf32>,
            tpu.vector_store %arg10[%swap3A_565, %swap3A_566], %max3A_564 {strides = array<i32>} : memref<320x128xf32, #tpu.memory_space<vmem>>, vector<16xf32>,
            %get3A_568 = arith.index_cast %squeeze3A_518 : i32 to index
            %get3A_569 = arith.constant 80 : index
            %get3A_570 = tpu.vector_load %arg10[%get3A_568, %get3A_569] {strides = array<i32>} : memref<320x128xf32, #tpu.memory_space<vmem>>, vector<16xf32>,
            %get3A_571 = arith.index_cast %while3A_514 : i32 to index
            %get3A_572 = arith.constant 80 : index
            %get3A_573 = tpu.vector_load %arg9[%get3A_571, %get3A_572] {strides = array<i32>} : memref<512x128xf32, #tpu.memory_space<vmem>>, vector<16xf32>,
            %max3A_574 = arith.maximumf %get3A_570, %get3A_573 : vector<16xf32>
            %swap3A_575 = arith.index_cast %squeeze3A_518 : i32 to index
            %swap3A_576 = arith.constant 80 : index
            %swap3A_577 = tpu.vector_load %arg10[%swap3A_575, %swap3A_576] {strides = array<i32>} : memref<320x128xf32, #tpu.memory_space<vmem>>, vector<16xf32>,
            tpu.vector_store %arg10[%swap3A_575, %swap3A_576], %max3A_574 {strides = array<i32>} : memref<320x128xf32, #tpu.memory_space<vmem>>, vector<16xf32>,
            %get3A_578 = arith.index_cast %squeeze3A_518 : i32 to index
            %get3A_579 = arith.constant 96 : index
            %get3A_580 = tpu.vector_load %arg10[%get3A_578, %get3A_579] {strides = array<i32>} : memref<320x128xf32, #tpu.memory_space<vmem>>, vector<16xf32>,
            %get3A_581 = arith.index_cast %while3A_514 : i32 to index
            %get3A_582 = arith.constant 96 : index
            %get3A_583 = tpu.vector_load %arg9[%get3A_581, %get3A_582] {strides = array<i32>} : memref<512x128xf32, #tpu.memory_space<vmem>>, vector<16xf32>,
            %max3A_584 = arith.maximumf %get3A_580, %get3A_583 : vector<16xf32>
            %swap3A_585 = arith.index_cast %squeeze3A_518 : i32 to index
            %swap3A_586 = arith.constant 96 : index
            %swap3A_587 = tpu.vector_load %arg10[%swap3A_585, %swap3A_586] {strides = array<i32>} : memref<320x128xf32, #tpu.memory_space<vmem>>, vector<16xf32>,
            tpu.vector_store %arg10[%swap3A_585, %swap3A_586], %max3A_584 {strides = array<i32>} : memref<320x128xf32, #tpu.memory_space<vmem>>, vector<16xf32>,
            %get3A_588 = arith.index_cast %squeeze3A_518 : i32 to index
            %get3A_589 = arith.constant 112 : index
            %get3A_590 = tpu.vector_load %arg10[%get3A_588, %get3A_589] {strides = array<i32>} : memref<320x128xf32, #tpu.memory_space<vmem>>, vector<16xf32>,
            %get3A_591 = arith.index_cast %while3A_514 : i32 to index
            %get3A_592 = arith.constant 112 : index
            %get3A_593 = tpu.vector_load %arg9[%get3A_591, %get3A_592] {strides = array<i32>} : memref<512x128xf32, #tpu.memory_space<vmem>>, vector<16xf32>,
            %max3A_594 = arith.maximumf %get3A_590, %get3A_593 : vector<16xf32>
            %swap3A_595 = arith.index_cast %squeeze3A_518 : i32 to index
            %swap3A_596 = arith.constant 112 : index
            %swap3A_597 = tpu.vector_load %arg10[%swap3A_595, %swap3A_596] {strides = array<i32>} : memref<320x128xf32, #tpu.memory_space<vmem>>, vector<16xf32>,
            tpu.vector_store %arg10[%swap3A_595, %swap3A_596], %max3A_594 {strides = array<i32>} : memref<320x128xf32, #tpu.memory_space<vmem>>, vector<16xf32>,
          }
          %while3A_440 = arith.constant 1 : i32
          scf.for %while3A_514 = %while3A_438 to %while3A_434 step %while3A_440  : i32 {
            %get3A_515 = arith.index_cast %while3A_514 : i32 to index
            %get3A_516 = tpu.vector_load %arg8[%get3A_515] {strides = array<i32>} : memref<528xi32, #tpu.memory_space<vmem>>, vector<16xi32>,
            %slice3A_517 = vector.extract_strided_slice %get3A_516 {offsets = [0], sizes = [1], strides = [1]} : vector<16xi32> to vector<1xi32>
            %squeeze3A_518 = vector.extract %slice3A_517[0] : i32 from vector<1xi32>
            %get3A_519 = arith.index_cast %squeeze3A_518 : i32 to index
            %get3A_520 = arith.constant 0 : index
            %get3A_521 = tpu.vector_load %arg10[%get3A_519, %get3A_520] {strides = array<i32>} : memref<320x128xf32, #tpu.memory_space<vmem>>, vector<16xf32>,
            %get3A_522 = arith.index_cast %while3A_514 : i32 to index
            %get3A_523 = arith.constant 0 : index
            %get3A_524 = tpu.vector_load %arg9[%get3A_522, %get3A_523] {strides = array<i32>} : memref<512x128xf32, #tpu.memory_space<vmem>>, vector<16xf32>,
            %max3A = arith.maximumf %get3A_521, %get3A_524 : vector<16xf32>
            %swap3A_525 = arith.index_cast %squeeze3A_518 : i32 to index
            %swap3A_526 = arith.constant 0 : index
            %swap3A_527 = tpu.vector_load %arg10[%swap3A_525, %swap3A_526] {strides = array<i32>} : memref<320x128xf32, #tpu.memory_space<vmem>>, vector<16xf32>,
            tpu.vector_store %arg10[%swap3A_525, %swap3A_526], %max3A {strides = array<i32>} : memref<320x128xf32, #tpu.memory_space<vmem>>, vector<16xf32>,
            %get3A_528 = arith.index_cast %squeeze3A_518 : i32 to index
            %get3A_529 = arith.constant 16 : index
            %get3A_530 = tpu.vector_load %arg10[%get3A_528, %get3A_529] {strides = array<i32>} : memref<320x128xf32, #tpu.memory_space<vmem>>, vector<16xf32>,
            %get3A_531 = arith.index_cast %while3A_514 : i32 to index
            %get3A_532 = arith.constant 16 : index
            %get3A_533 = tpu.vector_load %arg9[%get3A_531, %get3A_532] {strides = array<i32>} : memref<512x128xf32, #tpu.memory_space<vmem>>, vector<16xf32>,
            %max3A_534 = arith.maximumf %get3A_530, %get3A_533 : vector<16xf32>
            %swap3A_535 = arith.index_cast %squeeze3A_518 : i32 to index
            %swap3A_536 = arith.constant 16 : index
            %swap3A_537 = tpu.vector_load %arg10[%swap3A_535, %swap3A_536] {strides = array<i32>} : memref<320x128xf32, #tpu.memory_space<vmem>>, vector<16xf32>,
            tpu.vector_store %arg10[%swap3A_535, %swap3A_536], %max3A_534 {strides = array<i32>} : memref<320x128xf32, #tpu.memory_space<vmem>>, vector<16xf32>,
            %get3A_538 = arith.index_cast %squeeze3A_518 : i32 to index
            %get3A_539 = arith.constant 32 : index
            %get3A_540 = tpu.vector_load %arg10[%get3A_538, %get3A_539] {strides = array<i32>} : memref<320x128xf32, #tpu.memory_space<vmem>>, vector<16xf32>,
            %get3A_541 = arith.index_cast %while3A_514 : i32 to index
            %get3A_542 = arith.constant 32 : index
            %get3A_543 = tpu.vector_load %arg9[%get3A_541, %get3A_542] {strides = array<i32>} : memref<512x128xf32, #tpu.memory_space<vmem>>, vector<16xf32>,
            %max3A_544 = arith.maximumf %get3A_540, %get3A_543 : vector<16xf32>
            %swap3A_545 = arith.index_cast %squeeze3A_518 : i32 to index
            %swap3A_546 = arith.constant 32 : index
            %swap3A_547 = tpu.vector_load %arg10[%swap3A_545, %swap3A_546] {strides = array<i32>} : memref<320x128xf32, #tpu.memory_space<vmem>>, vector<16xf32>,
            tpu.vector_store %arg10[%swap3A_545, %swap3A_546], %max3A_544 {strides = array<i32>} : memref<320x128xf32, #tpu.memory_space<vmem>>, vector<16xf32>,
            %get3A_548 = arith.index_cast %squeeze3A_518 : i32 to index
            %get3A_549 = arith.constant 48 : index
            %get3A_550 = tpu.vector_load %arg10[%get3A_548, %get3A_549] {strides = array<i32>} : memref<320x128xf32, #tpu.memory_space<vmem>>, vector<16xf32>,
            %get3A_551 = arith.index_cast %while3A_514 : i32 to index
            %get3A_552 = arith.constant 48 : index
            %get3A_553 = tpu.vector_load %arg9[%get3A_551, %get3A_552] {strides = array<i32>} : memref<512x128xf32, #tpu.memory_space<vmem>>, vector<16xf32>,
            %max3A_554 = arith.maximumf %get3A_550, %get3A_553 : vector<16xf32>
            %swap3A_555 = arith.index_cast %squeeze3A_518 : i32 to index
            %swap3A_556 = arith.constant 48 : index
            %swap3A_557 = tpu.vector_load %arg10[%swap3A_555, %swap3A_556] {strides = array<i32>} : memref<320x128xf32, #tpu.memory_space<vmem>>, vector<16xf32>,
            tpu.vector_store %arg10[%swap3A_555, %swap3A_556], %max3A_554 {strides = array<i32>} : memref<320x128xf32, #tpu.memory_space<vmem>>, vector<16xf32>,
            %get3A_558 = arith.index_cast %squeeze3A_518 : i32 to index
            %get3A_559 = arith.constant 64 : index
            %get3A_560 = tpu.vector_load %arg10[%get3A_558, %get3A_559] {strides = array<i32>} : memref<320x128xf32, #tpu.memory_space<vmem>>, vector<16xf32>,
            %get3A_561 = arith.index_cast %while3A_514 : i32 to index
            %get3A_562 = arith.constant 64 : index
            %get3A_563 = tpu.vector_load %arg9[%get3A_561, %get3A_562] {strides = array<i32>} : memref<512x128xf32, #tpu.memory_space<vmem>>, vector<16xf32>,
            %max3A_564 = arith.maximumf %get3A_560, %get3A_563 : vector<16xf32>
            %swap3A_565 = arith.index_cast %squeeze3A_518 : i32 to index
            %swap3A_566 = arith.constant 64 : index
            %swap3A_567 = tpu.vector_load %arg10[%swap3A_565, %swap3A_566] {strides = array<i32>} : memref<320x128xf32, #tpu.memory_space<vmem>>, vector<16xf32>,
            tpu.vector_store %arg10[%swap3A_565, %swap3A_566], %max3A_564 {strides = array<i32>} : memref<320x128xf32, #tpu.memory_space<vmem>>, vector<16xf32>,
            %get3A_568 = arith.index_cast %squeeze3A_518 : i32 to index
            %get3A_569 = arith.constant 80 : index
            %get3A_570 = tpu.vector_load %arg10[%get3A_568, %get3A_569] {strides = array<i32>} : memref<320x128xf32, #tpu.memory_space<vmem>>, vector<16xf32>,
            %get3A_571 = arith.index_cast %while3A_514 : i32 to index
            %get3A_572 = arith.constant 80 : index
            %get3A_573 = tpu.vector_load %arg9[%get3A_571, %get3A_572] {strides = array<i32>} : memref<512x128xf32, #tpu.memory_space<vmem>>, vector<16xf32>,
            %max3A_574 = arith.maximumf %get3A_570, %get3A_573 : vector<16xf32>
            %swap3A_575 = arith.index_cast %squeeze3A_518 : i32 to index
            %swap3A_576 = arith.constant 80 : index
            %swap3A_577 = tpu.vector_load %arg10[%swap3A_575, %swap3A_576] {strides = array<i32>} : memref<320x128xf32, #tpu.memory_space<vmem>>, vector<16xf32>,
            tpu.vector_store %arg10[%swap3A_575, %swap3A_576], %max3A_574 {strides = array<i32>} : memref<320x128xf32, #tpu.memory_space<vmem>>, vector<16xf32>,
            %get3A_578 = arith.index_cast %squeeze3A_518 : i32 to index
            %get3A_579 = arith.constant 96 : index
            %get3A_580 = tpu.vector_load %arg10[%get3A_578, %get3A_579] {strides = array<i32>} : memref<320x128xf32, #tpu.memory_space<vmem>>, vector<16xf32>,
            %get3A_581 = arith.index_cast %while3A_514 : i32 to index
            %get3A_582 = arith.constant 96 : index
            %get3A_583 = tpu.vector_load %arg9[%get3A_581, %get3A_582] {strides = array<i32>} : memref<512x128xf32, #tpu.memory_space<vmem>>, vector<16xf32>,
            %max3A_584 = arith.maximumf %get3A_580, %get3A_583 : vector<16xf32>
            %swap3A_585 = arith.index_cast %squeeze3A_518 : i32 to index
            %swap3A_586 = arith.constant 96 : index
            %swap3A_587 = tpu.vector_load %arg10[%swap3A_585, %swap3A_586] {strides = array<i32>} : memref<320x128xf32, #tpu.memory_space<vmem>>, vector<16xf32>,
            tpu.vector_store %arg10[%swap3A_585, %swap3A_586], %max3A_584 {strides = array<i32>} : memref<320x128xf32, #tpu.memory_space<vmem>>, vector<16xf32>,
            %get3A_588 = arith.index_cast %squeeze3A_518 : i32 to index
            %get3A_589 = arith.constant 112 : index
            %get3A_590 = tpu.vector_load %arg10[%get3A_588, %get3A_589] {strides = array<i32>} : memref<320x128xf32, #tpu.memory_space<vmem>>, vector<16xf32>,
            %get3A_591 = arith.index_cast %while3A_514 : i32 to index
            %get3A_592 = arith.constant 112 : index
            %get3A_593 = tpu.vector_load %arg9[%get3A_591, %get3A_592] {strides = array<i32>} : memref<512x128xf32, #tpu.memory_space<vmem>>, vector<16xf32>,
            %max3A_594 = arith.maximumf %get3A_590, %get3A_593 : vector<16xf32>
            %swap3A_595 = arith.index_cast %squeeze3A_518 : i32 to index
            %swap3A_596 = arith.constant 112 : index
            %swap3A_597 = tpu.vector_load %arg10[%swap3A_595, %swap3A_596] {strides = array<i32>} : memref<320x128xf32, #tpu.memory_space<vmem>>, vector<16xf32>,
            tpu.vector_store %arg10[%swap3A_595, %swap3A_596], %max3A_594 {strides = array<i32>} : memref<320x128xf32, #tpu.memory_space<vmem>>, vector<16xf32>,
          }
          %dma_wait3A_441 = arith.constant 1 : i32
          %dma_wait3A_442 = arith.constant 128 : i32
          %dma_wait3A_443 = arith.constant 0 : i32
          %dma_wait3A_444 = tpu.memref_slice %arg9[%dma_wait3A_442, %dma_wait3A_443] : memref<512x128xf32, #tpu.memory_space<vmem>> -> memref<128x128xf32, #tpu.memory_space<vmem>>
          %dma_wait3A_445 = arith.constant 128 : i32
          %dma_wait3A_446 = tpu.memref_slice %arg7[%dma_wait3A_445] : memref<512xi32, #tpu.memory_space<vmem>> -> memref<128xi32, #tpu.memory_space<vmem>>
          %dma_wait3A_447 = arith.constant 0 : i32
          %dma_wait3A_448 = arith.constant 0 : i32
          %dma_wait3A_449 = tpu.memref_slice %arg3[%dma_wait3A_447, %dma_wait3A_448] : memref<320000x128xf32, #tpu.memory_space<hbm>> -> memref<320000x128xf32, #tpu.memory_space<hbm>>
          %dma_wait3A_450 = tpu.memref_slice %arg11[%dma_wait3A_441] : memref<4x!tpu.dma_semaphore, #tpu.memory_space<semaphore_mem>> -> memref<1x!tpu.dma_semaphore, #tpu.memory_space<semaphore_mem>>
          %dma_wait3A_451 = tpu.memref_squeeze %dma_wait3A_450 : memref<1x!tpu.dma_semaphore, #tpu.memory_space<semaphore_mem>> -> memref<!tpu.dma_semaphore, #tpu.memory_space<semaphore_mem>>
          tpu.wait_indirect_dma semaphore(%dma_wait3A_451 : memref<!tpu.dma_semaphore, #tpu.memory_space<semaphore_mem>>) src(%dma_wait3A_449 : memref<320000x128xf32, #tpu.memory_space<hbm>>) dst(%dma_wait3A_444 : memref<128x128xf32, #tpu.memory_space<vmem>>)
          %min3A_452 = arith.constant 256 : i32
          %min3A_453 = arith.minsi %add3A_367, %min3A_452 : i32
          %min3A_454 = arith.constant 128 : i32
          %min3A_455 = arith.minsi %min3A_453, %min3A_454 : i32
          %while3A_456 = arith.constant 0 : i32
          %while3A_457 = arith.subi %min3A_453, %min3A_455 : i32
          %while3A_458 = arith.addi %min3A_455, %while3A_457 : i32
          %while3A_459 = arith.constant 1 : i32
          %while3A_460 = arith.divsi %while3A_457, %while3A_459 : i32
          %while3A_461 = arith.muli %while3A_460, %while3A_459 : i32
          %while3A_462 = arith.addi %min3A_455, %while3A_461 : i32
          %while3A_463 = arith.constant 1 : i32
          scf.for %while3A_514 = %min3A_455 to %while3A_462 step %while3A_463  : i32 {
            %get3A_515 = arith.index_cast %while3A_514 : i32 to index
            %get3A_516 = tpu.vector_load %arg8[%get3A_515] {strides = array<i32>} : memref<528xi32, #tpu.memory_space<vmem>>, vector<16xi32>,
            %slice3A_517 = vector.extract_strided_slice %get3A_516 {offsets = [0], sizes = [1], strides = [1]} : vector<16xi32> to vector<1xi32>
            %squeeze3A_518 = vector.extract %slice3A_517[0] : i32 from vector<1xi32>
            %get3A_519 = arith.index_cast %squeeze3A_518 : i32 to index
            %get3A_520 = arith.constant 0 : index
            %get3A_521 = tpu.vector_load %arg10[%get3A_519, %get3A_520] {strides = array<i32>} : memref<320x128xf32, #tpu.memory_space<vmem>>, vector<16xf32>,
            %get3A_522 = arith.index_cast %while3A_514 : i32 to index
            %get3A_523 = arith.constant 0 : index
            %get3A_524 = tpu.vector_load %arg9[%get3A_522, %get3A_523] {strides = array<i32>} : memref<512x128xf32, #tpu.memory_space<vmem>>, vector<16xf32>,
            %max3A = arith.maximumf %get3A_521, %get3A_524 : vector<16xf32>
            %swap3A_525 = arith.index_cast %squeeze3A_518 : i32 to index
            %swap3A_526 = arith.constant 0 : index
            %swap3A_527 = tpu.vector_load %arg10[%swap3A_525, %swap3A_526] {strides = array<i32>} : memref<320x128xf32, #tpu.memory_space<vmem>>, vector<16xf32>,
            tpu.vector_store %arg10[%swap3A_525, %swap3A_526], %max3A {strides = array<i32>} : memref<320x128xf32, #tpu.memory_space<vmem>>, vector<16xf32>,
            %get3A_528 = arith.index_cast %squeeze3A_518 : i32 to index
            %get3A_529 = arith.constant 16 : index
            %get3A_530 = tpu.vector_load %arg10[%get3A_528, %get3A_529] {strides = array<i32>} : memref<320x128xf32, #tpu.memory_space<vmem>>, vector<16xf32>,
            %get3A_531 = arith.index_cast %while3A_514 : i32 to index
            %get3A_532 = arith.constant 16 : index
            %get3A_533 = tpu.vector_load %arg9[%get3A_531, %get3A_532] {strides = array<i32>} : memref<512x128xf32, #tpu.memory_space<vmem>>, vector<16xf32>,
            %max3A_534 = arith.maximumf %get3A_530, %get3A_533 : vector<16xf32>
            %swap3A_535 = arith.index_cast %squeeze3A_518 : i32 to index
            %swap3A_536 = arith.constant 16 : index
            %swap3A_537 = tpu.vector_load %arg10[%swap3A_535, %swap3A_536] {strides = array<i32>} : memref<320x128xf32, #tpu.memory_space<vmem>>, vector<16xf32>,
            tpu.vector_store %arg10[%swap3A_535, %swap3A_536], %max3A_534 {strides = array<i32>} : memref<320x128xf32, #tpu.memory_space<vmem>>, vector<16xf32>,
            %get3A_538 = arith.index_cast %squeeze3A_518 : i32 to index
            %get3A_539 = arith.constant 32 : index
            %get3A_540 = tpu.vector_load %arg10[%get3A_538, %get3A_539] {strides = array<i32>} : memref<320x128xf32, #tpu.memory_space<vmem>>, vector<16xf32>,
            %get3A_541 = arith.index_cast %while3A_514 : i32 to index
            %get3A_542 = arith.constant 32 : index
            %get3A_543 = tpu.vector_load %arg9[%get3A_541, %get3A_542] {strides = array<i32>} : memref<512x128xf32, #tpu.memory_space<vmem>>, vector<16xf32>,
            %max3A_544 = arith.maximumf %get3A_540, %get3A_543 : vector<16xf32>
            %swap3A_545 = arith.index_cast %squeeze3A_518 : i32 to index
            %swap3A_546 = arith.constant 32 : index
            %swap3A_547 = tpu.vector_load %arg10[%swap3A_545, %swap3A_546] {strides = array<i32>} : memref<320x128xf32, #tpu.memory_space<vmem>>, vector<16xf32>,
            tpu.vector_store %arg10[%swap3A_545, %swap3A_546], %max3A_544 {strides = array<i32>} : memref<320x128xf32, #tpu.memory_space<vmem>>, vector<16xf32>,
            %get3A_548 = arith.index_cast %squeeze3A_518 : i32 to index
            %get3A_549 = arith.constant 48 : index
            %get3A_550 = tpu.vector_load %arg10[%get3A_548, %get3A_549] {strides = array<i32>} : memref<320x128xf32, #tpu.memory_space<vmem>>, vector<16xf32>,
            %get3A_551 = arith.index_cast %while3A_514 : i32 to index
            %get3A_552 = arith.constant 48 : index
            %get3A_553 = tpu.vector_load %arg9[%get3A_551, %get3A_552] {strides = array<i32>} : memref<512x128xf32, #tpu.memory_space<vmem>>, vector<16xf32>,
            %max3A_554 = arith.maximumf %get3A_550, %get3A_553 : vector<16xf32>
            %swap3A_555 = arith.index_cast %squeeze3A_518 : i32 to index
            %swap3A_556 = arith.constant 48 : index
            %swap3A_557 = tpu.vector_load %arg10[%swap3A_555, %swap3A_556] {strides = array<i32>} : memref<320x128xf32, #tpu.memory_space<vmem>>, vector<16xf32>,
            tpu.vector_store %arg10[%swap3A_555, %swap3A_556], %max3A_554 {strides = array<i32>} : memref<320x128xf32, #tpu.memory_space<vmem>>, vector<16xf32>,
            %get3A_558 = arith.index_cast %squeeze3A_518 : i32 to index
            %get3A_559 = arith.constant 64 : index
            %get3A_560 = tpu.vector_load %arg10[%get3A_558, %get3A_559] {strides = array<i32>} : memref<320x128xf32, #tpu.memory_space<vmem>>, vector<16xf32>,
            %get3A_561 = arith.index_cast %while3A_514 : i32 to index
            %get3A_562 = arith.constant 64 : index
            %get3A_563 = tpu.vector_load %arg9[%get3A_561, %get3A_562] {strides = array<i32>} : memref<512x128xf32, #tpu.memory_space<vmem>>, vector<16xf32>,
            %max3A_564 = arith.maximumf %get3A_560, %get3A_563 : vector<16xf32>
            %swap3A_565 = arith.index_cast %squeeze3A_518 : i32 to index
            %swap3A_566 = arith.constant 64 : index
            %swap3A_567 = tpu.vector_load %arg10[%swap3A_565, %swap3A_566] {strides = array<i32>} : memref<320x128xf32, #tpu.memory_space<vmem>>, vector<16xf32>,
            tpu.vector_store %arg10[%swap3A_565, %swap3A_566], %max3A_564 {strides = array<i32>} : memref<320x128xf32, #tpu.memory_space<vmem>>, vector<16xf32>,
            %get3A_568 = arith.index_cast %squeeze3A_518 : i32 to index
            %get3A_569 = arith.constant 80 : index
            %get3A_570 = tpu.vector_load %arg10[%get3A_568, %get3A_569] {strides = array<i32>} : memref<320x128xf32, #tpu.memory_space<vmem>>, vector<16xf32>,
            %get3A_571 = arith.index_cast %while3A_514 : i32 to index
            %get3A_572 = arith.constant 80 : index
            %get3A_573 = tpu.vector_load %arg9[%get3A_571, %get3A_572] {strides = array<i32>} : memref<512x128xf32, #tpu.memory_space<vmem>>, vector<16xf32>,
            %max3A_574 = arith.maximumf %get3A_570, %get3A_573 : vector<16xf32>
            %swap3A_575 = arith.index_cast %squeeze3A_518 : i32 to index
            %swap3A_576 = arith.constant 80 : index
            %swap3A_577 = tpu.vector_load %arg10[%swap3A_575, %swap3A_576] {strides = array<i32>} : memref<320x128xf32, #tpu.memory_space<vmem>>, vector<16xf32>,
            tpu.vector_store %arg10[%swap3A_575, %swap3A_576], %max3A_574 {strides = array<i32>} : memref<320x128xf32, #tpu.memory_space<vmem>>, vector<16xf32>,
            %get3A_578 = arith.index_cast %squeeze3A_518 : i32 to index
            %get3A_579 = arith.constant 96 : index
            %get3A_580 = tpu.vector_load %arg10[%get3A_578, %get3A_579] {strides = array<i32>} : memref<320x128xf32, #tpu.memory_space<vmem>>, vector<16xf32>,
            %get3A_581 = arith.index_cast %while3A_514 : i32 to index
            %get3A_582 = arith.constant 96 : index
            %get3A_583 = tpu.vector_load %arg9[%get3A_581, %get3A_582] {strides = array<i32>} : memref<512x128xf32, #tpu.memory_space<vmem>>, vector<16xf32>,
            %max3A_584 = arith.maximumf %get3A_580, %get3A_583 : vector<16xf32>
            %swap3A_585 = arith.index_cast %squeeze3A_518 : i32 to index
            %swap3A_586 = arith.constant 96 : index
            %swap3A_587 = tpu.vector_load %arg10[%swap3A_585, %swap3A_586] {strides = array<i32>} : memref<320x128xf32, #tpu.memory_space<vmem>>, vector<16xf32>,
            tpu.vector_store %arg10[%swap3A_585, %swap3A_586], %max3A_584 {strides = array<i32>} : memref<320x128xf32, #tpu.memory_space<vmem>>, vector<16xf32>,
            %get3A_588 = arith.index_cast %squeeze3A_518 : i32 to index
            %get3A_589 = arith.constant 112 : index
            %get3A_590 = tpu.vector_load %arg10[%get3A_588, %get3A_589] {strides = array<i32>} : memref<320x128xf32, #tpu.memory_space<vmem>>, vector<16xf32>,
            %get3A_591 = arith.index_cast %while3A_514 : i32 to index
            %get3A_592 = arith.constant 112 : index
            %get3A_593 = tpu.vector_load %arg9[%get3A_591, %get3A_592] {strides = array<i32>} : memref<512x128xf32, #tpu.memory_space<vmem>>, vector<16xf32>,
            %max3A_594 = arith.maximumf %get3A_590, %get3A_593 : vector<16xf32>
            %swap3A_595 = arith.index_cast %squeeze3A_518 : i32 to index
            %swap3A_596 = arith.constant 112 : index
            %swap3A_597 = tpu.vector_load %arg10[%swap3A_595, %swap3A_596] {strides = array<i32>} : memref<320x128xf32, #tpu.memory_space<vmem>>, vector<16xf32>,
            tpu.vector_store %arg10[%swap3A_595, %swap3A_596], %max3A_594 {strides = array<i32>} : memref<320x128xf32, #tpu.memory_space<vmem>>, vector<16xf32>,
          }
          %while3A_464 = arith.constant 1 : i32
          scf.for %while3A_514 = %while3A_462 to %while3A_458 step %while3A_464  : i32 {
            %get3A_515 = arith.index_cast %while3A_514 : i32 to index
            %get3A_516 = tpu.vector_load %arg8[%get3A_515] {strides = array<i32>} : memref<528xi32, #tpu.memory_space<vmem>>, vector<16xi32>,
            %slice3A_517 = vector.extract_strided_slice %get3A_516 {offsets = [0], sizes = [1], strides = [1]} : vector<16xi32> to vector<1xi32>
            %squeeze3A_518 = vector.extract %slice3A_517[0] : i32 from vector<1xi32>
            %get3A_519 = arith.index_cast %squeeze3A_518 : i32 to index
            %get3A_520 = arith.constant 0 : index
            %get3A_521 = tpu.vector_load %arg10[%get3A_519, %get3A_520] {strides = array<i32>} : memref<320x128xf32, #tpu.memory_space<vmem>>, vector<16xf32>,
            %get3A_522 = arith.index_cast %while3A_514 : i32 to index
            %get3A_523 = arith.constant 0 : index
            %get3A_524 = tpu.vector_load %arg9[%get3A_522, %get3A_523] {strides = array<i32>} : memref<512x128xf32, #tpu.memory_space<vmem>>, vector<16xf32>,
            %max3A = arith.maximumf %get3A_521, %get3A_524 : vector<16xf32>
            %swap3A_525 = arith.index_cast %squeeze3A_518 : i32 to index
            %swap3A_526 = arith.constant 0 : index
            %swap3A_527 = tpu.vector_load %arg10[%swap3A_525, %swap3A_526] {strides = array<i32>} : memref<320x128xf32, #tpu.memory_space<vmem>>, vector<16xf32>,
            tpu.vector_store %arg10[%swap3A_525, %swap3A_526], %max3A {strides = array<i32>} : memref<320x128xf32, #tpu.memory_space<vmem>>, vector<16xf32>,
            %get3A_528 = arith.index_cast %squeeze3A_518 : i32 to index
            %get3A_529 = arith.constant 16 : index
            %get3A_530 = tpu.vector_load %arg10[%get3A_528, %get3A_529] {strides = array<i32>} : memref<320x128xf32, #tpu.memory_space<vmem>>, vector<16xf32>,
            %get3A_531 = arith.index_cast %while3A_514 : i32 to index
            %get3A_532 = arith.constant 16 : index
            %get3A_533 = tpu.vector_load %arg9[%get3A_531, %get3A_532] {strides = array<i32>} : memref<512x128xf32, #tpu.memory_space<vmem>>, vector<16xf32>,
            %max3A_534 = arith.maximumf %get3A_530, %get3A_533 : vector<16xf32>
            %swap3A_535 = arith.index_cast %squeeze3A_518 : i32 to index
            %swap3A_536 = arith.constant 16 : index
            %swap3A_537 = tpu.vector_load %arg10[%swap3A_535, %swap3A_536] {strides = array<i32>} : memref<320x128xf32, #tpu.memory_space<vmem>>, vector<16xf32>,
            tpu.vector_store %arg10[%swap3A_535, %swap3A_536], %max3A_534 {strides = array<i32>} : memref<320x128xf32, #tpu.memory_space<vmem>>, vector<16xf32>,
            %get3A_538 = arith.index_cast %squeeze3A_518 : i32 to index
            %get3A_539 = arith.constant 32 : index
            %get3A_540 = tpu.vector_load %arg10[%get3A_538, %get3A_539] {strides = array<i32>} : memref<320x128xf32, #tpu.memory_space<vmem>>, vector<16xf32>,
            %get3A_541 = arith.index_cast %while3A_514 : i32 to index
            %get3A_542 = arith.constant 32 : index
            %get3A_543 = tpu.vector_load %arg9[%get3A_541, %get3A_542] {strides = array<i32>} : memref<512x128xf32, #tpu.memory_space<vmem>>, vector<16xf32>,
            %max3A_544 = arith.maximumf %get3A_540, %get3A_543 : vector<16xf32>
            %swap3A_545 = arith.index_cast %squeeze3A_518 : i32 to index
            %swap3A_546 = arith.constant 32 : index
            %swap3A_547 = tpu.vector_load %arg10[%swap3A_545, %swap3A_546] {strides = array<i32>} : memref<320x128xf32, #tpu.memory_space<vmem>>, vector<16xf32>,
            tpu.vector_store %arg10[%swap3A_545, %swap3A_546], %max3A_544 {strides = array<i32>} : memref<320x128xf32, #tpu.memory_space<vmem>>, vector<16xf32>,
            %get3A_548 = arith.index_cast %squeeze3A_518 : i32 to index
            %get3A_549 = arith.constant 48 : index
            %get3A_550 = tpu.vector_load %arg10[%get3A_548, %get3A_549] {strides = array<i32>} : memref<320x128xf32, #tpu.memory_space<vmem>>, vector<16xf32>,
            %get3A_551 = arith.index_cast %while3A_514 : i32 to index
            %get3A_552 = arith.constant 48 : index
            %get3A_553 = tpu.vector_load %arg9[%get3A_551, %get3A_552] {strides = array<i32>} : memref<512x128xf32, #tpu.memory_space<vmem>>, vector<16xf32>,
            %max3A_554 = arith.maximumf %get3A_550, %get3A_553 : vector<16xf32>
            %swap3A_555 = arith.index_cast %squeeze3A_518 : i32 to index
            %swap3A_556 = arith.constant 48 : index
            %swap3A_557 = tpu.vector_load %arg10[%swap3A_555, %swap3A_556] {strides = array<i32>} : memref<320x128xf32, #tpu.memory_space<vmem>>, vector<16xf32>,
            tpu.vector_store %arg10[%swap3A_555, %swap3A_556], %max3A_554 {strides = array<i32>} : memref<320x128xf32, #tpu.memory_space<vmem>>, vector<16xf32>,
            %get3A_558 = arith.index_cast %squeeze3A_518 : i32 to index
            %get3A_559 = arith.constant 64 : index
            %get3A_560 = tpu.vector_load %arg10[%get3A_558, %get3A_559] {strides = array<i32>} : memref<320x128xf32, #tpu.memory_space<vmem>>, vector<16xf32>,
            %get3A_561 = arith.index_cast %while3A_514 : i32 to index
            %get3A_562 = arith.constant 64 : index
            %get3A_563 = tpu.vector_load %arg9[%get3A_561, %get3A_562] {strides = array<i32>} : memref<512x128xf32, #tpu.memory_space<vmem>>, vector<16xf32>,
            %max3A_564 = arith.maximumf %get3A_560, %get3A_563 : vector<16xf32>
            %swap3A_565 = arith.index_cast %squeeze3A_518 : i32 to index
            %swap3A_566 = arith.constant 64 : index
            %swap3A_567 = tpu.vector_load %arg10[%swap3A_565, %swap3A_566] {strides = array<i32>} : memref<320x128xf32, #tpu.memory_space<vmem>>, vector<16xf32>,
            tpu.vector_store %arg10[%swap3A_565, %swap3A_566], %max3A_564 {strides = array<i32>} : memref<320x128xf32, #tpu.memory_space<vmem>>, vector<16xf32>,
            %get3A_568 = arith.index_cast %squeeze3A_518 : i32 to index
            %get3A_569 = arith.constant 80 : index
            %get3A_570 = tpu.vector_load %arg10[%get3A_568, %get3A_569] {strides = array<i32>} : memref<320x128xf32, #tpu.memory_space<vmem>>, vector<16xf32>,
            %get3A_571 = arith.index_cast %while3A_514 : i32 to index
            %get3A_572 = arith.constant 80 : index
            %get3A_573 = tpu.vector_load %arg9[%get3A_571, %get3A_572] {strides = array<i32>} : memref<512x128xf32, #tpu.memory_space<vmem>>, vector<16xf32>,
            %max3A_574 = arith.maximumf %get3A_570, %get3A_573 : vector<16xf32>
            %swap3A_575 = arith.index_cast %squeeze3A_518 : i32 to index
            %swap3A_576 = arith.constant 80 : index
            %swap3A_577 = tpu.vector_load %arg10[%swap3A_575, %swap3A_576] {strides = array<i32>} : memref<320x128xf32, #tpu.memory_space<vmem>>, vector<16xf32>,
            tpu.vector_store %arg10[%swap3A_575, %swap3A_576], %max3A_574 {strides = array<i32>} : memref<320x128xf32, #tpu.memory_space<vmem>>, vector<16xf32>,
            %get3A_578 = arith.index_cast %squeeze3A_518 : i32 to index
            %get3A_579 = arith.constant 96 : index
            %get3A_580 = tpu.vector_load %arg10[%get3A_578, %get3A_579] {strides = array<i32>} : memref<320x128xf32, #tpu.memory_space<vmem>>, vector<16xf32>,
            %get3A_581 = arith.index_cast %while3A_514 : i32 to index
            %get3A_582 = arith.constant 96 : index
            %get3A_583 = tpu.vector_load %arg9[%get3A_581, %get3A_582] {strides = array<i32>} : memref<512x128xf32, #tpu.memory_space<vmem>>, vector<16xf32>,
            %max3A_584 = arith.maximumf %get3A_580, %get3A_583 : vector<16xf32>
            %swap3A_585 = arith.index_cast %squeeze3A_518 : i32 to index
            %swap3A_586 = arith.constant 96 : index
            %swap3A_587 = tpu.vector_load %arg10[%swap3A_585, %swap3A_586] {strides = array<i32>} : memref<320x128xf32, #tpu.memory_space<vmem>>, vector<16xf32>,
            tpu.vector_store %arg10[%swap3A_585, %swap3A_586], %max3A_584 {strides = array<i32>} : memref<320x128xf32, #tpu.memory_space<vmem>>, vector<16xf32>,
            %get3A_588 = arith.index_cast %squeeze3A_518 : i32 to index
            %get3A_589 = arith.constant 112 : index
            %get3A_590 = tpu.vector_load %arg10[%get3A_588, %get3A_589] {strides = array<i32>} : memref<320x128xf32, #tpu.memory_space<vmem>>, vector<16xf32>,
            %get3A_591 = arith.index_cast %while3A_514 : i32 to index
            %get3A_592 = arith.constant 112 : index
            %get3A_593 = tpu.vector_load %arg9[%get3A_591, %get3A_592] {strides = array<i32>} : memref<512x128xf32, #tpu.memory_space<vmem>>, vector<16xf32>,
            %max3A_594 = arith.maximumf %get3A_590, %get3A_593 : vector<16xf32>
            %swap3A_595 = arith.index_cast %squeeze3A_518 : i32 to index
            %swap3A_596 = arith.constant 112 : index
            %swap3A_597 = tpu.vector_load %arg10[%swap3A_595, %swap3A_596] {strides = array<i32>} : memref<320x128xf32, #tpu.memory_space<vmem>>, vector<16xf32>,
            tpu.vector_store %arg10[%swap3A_595, %swap3A_596], %max3A_594 {strides = array<i32>} : memref<320x128xf32, #tpu.memory_space<vmem>>, vector<16xf32>,
          }
          %dma_wait3A_465 = arith.constant 2 : i32
          %dma_wait3A_466 = arith.constant 256 : i32
          %dma_wait3A_467 = arith.constant 0 : i32
          %dma_wait3A_468 = tpu.memref_slice %arg9[%dma_wait3A_466, %dma_wait3A_467] : memref<512x128xf32, #tpu.memory_space<vmem>> -> memref<128x128xf32, #tpu.memory_space<vmem>>
          %dma_wait3A_469 = arith.constant 256 : i32
          %dma_wait3A_470 = tpu.memref_slice %arg7[%dma_wait3A_469] : memref<512xi32, #tpu.memory_space<vmem>> -> memref<128xi32, #tpu.memory_space<vmem>>
          %dma_wait3A_471 = arith.constant 0 : i32
          %dma_wait3A_472 = arith.constant 0 : i32
          %dma_wait3A_473 = tpu.memref_slice %arg3[%dma_wait3A_471, %dma_wait3A_472] : memref<320000x128xf32, #tpu.memory_space<hbm>> -> memref<320000x128xf32, #tpu.memory_space<hbm>>
          %dma_wait3A_474 = tpu.memref_slice %arg11[%dma_wait3A_465] : memref<4x!tpu.dma_semaphore, #tpu.memory_space<semaphore_mem>> -> memref<1x!tpu.dma_semaphore, #tpu.memory_space<semaphore_mem>>
          %dma_wait3A_475 = tpu.memref_squeeze %dma_wait3A_474 : memref<1x!tpu.dma_semaphore, #tpu.memory_space<semaphore_mem>> -> memref<!tpu.dma_semaphore, #tpu.memory_space<semaphore_mem>>
          tpu.wait_indirect_dma semaphore(%dma_wait3A_475 : memref<!tpu.dma_semaphore, #tpu.memory_space<semaphore_mem>>) src(%dma_wait3A_473 : memref<320000x128xf32, #tpu.memory_space<hbm>>) dst(%dma_wait3A_468 : memref<128x128xf32, #tpu.memory_space<vmem>>)
          %min3A_476 = arith.constant 384 : i32
          %min3A_477 = arith.minsi %add3A_367, %min3A_476 : i32
          %min3A_478 = arith.constant 256 : i32
          %min3A_479 = arith.minsi %min3A_477, %min3A_478 : i32
          %while3A_480 = arith.constant 0 : i32
          %while3A_481 = arith.subi %min3A_477, %min3A_479 : i32
          %while3A_482 = arith.addi %min3A_479, %while3A_481 : i32
          %while3A_483 = arith.constant 1 : i32
          %while3A_484 = arith.divsi %while3A_481, %while3A_483 : i32
          %while3A_485 = arith.muli %while3A_484, %while3A_483 : i32
          %while3A_486 = arith.addi %min3A_479, %while3A_485 : i32
          %while3A_487 = arith.constant 1 : i32
          scf.for %while3A_514 = %min3A_479 to %while3A_486 step %while3A_487  : i32 {
            %get3A_515 = arith.index_cast %while3A_514 : i32 to index
            %get3A_516 = tpu.vector_load %arg8[%get3A_515] {strides = array<i32>} : memref<528xi32, #tpu.memory_space<vmem>>, vector<16xi32>,
            %slice3A_517 = vector.extract_strided_slice %get3A_516 {offsets = [0], sizes = [1], strides = [1]} : vector<16xi32> to vector<1xi32>
            %squeeze3A_518 = vector.extract %slice3A_517[0] : i32 from vector<1xi32>
            %get3A_519 = arith.index_cast %squeeze3A_518 : i32 to index
            %get3A_520 = arith.constant 0 : index
            %get3A_521 = tpu.vector_load %arg10[%get3A_519, %get3A_520] {strides = array<i32>} : memref<320x128xf32, #tpu.memory_space<vmem>>, vector<16xf32>,
            %get3A_522 = arith.index_cast %while3A_514 : i32 to index
            %get3A_523 = arith.constant 0 : index
            %get3A_524 = tpu.vector_load %arg9[%get3A_522, %get3A_523] {strides = array<i32>} : memref<512x128xf32, #tpu.memory_space<vmem>>, vector<16xf32>,
            %max3A = arith.maximumf %get3A_521, %get3A_524 : vector<16xf32>
            %swap3A_525 = arith.index_cast %squeeze3A_518 : i32 to index
            %swap3A_526 = arith.constant 0 : index
            %swap3A_527 = tpu.vector_load %arg10[%swap3A_525, %swap3A_526] {strides = array<i32>} : memref<320x128xf32, #tpu.memory_space<vmem>>, vector<16xf32>,
            tpu.vector_store %arg10[%swap3A_525, %swap3A_526], %max3A {strides = array<i32>} : memref<320x128xf32, #tpu.memory_space<vmem>>, vector<16xf32>,
            %get3A_528 = arith.index_cast %squeeze3A_518 : i32 to index
            %get3A_529 = arith.constant 16 : index
            %get3A_530 = tpu.vector_load %arg10[%get3A_528, %get3A_529] {strides = array<i32>} : memref<320x128xf32, #tpu.memory_space<vmem>>, vector<16xf32>,
            %get3A_531 = arith.index_cast %while3A_514 : i32 to index
            %get3A_532 = arith.constant 16 : index
            %get3A_533 = tpu.vector_load %arg9[%get3A_531, %get3A_532] {strides = array<i32>} : memref<512x128xf32, #tpu.memory_space<vmem>>, vector<16xf32>,
            %max3A_534 = arith.maximumf %get3A_530, %get3A_533 : vector<16xf32>
            %swap3A_535 = arith.index_cast %squeeze3A_518 : i32 to index
            %swap3A_536 = arith.constant 16 : index
            %swap3A_537 = tpu.vector_load %arg10[%swap3A_535, %swap3A_536] {strides = array<i32>} : memref<320x128xf32, #tpu.memory_space<vmem>>, vector<16xf32>,
            tpu.vector_store %arg10[%swap3A_535, %swap3A_536], %max3A_534 {strides = array<i32>} : memref<320x128xf32, #tpu.memory_space<vmem>>, vector<16xf32>,
            %get3A_538 = arith.index_cast %squeeze3A_518 : i32 to index
            %get3A_539 = arith.constant 32 : index
            %get3A_540 = tpu.vector_load %arg10[%get3A_538, %get3A_539] {strides = array<i32>} : memref<320x128xf32, #tpu.memory_space<vmem>>, vector<16xf32>,
            %get3A_541 = arith.index_cast %while3A_514 : i32 to index
            %get3A_542 = arith.constant 32 : index
            %get3A_543 = tpu.vector_load %arg9[%get3A_541, %get3A_542] {strides = array<i32>} : memref<512x128xf32, #tpu.memory_space<vmem>>, vector<16xf32>,
            %max3A_544 = arith.maximumf %get3A_540, %get3A_543 : vector<16xf32>
            %swap3A_545 = arith.index_cast %squeeze3A_518 : i32 to index
            %swap3A_546 = arith.constant 32 : index
            %swap3A_547 = tpu.vector_load %arg10[%swap3A_545, %swap3A_546] {strides = array<i32>} : memref<320x128xf32, #tpu.memory_space<vmem>>, vector<16xf32>,
            tpu.vector_store %arg10[%swap3A_545, %swap3A_546], %max3A_544 {strides = array<i32>} : memref<320x128xf32, #tpu.memory_space<vmem>>, vector<16xf32>,
            %get3A_548 = arith.index_cast %squeeze3A_518 : i32 to index
            %get3A_549 = arith.constant 48 : index
            %get3A_550 = tpu.vector_load %arg10[%get3A_548, %get3A_549] {strides = array<i32>} : memref<320x128xf32, #tpu.memory_space<vmem>>, vector<16xf32>,
            %get3A_551 = arith.index_cast %while3A_514 : i32 to index
            %get3A_552 = arith.constant 48 : index
            %get3A_553 = tpu.vector_load %arg9[%get3A_551, %get3A_552] {strides = array<i32>} : memref<512x128xf32, #tpu.memory_space<vmem>>, vector<16xf32>,
            %max3A_554 = arith.maximumf %get3A_550, %get3A_553 : vector<16xf32>
            %swap3A_555 = arith.index_cast %squeeze3A_518 : i32 to index
            %swap3A_556 = arith.constant 48 : index
            %swap3A_557 = tpu.vector_load %arg10[%swap3A_555, %swap3A_556] {strides = array<i32>} : memref<320x128xf32, #tpu.memory_space<vmem>>, vector<16xf32>,
            tpu.vector_store %arg10[%swap3A_555, %swap3A_556], %max3A_554 {strides = array<i32>} : memref<320x128xf32, #tpu.memory_space<vmem>>, vector<16xf32>,
            %get3A_558 = arith.index_cast %squeeze3A_518 : i32 to index
            %get3A_559 = arith.constant 64 : index
            %get3A_560 = tpu.vector_load %arg10[%get3A_558, %get3A_559] {strides = array<i32>} : memref<320x128xf32, #tpu.memory_space<vmem>>, vector<16xf32>,
            %get3A_561 = arith.index_cast %while3A_514 : i32 to index
            %get3A_562 = arith.constant 64 : index
            %get3A_563 = tpu.vector_load %arg9[%get3A_561, %get3A_562] {strides = array<i32>} : memref<512x128xf32, #tpu.memory_space<vmem>>, vector<16xf32>,
            %max3A_564 = arith.maximumf %get3A_560, %get3A_563 : vector<16xf32>
            %swap3A_565 = arith.index_cast %squeeze3A_518 : i32 to index
            %swap3A_566 = arith.constant 64 : index
            %swap3A_567 = tpu.vector_load %arg10[%swap3A_565, %swap3A_566] {strides = array<i32>} : memref<320x128xf32, #tpu.memory_space<vmem>>, vector<16xf32>,
            tpu.vector_store %arg10[%swap3A_565, %swap3A_566], %max3A_564 {strides = array<i32>} : memref<320x128xf32, #tpu.memory_space<vmem>>, vector<16xf32>,
            %get3A_568 = arith.index_cast %squeeze3A_518 : i32 to index
            %get3A_569 = arith.constant 80 : index
            %get3A_570 = tpu.vector_load %arg10[%get3A_568, %get3A_569] {strides = array<i32>} : memref<320x128xf32, #tpu.memory_space<vmem>>, vector<16xf32>,
            %get3A_571 = arith.index_cast %while3A_514 : i32 to index
            %get3A_572 = arith.constant 80 : index
            %get3A_573 = tpu.vector_load %arg9[%get3A_571, %get3A_572] {strides = array<i32>} : memref<512x128xf32, #tpu.memory_space<vmem>>, vector<16xf32>,
            %max3A_574 = arith.maximumf %get3A_570, %get3A_573 : vector<16xf32>
            %swap3A_575 = arith.index_cast %squeeze3A_518 : i32 to index
            %swap3A_576 = arith.constant 80 : index
            %swap3A_577 = tpu.vector_load %arg10[%swap3A_575, %swap3A_576] {strides = array<i32>} : memref<320x128xf32, #tpu.memory_space<vmem>>, vector<16xf32>,
            tpu.vector_store %arg10[%swap3A_575, %swap3A_576], %max3A_574 {strides = array<i32>} : memref<320x128xf32, #tpu.memory_space<vmem>>, vector<16xf32>,
            %get3A_578 = arith.index_cast %squeeze3A_518 : i32 to index
            %get3A_579 = arith.constant 96 : index
            %get3A_580 = tpu.vector_load %arg10[%get3A_578, %get3A_579] {strides = array<i32>} : memref<320x128xf32, #tpu.memory_space<vmem>>, vector<16xf32>,
            %get3A_581 = arith.index_cast %while3A_514 : i32 to index
            %get3A_582 = arith.constant 96 : index
            %get3A_583 = tpu.vector_load %arg9[%get3A_581, %get3A_582] {strides = array<i32>} : memref<512x128xf32, #tpu.memory_space<vmem>>, vector<16xf32>,
            %max3A_584 = arith.maximumf %get3A_580, %get3A_583 : vector<16xf32>
            %swap3A_585 = arith.index_cast %squeeze3A_518 : i32 to index
            %swap3A_586 = arith.constant 96 : index
            %swap3A_587 = tpu.vector_load %arg10[%swap3A_585, %swap3A_586] {strides = array<i32>} : memref<320x128xf32, #tpu.memory_space<vmem>>, vector<16xf32>,
            tpu.vector_store %arg10[%swap3A_585, %swap3A_586], %max3A_584 {strides = array<i32>} : memref<320x128xf32, #tpu.memory_space<vmem>>, vector<16xf32>,
            %get3A_588 = arith.index_cast %squeeze3A_518 : i32 to index
            %get3A_589 = arith.constant 112 : index
            %get3A_590 = tpu.vector_load %arg10[%get3A_588, %get3A_589] {strides = array<i32>} : memref<320x128xf32, #tpu.memory_space<vmem>>, vector<16xf32>,
            %get3A_591 = arith.index_cast %while3A_514 : i32 to index
            %get3A_592 = arith.constant 112 : index
            %get3A_593 = tpu.vector_load %arg9[%get3A_591, %get3A_592] {strides = array<i32>} : memref<512x128xf32, #tpu.memory_space<vmem>>, vector<16xf32>,
            %max3A_594 = arith.maximumf %get3A_590, %get3A_593 : vector<16xf32>
            %swap3A_595 = arith.index_cast %squeeze3A_518 : i32 to index
            %swap3A_596 = arith.constant 112 : index
            %swap3A_597 = tpu.vector_load %arg10[%swap3A_595, %swap3A_596] {strides = array<i32>} : memref<320x128xf32, #tpu.memory_space<vmem>>, vector<16xf32>,
            tpu.vector_store %arg10[%swap3A_595, %swap3A_596], %max3A_594 {strides = array<i32>} : memref<320x128xf32, #tpu.memory_space<vmem>>, vector<16xf32>,
          }
          %while3A_488 = arith.constant 1 : i32
          scf.for %while3A_514 = %while3A_486 to %while3A_482 step %while3A_488  : i32 {
            %get3A_515 = arith.index_cast %while3A_514 : i32 to index
            %get3A_516 = tpu.vector_load %arg8[%get3A_515] {strides = array<i32>} : memref<528xi32, #tpu.memory_space<vmem>>, vector<16xi32>,
            %slice3A_517 = vector.extract_strided_slice %get3A_516 {offsets = [0], sizes = [1], strides = [1]} : vector<16xi32> to vector<1xi32>
            %squeeze3A_518 = vector.extract %slice3A_517[0] : i32 from vector<1xi32>
            %get3A_519 = arith.index_cast %squeeze3A_518 : i32 to index
            %get3A_520 = arith.constant 0 : index
            %get3A_521 = tpu.vector_load %arg10[%get3A_519, %get3A_520] {strides = array<i32>} : memref<320x128xf32, #tpu.memory_space<vmem>>, vector<16xf32>,
            %get3A_522 = arith.index_cast %while3A_514 : i32 to index
            %get3A_523 = arith.constant 0 : index
            %get3A_524 = tpu.vector_load %arg9[%get3A_522, %get3A_523] {strides = array<i32>} : memref<512x128xf32, #tpu.memory_space<vmem>>, vector<16xf32>,
            %max3A = arith.maximumf %get3A_521, %get3A_524 : vector<16xf32>
            %swap3A_525 = arith.index_cast %squeeze3A_518 : i32 to index
            %swap3A_526 = arith.constant 0 : index
            %swap3A_527 = tpu.vector_load %arg10[%swap3A_525, %swap3A_526] {strides = array<i32>} : memref<320x128xf32, #tpu.memory_space<vmem>>, vector<16xf32>,
            tpu.vector_store %arg10[%swap3A_525, %swap3A_526], %max3A {strides = array<i32>} : memref<320x128xf32, #tpu.memory_space<vmem>>, vector<16xf32>,
            %get3A_528 = arith.index_cast %squeeze3A_518 : i32 to index
            %get3A_529 = arith.constant 16 : index
            %get3A_530 = tpu.vector_load %arg10[%get3A_528, %get3A_529] {strides = array<i32>} : memref<320x128xf32, #tpu.memory_space<vmem>>, vector<16xf32>,
            %get3A_531 = arith.index_cast %while3A_514 : i32 to index
            %get3A_532 = arith.constant 16 : index
            %get3A_533 = tpu.vector_load %arg9[%get3A_531, %get3A_532] {strides = array<i32>} : memref<512x128xf32, #tpu.memory_space<vmem>>, vector<16xf32>,
            %max3A_534 = arith.maximumf %get3A_530, %get3A_533 : vector<16xf32>
            %swap3A_535 = arith.index_cast %squeeze3A_518 : i32 to index
            %swap3A_536 = arith.constant 16 : index
            %swap3A_537 = tpu.vector_load %arg10[%swap3A_535, %swap3A_536] {strides = array<i32>} : memref<320x128xf32, #tpu.memory_space<vmem>>, vector<16xf32>,
            tpu.vector_store %arg10[%swap3A_535, %swap3A_536], %max3A_534 {strides = array<i32>} : memref<320x128xf32, #tpu.memory_space<vmem>>, vector<16xf32>,
            %get3A_538 = arith.index_cast %squeeze3A_518 : i32 to index
            %get3A_539 = arith.constant 32 : index
            %get3A_540 = tpu.vector_load %arg10[%get3A_538, %get3A_539] {strides = array<i32>} : memref<320x128xf32, #tpu.memory_space<vmem>>, vector<16xf32>,
            %get3A_541 = arith.index_cast %while3A_514 : i32 to index
            %get3A_542 = arith.constant 32 : index
            %get3A_543 = tpu.vector_load %arg9[%get3A_541, %get3A_542] {strides = array<i32>} : memref<512x128xf32, #tpu.memory_space<vmem>>, vector<16xf32>,
            %max3A_544 = arith.maximumf %get3A_540, %get3A_543 : vector<16xf32>
            %swap3A_545 = arith.index_cast %squeeze3A_518 : i32 to index
            %swap3A_546 = arith.constant 32 : index
            %swap3A_547 = tpu.vector_load %arg10[%swap3A_545, %swap3A_546] {strides = array<i32>} : memref<320x128xf32, #tpu.memory_space<vmem>>, vector<16xf32>,
            tpu.vector_store %arg10[%swap3A_545, %swap3A_546], %max3A_544 {strides = array<i32>} : memref<320x128xf32, #tpu.memory_space<vmem>>, vector<16xf32>,
            %get3A_548 = arith.index_cast %squeeze3A_518 : i32 to index
            %get3A_549 = arith.constant 48 : index
            %get3A_550 = tpu.vector_load %arg10[%get3A_548, %get3A_549] {strides = array<i32>} : memref<320x128xf32, #tpu.memory_space<vmem>>, vector<16xf32>,
            %get3A_551 = arith.index_cast %while3A_514 : i32 to index
            %get3A_552 = arith.constant 48 : index
            %get3A_553 = tpu.vector_load %arg9[%get3A_551, %get3A_552] {strides = array<i32>} : memref<512x128xf32, #tpu.memory_space<vmem>>, vector<16xf32>,
            %max3A_554 = arith.maximumf %get3A_550, %get3A_553 : vector<16xf32>
            %swap3A_555 = arith.index_cast %squeeze3A_518 : i32 to index
            %swap3A_556 = arith.constant 48 : index
            %swap3A_557 = tpu.vector_load %arg10[%swap3A_555, %swap3A_556] {strides = array<i32>} : memref<320x128xf32, #tpu.memory_space<vmem>>, vector<16xf32>,
            tpu.vector_store %arg10[%swap3A_555, %swap3A_556], %max3A_554 {strides = array<i32>} : memref<320x128xf32, #tpu.memory_space<vmem>>, vector<16xf32>,
            %get3A_558 = arith.index_cast %squeeze3A_518 : i32 to index
            %get3A_559 = arith.constant 64 : index
            %get3A_560 = tpu.vector_load %arg10[%get3A_558, %get3A_559] {strides = array<i32>} : memref<320x128xf32, #tpu.memory_space<vmem>>, vector<16xf32>,
            %get3A_561 = arith.index_cast %while3A_514 : i32 to index
            %get3A_562 = arith.constant 64 : index
            %get3A_563 = tpu.vector_load %arg9[%get3A_561, %get3A_562] {strides = array<i32>} : memref<512x128xf32, #tpu.memory_space<vmem>>, vector<16xf32>,
            %max3A_564 = arith.maximumf %get3A_560, %get3A_563 : vector<16xf32>
            %swap3A_565 = arith.index_cast %squeeze3A_518 : i32 to index
            %swap3A_566 = arith.constant 64 : index
            %swap3A_567 = tpu.vector_load %arg10[%swap3A_565, %swap3A_566] {strides = array<i32>} : memref<320x128xf32, #tpu.memory_space<vmem>>, vector<16xf32>,
            tpu.vector_store %arg10[%swap3A_565, %swap3A_566], %max3A_564 {strides = array<i32>} : memref<320x128xf32, #tpu.memory_space<vmem>>, vector<16xf32>,
            %get3A_568 = arith.index_cast %squeeze3A_518 : i32 to index
            %get3A_569 = arith.constant 80 : index
            %get3A_570 = tpu.vector_load %arg10[%get3A_568, %get3A_569] {strides = array<i32>} : memref<320x128xf32, #tpu.memory_space<vmem>>, vector<16xf32>,
            %get3A_571 = arith.index_cast %while3A_514 : i32 to index
            %get3A_572 = arith.constant 80 : index
            %get3A_573 = tpu.vector_load %arg9[%get3A_571, %get3A_572] {strides = array<i32>} : memref<512x128xf32, #tpu.memory_space<vmem>>, vector<16xf32>,
            %max3A_574 = arith.maximumf %get3A_570, %get3A_573 : vector<16xf32>
            %swap3A_575 = arith.index_cast %squeeze3A_518 : i32 to index
            %swap3A_576 = arith.constant 80 : index
            %swap3A_577 = tpu.vector_load %arg10[%swap3A_575, %swap3A_576] {strides = array<i32>} : memref<320x128xf32, #tpu.memory_space<vmem>>, vector<16xf32>,
            tpu.vector_store %arg10[%swap3A_575, %swap3A_576], %max3A_574 {strides = array<i32>} : memref<320x128xf32, #tpu.memory_space<vmem>>, vector<16xf32>,
            %get3A_578 = arith.index_cast %squeeze3A_518 : i32 to index
            %get3A_579 = arith.constant 96 : index
            %get3A_580 = tpu.vector_load %arg10[%get3A_578, %get3A_579] {strides = array<i32>} : memref<320x128xf32, #tpu.memory_space<vmem>>, vector<16xf32>,
            %get3A_581 = arith.index_cast %while3A_514 : i32 to index
            %get3A_582 = arith.constant 96 : index
            %get3A_583 = tpu.vector_load %arg9[%get3A_581, %get3A_582] {strides = array<i32>} : memref<512x128xf32, #tpu.memory_space<vmem>>, vector<16xf32>,
            %max3A_584 = arith.maximumf %get3A_580, %get3A_583 : vector<16xf32>
            %swap3A_585 = arith.index_cast %squeeze3A_518 : i32 to index
            %swap3A_586 = arith.constant 96 : index
            %swap3A_587 = tpu.vector_load %arg10[%swap3A_585, %swap3A_586] {strides = array<i32>} : memref<320x128xf32, #tpu.memory_space<vmem>>, vector<16xf32>,
            tpu.vector_store %arg10[%swap3A_585, %swap3A_586], %max3A_584 {strides = array<i32>} : memref<320x128xf32, #tpu.memory_space<vmem>>, vector<16xf32>,
            %get3A_588 = arith.index_cast %squeeze3A_518 : i32 to index
            %get3A_589 = arith.constant 112 : index
            %get3A_590 = tpu.vector_load %arg10[%get3A_588, %get3A_589] {strides = array<i32>} : memref<320x128xf32, #tpu.memory_space<vmem>>, vector<16xf32>,
            %get3A_591 = arith.index_cast %while3A_514 : i32 to index
            %get3A_592 = arith.constant 112 : index
            %get3A_593 = tpu.vector_load %arg9[%get3A_591, %get3A_592] {strides = array<i32>} : memref<512x128xf32, #tpu.memory_space<vmem>>, vector<16xf32>,
            %max3A_594 = arith.maximumf %get3A_590, %get3A_593 : vector<16xf32>
            %swap3A_595 = arith.index_cast %squeeze3A_518 : i32 to index
            %swap3A_596 = arith.constant 112 : index
            %swap3A_597 = tpu.vector_load %arg10[%swap3A_595, %swap3A_596] {strides = array<i32>} : memref<320x128xf32, #tpu.memory_space<vmem>>, vector<16xf32>,
            tpu.vector_store %arg10[%swap3A_595, %swap3A_596], %max3A_594 {strides = array<i32>} : memref<320x128xf32, #tpu.memory_space<vmem>>, vector<16xf32>,
          }
          %dma_wait3A_489 = arith.constant 3 : i32
          %dma_wait3A_490 = arith.constant 384 : i32
          %dma_wait3A_491 = arith.constant 0 : i32
          %dma_wait3A_492 = tpu.memref_slice %arg9[%dma_wait3A_490, %dma_wait3A_491] : memref<512x128xf32, #tpu.memory_space<vmem>> -> memref<128x128xf32, #tpu.memory_space<vmem>>
          %dma_wait3A_493 = arith.constant 384 : i32
          %dma_wait3A_494 = tpu.memref_slice %arg7[%dma_wait3A_493] : memref<512xi32, #tpu.memory_space<vmem>> -> memref<128xi32, #tpu.memory_space<vmem>>
          %dma_wait3A_495 = arith.constant 0 : i32
          %dma_wait3A_496 = arith.constant 0 : i32
          %dma_wait3A_497 = tpu.memref_slice %arg3[%dma_wait3A_495, %dma_wait3A_496] : memref<320000x128xf32, #tpu.memory_space<hbm>> -> memref<320000x128xf32, #tpu.memory_space<hbm>>
          %dma_wait3A_498 = tpu.memref_slice %arg11[%dma_wait3A_489] : memref<4x!tpu.dma_semaphore, #tpu.memory_space<semaphore_mem>> -> memref<1x!tpu.dma_semaphore, #tpu.memory_space<semaphore_mem>>
          %dma_wait3A_499 = tpu.memref_squeeze %dma_wait3A_498 : memref<1x!tpu.dma_semaphore, #tpu.memory_space<semaphore_mem>> -> memref<!tpu.dma_semaphore, #tpu.memory_space<semaphore_mem>>
          tpu.wait_indirect_dma semaphore(%dma_wait3A_499 : memref<!tpu.dma_semaphore, #tpu.memory_space<semaphore_mem>>) src(%dma_wait3A_497 : memref<320000x128xf32, #tpu.memory_space<hbm>>) dst(%dma_wait3A_492 : memref<128x128xf32, #tpu.memory_space<vmem>>)
          %min3A_500 = arith.constant 512 : i32
          %min3A_501 = arith.minsi %add3A_367, %min3A_500 : i32
          %min3A_502 = arith.constant 384 : i32
          %min3A_503 = arith.minsi %min3A_501, %min3A_502 : i32
          %while3A_504 = arith.constant 0 : i32
          %while3A_505 = arith.subi %min3A_501, %min3A_503 : i32
          %while3A_506 = arith.addi %min3A_503, %while3A_505 : i32
          %while3A_507 = arith.constant 1 : i32
          %while3A_508 = arith.divsi %while3A_505, %while3A_507 : i32
          %while3A_509 = arith.muli %while3A_508, %while3A_507 : i32
          %while3A_510 = arith.addi %min3A_503, %while3A_509 : i32
          %while3A_511 = arith.constant 1 : i32
          scf.for %while3A_514 = %min3A_503 to %while3A_510 step %while3A_511  : i32 {
            %get3A_515 = arith.index_cast %while3A_514 : i32 to index
            %get3A_516 = tpu.vector_load %arg8[%get3A_515] {strides = array<i32>} : memref<528xi32, #tpu.memory_space<vmem>>, vector<16xi32>,
            %slice3A_517 = vector.extract_strided_slice %get3A_516 {offsets = [0], sizes = [1], strides = [1]} : vector<16xi32> to vector<1xi32>
            %squeeze3A_518 = vector.extract %slice3A_517[0] : i32 from vector<1xi32>
            %get3A_519 = arith.index_cast %squeeze3A_518 : i32 to index
            %get3A_520 = arith.constant 0 : index
            %get3A_521 = tpu.vector_load %arg10[%get3A_519, %get3A_520] {strides = array<i32>} : memref<320x128xf32, #tpu.memory_space<vmem>>, vector<16xf32>,
            %get3A_522 = arith.index_cast %while3A_514 : i32 to index
            %get3A_523 = arith.constant 0 : index
            %get3A_524 = tpu.vector_load %arg9[%get3A_522, %get3A_523] {strides = array<i32>} : memref<512x128xf32, #tpu.memory_space<vmem>>, vector<16xf32>,
            %max3A = arith.maximumf %get3A_521, %get3A_524 : vector<16xf32>
            %swap3A_525 = arith.index_cast %squeeze3A_518 : i32 to index
            %swap3A_526 = arith.constant 0 : index
            %swap3A_527 = tpu.vector_load %arg10[%swap3A_525, %swap3A_526] {strides = array<i32>} : memref<320x128xf32, #tpu.memory_space<vmem>>, vector<16xf32>,
            tpu.vector_store %arg10[%swap3A_525, %swap3A_526], %max3A {strides = array<i32>} : memref<320x128xf32, #tpu.memory_space<vmem>>, vector<16xf32>,
            %get3A_528 = arith.index_cast %squeeze3A_518 : i32 to index
            %get3A_529 = arith.constant 16 : index
            %get3A_530 = tpu.vector_load %arg10[%get3A_528, %get3A_529] {strides = array<i32>} : memref<320x128xf32, #tpu.memory_space<vmem>>, vector<16xf32>,
            %get3A_531 = arith.index_cast %while3A_514 : i32 to index
            %get3A_532 = arith.constant 16 : index
            %get3A_533 = tpu.vector_load %arg9[%get3A_531, %get3A_532] {strides = array<i32>} : memref<512x128xf32, #tpu.memory_space<vmem>>, vector<16xf32>,
            %max3A_534 = arith.maximumf %get3A_530, %get3A_533 : vector<16xf32>
            %swap3A_535 = arith.index_cast %squeeze3A_518 : i32 to index
            %swap3A_536 = arith.constant 16 : index
            %swap3A_537 = tpu.vector_load %arg10[%swap3A_535, %swap3A_536] {strides = array<i32>} : memref<320x128xf32, #tpu.memory_space<vmem>>, vector<16xf32>,
            tpu.vector_store %arg10[%swap3A_535, %swap3A_536], %max3A_534 {strides = array<i32>} : memref<320x128xf32, #tpu.memory_space<vmem>>, vector<16xf32>,
            %get3A_538 = arith.index_cast %squeeze3A_518 : i32 to index
            %get3A_539 = arith.constant 32 : index
            %get3A_540 = tpu.vector_load %arg10[%get3A_538, %get3A_539] {strides = array<i32>} : memref<320x128xf32, #tpu.memory_space<vmem>>, vector<16xf32>,
            %get3A_541 = arith.index_cast %while3A_514 : i32 to index
            %get3A_542 = arith.constant 32 : index
            %get3A_543 = tpu.vector_load %arg9[%get3A_541, %get3A_542] {strides = array<i32>} : memref<512x128xf32, #tpu.memory_space<vmem>>, vector<16xf32>,
            %max3A_544 = arith.maximumf %get3A_540, %get3A_543 : vector<16xf32>
            %swap3A_545 = arith.index_cast %squeeze3A_518 : i32 to index
            %swap3A_546 = arith.constant 32 : index
            %swap3A_547 = tpu.vector_load %arg10[%swap3A_545, %swap3A_546] {strides = array<i32>} : memref<320x128xf32, #tpu.memory_space<vmem>>, vector<16xf32>,
            tpu.vector_store %arg10[%swap3A_545, %swap3A_546], %max3A_544 {strides = array<i32>} : memref<320x128xf32, #tpu.memory_space<vmem>>, vector<16xf32>,
            %get3A_548 = arith.index_cast %squeeze3A_518 : i32 to index
            %get3A_549 = arith.constant 48 : index
            %get3A_550 = tpu.vector_load %arg10[%get3A_548, %get3A_549] {strides = array<i32>} : memref<320x128xf32, #tpu.memory_space<vmem>>, vector<16xf32>,
            %get3A_551 = arith.index_cast %while3A_514 : i32 to index
            %get3A_552 = arith.constant 48 : index
            %get3A_553 = tpu.vector_load %arg9[%get3A_551, %get3A_552] {strides = array<i32>} : memref<512x128xf32, #tpu.memory_space<vmem>>, vector<16xf32>,
            %max3A_554 = arith.maximumf %get3A_550, %get3A_553 : vector<16xf32>
            %swap3A_555 = arith.index_cast %squeeze3A_518 : i32 to index
            %swap3A_556 = arith.constant 48 : index
            %swap3A_557 = tpu.vector_load %arg10[%swap3A_555, %swap3A_556] {strides = array<i32>} : memref<320x128xf32, #tpu.memory_space<vmem>>, vector<16xf32>,
            tpu.vector_store %arg10[%swap3A_555, %swap3A_556], %max3A_554 {strides = array<i32>} : memref<320x128xf32, #tpu.memory_space<vmem>>, vector<16xf32>,
            %get3A_558 = arith.index_cast %squeeze3A_518 : i32 to index
            %get3A_559 = arith.constant 64 : index
            %get3A_560 = tpu.vector_load %arg10[%get3A_558, %get3A_559] {strides = array<i32>} : memref<320x128xf32, #tpu.memory_space<vmem>>, vector<16xf32>,
            %get3A_561 = arith.index_cast %while3A_514 : i32 to index
            %get3A_562 = arith.constant 64 : index
            %get3A_563 = tpu.vector_load %arg9[%get3A_561, %get3A_562] {strides = array<i32>} : memref<512x128xf32, #tpu.memory_space<vmem>>, vector<16xf32>,
            %max3A_564 = arith.maximumf %get3A_560, %get3A_563 : vector<16xf32>
            %swap3A_565 = arith.index_cast %squeeze3A_518 : i32 to index
            %swap3A_566 = arith.constant 64 : index
            %swap3A_567 = tpu.vector_load %arg10[%swap3A_565, %swap3A_566] {strides = array<i32>} : memref<320x128xf32, #tpu.memory_space<vmem>>, vector<16xf32>,
            tpu.vector_store %arg10[%swap3A_565, %swap3A_566], %max3A_564 {strides = array<i32>} : memref<320x128xf32, #tpu.memory_space<vmem>>, vector<16xf32>,
            %get3A_568 = arith.index_cast %squeeze3A_518 : i32 to index
            %get3A_569 = arith.constant 80 : index
            %get3A_570 = tpu.vector_load %arg10[%get3A_568, %get3A_569] {strides = array<i32>} : memref<320x128xf32, #tpu.memory_space<vmem>>, vector<16xf32>,
            %get3A_571 = arith.index_cast %while3A_514 : i32 to index
            %get3A_572 = arith.constant 80 : index
            %get3A_573 = tpu.vector_load %arg9[%get3A_571, %get3A_572] {strides = array<i32>} : memref<512x128xf32, #tpu.memory_space<vmem>>, vector<16xf32>,
            %max3A_574 = arith.maximumf %get3A_570, %get3A_573 : vector<16xf32>
            %swap3A_575 = arith.index_cast %squeeze3A_518 : i32 to index
            %swap3A_576 = arith.constant 80 : index
            %swap3A_577 = tpu.vector_load %arg10[%swap3A_575, %swap3A_576] {strides = array<i32>} : memref<320x128xf32, #tpu.memory_space<vmem>>, vector<16xf32>,
            tpu.vector_store %arg10[%swap3A_575, %swap3A_576], %max3A_574 {strides = array<i32>} : memref<320x128xf32, #tpu.memory_space<vmem>>, vector<16xf32>,
            %get3A_578 = arith.index_cast %squeeze3A_518 : i32 to index
            %get3A_579 = arith.constant 96 : index
            %get3A_580 = tpu.vector_load %arg10[%get3A_578, %get3A_579] {strides = array<i32>} : memref<320x128xf32, #tpu.memory_space<vmem>>, vector<16xf32>,
            %get3A_581 = arith.index_cast %while3A_514 : i32 to index
            %get3A_582 = arith.constant 96 : index
            %get3A_583 = tpu.vector_load %arg9[%get3A_581, %get3A_582] {strides = array<i32>} : memref<512x128xf32, #tpu.memory_space<vmem>>, vector<16xf32>,
            %max3A_584 = arith.maximumf %get3A_580, %get3A_583 : vector<16xf32>
            %swap3A_585 = arith.index_cast %squeeze3A_518 : i32 to index
            %swap3A_586 = arith.constant 96 : index
            %swap3A_587 = tpu.vector_load %arg10[%swap3A_585, %swap3A_586] {strides = array<i32>} : memref<320x128xf32, #tpu.memory_space<vmem>>, vector<16xf32>,
            tpu.vector_store %arg10[%swap3A_585, %swap3A_586], %max3A_584 {strides = array<i32>} : memref<320x128xf32, #tpu.memory_space<vmem>>, vector<16xf32>,
            %get3A_588 = arith.index_cast %squeeze3A_518 : i32 to index
            %get3A_589 = arith.constant 112 : index
            %get3A_590 = tpu.vector_load %arg10[%get3A_588, %get3A_589] {strides = array<i32>} : memref<320x128xf32, #tpu.memory_space<vmem>>, vector<16xf32>,
            %get3A_591 = arith.index_cast %while3A_514 : i32 to index
            %get3A_592 = arith.constant 112 : index
            %get3A_593 = tpu.vector_load %arg9[%get3A_591, %get3A_592] {strides = array<i32>} : memref<512x128xf32, #tpu.memory_space<vmem>>, vector<16xf32>,
            %max3A_594 = arith.maximumf %get3A_590, %get3A_593 : vector<16xf32>
            %swap3A_595 = arith.index_cast %squeeze3A_518 : i32 to index
            %swap3A_596 = arith.constant 112 : index
            %swap3A_597 = tpu.vector_load %arg10[%swap3A_595, %swap3A_596] {strides = array<i32>} : memref<320x128xf32, #tpu.memory_space<vmem>>, vector<16xf32>,
            tpu.vector_store %arg10[%swap3A_595, %swap3A_596], %max3A_594 {strides = array<i32>} : memref<320x128xf32, #tpu.memory_space<vmem>>, vector<16xf32>,
          }
          %while3A_512 = arith.constant 1 : i32
          scf.for %while3A_514 = %while3A_510 to %while3A_506 step %while3A_512  : i32 {
            %get3A_515 = arith.index_cast %while3A_514 : i32 to index
            %get3A_516 = tpu.vector_load %arg8[%get3A_515] {strides = array<i32>} : memref<528xi32, #tpu.memory_space<vmem>>, vector<16xi32>,
            %slice3A_517 = vector.extract_strided_slice %get3A_516 {offsets = [0], sizes = [1], strides = [1]} : vector<16xi32> to vector<1xi32>
            %squeeze3A_518 = vector.extract %slice3A_517[0] : i32 from vector<1xi32>
            %get3A_519 = arith.index_cast %squeeze3A_518 : i32 to index
            %get3A_520 = arith.constant 0 : index
            %get3A_521 = tpu.vector_load %arg10[%get3A_519, %get3A_520] {strides = array<i32>} : memref<320x128xf32, #tpu.memory_space<vmem>>, vector<16xf32>,
            %get3A_522 = arith.index_cast %while3A_514 : i32 to index
            %get3A_523 = arith.constant 0 : index
            %get3A_524 = tpu.vector_load %arg9[%get3A_522, %get3A_523] {strides = array<i32>} : memref<512x128xf32, #tpu.memory_space<vmem>>, vector<16xf32>,
            %max3A = arith.maximumf %get3A_521, %get3A_524 : vector<16xf32>
            %swap3A_525 = arith.index_cast %squeeze3A_518 : i32 to index
            %swap3A_526 = arith.constant 0 : index
            %swap3A_527 = tpu.vector_load %arg10[%swap3A_525, %swap3A_526] {strides = array<i32>} : memref<320x128xf32, #tpu.memory_space<vmem>>, vector<16xf32>,
            tpu.vector_store %arg10[%swap3A_525, %swap3A_526], %max3A {strides = array<i32>} : memref<320x128xf32, #tpu.memory_space<vmem>>, vector<16xf32>,
            %get3A_528 = arith.index_cast %squeeze3A_518 : i32 to index
            %get3A_529 = arith.constant 16 : index
            %get3A_530 = tpu.vector_load %arg10[%get3A_528, %get3A_529] {strides = array<i32>} : memref<320x128xf32, #tpu.memory_space<vmem>>, vector<16xf32>,
            %get3A_531 = arith.index_cast %while3A_514 : i32 to index
            %get3A_532 = arith.constant 16 : index
            %get3A_533 = tpu.vector_load %arg9[%get3A_531, %get3A_532] {strides = array<i32>} : memref<512x128xf32, #tpu.memory_space<vmem>>, vector<16xf32>,
            %max3A_534 = arith.maximumf %get3A_530, %get3A_533 : vector<16xf32>
            %swap3A_535 = arith.index_cast %squeeze3A_518 : i32 to index
            %swap3A_536 = arith.constant 16 : index
            %swap3A_537 = tpu.vector_load %arg10[%swap3A_535, %swap3A_536] {strides = array<i32>} : memref<320x128xf32, #tpu.memory_space<vmem>>, vector<16xf32>,
            tpu.vector_store %arg10[%swap3A_535, %swap3A_536], %max3A_534 {strides = array<i32>} : memref<320x128xf32, #tpu.memory_space<vmem>>, vector<16xf32>,
            %get3A_538 = arith.index_cast %squeeze3A_518 : i32 to index
            %get3A_539 = arith.constant 32 : index
            %get3A_540 = tpu.vector_load %arg10[%get3A_538, %get3A_539] {strides = array<i32>} : memref<320x128xf32, #tpu.memory_space<vmem>>, vector<16xf32>,
            %get3A_541 = arith.index_cast %while3A_514 : i32 to index
            %get3A_542 = arith.constant 32 : index
            %get3A_543 = tpu.vector_load %arg9[%get3A_541, %get3A_542] {strides = array<i32>} : memref<512x128xf32, #tpu.memory_space<vmem>>, vector<16xf32>,
            %max3A_544 = arith.maximumf %get3A_540, %get3A_543 : vector<16xf32>
            %swap3A_545 = arith.index_cast %squeeze3A_518 : i32 to index
            %swap3A_546 = arith.constant 32 : index
            %swap3A_547 = tpu.vector_load %arg10[%swap3A_545, %swap3A_546] {strides = array<i32>} : memref<320x128xf32, #tpu.memory_space<vmem>>, vector<16xf32>,
            tpu.vector_store %arg10[%swap3A_545, %swap3A_546], %max3A_544 {strides = array<i32>} : memref<320x128xf32, #tpu.memory_space<vmem>>, vector<16xf32>,
            %get3A_548 = arith.index_cast %squeeze3A_518 : i32 to index
            %get3A_549 = arith.constant 48 : index
            %get3A_550 = tpu.vector_load %arg10[%get3A_548, %get3A_549] {strides = array<i32>} : memref<320x128xf32, #tpu.memory_space<vmem>>, vector<16xf32>,
            %get3A_551 = arith.index_cast %while3A_514 : i32 to index
            %get3A_552 = arith.constant 48 : index
            %get3A_553 = tpu.vector_load %arg9[%get3A_551, %get3A_552] {strides = array<i32>} : memref<512x128xf32, #tpu.memory_space<vmem>>, vector<16xf32>,
            %max3A_554 = arith.maximumf %get3A_550, %get3A_553 : vector<16xf32>
            %swap3A_555 = arith.index_cast %squeeze3A_518 : i32 to index
            %swap3A_556 = arith.constant 48 : index
            %swap3A_557 = tpu.vector_load %arg10[%swap3A_555, %swap3A_556] {strides = array<i32>} : memref<320x128xf32, #tpu.memory_space<vmem>>, vector<16xf32>,
            tpu.vector_store %arg10[%swap3A_555, %swap3A_556], %max3A_554 {strides = array<i32>} : memref<320x128xf32, #tpu.memory_space<vmem>>, vector<16xf32>,
            %get3A_558 = arith.index_cast %squeeze3A_518 : i32 to index
            %get3A_559 = arith.constant 64 : index
            %get3A_560 = tpu.vector_load %arg10[%get3A_558, %get3A_559] {strides = array<i32>} : memref<320x128xf32, #tpu.memory_space<vmem>>, vector<16xf32>,
            %get3A_561 = arith.index_cast %while3A_514 : i32 to index
            %get3A_562 = arith.constant 64 : index
            %get3A_563 = tpu.vector_load %arg9[%get3A_561, %get3A_562] {strides = array<i32>} : memref<512x128xf32, #tpu.memory_space<vmem>>, vector<16xf32>,
            %max3A_564 = arith.maximumf %get3A_560, %get3A_563 : vector<16xf32>
            %swap3A_565 = arith.index_cast %squeeze3A_518 : i32 to index
            %swap3A_566 = arith.constant 64 : index
            %swap3A_567 = tpu.vector_load %arg10[%swap3A_565, %swap3A_566] {strides = array<i32>} : memref<320x128xf32, #tpu.memory_space<vmem>>, vector<16xf32>,
            tpu.vector_store %arg10[%swap3A_565, %swap3A_566], %max3A_564 {strides = array<i32>} : memref<320x128xf32, #tpu.memory_space<vmem>>, vector<16xf32>,
            %get3A_568 = arith.index_cast %squeeze3A_518 : i32 to index
            %get3A_569 = arith.constant 80 : index
            %get3A_570 = tpu.vector_load %arg10[%get3A_568, %get3A_569] {strides = array<i32>} : memref<320x128xf32, #tpu.memory_space<vmem>>, vector<16xf32>,
            %get3A_571 = arith.index_cast %while3A_514 : i32 to index
            %get3A_572 = arith.constant 80 : index
            %get3A_573 = tpu.vector_load %arg9[%get3A_571, %get3A_572] {strides = array<i32>} : memref<512x128xf32, #tpu.memory_space<vmem>>, vector<16xf32>,
            %max3A_574 = arith.maximumf %get3A_570, %get3A_573 : vector<16xf32>
            %swap3A_575 = arith.index_cast %squeeze3A_518 : i32 to index
            %swap3A_576 = arith.constant 80 : index
            %swap3A_577 = tpu.vector_load %arg10[%swap3A_575, %swap3A_576] {strides = array<i32>} : memref<320x128xf32, #tpu.memory_space<vmem>>, vector<16xf32>,
            tpu.vector_store %arg10[%swap3A_575, %swap3A_576], %max3A_574 {strides = array<i32>} : memref<320x128xf32, #tpu.memory_space<vmem>>, vector<16xf32>,
            %get3A_578 = arith.index_cast %squeeze3A_518 : i32 to index
            %get3A_579 = arith.constant 96 : index
            %get3A_580 = tpu.vector_load %arg10[%get3A_578, %get3A_579] {strides = array<i32>} : memref<320x128xf32, #tpu.memory_space<vmem>>, vector<16xf32>,
            %get3A_581 = arith.index_cast %while3A_514 : i32 to index
            %get3A_582 = arith.constant 96 : index
            %get3A_583 = tpu.vector_load %arg9[%get3A_581, %get3A_582] {strides = array<i32>} : memref<512x128xf32, #tpu.memory_space<vmem>>, vector<16xf32>,
            %max3A_584 = arith.maximumf %get3A_580, %get3A_583 : vector<16xf32>
            %swap3A_585 = arith.index_cast %squeeze3A_518 : i32 to index
            %swap3A_586 = arith.constant 96 : index
            %swap3A_587 = tpu.vector_load %arg10[%swap3A_585, %swap3A_586] {strides = array<i32>} : memref<320x128xf32, #tpu.memory_space<vmem>>, vector<16xf32>,
            tpu.vector_store %arg10[%swap3A_585, %swap3A_586], %max3A_584 {strides = array<i32>} : memref<320x128xf32, #tpu.memory_space<vmem>>, vector<16xf32>,
            %get3A_588 = arith.index_cast %squeeze3A_518 : i32 to index
            %get3A_589 = arith.constant 112 : index
            %get3A_590 = tpu.vector_load %arg10[%get3A_588, %get3A_589] {strides = array<i32>} : memref<320x128xf32, #tpu.memory_space<vmem>>, vector<16xf32>,
            %get3A_591 = arith.index_cast %while3A_514 : i32 to index
            %get3A_592 = arith.constant 112 : index
            %get3A_593 = tpu.vector_load %arg9[%get3A_591, %get3A_592] {strides = array<i32>} : memref<512x128xf32, #tpu.memory_space<vmem>>, vector<16xf32>,
            %max3A_594 = arith.maximumf %get3A_590, %get3A_593 : vector<16xf32>
            %swap3A_595 = arith.index_cast %squeeze3A_518 : i32 to index
            %swap3A_596 = arith.constant 112 : index
            %swap3A_597 = tpu.vector_load %arg10[%swap3A_595, %swap3A_596] {strides = array<i32>} : memref<320x128xf32, #tpu.memory_space<vmem>>, vector<16xf32>,
            tpu.vector_store %arg10[%swap3A_595, %swap3A_596], %max3A_594 {strides = array<i32>} : memref<320x128xf32, #tpu.memory_space<vmem>>, vector<16xf32>,
          }
          %cond3A_513 = arith.constant 0 : i32
          scf.yield %cond3A_513 : i32
        } else {
          scf.yield %add3A_367 : i32
        }
        scf.yield %cond3A_372 : i32
      }
      %scan3A_324 = arith.constant 250 : i32
      %add3A_325 = arith.constant 2 : i32
      %add3A_326 = arith.addi %mul3A_306, %add3A_325 : i32
      %min3A_327 = arith.constant 79 : i32
      %min3A_328 = arith.minsi %add3A_326, %min3A_327 : i32
      %mul3A_329 = arith.constant 4000 : i32
      %mul3A_330 = arith.muli %min3A_328, %mul3A_329 : i32
      %dma_start3A_331 = tpu.memref_slice %arg2[%mul3A_330] : memref<320000xi32, #tpu.memory_space<hbm>> -> memref<4000xi32, #tpu.memory_space<hbm>>
      %dma_start3A_332 = tpu.memref_slice %arg2[%mul3A_330] : memref<320000xi32, #tpu.memory_space<hbm>> -> memref<4000xi32, #tpu.memory_space<hbm>>
      tpu.enqueue_dma source(%dma_start3A_332 : memref<4000xi32, #tpu.memory_space<hbm>>) target(%arg5 : memref<4000xi32, #tpu.memory_space<vmem>>) target_semaphore(%arg12 : memref<!tpu.dma_semaphore, #tpu.memory_space<semaphore_mem>>)
      %dma_wait3A_333 = arith.constant 0 : i32
      %dma_wait3A_334 = tpu.memref_slice %arg2[%dma_wait3A_333] : memref<320000xi32, #tpu.memory_space<hbm>> -> memref<4000xi32, #tpu.memory_space<hbm>>
      %dma_wait3A_335 = arith.constant 0 : i32
      %dma_wait3A_336 = tpu.memref_slice %arg2[%dma_wait3A_335] : memref<320000xi32, #tpu.memory_space<hbm>> -> memref<4000xi32, #tpu.memory_space<hbm>>
      tpu.wait_dma2 semaphore(%arg13 : memref<!tpu.dma_semaphore, #tpu.memory_space<semaphore_mem>>) src(%dma_wait3A_336 : memref<4000xi32, #tpu.memory_space<hbm>>) dst(%arg6 : memref<4000xi32, #tpu.memory_space<vmem>>)
      %scan3A_337 = arith.constant 0 : i32
      %scan3A_338 = arith.constant 250 : i32
      %scan3A_339 = arith.addi %scan3A_337, %scan3A_338 : i32
      %scan3A_340 = arith.constant 1 : i32
      %scan3A_341 = scf.for %scan3A_343 = %scan3A_337 to %scan3A_339 step %scan3A_340 iter_args(%scan3A_344 = %scan3A_323) -> (i32)  : i32 {
        %mul3A_345 = arith.constant 1 : i32
        %mul3A_346 = arith.muli %scan3A_343, %mul3A_345 : i32
        %add3A_347 = arith.constant 0 : i32
        %add3A_348 = arith.addi %mul3A_346, %add3A_347 : i32
        %mul3A_349 = arith.constant 16 : i32
        %mul3A_350 = arith.muli %add3A_348, %mul3A_349 : i32
        %get3A = arith.index_cast %mul3A_350 : i32 to index
        %get3A_351 = tpu.vector_load %arg6[%get3A] {strides = array<i32>} : memref<4000xi32, #tpu.memory_space<vmem>>, vector<16xi32>,
        %sub3A = vector.broadcast %mul3A_2 : i32 to vector<16xi32>
        %sub3A_352 = arith.subi %get3A_351, %sub3A : vector<16xi32>
        %bitcast3A = vector.bitcast %sub3A_352 : vector<16xi32> to vector<16xi32>
        %lt3A_353 = arith.constant 320 : i32
        %lt3A_354 = vector.broadcast %lt3A_353 : i32 to vector<16xi32>
        %lt3A_355 = arith.cmpi ult, %bitcast3A, %lt3A_354 : vector<16xi32>
        %all_reduce_population_count3A = tpu.all_reduce %lt3A_355 {dim = 0 : i64, kind = #tpu.reduction_kind<sum>} : vector<16xi1> -> vector<16xi32>
        %slice3A = vector.extract_strided_slice %all_reduce_population_count3A {offsets = [0], sizes = [1], strides = [1]} : vector<16xi32> to vector<1xi32>
        %squeeze3A = vector.extract %slice3A[0] : i32 from vector<1xi32>
        %mul3A_356 = arith.constant 4000 : i32
        %mul3A_357 = arith.muli %add3A_310, %mul3A_356 : i32
        %mul3A_358 = arith.constant 16 : i32
        %mul3A_359 = arith.muli %add3A_348, %mul3A_358 : i32
        %add3A_360 = arith.addi %mul3A_357, %mul3A_359 : i32
        %add3A_361 = vector.broadcast %add3A_360 : i32 to vector<16xi32>
        %add3A_362 = arith.addi %add3A_361, %iota3A : vector<16xi32>
        %swap3A_363 = arith.index_cast %scan3A_344 : i32 to index
        %swap3A_364 = tpu.vector_load %arg7[%swap3A_363] masked %lt3A_355 {strides = array<i32>} : memref<512xi32, #tpu.memory_space<vmem>>, vector<16xi32>, vector<16xi1>
        tpu.vector_store %arg7[%swap3A_363], %add3A_362 masked %lt3A_355 {strides = array<i32>} : memref<512xi32, #tpu.memory_space<vmem>>, vector<16xi32>, vector<16xi1>
        %swap3A_365 = arith.index_cast %scan3A_344 : i32 to index
        %swap3A_366 = tpu.vector_load %arg8[%swap3A_365] masked %lt3A_355 {strides = array<i32>} : memref<528xi32, #tpu.memory_space<vmem>>, vector<16xi32>, vector<16xi1>
        tpu.vector_store %arg8[%swap3A_365], %sub3A_352 masked %lt3A_355 {strides = array<i32>} : memref<528xi32, #tpu.memory_space<vmem>>, vector<16xi32>, vector<16xi1>
        %add3A_367 = arith.addi %scan3A_344, %squeeze3A : i32
        %ge3A = arith.constant 496 : i32
        %ge3A_368 = arith.cmpi sge, %add3A_367, %ge3A : i32
        %convert_element_type3A_369 = arith.extui %ge3A_368 : i1 to i32
        %cond3A_370 = arith.constant 0 : i32
        %cond3A_371 = arith.cmpi ne, %convert_element_type3A_369, %cond3A_370 : i32
        %cond3A_372 = scf.if %cond3A_371 -> (i32) {
          %dma_start3A_373 = arith.constant 0 : i32
          %dma_start3A_374 = arith.constant 0 : i32
          %dma_start3A_375 = arith.constant 0 : i32
          %dma_start3A_376 = tpu.memref_slice %arg9[%dma_start3A_374, %dma_start3A_375] : memref<512x128xf32, #tpu.memory_space<vmem>> -> memref<128x128xf32, #tpu.memory_space<vmem>>
          %dma_start3A_377 = arith.constant 0 : i32
          %dma_start3A_378 = tpu.memref_slice %arg7[%dma_start3A_377] : memref<512xi32, #tpu.memory_space<vmem>> -> memref<128xi32, #tpu.memory_space<vmem>>
          %dma_start3A_379 = arith.constant 0 : i32
          %dma_start3A_380 = arith.constant 0 : i32
          %dma_start3A_381 = tpu.memref_slice %arg3[%dma_start3A_379, %dma_start3A_380] : memref<320000x128xf32, #tpu.memory_space<hbm>> -> memref<320000x128xf32, #tpu.memory_space<hbm>>
          %dma_start3A_382 = tpu.memref_slice %arg11[%dma_start3A_373] : memref<4x!tpu.dma_semaphore, #tpu.memory_space<semaphore_mem>> -> memref<1x!tpu.dma_semaphore, #tpu.memory_space<semaphore_mem>>
          %dma_start3A_383 = tpu.memref_squeeze %dma_start3A_382 : memref<1x!tpu.dma_semaphore, #tpu.memory_space<semaphore_mem>> -> memref<!tpu.dma_semaphore, #tpu.memory_space<semaphore_mem>>
          tpu.enqueue_indirect_dma source(%dma_start3A_381 : memref<320000x128xf32, #tpu.memory_space<hbm>>) target(%dma_start3A_376 : memref<128x128xf32, #tpu.memory_space<vmem>>) offsets(%dma_start3A_378 : memref<128xi32, #tpu.memory_space<vmem>>) semaphore(%dma_start3A_383 : memref<!tpu.dma_semaphore, #tpu.memory_space<semaphore_mem>>)
          %dma_start3A_384 = arith.constant 1 : i32
          %dma_start3A_385 = arith.constant 128 : i32
          %dma_start3A_386 = arith.constant 0 : i32
          %dma_start3A_387 = tpu.memref_slice %arg9[%dma_start3A_385, %dma_start3A_386] : memref<512x128xf32, #tpu.memory_space<vmem>> -> memref<128x128xf32, #tpu.memory_space<vmem>>
          %dma_start3A_388 = arith.constant 128 : i32
          %dma_start3A_389 = tpu.memref_slice %arg7[%dma_start3A_388] : memref<512xi32, #tpu.memory_space<vmem>> -> memref<128xi32, #tpu.memory_space<vmem>>
          %dma_start3A_390 = arith.constant 0 : i32
          %dma_start3A_391 = arith.constant 0 : i32
          %dma_start3A_392 = tpu.memref_slice %arg3[%dma_start3A_390, %dma_start3A_391] : memref<320000x128xf32, #tpu.memory_space<hbm>> -> memref<320000x128xf32, #tpu.memory_space<hbm>>
          %dma_start3A_393 = tpu.memref_slice %arg11[%dma_start3A_384] : memref<4x!tpu.dma_semaphore, #tpu.memory_space<semaphore_mem>> -> memref<1x!tpu.dma_semaphore, #tpu.memory_space<semaphore_mem>>
          %dma_start3A_394 = tpu.memref_squeeze %dma_start3A_393 : memref<1x!tpu.dma_semaphore, #tpu.memory_space<semaphore_mem>> -> memref<!tpu.dma_semaphore, #tpu.memory_space<semaphore_mem>>
          tpu.enqueue_indirect_dma source(%dma_start3A_392 : memref<320000x128xf32, #tpu.memory_space<hbm>>) target(%dma_start3A_387 : memref<128x128xf32, #tpu.memory_space<vmem>>) offsets(%dma_start3A_389 : memref<128xi32, #tpu.memory_space<vmem>>) semaphore(%dma_start3A_394 : memref<!tpu.dma_semaphore, #tpu.memory_space<semaphore_mem>>)
          %dma_start3A_395 = arith.constant 2 : i32
          %dma_start3A_396 = arith.constant 256 : i32
          %dma_start3A_397 = arith.constant 0 : i32
          %dma_start3A_398 = tpu.memref_slice %arg9[%dma_start3A_396, %dma_start3A_397] : memref<512x128xf32, #tpu.memory_space<vmem>> -> memref<128x128xf32, #tpu.memory_space<vmem>>
          %dma_start3A_399 = arith.constant 256 : i32
          %dma_start3A_400 = tpu.memref_slice %arg7[%dma_start3A_399] : memref<512xi32, #tpu.memory_space<vmem>> -> memref<128xi32, #tpu.memory_space<vmem>>
          %dma_start3A_401 = arith.constant 0 : i32
          %dma_start3A_402 = arith.constant 0 : i32
          %dma_start3A_403 = tpu.memref_slice %arg3[%dma_start3A_401, %dma_start3A_402] : memref<320000x128xf32, #tpu.memory_space<hbm>> -> memref<320000x128xf32, #tpu.memory_space<hbm>>
          %dma_start3A_404 = tpu.memref_slice %arg11[%dma_start3A_395] : memref<4x!tpu.dma_semaphore, #tpu.memory_space<semaphore_mem>> -> memref<1x!tpu.dma_semaphore, #tpu.memory_space<semaphore_mem>>
          %dma_start3A_405 = tpu.memref_squeeze %dma_start3A_404 : memref<1x!tpu.dma_semaphore, #tpu.memory_space<semaphore_mem>> -> memref<!tpu.dma_semaphore, #tpu.memory_space<semaphore_mem>>
          tpu.enqueue_indirect_dma source(%dma_start3A_403 : memref<320000x128xf32, #tpu.memory_space<hbm>>) target(%dma_start3A_398 : memref<128x128xf32, #tpu.memory_space<vmem>>) offsets(%dma_start3A_400 : memref<128xi32, #tpu.memory_space<vmem>>) semaphore(%dma_start3A_405 : memref<!tpu.dma_semaphore, #tpu.memory_space<semaphore_mem>>)
          %dma_start3A_406 = arith.constant 3 : i32
          %dma_start3A_407 = arith.constant 384 : i32
          %dma_start3A_408 = arith.constant 0 : i32
          %dma_start3A_409 = tpu.memref_slice %arg9[%dma_start3A_407, %dma_start3A_408] : memref<512x128xf32, #tpu.memory_space<vmem>> -> memref<128x128xf32, #tpu.memory_space<vmem>>
          %dma_start3A_410 = arith.constant 384 : i32
          %dma_start3A_411 = tpu.memref_slice %arg7[%dma_start3A_410] : memref<512xi32, #tpu.memory_space<vmem>> -> memref<128xi32, #tpu.memory_space<vmem>>
          %dma_start3A_412 = arith.constant 0 : i32
          %dma_start3A_413 = arith.constant 0 : i32
          %dma_start3A_414 = tpu.memref_slice %arg3[%dma_start3A_412, %dma_start3A_413] : memref<320000x128xf32, #tpu.memory_space<hbm>> -> memref<320000x128xf32, #tpu.memory_space<hbm>>
          %dma_start3A_415 = tpu.memref_slice %arg11[%dma_start3A_406] : memref<4x!tpu.dma_semaphore, #tpu.memory_space<semaphore_mem>> -> memref<1x!tpu.dma_semaphore, #tpu.memory_space<semaphore_mem>>
          %dma_start3A_416 = tpu.memref_squeeze %dma_start3A_415 : memref<1x!tpu.dma_semaphore, #tpu.memory_space<semaphore_mem>> -> memref<!tpu.dma_semaphore, #tpu.memory_space<semaphore_mem>>
          tpu.enqueue_indirect_dma source(%dma_start3A_414 : memref<320000x128xf32, #tpu.memory_space<hbm>>) target(%dma_start3A_409 : memref<128x128xf32, #tpu.memory_space<vmem>>) offsets(%dma_start3A_411 : memref<128xi32, #tpu.memory_space<vmem>>) semaphore(%dma_start3A_416 : memref<!tpu.dma_semaphore, #tpu.memory_space<semaphore_mem>>)
          %dma_wait3A_417 = arith.constant 0 : i32
          %dma_wait3A_418 = arith.constant 0 : i32
          %dma_wait3A_419 = arith.constant 0 : i32
          %dma_wait3A_420 = tpu.memref_slice %arg9[%dma_wait3A_418, %dma_wait3A_419] : memref<512x128xf32, #tpu.memory_space<vmem>> -> memref<128x128xf32, #tpu.memory_space<vmem>>
          %dma_wait3A_421 = arith.constant 0 : i32
          %dma_wait3A_422 = tpu.memref_slice %arg7[%dma_wait3A_421] : memref<512xi32, #tpu.memory_space<vmem>> -> memref<128xi32, #tpu.memory_space<vmem>>
          %dma_wait3A_423 = arith.constant 0 : i32
          %dma_wait3A_424 = arith.constant 0 : i32
          %dma_wait3A_425 = tpu.memref_slice %arg3[%dma_wait3A_423, %dma_wait3A_424] : memref<320000x128xf32, #tpu.memory_space<hbm>> -> memref<320000x128xf32, #tpu.memory_space<hbm>>
          %dma_wait3A_426 = tpu.memref_slice %arg11[%dma_wait3A_417] : memref<4x!tpu.dma_semaphore, #tpu.memory_space<semaphore_mem>> -> memref<1x!tpu.dma_semaphore, #tpu.memory_space<semaphore_mem>>
          %dma_wait3A_427 = tpu.memref_squeeze %dma_wait3A_426 : memref<1x!tpu.dma_semaphore, #tpu.memory_space<semaphore_mem>> -> memref<!tpu.dma_semaphore, #tpu.memory_space<semaphore_mem>>
          tpu.wait_indirect_dma semaphore(%dma_wait3A_427 : memref<!tpu.dma_semaphore, #tpu.memory_space<semaphore_mem>>) src(%dma_wait3A_425 : memref<320000x128xf32, #tpu.memory_space<hbm>>) dst(%dma_wait3A_420 : memref<128x128xf32, #tpu.memory_space<vmem>>)
          %min3A_428 = arith.constant 128 : i32
          %min3A_429 = arith.minsi %add3A_367, %min3A_428 : i32
          %min3A_430 = arith.constant 0 : i32
          %min3A_431 = arith.minsi %min3A_429, %min3A_430 : i32
          %while3A_432 = arith.constant 0 : i32
          %while3A_433 = arith.subi %min3A_429, %min3A_431 : i32
          %while3A_434 = arith.addi %min3A_431, %while3A_433 : i32
          %while3A_435 = arith.constant 1 : i32
          %while3A_436 = arith.divsi %while3A_433, %while3A_435 : i32
          %while3A_437 = arith.muli %while3A_436, %while3A_435 : i32
          %while3A_438 = arith.addi %min3A_431, %while3A_437 : i32
          %while3A_439 = arith.constant 1 : i32
          scf.for %while3A_514 = %min3A_431 to %while3A_438 step %while3A_439  : i32 {
            %get3A_515 = arith.index_cast %while3A_514 : i32 to index
            %get3A_516 = tpu.vector_load %arg8[%get3A_515] {strides = array<i32>} : memref<528xi32, #tpu.memory_space<vmem>>, vector<16xi32>,
            %slice3A_517 = vector.extract_strided_slice %get3A_516 {offsets = [0], sizes = [1], strides = [1]} : vector<16xi32> to vector<1xi32>
            %squeeze3A_518 = vector.extract %slice3A_517[0] : i32 from vector<1xi32>
            %get3A_519 = arith.index_cast %squeeze3A_518 : i32 to index
            %get3A_520 = arith.constant 0 : index
            %get3A_521 = tpu.vector_load %arg10[%get3A_519, %get3A_520] {strides = array<i32>} : memref<320x128xf32, #tpu.memory_space<vmem>>, vector<16xf32>,
            %get3A_522 = arith.index_cast %while3A_514 : i32 to index
            %get3A_523 = arith.constant 0 : index
            %get3A_524 = tpu.vector_load %arg9[%get3A_522, %get3A_523] {strides = array<i32>} : memref<512x128xf32, #tpu.memory_space<vmem>>, vector<16xf32>,
            %max3A = arith.maximumf %get3A_521, %get3A_524 : vector<16xf32>
            %swap3A_525 = arith.index_cast %squeeze3A_518 : i32 to index
            %swap3A_526 = arith.constant 0 : index
            %swap3A_527 = tpu.vector_load %arg10[%swap3A_525, %swap3A_526] {strides = array<i32>} : memref<320x128xf32, #tpu.memory_space<vmem>>, vector<16xf32>,
            tpu.vector_store %arg10[%swap3A_525, %swap3A_526], %max3A {strides = array<i32>} : memref<320x128xf32, #tpu.memory_space<vmem>>, vector<16xf32>,
            %get3A_528 = arith.index_cast %squeeze3A_518 : i32 to index
            %get3A_529 = arith.constant 16 : index
            %get3A_530 = tpu.vector_load %arg10[%get3A_528, %get3A_529] {strides = array<i32>} : memref<320x128xf32, #tpu.memory_space<vmem>>, vector<16xf32>,
            %get3A_531 = arith.index_cast %while3A_514 : i32 to index
            %get3A_532 = arith.constant 16 : index
            %get3A_533 = tpu.vector_load %arg9[%get3A_531, %get3A_532] {strides = array<i32>} : memref<512x128xf32, #tpu.memory_space<vmem>>, vector<16xf32>,
            %max3A_534 = arith.maximumf %get3A_530, %get3A_533 : vector<16xf32>
            %swap3A_535 = arith.index_cast %squeeze3A_518 : i32 to index
            %swap3A_536 = arith.constant 16 : index
            %swap3A_537 = tpu.vector_load %arg10[%swap3A_535, %swap3A_536] {strides = array<i32>} : memref<320x128xf32, #tpu.memory_space<vmem>>, vector<16xf32>,
            tpu.vector_store %arg10[%swap3A_535, %swap3A_536], %max3A_534 {strides = array<i32>} : memref<320x128xf32, #tpu.memory_space<vmem>>, vector<16xf32>,
            %get3A_538 = arith.index_cast %squeeze3A_518 : i32 to index
            %get3A_539 = arith.constant 32 : index
            %get3A_540 = tpu.vector_load %arg10[%get3A_538, %get3A_539] {strides = array<i32>} : memref<320x128xf32, #tpu.memory_space<vmem>>, vector<16xf32>,
            %get3A_541 = arith.index_cast %while3A_514 : i32 to index
            %get3A_542 = arith.constant 32 : index
            %get3A_543 = tpu.vector_load %arg9[%get3A_541, %get3A_542] {strides = array<i32>} : memref<512x128xf32, #tpu.memory_space<vmem>>, vector<16xf32>,
            %max3A_544 = arith.maximumf %get3A_540, %get3A_543 : vector<16xf32>
            %swap3A_545 = arith.index_cast %squeeze3A_518 : i32 to index
            %swap3A_546 = arith.constant 32 : index
            %swap3A_547 = tpu.vector_load %arg10[%swap3A_545, %swap3A_546] {strides = array<i32>} : memref<320x128xf32, #tpu.memory_space<vmem>>, vector<16xf32>,
            tpu.vector_store %arg10[%swap3A_545, %swap3A_546], %max3A_544 {strides = array<i32>} : memref<320x128xf32, #tpu.memory_space<vmem>>, vector<16xf32>,
            %get3A_548 = arith.index_cast %squeeze3A_518 : i32 to index
            %get3A_549 = arith.constant 48 : index
            %get3A_550 = tpu.vector_load %arg10[%get3A_548, %get3A_549] {strides = array<i32>} : memref<320x128xf32, #tpu.memory_space<vmem>>, vector<16xf32>,
            %get3A_551 = arith.index_cast %while3A_514 : i32 to index
            %get3A_552 = arith.constant 48 : index
            %get3A_553 = tpu.vector_load %arg9[%get3A_551, %get3A_552] {strides = array<i32>} : memref<512x128xf32, #tpu.memory_space<vmem>>, vector<16xf32>,
            %max3A_554 = arith.maximumf %get3A_550, %get3A_553 : vector<16xf32>
            %swap3A_555 = arith.index_cast %squeeze3A_518 : i32 to index
            %swap3A_556 = arith.constant 48 : index
            %swap3A_557 = tpu.vector_load %arg10[%swap3A_555, %swap3A_556] {strides = array<i32>} : memref<320x128xf32, #tpu.memory_space<vmem>>, vector<16xf32>,
            tpu.vector_store %arg10[%swap3A_555, %swap3A_556], %max3A_554 {strides = array<i32>} : memref<320x128xf32, #tpu.memory_space<vmem>>, vector<16xf32>,
            %get3A_558 = arith.index_cast %squeeze3A_518 : i32 to index
            %get3A_559 = arith.constant 64 : index
            %get3A_560 = tpu.vector_load %arg10[%get3A_558, %get3A_559] {strides = array<i32>} : memref<320x128xf32, #tpu.memory_space<vmem>>, vector<16xf32>,
            %get3A_561 = arith.index_cast %while3A_514 : i32 to index
            %get3A_562 = arith.constant 64 : index
            %get3A_563 = tpu.vector_load %arg9[%get3A_561, %get3A_562] {strides = array<i32>} : memref<512x128xf32, #tpu.memory_space<vmem>>, vector<16xf32>,
            %max3A_564 = arith.maximumf %get3A_560, %get3A_563 : vector<16xf32>
            %swap3A_565 = arith.index_cast %squeeze3A_518 : i32 to index
            %swap3A_566 = arith.constant 64 : index
            %swap3A_567 = tpu.vector_load %arg10[%swap3A_565, %swap3A_566] {strides = array<i32>} : memref<320x128xf32, #tpu.memory_space<vmem>>, vector<16xf32>,
            tpu.vector_store %arg10[%swap3A_565, %swap3A_566], %max3A_564 {strides = array<i32>} : memref<320x128xf32, #tpu.memory_space<vmem>>, vector<16xf32>,
            %get3A_568 = arith.index_cast %squeeze3A_518 : i32 to index
            %get3A_569 = arith.constant 80 : index
            %get3A_570 = tpu.vector_load %arg10[%get3A_568, %get3A_569] {strides = array<i32>} : memref<320x128xf32, #tpu.memory_space<vmem>>, vector<16xf32>,
            %get3A_571 = arith.index_cast %while3A_514 : i32 to index
            %get3A_572 = arith.constant 80 : index
            %get3A_573 = tpu.vector_load %arg9[%get3A_571, %get3A_572] {strides = array<i32>} : memref<512x128xf32, #tpu.memory_space<vmem>>, vector<16xf32>,
            %max3A_574 = arith.maximumf %get3A_570, %get3A_573 : vector<16xf32>
            %swap3A_575 = arith.index_cast %squeeze3A_518 : i32 to index
            %swap3A_576 = arith.constant 80 : index
            %swap3A_577 = tpu.vector_load %arg10[%swap3A_575, %swap3A_576] {strides = array<i32>} : memref<320x128xf32, #tpu.memory_space<vmem>>, vector<16xf32>,
            tpu.vector_store %arg10[%swap3A_575, %swap3A_576], %max3A_574 {strides = array<i32>} : memref<320x128xf32, #tpu.memory_space<vmem>>, vector<16xf32>,
            %get3A_578 = arith.index_cast %squeeze3A_518 : i32 to index
            %get3A_579 = arith.constant 96 : index
            %get3A_580 = tpu.vector_load %arg10[%get3A_578, %get3A_579] {strides = array<i32>} : memref<320x128xf32, #tpu.memory_space<vmem>>, vector<16xf32>,
            %get3A_581 = arith.index_cast %while3A_514 : i32 to index
            %get3A_582 = arith.constant 96 : index
            %get3A_583 = tpu.vector_load %arg9[%get3A_581, %get3A_582] {strides = array<i32>} : memref<512x128xf32, #tpu.memory_space<vmem>>, vector<16xf32>,
            %max3A_584 = arith.maximumf %get3A_580, %get3A_583 : vector<16xf32>
            %swap3A_585 = arith.index_cast %squeeze3A_518 : i32 to index
            %swap3A_586 = arith.constant 96 : index
            %swap3A_587 = tpu.vector_load %arg10[%swap3A_585, %swap3A_586] {strides = array<i32>} : memref<320x128xf32, #tpu.memory_space<vmem>>, vector<16xf32>,
            tpu.vector_store %arg10[%swap3A_585, %swap3A_586], %max3A_584 {strides = array<i32>} : memref<320x128xf32, #tpu.memory_space<vmem>>, vector<16xf32>,
            %get3A_588 = arith.index_cast %squeeze3A_518 : i32 to index
            %get3A_589 = arith.constant 112 : index
            %get3A_590 = tpu.vector_load %arg10[%get3A_588, %get3A_589] {strides = array<i32>} : memref<320x128xf32, #tpu.memory_space<vmem>>, vector<16xf32>,
            %get3A_591 = arith.index_cast %while3A_514 : i32 to index
            %get3A_592 = arith.constant 112 : index
            %get3A_593 = tpu.vector_load %arg9[%get3A_591, %get3A_592] {strides = array<i32>} : memref<512x128xf32, #tpu.memory_space<vmem>>, vector<16xf32>,
            %max3A_594 = arith.maximumf %get3A_590, %get3A_593 : vector<16xf32>
            %swap3A_595 = arith.index_cast %squeeze3A_518 : i32 to index
            %swap3A_596 = arith.constant 112 : index
            %swap3A_597 = tpu.vector_load %arg10[%swap3A_595, %swap3A_596] {strides = array<i32>} : memref<320x128xf32, #tpu.memory_space<vmem>>, vector<16xf32>,
            tpu.vector_store %arg10[%swap3A_595, %swap3A_596], %max3A_594 {strides = array<i32>} : memref<320x128xf32, #tpu.memory_space<vmem>>, vector<16xf32>,
          }
          %while3A_440 = arith.constant 1 : i32
          scf.for %while3A_514 = %while3A_438 to %while3A_434 step %while3A_440  : i32 {
            %get3A_515 = arith.index_cast %while3A_514 : i32 to index
            %get3A_516 = tpu.vector_load %arg8[%get3A_515] {strides = array<i32>} : memref<528xi32, #tpu.memory_space<vmem>>, vector<16xi32>,
            %slice3A_517 = vector.extract_strided_slice %get3A_516 {offsets = [0], sizes = [1], strides = [1]} : vector<16xi32> to vector<1xi32>
            %squeeze3A_518 = vector.extract %slice3A_517[0] : i32 from vector<1xi32>
            %get3A_519 = arith.index_cast %squeeze3A_518 : i32 to index
            %get3A_520 = arith.constant 0 : index
            %get3A_521 = tpu.vector_load %arg10[%get3A_519, %get3A_520] {strides = array<i32>} : memref<320x128xf32, #tpu.memory_space<vmem>>, vector<16xf32>,
            %get3A_522 = arith.index_cast %while3A_514 : i32 to index
            %get3A_523 = arith.constant 0 : index
            %get3A_524 = tpu.vector_load %arg9[%get3A_522, %get3A_523] {strides = array<i32>} : memref<512x128xf32, #tpu.memory_space<vmem>>, vector<16xf32>,
            %max3A = arith.maximumf %get3A_521, %get3A_524 : vector<16xf32>
            %swap3A_525 = arith.index_cast %squeeze3A_518 : i32 to index
            %swap3A_526 = arith.constant 0 : index
            %swap3A_527 = tpu.vector_load %arg10[%swap3A_525, %swap3A_526] {strides = array<i32>} : memref<320x128xf32, #tpu.memory_space<vmem>>, vector<16xf32>,
            tpu.vector_store %arg10[%swap3A_525, %swap3A_526], %max3A {strides = array<i32>} : memref<320x128xf32, #tpu.memory_space<vmem>>, vector<16xf32>,
            %get3A_528 = arith.index_cast %squeeze3A_518 : i32 to index
            %get3A_529 = arith.constant 16 : index
            %get3A_530 = tpu.vector_load %arg10[%get3A_528, %get3A_529] {strides = array<i32>} : memref<320x128xf32, #tpu.memory_space<vmem>>, vector<16xf32>,
            %get3A_531 = arith.index_cast %while3A_514 : i32 to index
            %get3A_532 = arith.constant 16 : index
            %get3A_533 = tpu.vector_load %arg9[%get3A_531, %get3A_532] {strides = array<i32>} : memref<512x128xf32, #tpu.memory_space<vmem>>, vector<16xf32>,
            %max3A_534 = arith.maximumf %get3A_530, %get3A_533 : vector<16xf32>
            %swap3A_535 = arith.index_cast %squeeze3A_518 : i32 to index
            %swap3A_536 = arith.constant 16 : index
            %swap3A_537 = tpu.vector_load %arg10[%swap3A_535, %swap3A_536] {strides = array<i32>} : memref<320x128xf32, #tpu.memory_space<vmem>>, vector<16xf32>,
            tpu.vector_store %arg10[%swap3A_535, %swap3A_536], %max3A_534 {strides = array<i32>} : memref<320x128xf32, #tpu.memory_space<vmem>>, vector<16xf32>,
            %get3A_538 = arith.index_cast %squeeze3A_518 : i32 to index
            %get3A_539 = arith.constant 32 : index
            %get3A_540 = tpu.vector_load %arg10[%get3A_538, %get3A_539] {strides = array<i32>} : memref<320x128xf32, #tpu.memory_space<vmem>>, vector<16xf32>,
            %get3A_541 = arith.index_cast %while3A_514 : i32 to index
            %get3A_542 = arith.constant 32 : index
            %get3A_543 = tpu.vector_load %arg9[%get3A_541, %get3A_542] {strides = array<i32>} : memref<512x128xf32, #tpu.memory_space<vmem>>, vector<16xf32>,
            %max3A_544 = arith.maximumf %get3A_540, %get3A_543 : vector<16xf32>
            %swap3A_545 = arith.index_cast %squeeze3A_518 : i32 to index
            %swap3A_546 = arith.constant 32 : index
            %swap3A_547 = tpu.vector_load %arg10[%swap3A_545, %swap3A_546] {strides = array<i32>} : memref<320x128xf32, #tpu.memory_space<vmem>>, vector<16xf32>,
            tpu.vector_store %arg10[%swap3A_545, %swap3A_546], %max3A_544 {strides = array<i32>} : memref<320x128xf32, #tpu.memory_space<vmem>>, vector<16xf32>,
            %get3A_548 = arith.index_cast %squeeze3A_518 : i32 to index
            %get3A_549 = arith.constant 48 : index
            %get3A_550 = tpu.vector_load %arg10[%get3A_548, %get3A_549] {strides = array<i32>} : memref<320x128xf32, #tpu.memory_space<vmem>>, vector<16xf32>,
            %get3A_551 = arith.index_cast %while3A_514 : i32 to index
            %get3A_552 = arith.constant 48 : index
            %get3A_553 = tpu.vector_load %arg9[%get3A_551, %get3A_552] {strides = array<i32>} : memref<512x128xf32, #tpu.memory_space<vmem>>, vector<16xf32>,
            %max3A_554 = arith.maximumf %get3A_550, %get3A_553 : vector<16xf32>
            %swap3A_555 = arith.index_cast %squeeze3A_518 : i32 to index
            %swap3A_556 = arith.constant 48 : index
            %swap3A_557 = tpu.vector_load %arg10[%swap3A_555, %swap3A_556] {strides = array<i32>} : memref<320x128xf32, #tpu.memory_space<vmem>>, vector<16xf32>,
            tpu.vector_store %arg10[%swap3A_555, %swap3A_556], %max3A_554 {strides = array<i32>} : memref<320x128xf32, #tpu.memory_space<vmem>>, vector<16xf32>,
            %get3A_558 = arith.index_cast %squeeze3A_518 : i32 to index
            %get3A_559 = arith.constant 64 : index
            %get3A_560 = tpu.vector_load %arg10[%get3A_558, %get3A_559] {strides = array<i32>} : memref<320x128xf32, #tpu.memory_space<vmem>>, vector<16xf32>,
            %get3A_561 = arith.index_cast %while3A_514 : i32 to index
            %get3A_562 = arith.constant 64 : index
            %get3A_563 = tpu.vector_load %arg9[%get3A_561, %get3A_562] {strides = array<i32>} : memref<512x128xf32, #tpu.memory_space<vmem>>, vector<16xf32>,
            %max3A_564 = arith.maximumf %get3A_560, %get3A_563 : vector<16xf32>
            %swap3A_565 = arith.index_cast %squeeze3A_518 : i32 to index
            %swap3A_566 = arith.constant 64 : index
            %swap3A_567 = tpu.vector_load %arg10[%swap3A_565, %swap3A_566] {strides = array<i32>} : memref<320x128xf32, #tpu.memory_space<vmem>>, vector<16xf32>,
            tpu.vector_store %arg10[%swap3A_565, %swap3A_566], %max3A_564 {strides = array<i32>} : memref<320x128xf32, #tpu.memory_space<vmem>>, vector<16xf32>,
            %get3A_568 = arith.index_cast %squeeze3A_518 : i32 to index
            %get3A_569 = arith.constant 80 : index
            %get3A_570 = tpu.vector_load %arg10[%get3A_568, %get3A_569] {strides = array<i32>} : memref<320x128xf32, #tpu.memory_space<vmem>>, vector<16xf32>,
            %get3A_571 = arith.index_cast %while3A_514 : i32 to index
            %get3A_572 = arith.constant 80 : index
            %get3A_573 = tpu.vector_load %arg9[%get3A_571, %get3A_572] {strides = array<i32>} : memref<512x128xf32, #tpu.memory_space<vmem>>, vector<16xf32>,
            %max3A_574 = arith.maximumf %get3A_570, %get3A_573 : vector<16xf32>
            %swap3A_575 = arith.index_cast %squeeze3A_518 : i32 to index
            %swap3A_576 = arith.constant 80 : index
            %swap3A_577 = tpu.vector_load %arg10[%swap3A_575, %swap3A_576] {strides = array<i32>} : memref<320x128xf32, #tpu.memory_space<vmem>>, vector<16xf32>,
            tpu.vector_store %arg10[%swap3A_575, %swap3A_576], %max3A_574 {strides = array<i32>} : memref<320x128xf32, #tpu.memory_space<vmem>>, vector<16xf32>,
            %get3A_578 = arith.index_cast %squeeze3A_518 : i32 to index
            %get3A_579 = arith.constant 96 : index
            %get3A_580 = tpu.vector_load %arg10[%get3A_578, %get3A_579] {strides = array<i32>} : memref<320x128xf32, #tpu.memory_space<vmem>>, vector<16xf32>,
            %get3A_581 = arith.index_cast %while3A_514 : i32 to index
            %get3A_582 = arith.constant 96 : index
            %get3A_583 = tpu.vector_load %arg9[%get3A_581, %get3A_582] {strides = array<i32>} : memref<512x128xf32, #tpu.memory_space<vmem>>, vector<16xf32>,
            %max3A_584 = arith.maximumf %get3A_580, %get3A_583 : vector<16xf32>
            %swap3A_585 = arith.index_cast %squeeze3A_518 : i32 to index
            %swap3A_586 = arith.constant 96 : index
            %swap3A_587 = tpu.vector_load %arg10[%swap3A_585, %swap3A_586] {strides = array<i32>} : memref<320x128xf32, #tpu.memory_space<vmem>>, vector<16xf32>,
            tpu.vector_store %arg10[%swap3A_585, %swap3A_586], %max3A_584 {strides = array<i32>} : memref<320x128xf32, #tpu.memory_space<vmem>>, vector<16xf32>,
            %get3A_588 = arith.index_cast %squeeze3A_518 : i32 to index
            %get3A_589 = arith.constant 112 : index
            %get3A_590 = tpu.vector_load %arg10[%get3A_588, %get3A_589] {strides = array<i32>} : memref<320x128xf32, #tpu.memory_space<vmem>>, vector<16xf32>,
            %get3A_591 = arith.index_cast %while3A_514 : i32 to index
            %get3A_592 = arith.constant 112 : index
            %get3A_593 = tpu.vector_load %arg9[%get3A_591, %get3A_592] {strides = array<i32>} : memref<512x128xf32, #tpu.memory_space<vmem>>, vector<16xf32>,
            %max3A_594 = arith.maximumf %get3A_590, %get3A_593 : vector<16xf32>
            %swap3A_595 = arith.index_cast %squeeze3A_518 : i32 to index
            %swap3A_596 = arith.constant 112 : index
            %swap3A_597 = tpu.vector_load %arg10[%swap3A_595, %swap3A_596] {strides = array<i32>} : memref<320x128xf32, #tpu.memory_space<vmem>>, vector<16xf32>,
            tpu.vector_store %arg10[%swap3A_595, %swap3A_596], %max3A_594 {strides = array<i32>} : memref<320x128xf32, #tpu.memory_space<vmem>>, vector<16xf32>,
          }
          %dma_wait3A_441 = arith.constant 1 : i32
          %dma_wait3A_442 = arith.constant 128 : i32
          %dma_wait3A_443 = arith.constant 0 : i32
          %dma_wait3A_444 = tpu.memref_slice %arg9[%dma_wait3A_442, %dma_wait3A_443] : memref<512x128xf32, #tpu.memory_space<vmem>> -> memref<128x128xf32, #tpu.memory_space<vmem>>
          %dma_wait3A_445 = arith.constant 128 : i32
          %dma_wait3A_446 = tpu.memref_slice %arg7[%dma_wait3A_445] : memref<512xi32, #tpu.memory_space<vmem>> -> memref<128xi32, #tpu.memory_space<vmem>>
          %dma_wait3A_447 = arith.constant 0 : i32
          %dma_wait3A_448 = arith.constant 0 : i32
          %dma_wait3A_449 = tpu.memref_slice %arg3[%dma_wait3A_447, %dma_wait3A_448] : memref<320000x128xf32, #tpu.memory_space<hbm>> -> memref<320000x128xf32, #tpu.memory_space<hbm>>
          %dma_wait3A_450 = tpu.memref_slice %arg11[%dma_wait3A_441] : memref<4x!tpu.dma_semaphore, #tpu.memory_space<semaphore_mem>> -> memref<1x!tpu.dma_semaphore, #tpu.memory_space<semaphore_mem>>
          %dma_wait3A_451 = tpu.memref_squeeze %dma_wait3A_450 : memref<1x!tpu.dma_semaphore, #tpu.memory_space<semaphore_mem>> -> memref<!tpu.dma_semaphore, #tpu.memory_space<semaphore_mem>>
          tpu.wait_indirect_dma semaphore(%dma_wait3A_451 : memref<!tpu.dma_semaphore, #tpu.memory_space<semaphore_mem>>) src(%dma_wait3A_449 : memref<320000x128xf32, #tpu.memory_space<hbm>>) dst(%dma_wait3A_444 : memref<128x128xf32, #tpu.memory_space<vmem>>)
          %min3A_452 = arith.constant 256 : i32
          %min3A_453 = arith.minsi %add3A_367, %min3A_452 : i32
          %min3A_454 = arith.constant 128 : i32
          %min3A_455 = arith.minsi %min3A_453, %min3A_454 : i32
          %while3A_456 = arith.constant 0 : i32
          %while3A_457 = arith.subi %min3A_453, %min3A_455 : i32
          %while3A_458 = arith.addi %min3A_455, %while3A_457 : i32
          %while3A_459 = arith.constant 1 : i32
          %while3A_460 = arith.divsi %while3A_457, %while3A_459 : i32
          %while3A_461 = arith.muli %while3A_460, %while3A_459 : i32
          %while3A_462 = arith.addi %min3A_455, %while3A_461 : i32
          %while3A_463 = arith.constant 1 : i32
          scf.for %while3A_514 = %min3A_455 to %while3A_462 step %while3A_463  : i32 {
            %get3A_515 = arith.index_cast %while3A_514 : i32 to index
            %get3A_516 = tpu.vector_load %arg8[%get3A_515] {strides = array<i32>} : memref<528xi32, #tpu.memory_space<vmem>>, vector<16xi32>,
            %slice3A_517 = vector.extract_strided_slice %get3A_516 {offsets = [0], sizes = [1], strides = [1]} : vector<16xi32> to vector<1xi32>
            %squeeze3A_518 = vector.extract %slice3A_517[0] : i32 from vector<1xi32>
            %get3A_519 = arith.index_cast %squeeze3A_518 : i32 to index
            %get3A_520 = arith.constant 0 : index
            %get3A_521 = tpu.vector_load %arg10[%get3A_519, %get3A_520] {strides = array<i32>} : memref<320x128xf32, #tpu.memory_space<vmem>>, vector<16xf32>,
            %get3A_522 = arith.index_cast %while3A_514 : i32 to index
            %get3A_523 = arith.constant 0 : index
            %get3A_524 = tpu.vector_load %arg9[%get3A_522, %get3A_523] {strides = array<i32>} : memref<512x128xf32, #tpu.memory_space<vmem>>, vector<16xf32>,
            %max3A = arith.maximumf %get3A_521, %get3A_524 : vector<16xf32>
            %swap3A_525 = arith.index_cast %squeeze3A_518 : i32 to index
            %swap3A_526 = arith.constant 0 : index
            %swap3A_527 = tpu.vector_load %arg10[%swap3A_525, %swap3A_526] {strides = array<i32>} : memref<320x128xf32, #tpu.memory_space<vmem>>, vector<16xf32>,
            tpu.vector_store %arg10[%swap3A_525, %swap3A_526], %max3A {strides = array<i32>} : memref<320x128xf32, #tpu.memory_space<vmem>>, vector<16xf32>,
            %get3A_528 = arith.index_cast %squeeze3A_518 : i32 to index
            %get3A_529 = arith.constant 16 : index
            %get3A_530 = tpu.vector_load %arg10[%get3A_528, %get3A_529] {strides = array<i32>} : memref<320x128xf32, #tpu.memory_space<vmem>>, vector<16xf32>,
            %get3A_531 = arith.index_cast %while3A_514 : i32 to index
            %get3A_532 = arith.constant 16 : index
            %get3A_533 = tpu.vector_load %arg9[%get3A_531, %get3A_532] {strides = array<i32>} : memref<512x128xf32, #tpu.memory_space<vmem>>, vector<16xf32>,
            %max3A_534 = arith.maximumf %get3A_530, %get3A_533 : vector<16xf32>
            %swap3A_535 = arith.index_cast %squeeze3A_518 : i32 to index
            %swap3A_536 = arith.constant 16 : index
            %swap3A_537 = tpu.vector_load %arg10[%swap3A_535, %swap3A_536] {strides = array<i32>} : memref<320x128xf32, #tpu.memory_space<vmem>>, vector<16xf32>,
            tpu.vector_store %arg10[%swap3A_535, %swap3A_536], %max3A_534 {strides = array<i32>} : memref<320x128xf32, #tpu.memory_space<vmem>>, vector<16xf32>,
            %get3A_538 = arith.index_cast %squeeze3A_518 : i32 to index
            %get3A_539 = arith.constant 32 : index
            %get3A_540 = tpu.vector_load %arg10[%get3A_538, %get3A_539] {strides = array<i32>} : memref<320x128xf32, #tpu.memory_space<vmem>>, vector<16xf32>,
            %get3A_541 = arith.index_cast %while3A_514 : i32 to index
            %get3A_542 = arith.constant 32 : index
            %get3A_543 = tpu.vector_load %arg9[%get3A_541, %get3A_542] {strides = array<i32>} : memref<512x128xf32, #tpu.memory_space<vmem>>, vector<16xf32>,
            %max3A_544 = arith.maximumf %get3A_540, %get3A_543 : vector<16xf32>
            %swap3A_545 = arith.index_cast %squeeze3A_518 : i32 to index
            %swap3A_546 = arith.constant 32 : index
            %swap3A_547 = tpu.vector_load %arg10[%swap3A_545, %swap3A_546] {strides = array<i32>} : memref<320x128xf32, #tpu.memory_space<vmem>>, vector<16xf32>,
            tpu.vector_store %arg10[%swap3A_545, %swap3A_546], %max3A_544 {strides = array<i32>} : memref<320x128xf32, #tpu.memory_space<vmem>>, vector<16xf32>,
            %get3A_548 = arith.index_cast %squeeze3A_518 : i32 to index
            %get3A_549 = arith.constant 48 : index
            %get3A_550 = tpu.vector_load %arg10[%get3A_548, %get3A_549] {strides = array<i32>} : memref<320x128xf32, #tpu.memory_space<vmem>>, vector<16xf32>,
            %get3A_551 = arith.index_cast %while3A_514 : i32 to index
            %get3A_552 = arith.constant 48 : index
            %get3A_553 = tpu.vector_load %arg9[%get3A_551, %get3A_552] {strides = array<i32>} : memref<512x128xf32, #tpu.memory_space<vmem>>, vector<16xf32>,
            %max3A_554 = arith.maximumf %get3A_550, %get3A_553 : vector<16xf32>
            %swap3A_555 = arith.index_cast %squeeze3A_518 : i32 to index
            %swap3A_556 = arith.constant 48 : index
            %swap3A_557 = tpu.vector_load %arg10[%swap3A_555, %swap3A_556] {strides = array<i32>} : memref<320x128xf32, #tpu.memory_space<vmem>>, vector<16xf32>,
            tpu.vector_store %arg10[%swap3A_555, %swap3A_556], %max3A_554 {strides = array<i32>} : memref<320x128xf32, #tpu.memory_space<vmem>>, vector<16xf32>,
            %get3A_558 = arith.index_cast %squeeze3A_518 : i32 to index
            %get3A_559 = arith.constant 64 : index
            %get3A_560 = tpu.vector_load %arg10[%get3A_558, %get3A_559] {strides = array<i32>} : memref<320x128xf32, #tpu.memory_space<vmem>>, vector<16xf32>,
            %get3A_561 = arith.index_cast %while3A_514 : i32 to index
            %get3A_562 = arith.constant 64 : index
            %get3A_563 = tpu.vector_load %arg9[%get3A_561, %get3A_562] {strides = array<i32>} : memref<512x128xf32, #tpu.memory_space<vmem>>, vector<16xf32>,
            %max3A_564 = arith.maximumf %get3A_560, %get3A_563 : vector<16xf32>
            %swap3A_565 = arith.index_cast %squeeze3A_518 : i32 to index
            %swap3A_566 = arith.constant 64 : index
            %swap3A_567 = tpu.vector_load %arg10[%swap3A_565, %swap3A_566] {strides = array<i32>} : memref<320x128xf32, #tpu.memory_space<vmem>>, vector<16xf32>,
            tpu.vector_store %arg10[%swap3A_565, %swap3A_566], %max3A_564 {strides = array<i32>} : memref<320x128xf32, #tpu.memory_space<vmem>>, vector<16xf32>,
            %get3A_568 = arith.index_cast %squeeze3A_518 : i32 to index
            %get3A_569 = arith.constant 80 : index
            %get3A_570 = tpu.vector_load %arg10[%get3A_568, %get3A_569] {strides = array<i32>} : memref<320x128xf32, #tpu.memory_space<vmem>>, vector<16xf32>,
            %get3A_571 = arith.index_cast %while3A_514 : i32 to index
            %get3A_572 = arith.constant 80 : index
            %get3A_573 = tpu.vector_load %arg9[%get3A_571, %get3A_572] {strides = array<i32>} : memref<512x128xf32, #tpu.memory_space<vmem>>, vector<16xf32>,
            %max3A_574 = arith.maximumf %get3A_570, %get3A_573 : vector<16xf32>
            %swap3A_575 = arith.index_cast %squeeze3A_518 : i32 to index
            %swap3A_576 = arith.constant 80 : index
            %swap3A_577 = tpu.vector_load %arg10[%swap3A_575, %swap3A_576] {strides = array<i32>} : memref<320x128xf32, #tpu.memory_space<vmem>>, vector<16xf32>,
            tpu.vector_store %arg10[%swap3A_575, %swap3A_576], %max3A_574 {strides = array<i32>} : memref<320x128xf32, #tpu.memory_space<vmem>>, vector<16xf32>,
            %get3A_578 = arith.index_cast %squeeze3A_518 : i32 to index
            %get3A_579 = arith.constant 96 : index
            %get3A_580 = tpu.vector_load %arg10[%get3A_578, %get3A_579] {strides = array<i32>} : memref<320x128xf32, #tpu.memory_space<vmem>>, vector<16xf32>,
            %get3A_581 = arith.index_cast %while3A_514 : i32 to index
            %get3A_582 = arith.constant 96 : index
            %get3A_583 = tpu.vector_load %arg9[%get3A_581, %get3A_582] {strides = array<i32>} : memref<512x128xf32, #tpu.memory_space<vmem>>, vector<16xf32>,
            %max3A_584 = arith.maximumf %get3A_580, %get3A_583 : vector<16xf32>
            %swap3A_585 = arith.index_cast %squeeze3A_518 : i32 to index
            %swap3A_586 = arith.constant 96 : index
            %swap3A_587 = tpu.vector_load %arg10[%swap3A_585, %swap3A_586] {strides = array<i32>} : memref<320x128xf32, #tpu.memory_space<vmem>>, vector<16xf32>,
            tpu.vector_store %arg10[%swap3A_585, %swap3A_586], %max3A_584 {strides = array<i32>} : memref<320x128xf32, #tpu.memory_space<vmem>>, vector<16xf32>,
            %get3A_588 = arith.index_cast %squeeze3A_518 : i32 to index
            %get3A_589 = arith.constant 112 : index
            %get3A_590 = tpu.vector_load %arg10[%get3A_588, %get3A_589] {strides = array<i32>} : memref<320x128xf32, #tpu.memory_space<vmem>>, vector<16xf32>,
            %get3A_591 = arith.index_cast %while3A_514 : i32 to index
            %get3A_592 = arith.constant 112 : index
            %get3A_593 = tpu.vector_load %arg9[%get3A_591, %get3A_592] {strides = array<i32>} : memref<512x128xf32, #tpu.memory_space<vmem>>, vector<16xf32>,
            %max3A_594 = arith.maximumf %get3A_590, %get3A_593 : vector<16xf32>
            %swap3A_595 = arith.index_cast %squeeze3A_518 : i32 to index
            %swap3A_596 = arith.constant 112 : index
            %swap3A_597 = tpu.vector_load %arg10[%swap3A_595, %swap3A_596] {strides = array<i32>} : memref<320x128xf32, #tpu.memory_space<vmem>>, vector<16xf32>,
            tpu.vector_store %arg10[%swap3A_595, %swap3A_596], %max3A_594 {strides = array<i32>} : memref<320x128xf32, #tpu.memory_space<vmem>>, vector<16xf32>,
          }
          %while3A_464 = arith.constant 1 : i32
          scf.for %while3A_514 = %while3A_462 to %while3A_458 step %while3A_464  : i32 {
            %get3A_515 = arith.index_cast %while3A_514 : i32 to index
            %get3A_516 = tpu.vector_load %arg8[%get3A_515] {strides = array<i32>} : memref<528xi32, #tpu.memory_space<vmem>>, vector<16xi32>,
            %slice3A_517 = vector.extract_strided_slice %get3A_516 {offsets = [0], sizes = [1], strides = [1]} : vector<16xi32> to vector<1xi32>
            %squeeze3A_518 = vector.extract %slice3A_517[0] : i32 from vector<1xi32>
            %get3A_519 = arith.index_cast %squeeze3A_518 : i32 to index
            %get3A_520 = arith.constant 0 : index
            %get3A_521 = tpu.vector_load %arg10[%get3A_519, %get3A_520] {strides = array<i32>} : memref<320x128xf32, #tpu.memory_space<vmem>>, vector<16xf32>,
            %get3A_522 = arith.index_cast %while3A_514 : i32 to index
            %get3A_523 = arith.constant 0 : index
            %get3A_524 = tpu.vector_load %arg9[%get3A_522, %get3A_523] {strides = array<i32>} : memref<512x128xf32, #tpu.memory_space<vmem>>, vector<16xf32>,
            %max3A = arith.maximumf %get3A_521, %get3A_524 : vector<16xf32>
            %swap3A_525 = arith.index_cast %squeeze3A_518 : i32 to index
            %swap3A_526 = arith.constant 0 : index
            %swap3A_527 = tpu.vector_load %arg10[%swap3A_525, %swap3A_526] {strides = array<i32>} : memref<320x128xf32, #tpu.memory_space<vmem>>, vector<16xf32>,
            tpu.vector_store %arg10[%swap3A_525, %swap3A_526], %max3A {strides = array<i32>} : memref<320x128xf32, #tpu.memory_space<vmem>>, vector<16xf32>,
            %get3A_528 = arith.index_cast %squeeze3A_518 : i32 to index
            %get3A_529 = arith.constant 16 : index
            %get3A_530 = tpu.vector_load %arg10[%get3A_528, %get3A_529] {strides = array<i32>} : memref<320x128xf32, #tpu.memory_space<vmem>>, vector<16xf32>,
            %get3A_531 = arith.index_cast %while3A_514 : i32 to index
            %get3A_532 = arith.constant 16 : index
            %get3A_533 = tpu.vector_load %arg9[%get3A_531, %get3A_532] {strides = array<i32>} : memref<512x128xf32, #tpu.memory_space<vmem>>, vector<16xf32>,
            %max3A_534 = arith.maximumf %get3A_530, %get3A_533 : vector<16xf32>
            %swap3A_535 = arith.index_cast %squeeze3A_518 : i32 to index
            %swap3A_536 = arith.constant 16 : index
            %swap3A_537 = tpu.vector_load %arg10[%swap3A_535, %swap3A_536] {strides = array<i32>} : memref<320x128xf32, #tpu.memory_space<vmem>>, vector<16xf32>,
            tpu.vector_store %arg10[%swap3A_535, %swap3A_536], %max3A_534 {strides = array<i32>} : memref<320x128xf32, #tpu.memory_space<vmem>>, vector<16xf32>,
            %get3A_538 = arith.index_cast %squeeze3A_518 : i32 to index
            %get3A_539 = arith.constant 32 : index
            %get3A_540 = tpu.vector_load %arg10[%get3A_538, %get3A_539] {strides = array<i32>} : memref<320x128xf32, #tpu.memory_space<vmem>>, vector<16xf32>,
            %get3A_541 = arith.index_cast %while3A_514 : i32 to index
            %get3A_542 = arith.constant 32 : index
            %get3A_543 = tpu.vector_load %arg9[%get3A_541, %get3A_542] {strides = array<i32>} : memref<512x128xf32, #tpu.memory_space<vmem>>, vector<16xf32>,
            %max3A_544 = arith.maximumf %get3A_540, %get3A_543 : vector<16xf32>
            %swap3A_545 = arith.index_cast %squeeze3A_518 : i32 to index
            %swap3A_546 = arith.constant 32 : index
            %swap3A_547 = tpu.vector_load %arg10[%swap3A_545, %swap3A_546] {strides = array<i32>} : memref<320x128xf32, #tpu.memory_space<vmem>>, vector<16xf32>,
            tpu.vector_store %arg10[%swap3A_545, %swap3A_546], %max3A_544 {strides = array<i32>} : memref<320x128xf32, #tpu.memory_space<vmem>>, vector<16xf32>,
            %get3A_548 = arith.index_cast %squeeze3A_518 : i32 to index
            %get3A_549 = arith.constant 48 : index
            %get3A_550 = tpu.vector_load %arg10[%get3A_548, %get3A_549] {strides = array<i32>} : memref<320x128xf32, #tpu.memory_space<vmem>>, vector<16xf32>,
            %get3A_551 = arith.index_cast %while3A_514 : i32 to index
            %get3A_552 = arith.constant 48 : index
            %get3A_553 = tpu.vector_load %arg9[%get3A_551, %get3A_552] {strides = array<i32>} : memref<512x128xf32, #tpu.memory_space<vmem>>, vector<16xf32>,
            %max3A_554 = arith.maximumf %get3A_550, %get3A_553 : vector<16xf32>
            %swap3A_555 = arith.index_cast %squeeze3A_518 : i32 to index
            %swap3A_556 = arith.constant 48 : index
            %swap3A_557 = tpu.vector_load %arg10[%swap3A_555, %swap3A_556] {strides = array<i32>} : memref<320x128xf32, #tpu.memory_space<vmem>>, vector<16xf32>,
            tpu.vector_store %arg10[%swap3A_555, %swap3A_556], %max3A_554 {strides = array<i32>} : memref<320x128xf32, #tpu.memory_space<vmem>>, vector<16xf32>,
            %get3A_558 = arith.index_cast %squeeze3A_518 : i32 to index
            %get3A_559 = arith.constant 64 : index
            %get3A_560 = tpu.vector_load %arg10[%get3A_558, %get3A_559] {strides = array<i32>} : memref<320x128xf32, #tpu.memory_space<vmem>>, vector<16xf32>,
            %get3A_561 = arith.index_cast %while3A_514 : i32 to index
            %get3A_562 = arith.constant 64 : index
            %get3A_563 = tpu.vector_load %arg9[%get3A_561, %get3A_562] {strides = array<i32>} : memref<512x128xf32, #tpu.memory_space<vmem>>, vector<16xf32>,
            %max3A_564 = arith.maximumf %get3A_560, %get3A_563 : vector<16xf32>
            %swap3A_565 = arith.index_cast %squeeze3A_518 : i32 to index
            %swap3A_566 = arith.constant 64 : index
            %swap3A_567 = tpu.vector_load %arg10[%swap3A_565, %swap3A_566] {strides = array<i32>} : memref<320x128xf32, #tpu.memory_space<vmem>>, vector<16xf32>,
            tpu.vector_store %arg10[%swap3A_565, %swap3A_566], %max3A_564 {strides = array<i32>} : memref<320x128xf32, #tpu.memory_space<vmem>>, vector<16xf32>,
            %get3A_568 = arith.index_cast %squeeze3A_518 : i32 to index
            %get3A_569 = arith.constant 80 : index
            %get3A_570 = tpu.vector_load %arg10[%get3A_568, %get3A_569] {strides = array<i32>} : memref<320x128xf32, #tpu.memory_space<vmem>>, vector<16xf32>,
            %get3A_571 = arith.index_cast %while3A_514 : i32 to index
            %get3A_572 = arith.constant 80 : index
            %get3A_573 = tpu.vector_load %arg9[%get3A_571, %get3A_572] {strides = array<i32>} : memref<512x128xf32, #tpu.memory_space<vmem>>, vector<16xf32>,
            %max3A_574 = arith.maximumf %get3A_570, %get3A_573 : vector<16xf32>
            %swap3A_575 = arith.index_cast %squeeze3A_518 : i32 to index
            %swap3A_576 = arith.constant 80 : index
            %swap3A_577 = tpu.vector_load %arg10[%swap3A_575, %swap3A_576] {strides = array<i32>} : memref<320x128xf32, #tpu.memory_space<vmem>>, vector<16xf32>,
            tpu.vector_store %arg10[%swap3A_575, %swap3A_576], %max3A_574 {strides = array<i32>} : memref<320x128xf32, #tpu.memory_space<vmem>>, vector<16xf32>,
            %get3A_578 = arith.index_cast %squeeze3A_518 : i32 to index
            %get3A_579 = arith.constant 96 : index
            %get3A_580 = tpu.vector_load %arg10[%get3A_578, %get3A_579] {strides = array<i32>} : memref<320x128xf32, #tpu.memory_space<vmem>>, vector<16xf32>,
            %get3A_581 = arith.index_cast %while3A_514 : i32 to index
            %get3A_582 = arith.constant 96 : index
            %get3A_583 = tpu.vector_load %arg9[%get3A_581, %get3A_582] {strides = array<i32>} : memref<512x128xf32, #tpu.memory_space<vmem>>, vector<16xf32>,
            %max3A_584 = arith.maximumf %get3A_580, %get3A_583 : vector<16xf32>
            %swap3A_585 = arith.index_cast %squeeze3A_518 : i32 to index
            %swap3A_586 = arith.constant 96 : index
            %swap3A_587 = tpu.vector_load %arg10[%swap3A_585, %swap3A_586] {strides = array<i32>} : memref<320x128xf32, #tpu.memory_space<vmem>>, vector<16xf32>,
            tpu.vector_store %arg10[%swap3A_585, %swap3A_586], %max3A_584 {strides = array<i32>} : memref<320x128xf32, #tpu.memory_space<vmem>>, vector<16xf32>,
            %get3A_588 = arith.index_cast %squeeze3A_518 : i32 to index
            %get3A_589 = arith.constant 112 : index
            %get3A_590 = tpu.vector_load %arg10[%get3A_588, %get3A_589] {strides = array<i32>} : memref<320x128xf32, #tpu.memory_space<vmem>>, vector<16xf32>,
            %get3A_591 = arith.index_cast %while3A_514 : i32 to index
            %get3A_592 = arith.constant 112 : index
            %get3A_593 = tpu.vector_load %arg9[%get3A_591, %get3A_592] {strides = array<i32>} : memref<512x128xf32, #tpu.memory_space<vmem>>, vector<16xf32>,
            %max3A_594 = arith.maximumf %get3A_590, %get3A_593 : vector<16xf32>
            %swap3A_595 = arith.index_cast %squeeze3A_518 : i32 to index
            %swap3A_596 = arith.constant 112 : index
            %swap3A_597 = tpu.vector_load %arg10[%swap3A_595, %swap3A_596] {strides = array<i32>} : memref<320x128xf32, #tpu.memory_space<vmem>>, vector<16xf32>,
            tpu.vector_store %arg10[%swap3A_595, %swap3A_596], %max3A_594 {strides = array<i32>} : memref<320x128xf32, #tpu.memory_space<vmem>>, vector<16xf32>,
          }
          %dma_wait3A_465 = arith.constant 2 : i32
          %dma_wait3A_466 = arith.constant 256 : i32
          %dma_wait3A_467 = arith.constant 0 : i32
          %dma_wait3A_468 = tpu.memref_slice %arg9[%dma_wait3A_466, %dma_wait3A_467] : memref<512x128xf32, #tpu.memory_space<vmem>> -> memref<128x128xf32, #tpu.memory_space<vmem>>
          %dma_wait3A_469 = arith.constant 256 : i32
          %dma_wait3A_470 = tpu.memref_slice %arg7[%dma_wait3A_469] : memref<512xi32, #tpu.memory_space<vmem>> -> memref<128xi32, #tpu.memory_space<vmem>>
          %dma_wait3A_471 = arith.constant 0 : i32
          %dma_wait3A_472 = arith.constant 0 : i32
          %dma_wait3A_473 = tpu.memref_slice %arg3[%dma_wait3A_471, %dma_wait3A_472] : memref<320000x128xf32, #tpu.memory_space<hbm>> -> memref<320000x128xf32, #tpu.memory_space<hbm>>
          %dma_wait3A_474 = tpu.memref_slice %arg11[%dma_wait3A_465] : memref<4x!tpu.dma_semaphore, #tpu.memory_space<semaphore_mem>> -> memref<1x!tpu.dma_semaphore, #tpu.memory_space<semaphore_mem>>
          %dma_wait3A_475 = tpu.memref_squeeze %dma_wait3A_474 : memref<1x!tpu.dma_semaphore, #tpu.memory_space<semaphore_mem>> -> memref<!tpu.dma_semaphore, #tpu.memory_space<semaphore_mem>>
          tpu.wait_indirect_dma semaphore(%dma_wait3A_475 : memref<!tpu.dma_semaphore, #tpu.memory_space<semaphore_mem>>) src(%dma_wait3A_473 : memref<320000x128xf32, #tpu.memory_space<hbm>>) dst(%dma_wait3A_468 : memref<128x128xf32, #tpu.memory_space<vmem>>)
          %min3A_476 = arith.constant 384 : i32
          %min3A_477 = arith.minsi %add3A_367, %min3A_476 : i32
          %min3A_478 = arith.constant 256 : i32
          %min3A_479 = arith.minsi %min3A_477, %min3A_478 : i32
          %while3A_480 = arith.constant 0 : i32
          %while3A_481 = arith.subi %min3A_477, %min3A_479 : i32
          %while3A_482 = arith.addi %min3A_479, %while3A_481 : i32
          %while3A_483 = arith.constant 1 : i32
          %while3A_484 = arith.divsi %while3A_481, %while3A_483 : i32
          %while3A_485 = arith.muli %while3A_484, %while3A_483 : i32
          %while3A_486 = arith.addi %min3A_479, %while3A_485 : i32
          %while3A_487 = arith.constant 1 : i32
          scf.for %while3A_514 = %min3A_479 to %while3A_486 step %while3A_487  : i32 {
            %get3A_515 = arith.index_cast %while3A_514 : i32 to index
            %get3A_516 = tpu.vector_load %arg8[%get3A_515] {strides = array<i32>} : memref<528xi32, #tpu.memory_space<vmem>>, vector<16xi32>,
            %slice3A_517 = vector.extract_strided_slice %get3A_516 {offsets = [0], sizes = [1], strides = [1]} : vector<16xi32> to vector<1xi32>
            %squeeze3A_518 = vector.extract %slice3A_517[0] : i32 from vector<1xi32>
            %get3A_519 = arith.index_cast %squeeze3A_518 : i32 to index
            %get3A_520 = arith.constant 0 : index
            %get3A_521 = tpu.vector_load %arg10[%get3A_519, %get3A_520] {strides = array<i32>} : memref<320x128xf32, #tpu.memory_space<vmem>>, vector<16xf32>,
            %get3A_522 = arith.index_cast %while3A_514 : i32 to index
            %get3A_523 = arith.constant 0 : index
            %get3A_524 = tpu.vector_load %arg9[%get3A_522, %get3A_523] {strides = array<i32>} : memref<512x128xf32, #tpu.memory_space<vmem>>, vector<16xf32>,
            %max3A = arith.maximumf %get3A_521, %get3A_524 : vector<16xf32>
            %swap3A_525 = arith.index_cast %squeeze3A_518 : i32 to index
            %swap3A_526 = arith.constant 0 : index
            %swap3A_527 = tpu.vector_load %arg10[%swap3A_525, %swap3A_526] {strides = array<i32>} : memref<320x128xf32, #tpu.memory_space<vmem>>, vector<16xf32>,
            tpu.vector_store %arg10[%swap3A_525, %swap3A_526], %max3A {strides = array<i32>} : memref<320x128xf32, #tpu.memory_space<vmem>>, vector<16xf32>,
            %get3A_528 = arith.index_cast %squeeze3A_518 : i32 to index
            %get3A_529 = arith.constant 16 : index
            %get3A_530 = tpu.vector_load %arg10[%get3A_528, %get3A_529] {strides = array<i32>} : memref<320x128xf32, #tpu.memory_space<vmem>>, vector<16xf32>,
            %get3A_531 = arith.index_cast %while3A_514 : i32 to index
            %get3A_532 = arith.constant 16 : index
            %get3A_533 = tpu.vector_load %arg9[%get3A_531, %get3A_532] {strides = array<i32>} : memref<512x128xf32, #tpu.memory_space<vmem>>, vector<16xf32>,
            %max3A_534 = arith.maximumf %get3A_530, %get3A_533 : vector<16xf32>
            %swap3A_535 = arith.index_cast %squeeze3A_518 : i32 to index
            %swap3A_536 = arith.constant 16 : index
            %swap3A_537 = tpu.vector_load %arg10[%swap3A_535, %swap3A_536] {strides = array<i32>} : memref<320x128xf32, #tpu.memory_space<vmem>>, vector<16xf32>,
            tpu.vector_store %arg10[%swap3A_535, %swap3A_536], %max3A_534 {strides = array<i32>} : memref<320x128xf32, #tpu.memory_space<vmem>>, vector<16xf32>,
            %get3A_538 = arith.index_cast %squeeze3A_518 : i32 to index
            %get3A_539 = arith.constant 32 : index
            %get3A_540 = tpu.vector_load %arg10[%get3A_538, %get3A_539] {strides = array<i32>} : memref<320x128xf32, #tpu.memory_space<vmem>>, vector<16xf32>,
            %get3A_541 = arith.index_cast %while3A_514 : i32 to index
            %get3A_542 = arith.constant 32 : index
            %get3A_543 = tpu.vector_load %arg9[%get3A_541, %get3A_542] {strides = array<i32>} : memref<512x128xf32, #tpu.memory_space<vmem>>, vector<16xf32>,
            %max3A_544 = arith.maximumf %get3A_540, %get3A_543 : vector<16xf32>
            %swap3A_545 = arith.index_cast %squeeze3A_518 : i32 to index
            %swap3A_546 = arith.constant 32 : index
            %swap3A_547 = tpu.vector_load %arg10[%swap3A_545, %swap3A_546] {strides = array<i32>} : memref<320x128xf32, #tpu.memory_space<vmem>>, vector<16xf32>,
            tpu.vector_store %arg10[%swap3A_545, %swap3A_546], %max3A_544 {strides = array<i32>} : memref<320x128xf32, #tpu.memory_space<vmem>>, vector<16xf32>,
            %get3A_548 = arith.index_cast %squeeze3A_518 : i32 to index
            %get3A_549 = arith.constant 48 : index
            %get3A_550 = tpu.vector_load %arg10[%get3A_548, %get3A_549] {strides = array<i32>} : memref<320x128xf32, #tpu.memory_space<vmem>>, vector<16xf32>,
            %get3A_551 = arith.index_cast %while3A_514 : i32 to index
            %get3A_552 = arith.constant 48 : index
            %get3A_553 = tpu.vector_load %arg9[%get3A_551, %get3A_552] {strides = array<i32>} : memref<512x128xf32, #tpu.memory_space<vmem>>, vector<16xf32>,
            %max3A_554 = arith.maximumf %get3A_550, %get3A_553 : vector<16xf32>
            %swap3A_555 = arith.index_cast %squeeze3A_518 : i32 to index
            %swap3A_556 = arith.constant 48 : index
            %swap3A_557 = tpu.vector_load %arg10[%swap3A_555, %swap3A_556] {strides = array<i32>} : memref<320x128xf32, #tpu.memory_space<vmem>>, vector<16xf32>,
            tpu.vector_store %arg10[%swap3A_555, %swap3A_556], %max3A_554 {strides = array<i32>} : memref<320x128xf32, #tpu.memory_space<vmem>>, vector<16xf32>,
            %get3A_558 = arith.index_cast %squeeze3A_518 : i32 to index
            %get3A_559 = arith.constant 64 : index
            %get3A_560 = tpu.vector_load %arg10[%get3A_558, %get3A_559] {strides = array<i32>} : memref<320x128xf32, #tpu.memory_space<vmem>>, vector<16xf32>,
            %get3A_561 = arith.index_cast %while3A_514 : i32 to index
            %get3A_562 = arith.constant 64 : index
            %get3A_563 = tpu.vector_load %arg9[%get3A_561, %get3A_562] {strides = array<i32>} : memref<512x128xf32, #tpu.memory_space<vmem>>, vector<16xf32>,
            %max3A_564 = arith.maximumf %get3A_560, %get3A_563 : vector<16xf32>
            %swap3A_565 = arith.index_cast %squeeze3A_518 : i32 to index
            %swap3A_566 = arith.constant 64 : index
            %swap3A_567 = tpu.vector_load %arg10[%swap3A_565, %swap3A_566] {strides = array<i32>} : memref<320x128xf32, #tpu.memory_space<vmem>>, vector<16xf32>,
            tpu.vector_store %arg10[%swap3A_565, %swap3A_566], %max3A_564 {strides = array<i32>} : memref<320x128xf32, #tpu.memory_space<vmem>>, vector<16xf32>,
            %get3A_568 = arith.index_cast %squeeze3A_518 : i32 to index
            %get3A_569 = arith.constant 80 : index
            %get3A_570 = tpu.vector_load %arg10[%get3A_568, %get3A_569] {strides = array<i32>} : memref<320x128xf32, #tpu.memory_space<vmem>>, vector<16xf32>,
            %get3A_571 = arith.index_cast %while3A_514 : i32 to index
            %get3A_572 = arith.constant 80 : index
            %get3A_573 = tpu.vector_load %arg9[%get3A_571, %get3A_572] {strides = array<i32>} : memref<512x128xf32, #tpu.memory_space<vmem>>, vector<16xf32>,
            %max3A_574 = arith.maximumf %get3A_570, %get3A_573 : vector<16xf32>
            %swap3A_575 = arith.index_cast %squeeze3A_518 : i32 to index
            %swap3A_576 = arith.constant 80 : index
            %swap3A_577 = tpu.vector_load %arg10[%swap3A_575, %swap3A_576] {strides = array<i32>} : memref<320x128xf32, #tpu.memory_space<vmem>>, vector<16xf32>,
            tpu.vector_store %arg10[%swap3A_575, %swap3A_576], %max3A_574 {strides = array<i32>} : memref<320x128xf32, #tpu.memory_space<vmem>>, vector<16xf32>,
            %get3A_578 = arith.index_cast %squeeze3A_518 : i32 to index
            %get3A_579 = arith.constant 96 : index
            %get3A_580 = tpu.vector_load %arg10[%get3A_578, %get3A_579] {strides = array<i32>} : memref<320x128xf32, #tpu.memory_space<vmem>>, vector<16xf32>,
            %get3A_581 = arith.index_cast %while3A_514 : i32 to index
            %get3A_582 = arith.constant 96 : index
            %get3A_583 = tpu.vector_load %arg9[%get3A_581, %get3A_582] {strides = array<i32>} : memref<512x128xf32, #tpu.memory_space<vmem>>, vector<16xf32>,
            %max3A_584 = arith.maximumf %get3A_580, %get3A_583 : vector<16xf32>
            %swap3A_585 = arith.index_cast %squeeze3A_518 : i32 to index
            %swap3A_586 = arith.constant 96 : index
            %swap3A_587 = tpu.vector_load %arg10[%swap3A_585, %swap3A_586] {strides = array<i32>} : memref<320x128xf32, #tpu.memory_space<vmem>>, vector<16xf32>,
            tpu.vector_store %arg10[%swap3A_585, %swap3A_586], %max3A_584 {strides = array<i32>} : memref<320x128xf32, #tpu.memory_space<vmem>>, vector<16xf32>,
            %get3A_588 = arith.index_cast %squeeze3A_518 : i32 to index
            %get3A_589 = arith.constant 112 : index
            %get3A_590 = tpu.vector_load %arg10[%get3A_588, %get3A_589] {strides = array<i32>} : memref<320x128xf32, #tpu.memory_space<vmem>>, vector<16xf32>,
            %get3A_591 = arith.index_cast %while3A_514 : i32 to index
            %get3A_592 = arith.constant 112 : index
            %get3A_593 = tpu.vector_load %arg9[%get3A_591, %get3A_592] {strides = array<i32>} : memref<512x128xf32, #tpu.memory_space<vmem>>, vector<16xf32>,
            %max3A_594 = arith.maximumf %get3A_590, %get3A_593 : vector<16xf32>
            %swap3A_595 = arith.index_cast %squeeze3A_518 : i32 to index
            %swap3A_596 = arith.constant 112 : index
            %swap3A_597 = tpu.vector_load %arg10[%swap3A_595, %swap3A_596] {strides = array<i32>} : memref<320x128xf32, #tpu.memory_space<vmem>>, vector<16xf32>,
            tpu.vector_store %arg10[%swap3A_595, %swap3A_596], %max3A_594 {strides = array<i32>} : memref<320x128xf32, #tpu.memory_space<vmem>>, vector<16xf32>,
          }
          %while3A_488 = arith.constant 1 : i32
          scf.for %while3A_514 = %while3A_486 to %while3A_482 step %while3A_488  : i32 {
            %get3A_515 = arith.index_cast %while3A_514 : i32 to index
            %get3A_516 = tpu.vector_load %arg8[%get3A_515] {strides = array<i32>} : memref<528xi32, #tpu.memory_space<vmem>>, vector<16xi32>,
            %slice3A_517 = vector.extract_strided_slice %get3A_516 {offsets = [0], sizes = [1], strides = [1]} : vector<16xi32> to vector<1xi32>
            %squeeze3A_518 = vector.extract %slice3A_517[0] : i32 from vector<1xi32>
            %get3A_519 = arith.index_cast %squeeze3A_518 : i32 to index
            %get3A_520 = arith.constant 0 : index
            %get3A_521 = tpu.vector_load %arg10[%get3A_519, %get3A_520] {strides = array<i32>} : memref<320x128xf32, #tpu.memory_space<vmem>>, vector<16xf32>,
            %get3A_522 = arith.index_cast %while3A_514 : i32 to index
            %get3A_523 = arith.constant 0 : index
            %get3A_524 = tpu.vector_load %arg9[%get3A_522, %get3A_523] {strides = array<i32>} : memref<512x128xf32, #tpu.memory_space<vmem>>, vector<16xf32>,
            %max3A = arith.maximumf %get3A_521, %get3A_524 : vector<16xf32>
            %swap3A_525 = arith.index_cast %squeeze3A_518 : i32 to index
            %swap3A_526 = arith.constant 0 : index
            %swap3A_527 = tpu.vector_load %arg10[%swap3A_525, %swap3A_526] {strides = array<i32>} : memref<320x128xf32, #tpu.memory_space<vmem>>, vector<16xf32>,
            tpu.vector_store %arg10[%swap3A_525, %swap3A_526], %max3A {strides = array<i32>} : memref<320x128xf32, #tpu.memory_space<vmem>>, vector<16xf32>,
            %get3A_528 = arith.index_cast %squeeze3A_518 : i32 to index
            %get3A_529 = arith.constant 16 : index
            %get3A_530 = tpu.vector_load %arg10[%get3A_528, %get3A_529] {strides = array<i32>} : memref<320x128xf32, #tpu.memory_space<vmem>>, vector<16xf32>,
            %get3A_531 = arith.index_cast %while3A_514 : i32 to index
            %get3A_532 = arith.constant 16 : index
            %get3A_533 = tpu.vector_load %arg9[%get3A_531, %get3A_532] {strides = array<i32>} : memref<512x128xf32, #tpu.memory_space<vmem>>, vector<16xf32>,
            %max3A_534 = arith.maximumf %get3A_530, %get3A_533 : vector<16xf32>
            %swap3A_535 = arith.index_cast %squeeze3A_518 : i32 to index
            %swap3A_536 = arith.constant 16 : index
            %swap3A_537 = tpu.vector_load %arg10[%swap3A_535, %swap3A_536] {strides = array<i32>} : memref<320x128xf32, #tpu.memory_space<vmem>>, vector<16xf32>,
            tpu.vector_store %arg10[%swap3A_535, %swap3A_536], %max3A_534 {strides = array<i32>} : memref<320x128xf32, #tpu.memory_space<vmem>>, vector<16xf32>,
            %get3A_538 = arith.index_cast %squeeze3A_518 : i32 to index
            %get3A_539 = arith.constant 32 : index
            %get3A_540 = tpu.vector_load %arg10[%get3A_538, %get3A_539] {strides = array<i32>} : memref<320x128xf32, #tpu.memory_space<vmem>>, vector<16xf32>,
            %get3A_541 = arith.index_cast %while3A_514 : i32 to index
            %get3A_542 = arith.constant 32 : index
            %get3A_543 = tpu.vector_load %arg9[%get3A_541, %get3A_542] {strides = array<i32>} : memref<512x128xf32, #tpu.memory_space<vmem>>, vector<16xf32>,
            %max3A_544 = arith.maximumf %get3A_540, %get3A_543 : vector<16xf32>
            %swap3A_545 = arith.index_cast %squeeze3A_518 : i32 to index
            %swap3A_546 = arith.constant 32 : index
            %swap3A_547 = tpu.vector_load %arg10[%swap3A_545, %swap3A_546] {strides = array<i32>} : memref<320x128xf32, #tpu.memory_space<vmem>>, vector<16xf32>,
            tpu.vector_store %arg10[%swap3A_545, %swap3A_546], %max3A_544 {strides = array<i32>} : memref<320x128xf32, #tpu.memory_space<vmem>>, vector<16xf32>,
            %get3A_548 = arith.index_cast %squeeze3A_518 : i32 to index
            %get3A_549 = arith.constant 48 : index
            %get3A_550 = tpu.vector_load %arg10[%get3A_548, %get3A_549] {strides = array<i32>} : memref<320x128xf32, #tpu.memory_space<vmem>>, vector<16xf32>,
            %get3A_551 = arith.index_cast %while3A_514 : i32 to index
            %get3A_552 = arith.constant 48 : index
            %get3A_553 = tpu.vector_load %arg9[%get3A_551, %get3A_552] {strides = array<i32>} : memref<512x128xf32, #tpu.memory_space<vmem>>, vector<16xf32>,
            %max3A_554 = arith.maximumf %get3A_550, %get3A_553 : vector<16xf32>
            %swap3A_555 = arith.index_cast %squeeze3A_518 : i32 to index
            %swap3A_556 = arith.constant 48 : index
            %swap3A_557 = tpu.vector_load %arg10[%swap3A_555, %swap3A_556] {strides = array<i32>} : memref<320x128xf32, #tpu.memory_space<vmem>>, vector<16xf32>,
            tpu.vector_store %arg10[%swap3A_555, %swap3A_556], %max3A_554 {strides = array<i32>} : memref<320x128xf32, #tpu.memory_space<vmem>>, vector<16xf32>,
            %get3A_558 = arith.index_cast %squeeze3A_518 : i32 to index
            %get3A_559 = arith.constant 64 : index
            %get3A_560 = tpu.vector_load %arg10[%get3A_558, %get3A_559] {strides = array<i32>} : memref<320x128xf32, #tpu.memory_space<vmem>>, vector<16xf32>,
            %get3A_561 = arith.index_cast %while3A_514 : i32 to index
            %get3A_562 = arith.constant 64 : index
            %get3A_563 = tpu.vector_load %arg9[%get3A_561, %get3A_562] {strides = array<i32>} : memref<512x128xf32, #tpu.memory_space<vmem>>, vector<16xf32>,
            %max3A_564 = arith.maximumf %get3A_560, %get3A_563 : vector<16xf32>
            %swap3A_565 = arith.index_cast %squeeze3A_518 : i32 to index
            %swap3A_566 = arith.constant 64 : index
            %swap3A_567 = tpu.vector_load %arg10[%swap3A_565, %swap3A_566] {strides = array<i32>} : memref<320x128xf32, #tpu.memory_space<vmem>>, vector<16xf32>,
            tpu.vector_store %arg10[%swap3A_565, %swap3A_566], %max3A_564 {strides = array<i32>} : memref<320x128xf32, #tpu.memory_space<vmem>>, vector<16xf32>,
            %get3A_568 = arith.index_cast %squeeze3A_518 : i32 to index
            %get3A_569 = arith.constant 80 : index
            %get3A_570 = tpu.vector_load %arg10[%get3A_568, %get3A_569] {strides = array<i32>} : memref<320x128xf32, #tpu.memory_space<vmem>>, vector<16xf32>,
            %get3A_571 = arith.index_cast %while3A_514 : i32 to index
            %get3A_572 = arith.constant 80 : index
            %get3A_573 = tpu.vector_load %arg9[%get3A_571, %get3A_572] {strides = array<i32>} : memref<512x128xf32, #tpu.memory_space<vmem>>, vector<16xf32>,
            %max3A_574 = arith.maximumf %get3A_570, %get3A_573 : vector<16xf32>
            %swap3A_575 = arith.index_cast %squeeze3A_518 : i32 to index
            %swap3A_576 = arith.constant 80 : index
            %swap3A_577 = tpu.vector_load %arg10[%swap3A_575, %swap3A_576] {strides = array<i32>} : memref<320x128xf32, #tpu.memory_space<vmem>>, vector<16xf32>,
            tpu.vector_store %arg10[%swap3A_575, %swap3A_576], %max3A_574 {strides = array<i32>} : memref<320x128xf32, #tpu.memory_space<vmem>>, vector<16xf32>,
            %get3A_578 = arith.index_cast %squeeze3A_518 : i32 to index
            %get3A_579 = arith.constant 96 : index
            %get3A_580 = tpu.vector_load %arg10[%get3A_578, %get3A_579] {strides = array<i32>} : memref<320x128xf32, #tpu.memory_space<vmem>>, vector<16xf32>,
            %get3A_581 = arith.index_cast %while3A_514 : i32 to index
            %get3A_582 = arith.constant 96 : index
            %get3A_583 = tpu.vector_load %arg9[%get3A_581, %get3A_582] {strides = array<i32>} : memref<512x128xf32, #tpu.memory_space<vmem>>, vector<16xf32>,
            %max3A_584 = arith.maximumf %get3A_580, %get3A_583 : vector<16xf32>
            %swap3A_585 = arith.index_cast %squeeze3A_518 : i32 to index
            %swap3A_586 = arith.constant 96 : index
            %swap3A_587 = tpu.vector_load %arg10[%swap3A_585, %swap3A_586] {strides = array<i32>} : memref<320x128xf32, #tpu.memory_space<vmem>>, vector<16xf32>,
            tpu.vector_store %arg10[%swap3A_585, %swap3A_586], %max3A_584 {strides = array<i32>} : memref<320x128xf32, #tpu.memory_space<vmem>>, vector<16xf32>,
            %get3A_588 = arith.index_cast %squeeze3A_518 : i32 to index
            %get3A_589 = arith.constant 112 : index
            %get3A_590 = tpu.vector_load %arg10[%get3A_588, %get3A_589] {strides = array<i32>} : memref<320x128xf32, #tpu.memory_space<vmem>>, vector<16xf32>,
            %get3A_591 = arith.index_cast %while3A_514 : i32 to index
            %get3A_592 = arith.constant 112 : index
            %get3A_593 = tpu.vector_load %arg9[%get3A_591, %get3A_592] {strides = array<i32>} : memref<512x128xf32, #tpu.memory_space<vmem>>, vector<16xf32>,
            %max3A_594 = arith.maximumf %get3A_590, %get3A_593 : vector<16xf32>
            %swap3A_595 = arith.index_cast %squeeze3A_518 : i32 to index
            %swap3A_596 = arith.constant 112 : index
            %swap3A_597 = tpu.vector_load %arg10[%swap3A_595, %swap3A_596] {strides = array<i32>} : memref<320x128xf32, #tpu.memory_space<vmem>>, vector<16xf32>,
            tpu.vector_store %arg10[%swap3A_595, %swap3A_596], %max3A_594 {strides = array<i32>} : memref<320x128xf32, #tpu.memory_space<vmem>>, vector<16xf32>,
          }
          %dma_wait3A_489 = arith.constant 3 : i32
          %dma_wait3A_490 = arith.constant 384 : i32
          %dma_wait3A_491 = arith.constant 0 : i32
          %dma_wait3A_492 = tpu.memref_slice %arg9[%dma_wait3A_490, %dma_wait3A_491] : memref<512x128xf32, #tpu.memory_space<vmem>> -> memref<128x128xf32, #tpu.memory_space<vmem>>
          %dma_wait3A_493 = arith.constant 384 : i32
          %dma_wait3A_494 = tpu.memref_slice %arg7[%dma_wait3A_493] : memref<512xi32, #tpu.memory_space<vmem>> -> memref<128xi32, #tpu.memory_space<vmem>>
          %dma_wait3A_495 = arith.constant 0 : i32
          %dma_wait3A_496 = arith.constant 0 : i32
          %dma_wait3A_497 = tpu.memref_slice %arg3[%dma_wait3A_495, %dma_wait3A_496] : memref<320000x128xf32, #tpu.memory_space<hbm>> -> memref<320000x128xf32, #tpu.memory_space<hbm>>
          %dma_wait3A_498 = tpu.memref_slice %arg11[%dma_wait3A_489] : memref<4x!tpu.dma_semaphore, #tpu.memory_space<semaphore_mem>> -> memref<1x!tpu.dma_semaphore, #tpu.memory_space<semaphore_mem>>
          %dma_wait3A_499 = tpu.memref_squeeze %dma_wait3A_498 : memref<1x!tpu.dma_semaphore, #tpu.memory_space<semaphore_mem>> -> memref<!tpu.dma_semaphore, #tpu.memory_space<semaphore_mem>>
          tpu.wait_indirect_dma semaphore(%dma_wait3A_499 : memref<!tpu.dma_semaphore, #tpu.memory_space<semaphore_mem>>) src(%dma_wait3A_497 : memref<320000x128xf32, #tpu.memory_space<hbm>>) dst(%dma_wait3A_492 : memref<128x128xf32, #tpu.memory_space<vmem>>)
          %min3A_500 = arith.constant 512 : i32
          %min3A_501 = arith.minsi %add3A_367, %min3A_500 : i32
          %min3A_502 = arith.constant 384 : i32
          %min3A_503 = arith.minsi %min3A_501, %min3A_502 : i32
          %while3A_504 = arith.constant 0 : i32
          %while3A_505 = arith.subi %min3A_501, %min3A_503 : i32
          %while3A_506 = arith.addi %min3A_503, %while3A_505 : i32
          %while3A_507 = arith.constant 1 : i32
          %while3A_508 = arith.divsi %while3A_505, %while3A_507 : i32
          %while3A_509 = arith.muli %while3A_508, %while3A_507 : i32
          %while3A_510 = arith.addi %min3A_503, %while3A_509 : i32
          %while3A_511 = arith.constant 1 : i32
          scf.for %while3A_514 = %min3A_503 to %while3A_510 step %while3A_511  : i32 {
            %get3A_515 = arith.index_cast %while3A_514 : i32 to index
            %get3A_516 = tpu.vector_load %arg8[%get3A_515] {strides = array<i32>} : memref<528xi32, #tpu.memory_space<vmem>>, vector<16xi32>,
            %slice3A_517 = vector.extract_strided_slice %get3A_516 {offsets = [0], sizes = [1], strides = [1]} : vector<16xi32> to vector<1xi32>
            %squeeze3A_518 = vector.extract %slice3A_517[0] : i32 from vector<1xi32>
            %get3A_519 = arith.index_cast %squeeze3A_518 : i32 to index
            %get3A_520 = arith.constant 0 : index
            %get3A_521 = tpu.vector_load %arg10[%get3A_519, %get3A_520] {strides = array<i32>} : memref<320x128xf32, #tpu.memory_space<vmem>>, vector<16xf32>,
            %get3A_522 = arith.index_cast %while3A_514 : i32 to index
            %get3A_523 = arith.constant 0 : index
            %get3A_524 = tpu.vector_load %arg9[%get3A_522, %get3A_523] {strides = array<i32>} : memref<512x128xf32, #tpu.memory_space<vmem>>, vector<16xf32>,
            %max3A = arith.maximumf %get3A_521, %get3A_524 : vector<16xf32>
            %swap3A_525 = arith.index_cast %squeeze3A_518 : i32 to index
            %swap3A_526 = arith.constant 0 : index
            %swap3A_527 = tpu.vector_load %arg10[%swap3A_525, %swap3A_526] {strides = array<i32>} : memref<320x128xf32, #tpu.memory_space<vmem>>, vector<16xf32>,
            tpu.vector_store %arg10[%swap3A_525, %swap3A_526], %max3A {strides = array<i32>} : memref<320x128xf32, #tpu.memory_space<vmem>>, vector<16xf32>,
            %get3A_528 = arith.index_cast %squeeze3A_518 : i32 to index
            %get3A_529 = arith.constant 16 : index
            %get3A_530 = tpu.vector_load %arg10[%get3A_528, %get3A_529] {strides = array<i32>} : memref<320x128xf32, #tpu.memory_space<vmem>>, vector<16xf32>,
            %get3A_531 = arith.index_cast %while3A_514 : i32 to index
            %get3A_532 = arith.constant 16 : index
            %get3A_533 = tpu.vector_load %arg9[%get3A_531, %get3A_532] {strides = array<i32>} : memref<512x128xf32, #tpu.memory_space<vmem>>, vector<16xf32>,
            %max3A_534 = arith.maximumf %get3A_530, %get3A_533 : vector<16xf32>
            %swap3A_535 = arith.index_cast %squeeze3A_518 : i32 to index
            %swap3A_536 = arith.constant 16 : index
            %swap3A_537 = tpu.vector_load %arg10[%swap3A_535, %swap3A_536] {strides = array<i32>} : memref<320x128xf32, #tpu.memory_space<vmem>>, vector<16xf32>,
            tpu.vector_store %arg10[%swap3A_535, %swap3A_536], %max3A_534 {strides = array<i32>} : memref<320x128xf32, #tpu.memory_space<vmem>>, vector<16xf32>,
            %get3A_538 = arith.index_cast %squeeze3A_518 : i32 to index
            %get3A_539 = arith.constant 32 : index
            %get3A_540 = tpu.vector_load %arg10[%get3A_538, %get3A_539] {strides = array<i32>} : memref<320x128xf32, #tpu.memory_space<vmem>>, vector<16xf32>,
            %get3A_541 = arith.index_cast %while3A_514 : i32 to index
            %get3A_542 = arith.constant 32 : index
            %get3A_543 = tpu.vector_load %arg9[%get3A_541, %get3A_542] {strides = array<i32>} : memref<512x128xf32, #tpu.memory_space<vmem>>, vector<16xf32>,
            %max3A_544 = arith.maximumf %get3A_540, %get3A_543 : vector<16xf32>
            %swap3A_545 = arith.index_cast %squeeze3A_518 : i32 to index
            %swap3A_546 = arith.constant 32 : index
            %swap3A_547 = tpu.vector_load %arg10[%swap3A_545, %swap3A_546] {strides = array<i32>} : memref<320x128xf32, #tpu.memory_space<vmem>>, vector<16xf32>,
            tpu.vector_store %arg10[%swap3A_545, %swap3A_546], %max3A_544 {strides = array<i32>} : memref<320x128xf32, #tpu.memory_space<vmem>>, vector<16xf32>,
            %get3A_548 = arith.index_cast %squeeze3A_518 : i32 to index
            %get3A_549 = arith.constant 48 : index
            %get3A_550 = tpu.vector_load %arg10[%get3A_548, %get3A_549] {strides = array<i32>} : memref<320x128xf32, #tpu.memory_space<vmem>>, vector<16xf32>,
            %get3A_551 = arith.index_cast %while3A_514 : i32 to index
            %get3A_552 = arith.constant 48 : index
            %get3A_553 = tpu.vector_load %arg9[%get3A_551, %get3A_552] {strides = array<i32>} : memref<512x128xf32, #tpu.memory_space<vmem>>, vector<16xf32>,
            %max3A_554 = arith.maximumf %get3A_550, %get3A_553 : vector<16xf32>
            %swap3A_555 = arith.index_cast %squeeze3A_518 : i32 to index
            %swap3A_556 = arith.constant 48 : index
            %swap3A_557 = tpu.vector_load %arg10[%swap3A_555, %swap3A_556] {strides = array<i32>} : memref<320x128xf32, #tpu.memory_space<vmem>>, vector<16xf32>,
            tpu.vector_store %arg10[%swap3A_555, %swap3A_556], %max3A_554 {strides = array<i32>} : memref<320x128xf32, #tpu.memory_space<vmem>>, vector<16xf32>,
            %get3A_558 = arith.index_cast %squeeze3A_518 : i32 to index
            %get3A_559 = arith.constant 64 : index
            %get3A_560 = tpu.vector_load %arg10[%get3A_558, %get3A_559] {strides = array<i32>} : memref<320x128xf32, #tpu.memory_space<vmem>>, vector<16xf32>,
            %get3A_561 = arith.index_cast %while3A_514 : i32 to index
            %get3A_562 = arith.constant 64 : index
            %get3A_563 = tpu.vector_load %arg9[%get3A_561, %get3A_562] {strides = array<i32>} : memref<512x128xf32, #tpu.memory_space<vmem>>, vector<16xf32>,
            %max3A_564 = arith.maximumf %get3A_560, %get3A_563 : vector<16xf32>
            %swap3A_565 = arith.index_cast %squeeze3A_518 : i32 to index
            %swap3A_566 = arith.constant 64 : index
            %swap3A_567 = tpu.vector_load %arg10[%swap3A_565, %swap3A_566] {strides = array<i32>} : memref<320x128xf32, #tpu.memory_space<vmem>>, vector<16xf32>,
            tpu.vector_store %arg10[%swap3A_565, %swap3A_566], %max3A_564 {strides = array<i32>} : memref<320x128xf32, #tpu.memory_space<vmem>>, vector<16xf32>,
            %get3A_568 = arith.index_cast %squeeze3A_518 : i32 to index
            %get3A_569 = arith.constant 80 : index
            %get3A_570 = tpu.vector_load %arg10[%get3A_568, %get3A_569] {strides = array<i32>} : memref<320x128xf32, #tpu.memory_space<vmem>>, vector<16xf32>,
            %get3A_571 = arith.index_cast %while3A_514 : i32 to index
            %get3A_572 = arith.constant 80 : index
            %get3A_573 = tpu.vector_load %arg9[%get3A_571, %get3A_572] {strides = array<i32>} : memref<512x128xf32, #tpu.memory_space<vmem>>, vector<16xf32>,
            %max3A_574 = arith.maximumf %get3A_570, %get3A_573 : vector<16xf32>
            %swap3A_575 = arith.index_cast %squeeze3A_518 : i32 to index
            %swap3A_576 = arith.constant 80 : index
            %swap3A_577 = tpu.vector_load %arg10[%swap3A_575, %swap3A_576] {strides = array<i32>} : memref<320x128xf32, #tpu.memory_space<vmem>>, vector<16xf32>,
            tpu.vector_store %arg10[%swap3A_575, %swap3A_576], %max3A_574 {strides = array<i32>} : memref<320x128xf32, #tpu.memory_space<vmem>>, vector<16xf32>,
            %get3A_578 = arith.index_cast %squeeze3A_518 : i32 to index
            %get3A_579 = arith.constant 96 : index
            %get3A_580 = tpu.vector_load %arg10[%get3A_578, %get3A_579] {strides = array<i32>} : memref<320x128xf32, #tpu.memory_space<vmem>>, vector<16xf32>,
            %get3A_581 = arith.index_cast %while3A_514 : i32 to index
            %get3A_582 = arith.constant 96 : index
            %get3A_583 = tpu.vector_load %arg9[%get3A_581, %get3A_582] {strides = array<i32>} : memref<512x128xf32, #tpu.memory_space<vmem>>, vector<16xf32>,
            %max3A_584 = arith.maximumf %get3A_580, %get3A_583 : vector<16xf32>
            %swap3A_585 = arith.index_cast %squeeze3A_518 : i32 to index
            %swap3A_586 = arith.constant 96 : index
            %swap3A_587 = tpu.vector_load %arg10[%swap3A_585, %swap3A_586] {strides = array<i32>} : memref<320x128xf32, #tpu.memory_space<vmem>>, vector<16xf32>,
            tpu.vector_store %arg10[%swap3A_585, %swap3A_586], %max3A_584 {strides = array<i32>} : memref<320x128xf32, #tpu.memory_space<vmem>>, vector<16xf32>,
            %get3A_588 = arith.index_cast %squeeze3A_518 : i32 to index
            %get3A_589 = arith.constant 112 : index
            %get3A_590 = tpu.vector_load %arg10[%get3A_588, %get3A_589] {strides = array<i32>} : memref<320x128xf32, #tpu.memory_space<vmem>>, vector<16xf32>,
            %get3A_591 = arith.index_cast %while3A_514 : i32 to index
            %get3A_592 = arith.constant 112 : index
            %get3A_593 = tpu.vector_load %arg9[%get3A_591, %get3A_592] {strides = array<i32>} : memref<512x128xf32, #tpu.memory_space<vmem>>, vector<16xf32>,
            %max3A_594 = arith.maximumf %get3A_590, %get3A_593 : vector<16xf32>
            %swap3A_595 = arith.index_cast %squeeze3A_518 : i32 to index
            %swap3A_596 = arith.constant 112 : index
            %swap3A_597 = tpu.vector_load %arg10[%swap3A_595, %swap3A_596] {strides = array<i32>} : memref<320x128xf32, #tpu.memory_space<vmem>>, vector<16xf32>,
            tpu.vector_store %arg10[%swap3A_595, %swap3A_596], %max3A_594 {strides = array<i32>} : memref<320x128xf32, #tpu.memory_space<vmem>>, vector<16xf32>,
          }
          %while3A_512 = arith.constant 1 : i32
          scf.for %while3A_514 = %while3A_510 to %while3A_506 step %while3A_512  : i32 {
            %get3A_515 = arith.index_cast %while3A_514 : i32 to index
            %get3A_516 = tpu.vector_load %arg8[%get3A_515] {strides = array<i32>} : memref<528xi32, #tpu.memory_space<vmem>>, vector<16xi32>,
            %slice3A_517 = vector.extract_strided_slice %get3A_516 {offsets = [0], sizes = [1], strides = [1]} : vector<16xi32> to vector<1xi32>
            %squeeze3A_518 = vector.extract %slice3A_517[0] : i32 from vector<1xi32>
            %get3A_519 = arith.index_cast %squeeze3A_518 : i32 to index
            %get3A_520 = arith.constant 0 : index
            %get3A_521 = tpu.vector_load %arg10[%get3A_519, %get3A_520] {strides = array<i32>} : memref<320x128xf32, #tpu.memory_space<vmem>>, vector<16xf32>,
            %get3A_522 = arith.index_cast %while3A_514 : i32 to index
            %get3A_523 = arith.constant 0 : index
            %get3A_524 = tpu.vector_load %arg9[%get3A_522, %get3A_523] {strides = array<i32>} : memref<512x128xf32, #tpu.memory_space<vmem>>, vector<16xf32>,
            %max3A = arith.maximumf %get3A_521, %get3A_524 : vector<16xf32>
            %swap3A_525 = arith.index_cast %squeeze3A_518 : i32 to index
            %swap3A_526 = arith.constant 0 : index
            %swap3A_527 = tpu.vector_load %arg10[%swap3A_525, %swap3A_526] {strides = array<i32>} : memref<320x128xf32, #tpu.memory_space<vmem>>, vector<16xf32>,
            tpu.vector_store %arg10[%swap3A_525, %swap3A_526], %max3A {strides = array<i32>} : memref<320x128xf32, #tpu.memory_space<vmem>>, vector<16xf32>,
            %get3A_528 = arith.index_cast %squeeze3A_518 : i32 to index
            %get3A_529 = arith.constant 16 : index
            %get3A_530 = tpu.vector_load %arg10[%get3A_528, %get3A_529] {strides = array<i32>} : memref<320x128xf32, #tpu.memory_space<vmem>>, vector<16xf32>,
            %get3A_531 = arith.index_cast %while3A_514 : i32 to index
            %get3A_532 = arith.constant 16 : index
            %get3A_533 = tpu.vector_load %arg9[%get3A_531, %get3A_532] {strides = array<i32>} : memref<512x128xf32, #tpu.memory_space<vmem>>, vector<16xf32>,
            %max3A_534 = arith.maximumf %get3A_530, %get3A_533 : vector<16xf32>
            %swap3A_535 = arith.index_cast %squeeze3A_518 : i32 to index
            %swap3A_536 = arith.constant 16 : index
            %swap3A_537 = tpu.vector_load %arg10[%swap3A_535, %swap3A_536] {strides = array<i32>} : memref<320x128xf32, #tpu.memory_space<vmem>>, vector<16xf32>,
            tpu.vector_store %arg10[%swap3A_535, %swap3A_536], %max3A_534 {strides = array<i32>} : memref<320x128xf32, #tpu.memory_space<vmem>>, vector<16xf32>,
            %get3A_538 = arith.index_cast %squeeze3A_518 : i32 to index
            %get3A_539 = arith.constant 32 : index
            %get3A_540 = tpu.vector_load %arg10[%get3A_538, %get3A_539] {strides = array<i32>} : memref<320x128xf32, #tpu.memory_space<vmem>>, vector<16xf32>,
            %get3A_541 = arith.index_cast %while3A_514 : i32 to index
            %get3A_542 = arith.constant 32 : index
            %get3A_543 = tpu.vector_load %arg9[%get3A_541, %get3A_542] {strides = array<i32>} : memref<512x128xf32, #tpu.memory_space<vmem>>, vector<16xf32>,
            %max3A_544 = arith.maximumf %get3A_540, %get3A_543 : vector<16xf32>
            %swap3A_545 = arith.index_cast %squeeze3A_518 : i32 to index
            %swap3A_546 = arith.constant 32 : index
            %swap3A_547 = tpu.vector_load %arg10[%swap3A_545, %swap3A_546] {strides = array<i32>} : memref<320x128xf32, #tpu.memory_space<vmem>>, vector<16xf32>,
            tpu.vector_store %arg10[%swap3A_545, %swap3A_546], %max3A_544 {strides = array<i32>} : memref<320x128xf32, #tpu.memory_space<vmem>>, vector<16xf32>,
            %get3A_548 = arith.index_cast %squeeze3A_518 : i32 to index
            %get3A_549 = arith.constant 48 : index
            %get3A_550 = tpu.vector_load %arg10[%get3A_548, %get3A_549] {strides = array<i32>} : memref<320x128xf32, #tpu.memory_space<vmem>>, vector<16xf32>,
            %get3A_551 = arith.index_cast %while3A_514 : i32 to index
            %get3A_552 = arith.constant 48 : index
            %get3A_553 = tpu.vector_load %arg9[%get3A_551, %get3A_552] {strides = array<i32>} : memref<512x128xf32, #tpu.memory_space<vmem>>, vector<16xf32>,
            %max3A_554 = arith.maximumf %get3A_550, %get3A_553 : vector<16xf32>
            %swap3A_555 = arith.index_cast %squeeze3A_518 : i32 to index
            %swap3A_556 = arith.constant 48 : index
            %swap3A_557 = tpu.vector_load %arg10[%swap3A_555, %swap3A_556] {strides = array<i32>} : memref<320x128xf32, #tpu.memory_space<vmem>>, vector<16xf32>,
            tpu.vector_store %arg10[%swap3A_555, %swap3A_556], %max3A_554 {strides = array<i32>} : memref<320x128xf32, #tpu.memory_space<vmem>>, vector<16xf32>,
            %get3A_558 = arith.index_cast %squeeze3A_518 : i32 to index
            %get3A_559 = arith.constant 64 : index
            %get3A_560 = tpu.vector_load %arg10[%get3A_558, %get3A_559] {strides = array<i32>} : memref<320x128xf32, #tpu.memory_space<vmem>>, vector<16xf32>,
            %get3A_561 = arith.index_cast %while3A_514 : i32 to index
            %get3A_562 = arith.constant 64 : index
            %get3A_563 = tpu.vector_load %arg9[%get3A_561, %get3A_562] {strides = array<i32>} : memref<512x128xf32, #tpu.memory_space<vmem>>, vector<16xf32>,
            %max3A_564 = arith.maximumf %get3A_560, %get3A_563 : vector<16xf32>
            %swap3A_565 = arith.index_cast %squeeze3A_518 : i32 to index
            %swap3A_566 = arith.constant 64 : index
            %swap3A_567 = tpu.vector_load %arg10[%swap3A_565, %swap3A_566] {strides = array<i32>} : memref<320x128xf32, #tpu.memory_space<vmem>>, vector<16xf32>,
            tpu.vector_store %arg10[%swap3A_565, %swap3A_566], %max3A_564 {strides = array<i32>} : memref<320x128xf32, #tpu.memory_space<vmem>>, vector<16xf32>,
            %get3A_568 = arith.index_cast %squeeze3A_518 : i32 to index
            %get3A_569 = arith.constant 80 : index
            %get3A_570 = tpu.vector_load %arg10[%get3A_568, %get3A_569] {strides = array<i32>} : memref<320x128xf32, #tpu.memory_space<vmem>>, vector<16xf32>,
            %get3A_571 = arith.index_cast %while3A_514 : i32 to index
            %get3A_572 = arith.constant 80 : index
            %get3A_573 = tpu.vector_load %arg9[%get3A_571, %get3A_572] {strides = array<i32>} : memref<512x128xf32, #tpu.memory_space<vmem>>, vector<16xf32>,
            %max3A_574 = arith.maximumf %get3A_570, %get3A_573 : vector<16xf32>
            %swap3A_575 = arith.index_cast %squeeze3A_518 : i32 to index
            %swap3A_576 = arith.constant 80 : index
            %swap3A_577 = tpu.vector_load %arg10[%swap3A_575, %swap3A_576] {strides = array<i32>} : memref<320x128xf32, #tpu.memory_space<vmem>>, vector<16xf32>,
            tpu.vector_store %arg10[%swap3A_575, %swap3A_576], %max3A_574 {strides = array<i32>} : memref<320x128xf32, #tpu.memory_space<vmem>>, vector<16xf32>,
            %get3A_578 = arith.index_cast %squeeze3A_518 : i32 to index
            %get3A_579 = arith.constant 96 : index
            %get3A_580 = tpu.vector_load %arg10[%get3A_578, %get3A_579] {strides = array<i32>} : memref<320x128xf32, #tpu.memory_space<vmem>>, vector<16xf32>,
            %get3A_581 = arith.index_cast %while3A_514 : i32 to index
            %get3A_582 = arith.constant 96 : index
            %get3A_583 = tpu.vector_load %arg9[%get3A_581, %get3A_582] {strides = array<i32>} : memref<512x128xf32, #tpu.memory_space<vmem>>, vector<16xf32>,
            %max3A_584 = arith.maximumf %get3A_580, %get3A_583 : vector<16xf32>
            %swap3A_585 = arith.index_cast %squeeze3A_518 : i32 to index
            %swap3A_586 = arith.constant 96 : index
            %swap3A_587 = tpu.vector_load %arg10[%swap3A_585, %swap3A_586] {strides = array<i32>} : memref<320x128xf32, #tpu.memory_space<vmem>>, vector<16xf32>,
            tpu.vector_store %arg10[%swap3A_585, %swap3A_586], %max3A_584 {strides = array<i32>} : memref<320x128xf32, #tpu.memory_space<vmem>>, vector<16xf32>,
            %get3A_588 = arith.index_cast %squeeze3A_518 : i32 to index
            %get3A_589 = arith.constant 112 : index
            %get3A_590 = tpu.vector_load %arg10[%get3A_588, %get3A_589] {strides = array<i32>} : memref<320x128xf32, #tpu.memory_space<vmem>>, vector<16xf32>,
            %get3A_591 = arith.index_cast %while3A_514 : i32 to index
            %get3A_592 = arith.constant 112 : index
            %get3A_593 = tpu.vector_load %arg9[%get3A_591, %get3A_592] {strides = array<i32>} : memref<512x128xf32, #tpu.memory_space<vmem>>, vector<16xf32>,
            %max3A_594 = arith.maximumf %get3A_590, %get3A_593 : vector<16xf32>
            %swap3A_595 = arith.index_cast %squeeze3A_518 : i32 to index
            %swap3A_596 = arith.constant 112 : index
            %swap3A_597 = tpu.vector_load %arg10[%swap3A_595, %swap3A_596] {strides = array<i32>} : memref<320x128xf32, #tpu.memory_space<vmem>>, vector<16xf32>,
            tpu.vector_store %arg10[%swap3A_595, %swap3A_596], %max3A_594 {strides = array<i32>} : memref<320x128xf32, #tpu.memory_space<vmem>>, vector<16xf32>,
          }
          %cond3A_513 = arith.constant 0 : i32
          scf.yield %cond3A_513 : i32
        } else {
          scf.yield %add3A_367 : i32
        }
        scf.yield %cond3A_372 : i32
      }
      %scan3A_342 = arith.constant 250 : i32
      scf.yield %scan3A_341 : i32
    }
    %scan3A_149 = arith.constant 40 : i32
    %dma_wait3A = arith.constant 0 : i32
    %dma_wait3A_150 = tpu.memref_slice %arg2[%dma_wait3A] : memref<320000xi32, #tpu.memory_space<hbm>> -> memref<4000xi32, #tpu.memory_space<hbm>>
    %dma_wait3A_151 = arith.constant 0 : i32
    %dma_wait3A_152 = tpu.memref_slice %arg2[%dma_wait3A_151] : memref<320000xi32, #tpu.memory_space<hbm>> -> memref<4000xi32, #tpu.memory_space<hbm>>
    tpu.wait_dma2 semaphore(%arg12 : memref<!tpu.dma_semaphore, #tpu.memory_space<semaphore_mem>>) src(%dma_wait3A_152 : memref<4000xi32, #tpu.memory_space<hbm>>) dst(%arg5 : memref<4000xi32, #tpu.memory_space<vmem>>)
    %dma_start3A_153 = arith.constant 0 : i32
    %dma_start3A_154 = arith.constant 0 : i32
    %dma_start3A_155 = arith.constant 0 : i32
    %dma_start3A_156 = tpu.memref_slice %arg9[%dma_start3A_154, %dma_start3A_155] : memref<512x128xf32, #tpu.memory_space<vmem>> -> memref<128x128xf32, #tpu.memory_space<vmem>>
    %dma_start3A_157 = arith.constant 0 : i32
    %dma_start3A_158 = tpu.memref_slice %arg7[%dma_start3A_157] : memref<512xi32, #tpu.memory_space<vmem>> -> memref<128xi32, #tpu.memory_space<vmem>>
    %dma_start3A_159 = arith.constant 0 : i32
    %dma_start3A_160 = arith.constant 0 : i32
    %dma_start3A_161 = tpu.memref_slice %arg3[%dma_start3A_159, %dma_start3A_160] : memref<320000x128xf32, #tpu.memory_space<hbm>> -> memref<320000x128xf32, #tpu.memory_space<hbm>>
    %dma_start3A_162 = tpu.memref_slice %arg11[%dma_start3A_153] : memref<4x!tpu.dma_semaphore, #tpu.memory_space<semaphore_mem>> -> memref<1x!tpu.dma_semaphore, #tpu.memory_space<semaphore_mem>>
    %dma_start3A_163 = tpu.memref_squeeze %dma_start3A_162 : memref<1x!tpu.dma_semaphore, #tpu.memory_space<semaphore_mem>> -> memref<!tpu.dma_semaphore, #tpu.memory_space<semaphore_mem>>
    tpu.enqueue_indirect_dma source(%dma_start3A_161 : memref<320000x128xf32, #tpu.memory_space<hbm>>) target(%dma_start3A_156 : memref<128x128xf32, #tpu.memory_space<vmem>>) offsets(%dma_start3A_158 : memref<128xi32, #tpu.memory_space<vmem>>) semaphore(%dma_start3A_163 : memref<!tpu.dma_semaphore, #tpu.memory_space<semaphore_mem>>)
    %dma_start3A_164 = arith.constant 1 : i32
    %dma_start3A_165 = arith.constant 128 : i32
    %dma_start3A_166 = arith.constant 0 : i32
    %dma_start3A_167 = tpu.memref_slice %arg9[%dma_start3A_165, %dma_start3A_166] : memref<512x128xf32, #tpu.memory_space<vmem>> -> memref<128x128xf32, #tpu.memory_space<vmem>>
    %dma_start3A_168 = arith.constant 128 : i32
    %dma_start3A_169 = tpu.memref_slice %arg7[%dma_start3A_168] : memref<512xi32, #tpu.memory_space<vmem>> -> memref<128xi32, #tpu.memory_space<vmem>>
    %dma_start3A_170 = arith.constant 0 : i32
    %dma_start3A_171 = arith.constant 0 : i32
    %dma_start3A_172 = tpu.memref_slice %arg3[%dma_start3A_170, %dma_start3A_171] : memref<320000x128xf32, #tpu.memory_space<hbm>> -> memref<320000x128xf32, #tpu.memory_space<hbm>>
    %dma_start3A_173 = tpu.memref_slice %arg11[%dma_start3A_164] : memref<4x!tpu.dma_semaphore, #tpu.memory_space<semaphore_mem>> -> memref<1x!tpu.dma_semaphore, #tpu.memory_space<semaphore_mem>>
    %dma_start3A_174 = tpu.memref_squeeze %dma_start3A_173 : memref<1x!tpu.dma_semaphore, #tpu.memory_space<semaphore_mem>> -> memref<!tpu.dma_semaphore, #tpu.memory_space<semaphore_mem>>
    tpu.enqueue_indirect_dma source(%dma_start3A_172 : memref<320000x128xf32, #tpu.memory_space<hbm>>) target(%dma_start3A_167 : memref<128x128xf32, #tpu.memory_space<vmem>>) offsets(%dma_start3A_169 : memref<128xi32, #tpu.memory_space<vmem>>) semaphore(%dma_start3A_174 : memref<!tpu.dma_semaphore, #tpu.memory_space<semaphore_mem>>)
    %dma_start3A_175 = arith.constant 2 : i32
    %dma_start3A_176 = arith.constant 256 : i32
    %dma_start3A_177 = arith.constant 0 : i32
    %dma_start3A_178 = tpu.memref_slice %arg9[%dma_start3A_176, %dma_start3A_177] : memref<512x128xf32, #tpu.memory_space<vmem>> -> memref<128x128xf32, #tpu.memory_space<vmem>>
    %dma_start3A_179 = arith.constant 256 : i32
    %dma_start3A_180 = tpu.memref_slice %arg7[%dma_start3A_179] : memref<512xi32, #tpu.memory_space<vmem>> -> memref<128xi32, #tpu.memory_space<vmem>>
    %dma_start3A_181 = arith.constant 0 : i32
    %dma_start3A_182 = arith.constant 0 : i32
    %dma_start3A_183 = tpu.memref_slice %arg3[%dma_start3A_181, %dma_start3A_182] : memref<320000x128xf32, #tpu.memory_space<hbm>> -> memref<320000x128xf32, #tpu.memory_space<hbm>>
    %dma_start3A_184 = tpu.memref_slice %arg11[%dma_start3A_175] : memref<4x!tpu.dma_semaphore, #tpu.memory_space<semaphore_mem>> -> memref<1x!tpu.dma_semaphore, #tpu.memory_space<semaphore_mem>>
    %dma_start3A_185 = tpu.memref_squeeze %dma_start3A_184 : memref<1x!tpu.dma_semaphore, #tpu.memory_space<semaphore_mem>> -> memref<!tpu.dma_semaphore, #tpu.memory_space<semaphore_mem>>
    tpu.enqueue_indirect_dma source(%dma_start3A_183 : memref<320000x128xf32, #tpu.memory_space<hbm>>) target(%dma_start3A_178 : memref<128x128xf32, #tpu.memory_space<vmem>>) offsets(%dma_start3A_180 : memref<128xi32, #tpu.memory_space<vmem>>) semaphore(%dma_start3A_185 : memref<!tpu.dma_semaphore, #tpu.memory_space<semaphore_mem>>)
    %dma_start3A_186 = arith.constant 3 : i32
    %dma_start3A_187 = arith.constant 384 : i32
    %dma_start3A_188 = arith.constant 0 : i32
    %dma_start3A_189 = tpu.memref_slice %arg9[%dma_start3A_187, %dma_start3A_188] : memref<512x128xf32, #tpu.memory_space<vmem>> -> memref<128x128xf32, #tpu.memory_space<vmem>>
    %dma_start3A_190 = arith.constant 384 : i32
    %dma_start3A_191 = tpu.memref_slice %arg7[%dma_start3A_190] : memref<512xi32, #tpu.memory_space<vmem>> -> memref<128xi32, #tpu.memory_space<vmem>>
    %dma_start3A_192 = arith.constant 0 : i32
    %dma_start3A_193 = arith.constant 0 : i32
    %dma_start3A_194 = tpu.memref_slice %arg3[%dma_start3A_192, %dma_start3A_193] : memref<320000x128xf32, #tpu.memory_space<hbm>> -> memref<320000x128xf32, #tpu.memory_space<hbm>>
    %dma_start3A_195 = tpu.memref_slice %arg11[%dma_start3A_186] : memref<4x!tpu.dma_semaphore, #tpu.memory_space<semaphore_mem>> -> memref<1x!tpu.dma_semaphore, #tpu.memory_space<semaphore_mem>>
    %dma_start3A_196 = tpu.memref_squeeze %dma_start3A_195 : memref<1x!tpu.dma_semaphore, #tpu.memory_space<semaphore_mem>> -> memref<!tpu.dma_semaphore, #tpu.memory_space<semaphore_mem>>
    tpu.enqueue_indirect_dma source(%dma_start3A_194 : memref<320000x128xf32, #tpu.memory_space<hbm>>) target(%dma_start3A_189 : memref<128x128xf32, #tpu.memory_space<vmem>>) offsets(%dma_start3A_191 : memref<128xi32, #tpu.memory_space<vmem>>) semaphore(%dma_start3A_196 : memref<!tpu.dma_semaphore, #tpu.memory_space<semaphore_mem>>)
    %dma_wait3A_197 = arith.constant 0 : i32
    %dma_wait3A_198 = arith.constant 0 : i32
    %dma_wait3A_199 = arith.constant 0 : i32
    %dma_wait3A_200 = tpu.memref_slice %arg9[%dma_wait3A_198, %dma_wait3A_199] : memref<512x128xf32, #tpu.memory_space<vmem>> -> memref<128x128xf32, #tpu.memory_space<vmem>>
    %dma_wait3A_201 = arith.constant 0 : i32
    %dma_wait3A_202 = tpu.memref_slice %arg7[%dma_wait3A_201] : memref<512xi32, #tpu.memory_space<vmem>> -> memref<128xi32, #tpu.memory_space<vmem>>
    %dma_wait3A_203 = arith.constant 0 : i32
    %dma_wait3A_204 = arith.constant 0 : i32
    %dma_wait3A_205 = tpu.memref_slice %arg3[%dma_wait3A_203, %dma_wait3A_204] : memref<320000x128xf32, #tpu.memory_space<hbm>> -> memref<320000x128xf32, #tpu.memory_space<hbm>>
    %dma_wait3A_206 = tpu.memref_slice %arg11[%dma_wait3A_197] : memref<4x!tpu.dma_semaphore, #tpu.memory_space<semaphore_mem>> -> memref<1x!tpu.dma_semaphore, #tpu.memory_space<semaphore_mem>>
    %dma_wait3A_207 = tpu.memref_squeeze %dma_wait3A_206 : memref<1x!tpu.dma_semaphore, #tpu.memory_space<semaphore_mem>> -> memref<!tpu.dma_semaphore, #tpu.memory_space<semaphore_mem>>
    tpu.wait_indirect_dma semaphore(%dma_wait3A_207 : memref<!tpu.dma_semaphore, #tpu.memory_space<semaphore_mem>>) src(%dma_wait3A_205 : memref<320000x128xf32, #tpu.memory_space<hbm>>) dst(%dma_wait3A_200 : memref<128x128xf32, #tpu.memory_space<vmem>>)
    %min3A = arith.constant 128 : i32
    %min3A_208 = arith.minsi %scan3A_148, %min3A : i32
    %min3A_209 = arith.constant 0 : i32
    %min3A_210 = arith.minsi %min3A_208, %min3A_209 : i32
    %while3A = arith.constant 0 : i32
    %while3A_211 = arith.subi %min3A_208, %min3A_210 : i32
    %while3A_212 = arith.addi %min3A_210, %while3A_211 : i32
    %while3A_213 = arith.constant 1 : i32
    %while3A_214 = arith.divsi %while3A_211, %while3A_213 : i32
    %while3A_215 = arith.muli %while3A_214, %while3A_213 : i32
    %while3A_216 = arith.addi %min3A_210, %while3A_215 : i32
    %while3A_217 = arith.constant 1 : i32
    scf.for %while3A_303 = %min3A_210 to %while3A_216 step %while3A_217  : i32 {
      %get3A = arith.index_cast %while3A_303 : i32 to index
      %get3A_304 = tpu.vector_load %arg8[%get3A] {strides = array<i32>} : memref<528xi32, #tpu.memory_space<vmem>>, vector<16xi32>,
      %slice3A = vector.extract_strided_slice %get3A_304 {offsets = [0], sizes = [1], strides = [1]} : vector<16xi32> to vector<1xi32>
      %squeeze3A = vector.extract %slice3A[0] : i32 from vector<1xi32>
      %get3A_305 = arith.index_cast %squeeze3A : i32 to index
      %get3A_306 = arith.constant 0 : index
      %get3A_307 = tpu.vector_load %arg10[%get3A_305, %get3A_306] {strides = array<i32>} : memref<320x128xf32, #tpu.memory_space<vmem>>, vector<16xf32>,
      %get3A_308 = arith.index_cast %while3A_303 : i32 to index
      %get3A_309 = arith.constant 0 : index
      %get3A_310 = tpu.vector_load %arg9[%get3A_308, %get3A_309] {strides = array<i32>} : memref<512x128xf32, #tpu.memory_space<vmem>>, vector<16xf32>,
      %max3A = arith.maximumf %get3A_307, %get3A_310 : vector<16xf32>
      %swap3A_311 = arith.index_cast %squeeze3A : i32 to index
      %swap3A_312 = arith.constant 0 : index
      %swap3A_313 = tpu.vector_load %arg10[%swap3A_311, %swap3A_312] {strides = array<i32>} : memref<320x128xf32, #tpu.memory_space<vmem>>, vector<16xf32>,
      tpu.vector_store %arg10[%swap3A_311, %swap3A_312], %max3A {strides = array<i32>} : memref<320x128xf32, #tpu.memory_space<vmem>>, vector<16xf32>,
      %get3A_314 = arith.index_cast %squeeze3A : i32 to index
      %get3A_315 = arith.constant 16 : index
      %get3A_316 = tpu.vector_load %arg10[%get3A_314, %get3A_315] {strides = array<i32>} : memref<320x128xf32, #tpu.memory_space<vmem>>, vector<16xf32>,
      %get3A_317 = arith.index_cast %while3A_303 : i32 to index
      %get3A_318 = arith.constant 16 : index
      %get3A_319 = tpu.vector_load %arg9[%get3A_317, %get3A_318] {strides = array<i32>} : memref<512x128xf32, #tpu.memory_space<vmem>>, vector<16xf32>,
      %max3A_320 = arith.maximumf %get3A_316, %get3A_319 : vector<16xf32>
      %swap3A_321 = arith.index_cast %squeeze3A : i32 to index
      %swap3A_322 = arith.constant 16 : index
      %swap3A_323 = tpu.vector_load %arg10[%swap3A_321, %swap3A_322] {strides = array<i32>} : memref<320x128xf32, #tpu.memory_space<vmem>>, vector<16xf32>,
      tpu.vector_store %arg10[%swap3A_321, %swap3A_322], %max3A_320 {strides = array<i32>} : memref<320x128xf32, #tpu.memory_space<vmem>>, vector<16xf32>,
      %get3A_324 = arith.index_cast %squeeze3A : i32 to index
      %get3A_325 = arith.constant 32 : index
      %get3A_326 = tpu.vector_load %arg10[%get3A_324, %get3A_325] {strides = array<i32>} : memref<320x128xf32, #tpu.memory_space<vmem>>, vector<16xf32>,
      %get3A_327 = arith.index_cast %while3A_303 : i32 to index
      %get3A_328 = arith.constant 32 : index
      %get3A_329 = tpu.vector_load %arg9[%get3A_327, %get3A_328] {strides = array<i32>} : memref<512x128xf32, #tpu.memory_space<vmem>>, vector<16xf32>,
      %max3A_330 = arith.maximumf %get3A_326, %get3A_329 : vector<16xf32>
      %swap3A_331 = arith.index_cast %squeeze3A : i32 to index
      %swap3A_332 = arith.constant 32 : index
      %swap3A_333 = tpu.vector_load %arg10[%swap3A_331, %swap3A_332] {strides = array<i32>} : memref<320x128xf32, #tpu.memory_space<vmem>>, vector<16xf32>,
      tpu.vector_store %arg10[%swap3A_331, %swap3A_332], %max3A_330 {strides = array<i32>} : memref<320x128xf32, #tpu.memory_space<vmem>>, vector<16xf32>,
      %get3A_334 = arith.index_cast %squeeze3A : i32 to index
      %get3A_335 = arith.constant 48 : index
      %get3A_336 = tpu.vector_load %arg10[%get3A_334, %get3A_335] {strides = array<i32>} : memref<320x128xf32, #tpu.memory_space<vmem>>, vector<16xf32>,
      %get3A_337 = arith.index_cast %while3A_303 : i32 to index
      %get3A_338 = arith.constant 48 : index
      %get3A_339 = tpu.vector_load %arg9[%get3A_337, %get3A_338] {strides = array<i32>} : memref<512x128xf32, #tpu.memory_space<vmem>>, vector<16xf32>,
      %max3A_340 = arith.maximumf %get3A_336, %get3A_339 : vector<16xf32>
      %swap3A_341 = arith.index_cast %squeeze3A : i32 to index
      %swap3A_342 = arith.constant 48 : index
      %swap3A_343 = tpu.vector_load %arg10[%swap3A_341, %swap3A_342] {strides = array<i32>} : memref<320x128xf32, #tpu.memory_space<vmem>>, vector<16xf32>,
      tpu.vector_store %arg10[%swap3A_341, %swap3A_342], %max3A_340 {strides = array<i32>} : memref<320x128xf32, #tpu.memory_space<vmem>>, vector<16xf32>,
      %get3A_344 = arith.index_cast %squeeze3A : i32 to index
      %get3A_345 = arith.constant 64 : index
      %get3A_346 = tpu.vector_load %arg10[%get3A_344, %get3A_345] {strides = array<i32>} : memref<320x128xf32, #tpu.memory_space<vmem>>, vector<16xf32>,
      %get3A_347 = arith.index_cast %while3A_303 : i32 to index
      %get3A_348 = arith.constant 64 : index
      %get3A_349 = tpu.vector_load %arg9[%get3A_347, %get3A_348] {strides = array<i32>} : memref<512x128xf32, #tpu.memory_space<vmem>>, vector<16xf32>,
      %max3A_350 = arith.maximumf %get3A_346, %get3A_349 : vector<16xf32>
      %swap3A_351 = arith.index_cast %squeeze3A : i32 to index
      %swap3A_352 = arith.constant 64 : index
      %swap3A_353 = tpu.vector_load %arg10[%swap3A_351, %swap3A_352] {strides = array<i32>} : memref<320x128xf32, #tpu.memory_space<vmem>>, vector<16xf32>,
      tpu.vector_store %arg10[%swap3A_351, %swap3A_352], %max3A_350 {strides = array<i32>} : memref<320x128xf32, #tpu.memory_space<vmem>>, vector<16xf32>,
      %get3A_354 = arith.index_cast %squeeze3A : i32 to index
      %get3A_355 = arith.constant 80 : index
      %get3A_356 = tpu.vector_load %arg10[%get3A_354, %get3A_355] {strides = array<i32>} : memref<320x128xf32, #tpu.memory_space<vmem>>, vector<16xf32>,
      %get3A_357 = arith.index_cast %while3A_303 : i32 to index
      %get3A_358 = arith.constant 80 : index
      %get3A_359 = tpu.vector_load %arg9[%get3A_357, %get3A_358] {strides = array<i32>} : memref<512x128xf32, #tpu.memory_space<vmem>>, vector<16xf32>,
      %max3A_360 = arith.maximumf %get3A_356, %get3A_359 : vector<16xf32>
      %swap3A_361 = arith.index_cast %squeeze3A : i32 to index
      %swap3A_362 = arith.constant 80 : index
      %swap3A_363 = tpu.vector_load %arg10[%swap3A_361, %swap3A_362] {strides = array<i32>} : memref<320x128xf32, #tpu.memory_space<vmem>>, vector<16xf32>,
      tpu.vector_store %arg10[%swap3A_361, %swap3A_362], %max3A_360 {strides = array<i32>} : memref<320x128xf32, #tpu.memory_space<vmem>>, vector<16xf32>,
      %get3A_364 = arith.index_cast %squeeze3A : i32 to index
      %get3A_365 = arith.constant 96 : index
      %get3A_366 = tpu.vector_load %arg10[%get3A_364, %get3A_365] {strides = array<i32>} : memref<320x128xf32, #tpu.memory_space<vmem>>, vector<16xf32>,
      %get3A_367 = arith.index_cast %while3A_303 : i32 to index
      %get3A_368 = arith.constant 96 : index
      %get3A_369 = tpu.vector_load %arg9[%get3A_367, %get3A_368] {strides = array<i32>} : memref<512x128xf32, #tpu.memory_space<vmem>>, vector<16xf32>,
      %max3A_370 = arith.maximumf %get3A_366, %get3A_369 : vector<16xf32>
      %swap3A_371 = arith.index_cast %squeeze3A : i32 to index
      %swap3A_372 = arith.constant 96 : index
      %swap3A_373 = tpu.vector_load %arg10[%swap3A_371, %swap3A_372] {strides = array<i32>} : memref<320x128xf32, #tpu.memory_space<vmem>>, vector<16xf32>,
      tpu.vector_store %arg10[%swap3A_371, %swap3A_372], %max3A_370 {strides = array<i32>} : memref<320x128xf32, #tpu.memory_space<vmem>>, vector<16xf32>,
      %get3A_374 = arith.index_cast %squeeze3A : i32 to index
      %get3A_375 = arith.constant 112 : index
      %get3A_376 = tpu.vector_load %arg10[%get3A_374, %get3A_375] {strides = array<i32>} : memref<320x128xf32, #tpu.memory_space<vmem>>, vector<16xf32>,
      %get3A_377 = arith.index_cast %while3A_303 : i32 to index
      %get3A_378 = arith.constant 112 : index
      %get3A_379 = tpu.vector_load %arg9[%get3A_377, %get3A_378] {strides = array<i32>} : memref<512x128xf32, #tpu.memory_space<vmem>>, vector<16xf32>,
      %max3A_380 = arith.maximumf %get3A_376, %get3A_379 : vector<16xf32>
      %swap3A_381 = arith.index_cast %squeeze3A : i32 to index
      %swap3A_382 = arith.constant 112 : index
      %swap3A_383 = tpu.vector_load %arg10[%swap3A_381, %swap3A_382] {strides = array<i32>} : memref<320x128xf32, #tpu.memory_space<vmem>>, vector<16xf32>,
      tpu.vector_store %arg10[%swap3A_381, %swap3A_382], %max3A_380 {strides = array<i32>} : memref<320x128xf32, #tpu.memory_space<vmem>>, vector<16xf32>,
    }
    %while3A_218 = arith.constant 1 : i32
    scf.for %while3A_303 = %while3A_216 to %while3A_212 step %while3A_218  : i32 {
      %get3A = arith.index_cast %while3A_303 : i32 to index
      %get3A_304 = tpu.vector_load %arg8[%get3A] {strides = array<i32>} : memref<528xi32, #tpu.memory_space<vmem>>, vector<16xi32>,
      %slice3A = vector.extract_strided_slice %get3A_304 {offsets = [0], sizes = [1], strides = [1]} : vector<16xi32> to vector<1xi32>
      %squeeze3A = vector.extract %slice3A[0] : i32 from vector<1xi32>
      %get3A_305 = arith.index_cast %squeeze3A : i32 to index
      %get3A_306 = arith.constant 0 : index
      %get3A_307 = tpu.vector_load %arg10[%get3A_305, %get3A_306] {strides = array<i32>} : memref<320x128xf32, #tpu.memory_space<vmem>>, vector<16xf32>,
      %get3A_308 = arith.index_cast %while3A_303 : i32 to index
      %get3A_309 = arith.constant 0 : index
      %get3A_310 = tpu.vector_load %arg9[%get3A_308, %get3A_309] {strides = array<i32>} : memref<512x128xf32, #tpu.memory_space<vmem>>, vector<16xf32>,
      %max3A = arith.maximumf %get3A_307, %get3A_310 : vector<16xf32>
      %swap3A_311 = arith.index_cast %squeeze3A : i32 to index
      %swap3A_312 = arith.constant 0 : index
      %swap3A_313 = tpu.vector_load %arg10[%swap3A_311, %swap3A_312] {strides = array<i32>} : memref<320x128xf32, #tpu.memory_space<vmem>>, vector<16xf32>,
      tpu.vector_store %arg10[%swap3A_311, %swap3A_312], %max3A {strides = array<i32>} : memref<320x128xf32, #tpu.memory_space<vmem>>, vector<16xf32>,
      %get3A_314 = arith.index_cast %squeeze3A : i32 to index
      %get3A_315 = arith.constant 16 : index
      %get3A_316 = tpu.vector_load %arg10[%get3A_314, %get3A_315] {strides = array<i32>} : memref<320x128xf32, #tpu.memory_space<vmem>>, vector<16xf32>,
      %get3A_317 = arith.index_cast %while3A_303 : i32 to index
      %get3A_318 = arith.constant 16 : index
      %get3A_319 = tpu.vector_load %arg9[%get3A_317, %get3A_318] {strides = array<i32>} : memref<512x128xf32, #tpu.memory_space<vmem>>, vector<16xf32>,
      %max3A_320 = arith.maximumf %get3A_316, %get3A_319 : vector<16xf32>
      %swap3A_321 = arith.index_cast %squeeze3A : i32 to index
      %swap3A_322 = arith.constant 16 : index
      %swap3A_323 = tpu.vector_load %arg10[%swap3A_321, %swap3A_322] {strides = array<i32>} : memref<320x128xf32, #tpu.memory_space<vmem>>, vector<16xf32>,
      tpu.vector_store %arg10[%swap3A_321, %swap3A_322], %max3A_320 {strides = array<i32>} : memref<320x128xf32, #tpu.memory_space<vmem>>, vector<16xf32>,
      %get3A_324 = arith.index_cast %squeeze3A : i32 to index
      %get3A_325 = arith.constant 32 : index
      %get3A_326 = tpu.vector_load %arg10[%get3A_324, %get3A_325] {strides = array<i32>} : memref<320x128xf32, #tpu.memory_space<vmem>>, vector<16xf32>,
      %get3A_327 = arith.index_cast %while3A_303 : i32 to index
      %get3A_328 = arith.constant 32 : index
      %get3A_329 = tpu.vector_load %arg9[%get3A_327, %get3A_328] {strides = array<i32>} : memref<512x128xf32, #tpu.memory_space<vmem>>, vector<16xf32>,
      %max3A_330 = arith.maximumf %get3A_326, %get3A_329 : vector<16xf32>
      %swap3A_331 = arith.index_cast %squeeze3A : i32 to index
      %swap3A_332 = arith.constant 32 : index
      %swap3A_333 = tpu.vector_load %arg10[%swap3A_331, %swap3A_332] {strides = array<i32>} : memref<320x128xf32, #tpu.memory_space<vmem>>, vector<16xf32>,
      tpu.vector_store %arg10[%swap3A_331, %swap3A_332], %max3A_330 {strides = array<i32>} : memref<320x128xf32, #tpu.memory_space<vmem>>, vector<16xf32>,
      %get3A_334 = arith.index_cast %squeeze3A : i32 to index
      %get3A_335 = arith.constant 48 : index
      %get3A_336 = tpu.vector_load %arg10[%get3A_334, %get3A_335] {strides = array<i32>} : memref<320x128xf32, #tpu.memory_space<vmem>>, vector<16xf32>,
      %get3A_337 = arith.index_cast %while3A_303 : i32 to index
      %get3A_338 = arith.constant 48 : index
      %get3A_339 = tpu.vector_load %arg9[%get3A_337, %get3A_338] {strides = array<i32>} : memref<512x128xf32, #tpu.memory_space<vmem>>, vector<16xf32>,
      %max3A_340 = arith.maximumf %get3A_336, %get3A_339 : vector<16xf32>
      %swap3A_341 = arith.index_cast %squeeze3A : i32 to index
      %swap3A_342 = arith.constant 48 : index
      %swap3A_343 = tpu.vector_load %arg10[%swap3A_341, %swap3A_342] {strides = array<i32>} : memref<320x128xf32, #tpu.memory_space<vmem>>, vector<16xf32>,
      tpu.vector_store %arg10[%swap3A_341, %swap3A_342], %max3A_340 {strides = array<i32>} : memref<320x128xf32, #tpu.memory_space<vmem>>, vector<16xf32>,
      %get3A_344 = arith.index_cast %squeeze3A : i32 to index
      %get3A_345 = arith.constant 64 : index
      %get3A_346 = tpu.vector_load %arg10[%get3A_344, %get3A_345] {strides = array<i32>} : memref<320x128xf32, #tpu.memory_space<vmem>>, vector<16xf32>,
      %get3A_347 = arith.index_cast %while3A_303 : i32 to index
      %get3A_348 = arith.constant 64 : index
      %get3A_349 = tpu.vector_load %arg9[%get3A_347, %get3A_348] {strides = array<i32>} : memref<512x128xf32, #tpu.memory_space<vmem>>, vector<16xf32>,
      %max3A_350 = arith.maximumf %get3A_346, %get3A_349 : vector<16xf32>
      %swap3A_351 = arith.index_cast %squeeze3A : i32 to index
      %swap3A_352 = arith.constant 64 : index
      %swap3A_353 = tpu.vector_load %arg10[%swap3A_351, %swap3A_352] {strides = array<i32>} : memref<320x128xf32, #tpu.memory_space<vmem>>, vector<16xf32>,
      tpu.vector_store %arg10[%swap3A_351, %swap3A_352], %max3A_350 {strides = array<i32>} : memref<320x128xf32, #tpu.memory_space<vmem>>, vector<16xf32>,
      %get3A_354 = arith.index_cast %squeeze3A : i32 to index
      %get3A_355 = arith.constant 80 : index
      %get3A_356 = tpu.vector_load %arg10[%get3A_354, %get3A_355] {strides = array<i32>} : memref<320x128xf32, #tpu.memory_space<vmem>>, vector<16xf32>,
      %get3A_357 = arith.index_cast %while3A_303 : i32 to index
      %get3A_358 = arith.constant 80 : index
      %get3A_359 = tpu.vector_load %arg9[%get3A_357, %get3A_358] {strides = array<i32>} : memref<512x128xf32, #tpu.memory_space<vmem>>, vector<16xf32>,
      %max3A_360 = arith.maximumf %get3A_356, %get3A_359 : vector<16xf32>
      %swap3A_361 = arith.index_cast %squeeze3A : i32 to index
      %swap3A_362 = arith.constant 80 : index
      %swap3A_363 = tpu.vector_load %arg10[%swap3A_361, %swap3A_362] {strides = array<i32>} : memref<320x128xf32, #tpu.memory_space<vmem>>, vector<16xf32>,
      tpu.vector_store %arg10[%swap3A_361, %swap3A_362], %max3A_360 {strides = array<i32>} : memref<320x128xf32, #tpu.memory_space<vmem>>, vector<16xf32>,
      %get3A_364 = arith.index_cast %squeeze3A : i32 to index
      %get3A_365 = arith.constant 96 : index
      %get3A_366 = tpu.vector_load %arg10[%get3A_364, %get3A_365] {strides = array<i32>} : memref<320x128xf32, #tpu.memory_space<vmem>>, vector<16xf32>,
      %get3A_367 = arith.index_cast %while3A_303 : i32 to index
      %get3A_368 = arith.constant 96 : index
      %get3A_369 = tpu.vector_load %arg9[%get3A_367, %get3A_368] {strides = array<i32>} : memref<512x128xf32, #tpu.memory_space<vmem>>, vector<16xf32>,
      %max3A_370 = arith.maximumf %get3A_366, %get3A_369 : vector<16xf32>
      %swap3A_371 = arith.index_cast %squeeze3A : i32 to index
      %swap3A_372 = arith.constant 96 : index
      %swap3A_373 = tpu.vector_load %arg10[%swap3A_371, %swap3A_372] {strides = array<i32>} : memref<320x128xf32, #tpu.memory_space<vmem>>, vector<16xf32>,
      tpu.vector_store %arg10[%swap3A_371, %swap3A_372], %max3A_370 {strides = array<i32>} : memref<320x128xf32, #tpu.memory_space<vmem>>, vector<16xf32>,
      %get3A_374 = arith.index_cast %squeeze3A : i32 to index
      %get3A_375 = arith.constant 112 : index
      %get3A_376 = tpu.vector_load %arg10[%get3A_374, %get3A_375] {strides = array<i32>} : memref<320x128xf32, #tpu.memory_space<vmem>>, vector<16xf32>,
      %get3A_377 = arith.index_cast %while3A_303 : i32 to index
      %get3A_378 = arith.constant 112 : index
      %get3A_379 = tpu.vector_load %arg9[%get3A_377, %get3A_378] {strides = array<i32>} : memref<512x128xf32, #tpu.memory_space<vmem>>, vector<16xf32>,
      %max3A_380 = arith.maximumf %get3A_376, %get3A_379 : vector<16xf32>
      %swap3A_381 = arith.index_cast %squeeze3A : i32 to index
      %swap3A_382 = arith.constant 112 : index
      %swap3A_383 = tpu.vector_load %arg10[%swap3A_381, %swap3A_382] {strides = array<i32>} : memref<320x128xf32, #tpu.memory_space<vmem>>, vector<16xf32>,
      tpu.vector_store %arg10[%swap3A_381, %swap3A_382], %max3A_380 {strides = array<i32>} : memref<320x128xf32, #tpu.memory_space<vmem>>, vector<16xf32>,
    }
    %dma_wait3A_219 = arith.constant 1 : i32
    %dma_wait3A_220 = arith.constant 128 : i32
    %dma_wait3A_221 = arith.constant 0 : i32
    %dma_wait3A_222 = tpu.memref_slice %arg9[%dma_wait3A_220, %dma_wait3A_221] : memref<512x128xf32, #tpu.memory_space<vmem>> -> memref<128x128xf32, #tpu.memory_space<vmem>>
    %dma_wait3A_223 = arith.constant 128 : i32
    %dma_wait3A_224 = tpu.memref_slice %arg7[%dma_wait3A_223] : memref<512xi32, #tpu.memory_space<vmem>> -> memref<128xi32, #tpu.memory_space<vmem>>
    %dma_wait3A_225 = arith.constant 0 : i32
    %dma_wait3A_226 = arith.constant 0 : i32
    %dma_wait3A_227 = tpu.memref_slice %arg3[%dma_wait3A_225, %dma_wait3A_226] : memref<320000x128xf32, #tpu.memory_space<hbm>> -> memref<320000x128xf32, #tpu.memory_space<hbm>>
    %dma_wait3A_228 = tpu.memref_slice %arg11[%dma_wait3A_219] : memref<4x!tpu.dma_semaphore, #tpu.memory_space<semaphore_mem>> -> memref<1x!tpu.dma_semaphore, #tpu.memory_space<semaphore_mem>>
    %dma_wait3A_229 = tpu.memref_squeeze %dma_wait3A_228 : memref<1x!tpu.dma_semaphore, #tpu.memory_space<semaphore_mem>> -> memref<!tpu.dma_semaphore, #tpu.memory_space<semaphore_mem>>
    tpu.wait_indirect_dma semaphore(%dma_wait3A_229 : memref<!tpu.dma_semaphore, #tpu.memory_space<semaphore_mem>>) src(%dma_wait3A_227 : memref<320000x128xf32, #tpu.memory_space<hbm>>) dst(%dma_wait3A_222 : memref<128x128xf32, #tpu.memory_space<vmem>>)
    %min3A_230 = arith.constant 256 : i32
    %min3A_231 = arith.minsi %scan3A_148, %min3A_230 : i32
    %min3A_232 = arith.constant 128 : i32
    %min3A_233 = arith.minsi %min3A_231, %min3A_232 : i32
    %while3A_234 = arith.constant 0 : i32
    %while3A_235 = arith.subi %min3A_231, %min3A_233 : i32
    %while3A_236 = arith.addi %min3A_233, %while3A_235 : i32
    %while3A_237 = arith.constant 1 : i32
    %while3A_238 = arith.divsi %while3A_235, %while3A_237 : i32
    %while3A_239 = arith.muli %while3A_238, %while3A_237 : i32
    %while3A_240 = arith.addi %min3A_233, %while3A_239 : i32
    %while3A_241 = arith.constant 1 : i32
    scf.for %while3A_303 = %min3A_233 to %while3A_240 step %while3A_241  : i32 {
      %get3A = arith.index_cast %while3A_303 : i32 to index
      %get3A_304 = tpu.vector_load %arg8[%get3A] {strides = array<i32>} : memref<528xi32, #tpu.memory_space<vmem>>, vector<16xi32>,
      %slice3A = vector.extract_strided_slice %get3A_304 {offsets = [0], sizes = [1], strides = [1]} : vector<16xi32> to vector<1xi32>
      %squeeze3A = vector.extract %slice3A[0] : i32 from vector<1xi32>
      %get3A_305 = arith.index_cast %squeeze3A : i32 to index
      %get3A_306 = arith.constant 0 : index
      %get3A_307 = tpu.vector_load %arg10[%get3A_305, %get3A_306] {strides = array<i32>} : memref<320x128xf32, #tpu.memory_space<vmem>>, vector<16xf32>,
      %get3A_308 = arith.index_cast %while3A_303 : i32 to index
      %get3A_309 = arith.constant 0 : index
      %get3A_310 = tpu.vector_load %arg9[%get3A_308, %get3A_309] {strides = array<i32>} : memref<512x128xf32, #tpu.memory_space<vmem>>, vector<16xf32>,
      %max3A = arith.maximumf %get3A_307, %get3A_310 : vector<16xf32>
      %swap3A_311 = arith.index_cast %squeeze3A : i32 to index
      %swap3A_312 = arith.constant 0 : index
      %swap3A_313 = tpu.vector_load %arg10[%swap3A_311, %swap3A_312] {strides = array<i32>} : memref<320x128xf32, #tpu.memory_space<vmem>>, vector<16xf32>,
      tpu.vector_store %arg10[%swap3A_311, %swap3A_312], %max3A {strides = array<i32>} : memref<320x128xf32, #tpu.memory_space<vmem>>, vector<16xf32>,
      %get3A_314 = arith.index_cast %squeeze3A : i32 to index
      %get3A_315 = arith.constant 16 : index
      %get3A_316 = tpu.vector_load %arg10[%get3A_314, %get3A_315] {strides = array<i32>} : memref<320x128xf32, #tpu.memory_space<vmem>>, vector<16xf32>,
      %get3A_317 = arith.index_cast %while3A_303 : i32 to index
      %get3A_318 = arith.constant 16 : index
      %get3A_319 = tpu.vector_load %arg9[%get3A_317, %get3A_318] {strides = array<i32>} : memref<512x128xf32, #tpu.memory_space<vmem>>, vector<16xf32>,
      %max3A_320 = arith.maximumf %get3A_316, %get3A_319 : vector<16xf32>
      %swap3A_321 = arith.index_cast %squeeze3A : i32 to index
      %swap3A_322 = arith.constant 16 : index
      %swap3A_323 = tpu.vector_load %arg10[%swap3A_321, %swap3A_322] {strides = array<i32>} : memref<320x128xf32, #tpu.memory_space<vmem>>, vector<16xf32>,
      tpu.vector_store %arg10[%swap3A_321, %swap3A_322], %max3A_320 {strides = array<i32>} : memref<320x128xf32, #tpu.memory_space<vmem>>, vector<16xf32>,
      %get3A_324 = arith.index_cast %squeeze3A : i32 to index
      %get3A_325 = arith.constant 32 : index
      %get3A_326 = tpu.vector_load %arg10[%get3A_324, %get3A_325] {strides = array<i32>} : memref<320x128xf32, #tpu.memory_space<vmem>>, vector<16xf32>,
      %get3A_327 = arith.index_cast %while3A_303 : i32 to index
      %get3A_328 = arith.constant 32 : index
      %get3A_329 = tpu.vector_load %arg9[%get3A_327, %get3A_328] {strides = array<i32>} : memref<512x128xf32, #tpu.memory_space<vmem>>, vector<16xf32>,
      %max3A_330 = arith.maximumf %get3A_326, %get3A_329 : vector<16xf32>
      %swap3A_331 = arith.index_cast %squeeze3A : i32 to index
      %swap3A_332 = arith.constant 32 : index
      %swap3A_333 = tpu.vector_load %arg10[%swap3A_331, %swap3A_332] {strides = array<i32>} : memref<320x128xf32, #tpu.memory_space<vmem>>, vector<16xf32>,
      tpu.vector_store %arg10[%swap3A_331, %swap3A_332], %max3A_330 {strides = array<i32>} : memref<320x128xf32, #tpu.memory_space<vmem>>, vector<16xf32>,
      %get3A_334 = arith.index_cast %squeeze3A : i32 to index
      %get3A_335 = arith.constant 48 : index
      %get3A_336 = tpu.vector_load %arg10[%get3A_334, %get3A_335] {strides = array<i32>} : memref<320x128xf32, #tpu.memory_space<vmem>>, vector<16xf32>,
      %get3A_337 = arith.index_cast %while3A_303 : i32 to index
      %get3A_338 = arith.constant 48 : index
      %get3A_339 = tpu.vector_load %arg9[%get3A_337, %get3A_338] {strides = array<i32>} : memref<512x128xf32, #tpu.memory_space<vmem>>, vector<16xf32>,
      %max3A_340 = arith.maximumf %get3A_336, %get3A_339 : vector<16xf32>
      %swap3A_341 = arith.index_cast %squeeze3A : i32 to index
      %swap3A_342 = arith.constant 48 : index
      %swap3A_343 = tpu.vector_load %arg10[%swap3A_341, %swap3A_342] {strides = array<i32>} : memref<320x128xf32, #tpu.memory_space<vmem>>, vector<16xf32>,
      tpu.vector_store %arg10[%swap3A_341, %swap3A_342], %max3A_340 {strides = array<i32>} : memref<320x128xf32, #tpu.memory_space<vmem>>, vector<16xf32>,
      %get3A_344 = arith.index_cast %squeeze3A : i32 to index
      %get3A_345 = arith.constant 64 : index
      %get3A_346 = tpu.vector_load %arg10[%get3A_344, %get3A_345] {strides = array<i32>} : memref<320x128xf32, #tpu.memory_space<vmem>>, vector<16xf32>,
      %get3A_347 = arith.index_cast %while3A_303 : i32 to index
      %get3A_348 = arith.constant 64 : index
      %get3A_349 = tpu.vector_load %arg9[%get3A_347, %get3A_348] {strides = array<i32>} : memref<512x128xf32, #tpu.memory_space<vmem>>, vector<16xf32>,
      %max3A_350 = arith.maximumf %get3A_346, %get3A_349 : vector<16xf32>
      %swap3A_351 = arith.index_cast %squeeze3A : i32 to index
      %swap3A_352 = arith.constant 64 : index
      %swap3A_353 = tpu.vector_load %arg10[%swap3A_351, %swap3A_352] {strides = array<i32>} : memref<320x128xf32, #tpu.memory_space<vmem>>, vector<16xf32>,
      tpu.vector_store %arg10[%swap3A_351, %swap3A_352], %max3A_350 {strides = array<i32>} : memref<320x128xf32, #tpu.memory_space<vmem>>, vector<16xf32>,
      %get3A_354 = arith.index_cast %squeeze3A : i32 to index
      %get3A_355 = arith.constant 80 : index
      %get3A_356 = tpu.vector_load %arg10[%get3A_354, %get3A_355] {strides = array<i32>} : memref<320x128xf32, #tpu.memory_space<vmem>>, vector<16xf32>,
      %get3A_357 = arith.index_cast %while3A_303 : i32 to index
      %get3A_358 = arith.constant 80 : index
      %get3A_359 = tpu.vector_load %arg9[%get3A_357, %get3A_358] {strides = array<i32>} : memref<512x128xf32, #tpu.memory_space<vmem>>, vector<16xf32>,
      %max3A_360 = arith.maximumf %get3A_356, %get3A_359 : vector<16xf32>
      %swap3A_361 = arith.index_cast %squeeze3A : i32 to index
      %swap3A_362 = arith.constant 80 : index
      %swap3A_363 = tpu.vector_load %arg10[%swap3A_361, %swap3A_362] {strides = array<i32>} : memref<320x128xf32, #tpu.memory_space<vmem>>, vector<16xf32>,
      tpu.vector_store %arg10[%swap3A_361, %swap3A_362], %max3A_360 {strides = array<i32>} : memref<320x128xf32, #tpu.memory_space<vmem>>, vector<16xf32>,
      %get3A_364 = arith.index_cast %squeeze3A : i32 to index
      %get3A_365 = arith.constant 96 : index
      %get3A_366 = tpu.vector_load %arg10[%get3A_364, %get3A_365] {strides = array<i32>} : memref<320x128xf32, #tpu.memory_space<vmem>>, vector<16xf32>,
      %get3A_367 = arith.index_cast %while3A_303 : i32 to index
      %get3A_368 = arith.constant 96 : index
      %get3A_369 = tpu.vector_load %arg9[%get3A_367, %get3A_368] {strides = array<i32>} : memref<512x128xf32, #tpu.memory_space<vmem>>, vector<16xf32>,
      %max3A_370 = arith.maximumf %get3A_366, %get3A_369 : vector<16xf32>
      %swap3A_371 = arith.index_cast %squeeze3A : i32 to index
      %swap3A_372 = arith.constant 96 : index
      %swap3A_373 = tpu.vector_load %arg10[%swap3A_371, %swap3A_372] {strides = array<i32>} : memref<320x128xf32, #tpu.memory_space<vmem>>, vector<16xf32>,
      tpu.vector_store %arg10[%swap3A_371, %swap3A_372], %max3A_370 {strides = array<i32>} : memref<320x128xf32, #tpu.memory_space<vmem>>, vector<16xf32>,
      %get3A_374 = arith.index_cast %squeeze3A : i32 to index
      %get3A_375 = arith.constant 112 : index
      %get3A_376 = tpu.vector_load %arg10[%get3A_374, %get3A_375] {strides = array<i32>} : memref<320x128xf32, #tpu.memory_space<vmem>>, vector<16xf32>,
      %get3A_377 = arith.index_cast %while3A_303 : i32 to index
      %get3A_378 = arith.constant 112 : index
      %get3A_379 = tpu.vector_load %arg9[%get3A_377, %get3A_378] {strides = array<i32>} : memref<512x128xf32, #tpu.memory_space<vmem>>, vector<16xf32>,
      %max3A_380 = arith.maximumf %get3A_376, %get3A_379 : vector<16xf32>
      %swap3A_381 = arith.index_cast %squeeze3A : i32 to index
      %swap3A_382 = arith.constant 112 : index
      %swap3A_383 = tpu.vector_load %arg10[%swap3A_381, %swap3A_382] {strides = array<i32>} : memref<320x128xf32, #tpu.memory_space<vmem>>, vector<16xf32>,
      tpu.vector_store %arg10[%swap3A_381, %swap3A_382], %max3A_380 {strides = array<i32>} : memref<320x128xf32, #tpu.memory_space<vmem>>, vector<16xf32>,
    }
    %while3A_242 = arith.constant 1 : i32
    scf.for %while3A_303 = %while3A_240 to %while3A_236 step %while3A_242  : i32 {
      %get3A = arith.index_cast %while3A_303 : i32 to index
      %get3A_304 = tpu.vector_load %arg8[%get3A] {strides = array<i32>} : memref<528xi32, #tpu.memory_space<vmem>>, vector<16xi32>,
      %slice3A = vector.extract_strided_slice %get3A_304 {offsets = [0], sizes = [1], strides = [1]} : vector<16xi32> to vector<1xi32>
      %squeeze3A = vector.extract %slice3A[0] : i32 from vector<1xi32>
      %get3A_305 = arith.index_cast %squeeze3A : i32 to index
      %get3A_306 = arith.constant 0 : index
      %get3A_307 = tpu.vector_load %arg10[%get3A_305, %get3A_306] {strides = array<i32>} : memref<320x128xf32, #tpu.memory_space<vmem>>, vector<16xf32>,
      %get3A_308 = arith.index_cast %while3A_303 : i32 to index
      %get3A_309 = arith.constant 0 : index
      %get3A_310 = tpu.vector_load %arg9[%get3A_308, %get3A_309] {strides = array<i32>} : memref<512x128xf32, #tpu.memory_space<vmem>>, vector<16xf32>,
      %max3A = arith.maximumf %get3A_307, %get3A_310 : vector<16xf32>
      %swap3A_311 = arith.index_cast %squeeze3A : i32 to index
      %swap3A_312 = arith.constant 0 : index
      %swap3A_313 = tpu.vector_load %arg10[%swap3A_311, %swap3A_312] {strides = array<i32>} : memref<320x128xf32, #tpu.memory_space<vmem>>, vector<16xf32>,
      tpu.vector_store %arg10[%swap3A_311, %swap3A_312], %max3A {strides = array<i32>} : memref<320x128xf32, #tpu.memory_space<vmem>>, vector<16xf32>,
      %get3A_314 = arith.index_cast %squeeze3A : i32 to index
      %get3A_315 = arith.constant 16 : index
      %get3A_316 = tpu.vector_load %arg10[%get3A_314, %get3A_315] {strides = array<i32>} : memref<320x128xf32, #tpu.memory_space<vmem>>, vector<16xf32>,
      %get3A_317 = arith.index_cast %while3A_303 : i32 to index
      %get3A_318 = arith.constant 16 : index
      %get3A_319 = tpu.vector_load %arg9[%get3A_317, %get3A_318] {strides = array<i32>} : memref<512x128xf32, #tpu.memory_space<vmem>>, vector<16xf32>,
      %max3A_320 = arith.maximumf %get3A_316, %get3A_319 : vector<16xf32>
      %swap3A_321 = arith.index_cast %squeeze3A : i32 to index
      %swap3A_322 = arith.constant 16 : index
      %swap3A_323 = tpu.vector_load %arg10[%swap3A_321, %swap3A_322] {strides = array<i32>} : memref<320x128xf32, #tpu.memory_space<vmem>>, vector<16xf32>,
      tpu.vector_store %arg10[%swap3A_321, %swap3A_322], %max3A_320 {strides = array<i32>} : memref<320x128xf32, #tpu.memory_space<vmem>>, vector<16xf32>,
      %get3A_324 = arith.index_cast %squeeze3A : i32 to index
      %get3A_325 = arith.constant 32 : index
      %get3A_326 = tpu.vector_load %arg10[%get3A_324, %get3A_325] {strides = array<i32>} : memref<320x128xf32, #tpu.memory_space<vmem>>, vector<16xf32>,
      %get3A_327 = arith.index_cast %while3A_303 : i32 to index
      %get3A_328 = arith.constant 32 : index
      %get3A_329 = tpu.vector_load %arg9[%get3A_327, %get3A_328] {strides = array<i32>} : memref<512x128xf32, #tpu.memory_space<vmem>>, vector<16xf32>,
      %max3A_330 = arith.maximumf %get3A_326, %get3A_329 : vector<16xf32>
      %swap3A_331 = arith.index_cast %squeeze3A : i32 to index
      %swap3A_332 = arith.constant 32 : index
      %swap3A_333 = tpu.vector_load %arg10[%swap3A_331, %swap3A_332] {strides = array<i32>} : memref<320x128xf32, #tpu.memory_space<vmem>>, vector<16xf32>,
      tpu.vector_store %arg10[%swap3A_331, %swap3A_332], %max3A_330 {strides = array<i32>} : memref<320x128xf32, #tpu.memory_space<vmem>>, vector<16xf32>,
      %get3A_334 = arith.index_cast %squeeze3A : i32 to index
      %get3A_335 = arith.constant 48 : index
      %get3A_336 = tpu.vector_load %arg10[%get3A_334, %get3A_335] {strides = array<i32>} : memref<320x128xf32, #tpu.memory_space<vmem>>, vector<16xf32>,
      %get3A_337 = arith.index_cast %while3A_303 : i32 to index
      %get3A_338 = arith.constant 48 : index
      %get3A_339 = tpu.vector_load %arg9[%get3A_337, %get3A_338] {strides = array<i32>} : memref<512x128xf32, #tpu.memory_space<vmem>>, vector<16xf32>,
      %max3A_340 = arith.maximumf %get3A_336, %get3A_339 : vector<16xf32>
      %swap3A_341 = arith.index_cast %squeeze3A : i32 to index
      %swap3A_342 = arith.constant 48 : index
      %swap3A_343 = tpu.vector_load %arg10[%swap3A_341, %swap3A_342] {strides = array<i32>} : memref<320x128xf32, #tpu.memory_space<vmem>>, vector<16xf32>,
      tpu.vector_store %arg10[%swap3A_341, %swap3A_342], %max3A_340 {strides = array<i32>} : memref<320x128xf32, #tpu.memory_space<vmem>>, vector<16xf32>,
      %get3A_344 = arith.index_cast %squeeze3A : i32 to index
      %get3A_345 = arith.constant 64 : index
      %get3A_346 = tpu.vector_load %arg10[%get3A_344, %get3A_345] {strides = array<i32>} : memref<320x128xf32, #tpu.memory_space<vmem>>, vector<16xf32>,
      %get3A_347 = arith.index_cast %while3A_303 : i32 to index
      %get3A_348 = arith.constant 64 : index
      %get3A_349 = tpu.vector_load %arg9[%get3A_347, %get3A_348] {strides = array<i32>} : memref<512x128xf32, #tpu.memory_space<vmem>>, vector<16xf32>,
      %max3A_350 = arith.maximumf %get3A_346, %get3A_349 : vector<16xf32>
      %swap3A_351 = arith.index_cast %squeeze3A : i32 to index
      %swap3A_352 = arith.constant 64 : index
      %swap3A_353 = tpu.vector_load %arg10[%swap3A_351, %swap3A_352] {strides = array<i32>} : memref<320x128xf32, #tpu.memory_space<vmem>>, vector<16xf32>,
      tpu.vector_store %arg10[%swap3A_351, %swap3A_352], %max3A_350 {strides = array<i32>} : memref<320x128xf32, #tpu.memory_space<vmem>>, vector<16xf32>,
      %get3A_354 = arith.index_cast %squeeze3A : i32 to index
      %get3A_355 = arith.constant 80 : index
      %get3A_356 = tpu.vector_load %arg10[%get3A_354, %get3A_355] {strides = array<i32>} : memref<320x128xf32, #tpu.memory_space<vmem>>, vector<16xf32>,
      %get3A_357 = arith.index_cast %while3A_303 : i32 to index
      %get3A_358 = arith.constant 80 : index
      %get3A_359 = tpu.vector_load %arg9[%get3A_357, %get3A_358] {strides = array<i32>} : memref<512x128xf32, #tpu.memory_space<vmem>>, vector<16xf32>,
      %max3A_360 = arith.maximumf %get3A_356, %get3A_359 : vector<16xf32>
      %swap3A_361 = arith.index_cast %squeeze3A : i32 to index
      %swap3A_362 = arith.constant 80 : index
      %swap3A_363 = tpu.vector_load %arg10[%swap3A_361, %swap3A_362] {strides = array<i32>} : memref<320x128xf32, #tpu.memory_space<vmem>>, vector<16xf32>,
      tpu.vector_store %arg10[%swap3A_361, %swap3A_362], %max3A_360 {strides = array<i32>} : memref<320x128xf32, #tpu.memory_space<vmem>>, vector<16xf32>,
      %get3A_364 = arith.index_cast %squeeze3A : i32 to index
      %get3A_365 = arith.constant 96 : index
      %get3A_366 = tpu.vector_load %arg10[%get3A_364, %get3A_365] {strides = array<i32>} : memref<320x128xf32, #tpu.memory_space<vmem>>, vector<16xf32>,
      %get3A_367 = arith.index_cast %while3A_303 : i32 to index
      %get3A_368 = arith.constant 96 : index
      %get3A_369 = tpu.vector_load %arg9[%get3A_367, %get3A_368] {strides = array<i32>} : memref<512x128xf32, #tpu.memory_space<vmem>>, vector<16xf32>,
      %max3A_370 = arith.maximumf %get3A_366, %get3A_369 : vector<16xf32>
      %swap3A_371 = arith.index_cast %squeeze3A : i32 to index
      %swap3A_372 = arith.constant 96 : index
      %swap3A_373 = tpu.vector_load %arg10[%swap3A_371, %swap3A_372] {strides = array<i32>} : memref<320x128xf32, #tpu.memory_space<vmem>>, vector<16xf32>,
      tpu.vector_store %arg10[%swap3A_371, %swap3A_372], %max3A_370 {strides = array<i32>} : memref<320x128xf32, #tpu.memory_space<vmem>>, vector<16xf32>,
      %get3A_374 = arith.index_cast %squeeze3A : i32 to index
      %get3A_375 = arith.constant 112 : index
      %get3A_376 = tpu.vector_load %arg10[%get3A_374, %get3A_375] {strides = array<i32>} : memref<320x128xf32, #tpu.memory_space<vmem>>, vector<16xf32>,
      %get3A_377 = arith.index_cast %while3A_303 : i32 to index
      %get3A_378 = arith.constant 112 : index
      %get3A_379 = tpu.vector_load %arg9[%get3A_377, %get3A_378] {strides = array<i32>} : memref<512x128xf32, #tpu.memory_space<vmem>>, vector<16xf32>,
      %max3A_380 = arith.maximumf %get3A_376, %get3A_379 : vector<16xf32>
      %swap3A_381 = arith.index_cast %squeeze3A : i32 to index
      %swap3A_382 = arith.constant 112 : index
      %swap3A_383 = tpu.vector_load %arg10[%swap3A_381, %swap3A_382] {strides = array<i32>} : memref<320x128xf32, #tpu.memory_space<vmem>>, vector<16xf32>,
      tpu.vector_store %arg10[%swap3A_381, %swap3A_382], %max3A_380 {strides = array<i32>} : memref<320x128xf32, #tpu.memory_space<vmem>>, vector<16xf32>,
    }
    %dma_wait3A_243 = arith.constant 2 : i32
    %dma_wait3A_244 = arith.constant 256 : i32
    %dma_wait3A_245 = arith.constant 0 : i32
    %dma_wait3A_246 = tpu.memref_slice %arg9[%dma_wait3A_244, %dma_wait3A_245] : memref<512x128xf32, #tpu.memory_space<vmem>> -> memref<128x128xf32, #tpu.memory_space<vmem>>
    %dma_wait3A_247 = arith.constant 256 : i32
    %dma_wait3A_248 = tpu.memref_slice %arg7[%dma_wait3A_247] : memref<512xi32, #tpu.memory_space<vmem>> -> memref<128xi32, #tpu.memory_space<vmem>>
    %dma_wait3A_249 = arith.constant 0 : i32
    %dma_wait3A_250 = arith.constant 0 : i32
    %dma_wait3A_251 = tpu.memref_slice %arg3[%dma_wait3A_249, %dma_wait3A_250] : memref<320000x128xf32, #tpu.memory_space<hbm>> -> memref<320000x128xf32, #tpu.memory_space<hbm>>
    %dma_wait3A_252 = tpu.memref_slice %arg11[%dma_wait3A_243] : memref<4x!tpu.dma_semaphore, #tpu.memory_space<semaphore_mem>> -> memref<1x!tpu.dma_semaphore, #tpu.memory_space<semaphore_mem>>
    %dma_wait3A_253 = tpu.memref_squeeze %dma_wait3A_252 : memref<1x!tpu.dma_semaphore, #tpu.memory_space<semaphore_mem>> -> memref<!tpu.dma_semaphore, #tpu.memory_space<semaphore_mem>>
    tpu.wait_indirect_dma semaphore(%dma_wait3A_253 : memref<!tpu.dma_semaphore, #tpu.memory_space<semaphore_mem>>) src(%dma_wait3A_251 : memref<320000x128xf32, #tpu.memory_space<hbm>>) dst(%dma_wait3A_246 : memref<128x128xf32, #tpu.memory_space<vmem>>)
    %min3A_254 = arith.constant 384 : i32
    %min3A_255 = arith.minsi %scan3A_148, %min3A_254 : i32
    %min3A_256 = arith.constant 256 : i32
    %min3A_257 = arith.minsi %min3A_255, %min3A_256 : i32
    %while3A_258 = arith.constant 0 : i32
    %while3A_259 = arith.subi %min3A_255, %min3A_257 : i32
    %while3A_260 = arith.addi %min3A_257, %while3A_259 : i32
    %while3A_261 = arith.constant 1 : i32
    %while3A_262 = arith.divsi %while3A_259, %while3A_261 : i32
    %while3A_263 = arith.muli %while3A_262, %while3A_261 : i32
    %while3A_264 = arith.addi %min3A_257, %while3A_263 : i32
    %while3A_265 = arith.constant 1 : i32
    scf.for %while3A_303 = %min3A_257 to %while3A_264 step %while3A_265  : i32 {
      %get3A = arith.index_cast %while3A_303 : i32 to index
      %get3A_304 = tpu.vector_load %arg8[%get3A] {strides = array<i32>} : memref<528xi32, #tpu.memory_space<vmem>>, vector<16xi32>,
      %slice3A = vector.extract_strided_slice %get3A_304 {offsets = [0], sizes = [1], strides = [1]} : vector<16xi32> to vector<1xi32>
      %squeeze3A = vector.extract %slice3A[0] : i32 from vector<1xi32>
      %get3A_305 = arith.index_cast %squeeze3A : i32 to index
      %get3A_306 = arith.constant 0 : index
      %get3A_307 = tpu.vector_load %arg10[%get3A_305, %get3A_306] {strides = array<i32>} : memref<320x128xf32, #tpu.memory_space<vmem>>, vector<16xf32>,
      %get3A_308 = arith.index_cast %while3A_303 : i32 to index
      %get3A_309 = arith.constant 0 : index
      %get3A_310 = tpu.vector_load %arg9[%get3A_308, %get3A_309] {strides = array<i32>} : memref<512x128xf32, #tpu.memory_space<vmem>>, vector<16xf32>,
      %max3A = arith.maximumf %get3A_307, %get3A_310 : vector<16xf32>
      %swap3A_311 = arith.index_cast %squeeze3A : i32 to index
      %swap3A_312 = arith.constant 0 : index
      %swap3A_313 = tpu.vector_load %arg10[%swap3A_311, %swap3A_312] {strides = array<i32>} : memref<320x128xf32, #tpu.memory_space<vmem>>, vector<16xf32>,
      tpu.vector_store %arg10[%swap3A_311, %swap3A_312], %max3A {strides = array<i32>} : memref<320x128xf32, #tpu.memory_space<vmem>>, vector<16xf32>,
      %get3A_314 = arith.index_cast %squeeze3A : i32 to index
      %get3A_315 = arith.constant 16 : index
      %get3A_316 = tpu.vector_load %arg10[%get3A_314, %get3A_315] {strides = array<i32>} : memref<320x128xf32, #tpu.memory_space<vmem>>, vector<16xf32>,
      %get3A_317 = arith.index_cast %while3A_303 : i32 to index
      %get3A_318 = arith.constant 16 : index
      %get3A_319 = tpu.vector_load %arg9[%get3A_317, %get3A_318] {strides = array<i32>} : memref<512x128xf32, #tpu.memory_space<vmem>>, vector<16xf32>,
      %max3A_320 = arith.maximumf %get3A_316, %get3A_319 : vector<16xf32>
      %swap3A_321 = arith.index_cast %squeeze3A : i32 to index
      %swap3A_322 = arith.constant 16 : index
      %swap3A_323 = tpu.vector_load %arg10[%swap3A_321, %swap3A_322] {strides = array<i32>} : memref<320x128xf32, #tpu.memory_space<vmem>>, vector<16xf32>,
      tpu.vector_store %arg10[%swap3A_321, %swap3A_322], %max3A_320 {strides = array<i32>} : memref<320x128xf32, #tpu.memory_space<vmem>>, vector<16xf32>,
      %get3A_324 = arith.index_cast %squeeze3A : i32 to index
      %get3A_325 = arith.constant 32 : index
      %get3A_326 = tpu.vector_load %arg10[%get3A_324, %get3A_325] {strides = array<i32>} : memref<320x128xf32, #tpu.memory_space<vmem>>, vector<16xf32>,
      %get3A_327 = arith.index_cast %while3A_303 : i32 to index
      %get3A_328 = arith.constant 32 : index
      %get3A_329 = tpu.vector_load %arg9[%get3A_327, %get3A_328] {strides = array<i32>} : memref<512x128xf32, #tpu.memory_space<vmem>>, vector<16xf32>,
      %max3A_330 = arith.maximumf %get3A_326, %get3A_329 : vector<16xf32>
      %swap3A_331 = arith.index_cast %squeeze3A : i32 to index
      %swap3A_332 = arith.constant 32 : index
      %swap3A_333 = tpu.vector_load %arg10[%swap3A_331, %swap3A_332] {strides = array<i32>} : memref<320x128xf32, #tpu.memory_space<vmem>>, vector<16xf32>,
      tpu.vector_store %arg10[%swap3A_331, %swap3A_332], %max3A_330 {strides = array<i32>} : memref<320x128xf32, #tpu.memory_space<vmem>>, vector<16xf32>,
      %get3A_334 = arith.index_cast %squeeze3A : i32 to index
      %get3A_335 = arith.constant 48 : index
      %get3A_336 = tpu.vector_load %arg10[%get3A_334, %get3A_335] {strides = array<i32>} : memref<320x128xf32, #tpu.memory_space<vmem>>, vector<16xf32>,
      %get3A_337 = arith.index_cast %while3A_303 : i32 to index
      %get3A_338 = arith.constant 48 : index
      %get3A_339 = tpu.vector_load %arg9[%get3A_337, %get3A_338] {strides = array<i32>} : memref<512x128xf32, #tpu.memory_space<vmem>>, vector<16xf32>,
      %max3A_340 = arith.maximumf %get3A_336, %get3A_339 : vector<16xf32>
      %swap3A_341 = arith.index_cast %squeeze3A : i32 to index
      %swap3A_342 = arith.constant 48 : index
      %swap3A_343 = tpu.vector_load %arg10[%swap3A_341, %swap3A_342] {strides = array<i32>} : memref<320x128xf32, #tpu.memory_space<vmem>>, vector<16xf32>,
      tpu.vector_store %arg10[%swap3A_341, %swap3A_342], %max3A_340 {strides = array<i32>} : memref<320x128xf32, #tpu.memory_space<vmem>>, vector<16xf32>,
      %get3A_344 = arith.index_cast %squeeze3A : i32 to index
      %get3A_345 = arith.constant 64 : index
      %get3A_346 = tpu.vector_load %arg10[%get3A_344, %get3A_345] {strides = array<i32>} : memref<320x128xf32, #tpu.memory_space<vmem>>, vector<16xf32>,
      %get3A_347 = arith.index_cast %while3A_303 : i32 to index
      %get3A_348 = arith.constant 64 : index
      %get3A_349 = tpu.vector_load %arg9[%get3A_347, %get3A_348] {strides = array<i32>} : memref<512x128xf32, #tpu.memory_space<vmem>>, vector<16xf32>,
      %max3A_350 = arith.maximumf %get3A_346, %get3A_349 : vector<16xf32>
      %swap3A_351 = arith.index_cast %squeeze3A : i32 to index
      %swap3A_352 = arith.constant 64 : index
      %swap3A_353 = tpu.vector_load %arg10[%swap3A_351, %swap3A_352] {strides = array<i32>} : memref<320x128xf32, #tpu.memory_space<vmem>>, vector<16xf32>,
      tpu.vector_store %arg10[%swap3A_351, %swap3A_352], %max3A_350 {strides = array<i32>} : memref<320x128xf32, #tpu.memory_space<vmem>>, vector<16xf32>,
      %get3A_354 = arith.index_cast %squeeze3A : i32 to index
      %get3A_355 = arith.constant 80 : index
      %get3A_356 = tpu.vector_load %arg10[%get3A_354, %get3A_355] {strides = array<i32>} : memref<320x128xf32, #tpu.memory_space<vmem>>, vector<16xf32>,
      %get3A_357 = arith.index_cast %while3A_303 : i32 to index
      %get3A_358 = arith.constant 80 : index
      %get3A_359 = tpu.vector_load %arg9[%get3A_357, %get3A_358] {strides = array<i32>} : memref<512x128xf32, #tpu.memory_space<vmem>>, vector<16xf32>,
      %max3A_360 = arith.maximumf %get3A_356, %get3A_359 : vector<16xf32>
      %swap3A_361 = arith.index_cast %squeeze3A : i32 to index
      %swap3A_362 = arith.constant 80 : index
      %swap3A_363 = tpu.vector_load %arg10[%swap3A_361, %swap3A_362] {strides = array<i32>} : memref<320x128xf32, #tpu.memory_space<vmem>>, vector<16xf32>,
      tpu.vector_store %arg10[%swap3A_361, %swap3A_362], %max3A_360 {strides = array<i32>} : memref<320x128xf32, #tpu.memory_space<vmem>>, vector<16xf32>,
      %get3A_364 = arith.index_cast %squeeze3A : i32 to index
      %get3A_365 = arith.constant 96 : index
      %get3A_366 = tpu.vector_load %arg10[%get3A_364, %get3A_365] {strides = array<i32>} : memref<320x128xf32, #tpu.memory_space<vmem>>, vector<16xf32>,
      %get3A_367 = arith.index_cast %while3A_303 : i32 to index
      %get3A_368 = arith.constant 96 : index
      %get3A_369 = tpu.vector_load %arg9[%get3A_367, %get3A_368] {strides = array<i32>} : memref<512x128xf32, #tpu.memory_space<vmem>>, vector<16xf32>,
      %max3A_370 = arith.maximumf %get3A_366, %get3A_369 : vector<16xf32>
      %swap3A_371 = arith.index_cast %squeeze3A : i32 to index
      %swap3A_372 = arith.constant 96 : index
      %swap3A_373 = tpu.vector_load %arg10[%swap3A_371, %swap3A_372] {strides = array<i32>} : memref<320x128xf32, #tpu.memory_space<vmem>>, vector<16xf32>,
      tpu.vector_store %arg10[%swap3A_371, %swap3A_372], %max3A_370 {strides = array<i32>} : memref<320x128xf32, #tpu.memory_space<vmem>>, vector<16xf32>,
      %get3A_374 = arith.index_cast %squeeze3A : i32 to index
      %get3A_375 = arith.constant 112 : index
      %get3A_376 = tpu.vector_load %arg10[%get3A_374, %get3A_375] {strides = array<i32>} : memref<320x128xf32, #tpu.memory_space<vmem>>, vector<16xf32>,
      %get3A_377 = arith.index_cast %while3A_303 : i32 to index
      %get3A_378 = arith.constant 112 : index
      %get3A_379 = tpu.vector_load %arg9[%get3A_377, %get3A_378] {strides = array<i32>} : memref<512x128xf32, #tpu.memory_space<vmem>>, vector<16xf32>,
      %max3A_380 = arith.maximumf %get3A_376, %get3A_379 : vector<16xf32>
      %swap3A_381 = arith.index_cast %squeeze3A : i32 to index
      %swap3A_382 = arith.constant 112 : index
      %swap3A_383 = tpu.vector_load %arg10[%swap3A_381, %swap3A_382] {strides = array<i32>} : memref<320x128xf32, #tpu.memory_space<vmem>>, vector<16xf32>,
      tpu.vector_store %arg10[%swap3A_381, %swap3A_382], %max3A_380 {strides = array<i32>} : memref<320x128xf32, #tpu.memory_space<vmem>>, vector<16xf32>,
    }
    %while3A_266 = arith.constant 1 : i32
    scf.for %while3A_303 = %while3A_264 to %while3A_260 step %while3A_266  : i32 {
      %get3A = arith.index_cast %while3A_303 : i32 to index
      %get3A_304 = tpu.vector_load %arg8[%get3A] {strides = array<i32>} : memref<528xi32, #tpu.memory_space<vmem>>, vector<16xi32>,
      %slice3A = vector.extract_strided_slice %get3A_304 {offsets = [0], sizes = [1], strides = [1]} : vector<16xi32> to vector<1xi32>
      %squeeze3A = vector.extract %slice3A[0] : i32 from vector<1xi32>
      %get3A_305 = arith.index_cast %squeeze3A : i32 to index
      %get3A_306 = arith.constant 0 : index
      %get3A_307 = tpu.vector_load %arg10[%get3A_305, %get3A_306] {strides = array<i32>} : memref<320x128xf32, #tpu.memory_space<vmem>>, vector<16xf32>,
      %get3A_308 = arith.index_cast %while3A_303 : i32 to index
      %get3A_309 = arith.constant 0 : index
      %get3A_310 = tpu.vector_load %arg9[%get3A_308, %get3A_309] {strides = array<i32>} : memref<512x128xf32, #tpu.memory_space<vmem>>, vector<16xf32>,
      %max3A = arith.maximumf %get3A_307, %get3A_310 : vector<16xf32>
      %swap3A_311 = arith.index_cast %squeeze3A : i32 to index
      %swap3A_312 = arith.constant 0 : index
      %swap3A_313 = tpu.vector_load %arg10[%swap3A_311, %swap3A_312] {strides = array<i32>} : memref<320x128xf32, #tpu.memory_space<vmem>>, vector<16xf32>,
      tpu.vector_store %arg10[%swap3A_311, %swap3A_312], %max3A {strides = array<i32>} : memref<320x128xf32, #tpu.memory_space<vmem>>, vector<16xf32>,
      %get3A_314 = arith.index_cast %squeeze3A : i32 to index
      %get3A_315 = arith.constant 16 : index
      %get3A_316 = tpu.vector_load %arg10[%get3A_314, %get3A_315] {strides = array<i32>} : memref<320x128xf32, #tpu.memory_space<vmem>>, vector<16xf32>,
      %get3A_317 = arith.index_cast %while3A_303 : i32 to index
      %get3A_318 = arith.constant 16 : index
      %get3A_319 = tpu.vector_load %arg9[%get3A_317, %get3A_318] {strides = array<i32>} : memref<512x128xf32, #tpu.memory_space<vmem>>, vector<16xf32>,
      %max3A_320 = arith.maximumf %get3A_316, %get3A_319 : vector<16xf32>
      %swap3A_321 = arith.index_cast %squeeze3A : i32 to index
      %swap3A_322 = arith.constant 16 : index
      %swap3A_323 = tpu.vector_load %arg10[%swap3A_321, %swap3A_322] {strides = array<i32>} : memref<320x128xf32, #tpu.memory_space<vmem>>, vector<16xf32>,
      tpu.vector_store %arg10[%swap3A_321, %swap3A_322], %max3A_320 {strides = array<i32>} : memref<320x128xf32, #tpu.memory_space<vmem>>, vector<16xf32>,
      %get3A_324 = arith.index_cast %squeeze3A : i32 to index
      %get3A_325 = arith.constant 32 : index
      %get3A_326 = tpu.vector_load %arg10[%get3A_324, %get3A_325] {strides = array<i32>} : memref<320x128xf32, #tpu.memory_space<vmem>>, vector<16xf32>,
      %get3A_327 = arith.index_cast %while3A_303 : i32 to index
      %get3A_328 = arith.constant 32 : index
      %get3A_329 = tpu.vector_load %arg9[%get3A_327, %get3A_328] {strides = array<i32>} : memref<512x128xf32, #tpu.memory_space<vmem>>, vector<16xf32>,
      %max3A_330 = arith.maximumf %get3A_326, %get3A_329 : vector<16xf32>
      %swap3A_331 = arith.index_cast %squeeze3A : i32 to index
      %swap3A_332 = arith.constant 32 : index
      %swap3A_333 = tpu.vector_load %arg10[%swap3A_331, %swap3A_332] {strides = array<i32>} : memref<320x128xf32, #tpu.memory_space<vmem>>, vector<16xf32>,
      tpu.vector_store %arg10[%swap3A_331, %swap3A_332], %max3A_330 {strides = array<i32>} : memref<320x128xf32, #tpu.memory_space<vmem>>, vector<16xf32>,
      %get3A_334 = arith.index_cast %squeeze3A : i32 to index
      %get3A_335 = arith.constant 48 : index
      %get3A_336 = tpu.vector_load %arg10[%get3A_334, %get3A_335] {strides = array<i32>} : memref<320x128xf32, #tpu.memory_space<vmem>>, vector<16xf32>,
      %get3A_337 = arith.index_cast %while3A_303 : i32 to index
      %get3A_338 = arith.constant 48 : index
      %get3A_339 = tpu.vector_load %arg9[%get3A_337, %get3A_338] {strides = array<i32>} : memref<512x128xf32, #tpu.memory_space<vmem>>, vector<16xf32>,
      %max3A_340 = arith.maximumf %get3A_336, %get3A_339 : vector<16xf32>
      %swap3A_341 = arith.index_cast %squeeze3A : i32 to index
      %swap3A_342 = arith.constant 48 : index
      %swap3A_343 = tpu.vector_load %arg10[%swap3A_341, %swap3A_342] {strides = array<i32>} : memref<320x128xf32, #tpu.memory_space<vmem>>, vector<16xf32>,
      tpu.vector_store %arg10[%swap3A_341, %swap3A_342], %max3A_340 {strides = array<i32>} : memref<320x128xf32, #tpu.memory_space<vmem>>, vector<16xf32>,
      %get3A_344 = arith.index_cast %squeeze3A : i32 to index
      %get3A_345 = arith.constant 64 : index
      %get3A_346 = tpu.vector_load %arg10[%get3A_344, %get3A_345] {strides = array<i32>} : memref<320x128xf32, #tpu.memory_space<vmem>>, vector<16xf32>,
      %get3A_347 = arith.index_cast %while3A_303 : i32 to index
      %get3A_348 = arith.constant 64 : index
      %get3A_349 = tpu.vector_load %arg9[%get3A_347, %get3A_348] {strides = array<i32>} : memref<512x128xf32, #tpu.memory_space<vmem>>, vector<16xf32>,
      %max3A_350 = arith.maximumf %get3A_346, %get3A_349 : vector<16xf32>
      %swap3A_351 = arith.index_cast %squeeze3A : i32 to index
      %swap3A_352 = arith.constant 64 : index
      %swap3A_353 = tpu.vector_load %arg10[%swap3A_351, %swap3A_352] {strides = array<i32>} : memref<320x128xf32, #tpu.memory_space<vmem>>, vector<16xf32>,
      tpu.vector_store %arg10[%swap3A_351, %swap3A_352], %max3A_350 {strides = array<i32>} : memref<320x128xf32, #tpu.memory_space<vmem>>, vector<16xf32>,
      %get3A_354 = arith.index_cast %squeeze3A : i32 to index
      %get3A_355 = arith.constant 80 : index
      %get3A_356 = tpu.vector_load %arg10[%get3A_354, %get3A_355] {strides = array<i32>} : memref<320x128xf32, #tpu.memory_space<vmem>>, vector<16xf32>,
      %get3A_357 = arith.index_cast %while3A_303 : i32 to index
      %get3A_358 = arith.constant 80 : index
      %get3A_359 = tpu.vector_load %arg9[%get3A_357, %get3A_358] {strides = array<i32>} : memref<512x128xf32, #tpu.memory_space<vmem>>, vector<16xf32>,
      %max3A_360 = arith.maximumf %get3A_356, %get3A_359 : vector<16xf32>
      %swap3A_361 = arith.index_cast %squeeze3A : i32 to index
      %swap3A_362 = arith.constant 80 : index
      %swap3A_363 = tpu.vector_load %arg10[%swap3A_361, %swap3A_362] {strides = array<i32>} : memref<320x128xf32, #tpu.memory_space<vmem>>, vector<16xf32>,
      tpu.vector_store %arg10[%swap3A_361, %swap3A_362], %max3A_360 {strides = array<i32>} : memref<320x128xf32, #tpu.memory_space<vmem>>, vector<16xf32>,
      %get3A_364 = arith.index_cast %squeeze3A : i32 to index
      %get3A_365 = arith.constant 96 : index
      %get3A_366 = tpu.vector_load %arg10[%get3A_364, %get3A_365] {strides = array<i32>} : memref<320x128xf32, #tpu.memory_space<vmem>>, vector<16xf32>,
      %get3A_367 = arith.index_cast %while3A_303 : i32 to index
      %get3A_368 = arith.constant 96 : index
      %get3A_369 = tpu.vector_load %arg9[%get3A_367, %get3A_368] {strides = array<i32>} : memref<512x128xf32, #tpu.memory_space<vmem>>, vector<16xf32>,
      %max3A_370 = arith.maximumf %get3A_366, %get3A_369 : vector<16xf32>
      %swap3A_371 = arith.index_cast %squeeze3A : i32 to index
      %swap3A_372 = arith.constant 96 : index
      %swap3A_373 = tpu.vector_load %arg10[%swap3A_371, %swap3A_372] {strides = array<i32>} : memref<320x128xf32, #tpu.memory_space<vmem>>, vector<16xf32>,
      tpu.vector_store %arg10[%swap3A_371, %swap3A_372], %max3A_370 {strides = array<i32>} : memref<320x128xf32, #tpu.memory_space<vmem>>, vector<16xf32>,
      %get3A_374 = arith.index_cast %squeeze3A : i32 to index
      %get3A_375 = arith.constant 112 : index
      %get3A_376 = tpu.vector_load %arg10[%get3A_374, %get3A_375] {strides = array<i32>} : memref<320x128xf32, #tpu.memory_space<vmem>>, vector<16xf32>,
      %get3A_377 = arith.index_cast %while3A_303 : i32 to index
      %get3A_378 = arith.constant 112 : index
      %get3A_379 = tpu.vector_load %arg9[%get3A_377, %get3A_378] {strides = array<i32>} : memref<512x128xf32, #tpu.memory_space<vmem>>, vector<16xf32>,
      %max3A_380 = arith.maximumf %get3A_376, %get3A_379 : vector<16xf32>
      %swap3A_381 = arith.index_cast %squeeze3A : i32 to index
      %swap3A_382 = arith.constant 112 : index
      %swap3A_383 = tpu.vector_load %arg10[%swap3A_381, %swap3A_382] {strides = array<i32>} : memref<320x128xf32, #tpu.memory_space<vmem>>, vector<16xf32>,
      tpu.vector_store %arg10[%swap3A_381, %swap3A_382], %max3A_380 {strides = array<i32>} : memref<320x128xf32, #tpu.memory_space<vmem>>, vector<16xf32>,
    }
    %dma_wait3A_267 = arith.constant 3 : i32
    %dma_wait3A_268 = arith.constant 384 : i32
    %dma_wait3A_269 = arith.constant 0 : i32
    %dma_wait3A_270 = tpu.memref_slice %arg9[%dma_wait3A_268, %dma_wait3A_269] : memref<512x128xf32, #tpu.memory_space<vmem>> -> memref<128x128xf32, #tpu.memory_space<vmem>>
    %dma_wait3A_271 = arith.constant 384 : i32
    %dma_wait3A_272 = tpu.memref_slice %arg7[%dma_wait3A_271] : memref<512xi32, #tpu.memory_space<vmem>> -> memref<128xi32, #tpu.memory_space<vmem>>
    %dma_wait3A_273 = arith.constant 0 : i32
    %dma_wait3A_274 = arith.constant 0 : i32
    %dma_wait3A_275 = tpu.memref_slice %arg3[%dma_wait3A_273, %dma_wait3A_274] : memref<320000x128xf32, #tpu.memory_space<hbm>> -> memref<320000x128xf32, #tpu.memory_space<hbm>>
    %dma_wait3A_276 = tpu.memref_slice %arg11[%dma_wait3A_267] : memref<4x!tpu.dma_semaphore, #tpu.memory_space<semaphore_mem>> -> memref<1x!tpu.dma_semaphore, #tpu.memory_space<semaphore_mem>>
    %dma_wait3A_277 = tpu.memref_squeeze %dma_wait3A_276 : memref<1x!tpu.dma_semaphore, #tpu.memory_space<semaphore_mem>> -> memref<!tpu.dma_semaphore, #tpu.memory_space<semaphore_mem>>
    tpu.wait_indirect_dma semaphore(%dma_wait3A_277 : memref<!tpu.dma_semaphore, #tpu.memory_space<semaphore_mem>>) src(%dma_wait3A_275 : memref<320000x128xf32, #tpu.memory_space<hbm>>) dst(%dma_wait3A_270 : memref<128x128xf32, #tpu.memory_space<vmem>>)
    %min3A_278 = arith.constant 512 : i32
    %min3A_279 = arith.minsi %scan3A_148, %min3A_278 : i32
    %min3A_280 = arith.constant 384 : i32
    %min3A_281 = arith.minsi %min3A_279, %min3A_280 : i32
    %while3A_282 = arith.constant 0 : i32
    %while3A_283 = arith.subi %min3A_279, %min3A_281 : i32
    %while3A_284 = arith.addi %min3A_281, %while3A_283 : i32
    %while3A_285 = arith.constant 1 : i32
    %while3A_286 = arith.divsi %while3A_283, %while3A_285 : i32
    %while3A_287 = arith.muli %while3A_286, %while3A_285 : i32
    %while3A_288 = arith.addi %min3A_281, %while3A_287 : i32
    %while3A_289 = arith.constant 1 : i32
    scf.for %while3A_303 = %min3A_281 to %while3A_288 step %while3A_289  : i32 {
      %get3A = arith.index_cast %while3A_303 : i32 to index
      %get3A_304 = tpu.vector_load %arg8[%get3A] {strides = array<i32>} : memref<528xi32, #tpu.memory_space<vmem>>, vector<16xi32>,
      %slice3A = vector.extract_strided_slice %get3A_304 {offsets = [0], sizes = [1], strides = [1]} : vector<16xi32> to vector<1xi32>
      %squeeze3A = vector.extract %slice3A[0] : i32 from vector<1xi32>
      %get3A_305 = arith.index_cast %squeeze3A : i32 to index
      %get3A_306 = arith.constant 0 : index
      %get3A_307 = tpu.vector_load %arg10[%get3A_305, %get3A_306] {strides = array<i32>} : memref<320x128xf32, #tpu.memory_space<vmem>>, vector<16xf32>,
      %get3A_308 = arith.index_cast %while3A_303 : i32 to index
      %get3A_309 = arith.constant 0 : index
      %get3A_310 = tpu.vector_load %arg9[%get3A_308, %get3A_309] {strides = array<i32>} : memref<512x128xf32, #tpu.memory_space<vmem>>, vector<16xf32>,
      %max3A = arith.maximumf %get3A_307, %get3A_310 : vector<16xf32>
      %swap3A_311 = arith.index_cast %squeeze3A : i32 to index
      %swap3A_312 = arith.constant 0 : index
      %swap3A_313 = tpu.vector_load %arg10[%swap3A_311, %swap3A_312] {strides = array<i32>} : memref<320x128xf32, #tpu.memory_space<vmem>>, vector<16xf32>,
      tpu.vector_store %arg10[%swap3A_311, %swap3A_312], %max3A {strides = array<i32>} : memref<320x128xf32, #tpu.memory_space<vmem>>, vector<16xf32>,
      %get3A_314 = arith.index_cast %squeeze3A : i32 to index
      %get3A_315 = arith.constant 16 : index
      %get3A_316 = tpu.vector_load %arg10[%get3A_314, %get3A_315] {strides = array<i32>} : memref<320x128xf32, #tpu.memory_space<vmem>>, vector<16xf32>,
      %get3A_317 = arith.index_cast %while3A_303 : i32 to index
      %get3A_318 = arith.constant 16 : index
      %get3A_319 = tpu.vector_load %arg9[%get3A_317, %get3A_318] {strides = array<i32>} : memref<512x128xf32, #tpu.memory_space<vmem>>, vector<16xf32>,
      %max3A_320 = arith.maximumf %get3A_316, %get3A_319 : vector<16xf32>
      %swap3A_321 = arith.index_cast %squeeze3A : i32 to index
      %swap3A_322 = arith.constant 16 : index
      %swap3A_323 = tpu.vector_load %arg10[%swap3A_321, %swap3A_322] {strides = array<i32>} : memref<320x128xf32, #tpu.memory_space<vmem>>, vector<16xf32>,
      tpu.vector_store %arg10[%swap3A_321, %swap3A_322], %max3A_320 {strides = array<i32>} : memref<320x128xf32, #tpu.memory_space<vmem>>, vector<16xf32>,
      %get3A_324 = arith.index_cast %squeeze3A : i32 to index
      %get3A_325 = arith.constant 32 : index
      %get3A_326 = tpu.vector_load %arg10[%get3A_324, %get3A_325] {strides = array<i32>} : memref<320x128xf32, #tpu.memory_space<vmem>>, vector<16xf32>,
      %get3A_327 = arith.index_cast %while3A_303 : i32 to index
      %get3A_328 = arith.constant 32 : index
      %get3A_329 = tpu.vector_load %arg9[%get3A_327, %get3A_328] {strides = array<i32>} : memref<512x128xf32, #tpu.memory_space<vmem>>, vector<16xf32>,
      %max3A_330 = arith.maximumf %get3A_326, %get3A_329 : vector<16xf32>
      %swap3A_331 = arith.index_cast %squeeze3A : i32 to index
      %swap3A_332 = arith.constant 32 : index
      %swap3A_333 = tpu.vector_load %arg10[%swap3A_331, %swap3A_332] {strides = array<i32>} : memref<320x128xf32, #tpu.memory_space<vmem>>, vector<16xf32>,
      tpu.vector_store %arg10[%swap3A_331, %swap3A_332], %max3A_330 {strides = array<i32>} : memref<320x128xf32, #tpu.memory_space<vmem>>, vector<16xf32>,
      %get3A_334 = arith.index_cast %squeeze3A : i32 to index
      %get3A_335 = arith.constant 48 : index
      %get3A_336 = tpu.vector_load %arg10[%get3A_334, %get3A_335] {strides = array<i32>} : memref<320x128xf32, #tpu.memory_space<vmem>>, vector<16xf32>,
      %get3A_337 = arith.index_cast %while3A_303 : i32 to index
      %get3A_338 = arith.constant 48 : index
      %get3A_339 = tpu.vector_load %arg9[%get3A_337, %get3A_338] {strides = array<i32>} : memref<512x128xf32, #tpu.memory_space<vmem>>, vector<16xf32>,
      %max3A_340 = arith.maximumf %get3A_336, %get3A_339 : vector<16xf32>
      %swap3A_341 = arith.index_cast %squeeze3A : i32 to index
      %swap3A_342 = arith.constant 48 : index
      %swap3A_343 = tpu.vector_load %arg10[%swap3A_341, %swap3A_342] {strides = array<i32>} : memref<320x128xf32, #tpu.memory_space<vmem>>, vector<16xf32>,
      tpu.vector_store %arg10[%swap3A_341, %swap3A_342], %max3A_340 {strides = array<i32>} : memref<320x128xf32, #tpu.memory_space<vmem>>, vector<16xf32>,
      %get3A_344 = arith.index_cast %squeeze3A : i32 to index
      %get3A_345 = arith.constant 64 : index
      %get3A_346 = tpu.vector_load %arg10[%get3A_344, %get3A_345] {strides = array<i32>} : memref<320x128xf32, #tpu.memory_space<vmem>>, vector<16xf32>,
      %get3A_347 = arith.index_cast %while3A_303 : i32 to index
      %get3A_348 = arith.constant 64 : index
      %get3A_349 = tpu.vector_load %arg9[%get3A_347, %get3A_348] {strides = array<i32>} : memref<512x128xf32, #tpu.memory_space<vmem>>, vector<16xf32>,
      %max3A_350 = arith.maximumf %get3A_346, %get3A_349 : vector<16xf32>
      %swap3A_351 = arith.index_cast %squeeze3A : i32 to index
      %swap3A_352 = arith.constant 64 : index
      %swap3A_353 = tpu.vector_load %arg10[%swap3A_351, %swap3A_352] {strides = array<i32>} : memref<320x128xf32, #tpu.memory_space<vmem>>, vector<16xf32>,
      tpu.vector_store %arg10[%swap3A_351, %swap3A_352], %max3A_350 {strides = array<i32>} : memref<320x128xf32, #tpu.memory_space<vmem>>, vector<16xf32>,
      %get3A_354 = arith.index_cast %squeeze3A : i32 to index
      %get3A_355 = arith.constant 80 : index
      %get3A_356 = tpu.vector_load %arg10[%get3A_354, %get3A_355] {strides = array<i32>} : memref<320x128xf32, #tpu.memory_space<vmem>>, vector<16xf32>,
      %get3A_357 = arith.index_cast %while3A_303 : i32 to index
      %get3A_358 = arith.constant 80 : index
      %get3A_359 = tpu.vector_load %arg9[%get3A_357, %get3A_358] {strides = array<i32>} : memref<512x128xf32, #tpu.memory_space<vmem>>, vector<16xf32>,
      %max3A_360 = arith.maximumf %get3A_356, %get3A_359 : vector<16xf32>
      %swap3A_361 = arith.index_cast %squeeze3A : i32 to index
      %swap3A_362 = arith.constant 80 : index
      %swap3A_363 = tpu.vector_load %arg10[%swap3A_361, %swap3A_362] {strides = array<i32>} : memref<320x128xf32, #tpu.memory_space<vmem>>, vector<16xf32>,
      tpu.vector_store %arg10[%swap3A_361, %swap3A_362], %max3A_360 {strides = array<i32>} : memref<320x128xf32, #tpu.memory_space<vmem>>, vector<16xf32>,
      %get3A_364 = arith.index_cast %squeeze3A : i32 to index
      %get3A_365 = arith.constant 96 : index
      %get3A_366 = tpu.vector_load %arg10[%get3A_364, %get3A_365] {strides = array<i32>} : memref<320x128xf32, #tpu.memory_space<vmem>>, vector<16xf32>,
      %get3A_367 = arith.index_cast %while3A_303 : i32 to index
      %get3A_368 = arith.constant 96 : index
      %get3A_369 = tpu.vector_load %arg9[%get3A_367, %get3A_368] {strides = array<i32>} : memref<512x128xf32, #tpu.memory_space<vmem>>, vector<16xf32>,
      %max3A_370 = arith.maximumf %get3A_366, %get3A_369 : vector<16xf32>
      %swap3A_371 = arith.index_cast %squeeze3A : i32 to index
      %swap3A_372 = arith.constant 96 : index
      %swap3A_373 = tpu.vector_load %arg10[%swap3A_371, %swap3A_372] {strides = array<i32>} : memref<320x128xf32, #tpu.memory_space<vmem>>, vector<16xf32>,
      tpu.vector_store %arg10[%swap3A_371, %swap3A_372], %max3A_370 {strides = array<i32>} : memref<320x128xf32, #tpu.memory_space<vmem>>, vector<16xf32>,
      %get3A_374 = arith.index_cast %squeeze3A : i32 to index
      %get3A_375 = arith.constant 112 : index
      %get3A_376 = tpu.vector_load %arg10[%get3A_374, %get3A_375] {strides = array<i32>} : memref<320x128xf32, #tpu.memory_space<vmem>>, vector<16xf32>,
      %get3A_377 = arith.index_cast %while3A_303 : i32 to index
      %get3A_378 = arith.constant 112 : index
      %get3A_379 = tpu.vector_load %arg9[%get3A_377, %get3A_378] {strides = array<i32>} : memref<512x128xf32, #tpu.memory_space<vmem>>, vector<16xf32>,
      %max3A_380 = arith.maximumf %get3A_376, %get3A_379 : vector<16xf32>
      %swap3A_381 = arith.index_cast %squeeze3A : i32 to index
      %swap3A_382 = arith.constant 112 : index
      %swap3A_383 = tpu.vector_load %arg10[%swap3A_381, %swap3A_382] {strides = array<i32>} : memref<320x128xf32, #tpu.memory_space<vmem>>, vector<16xf32>,
      tpu.vector_store %arg10[%swap3A_381, %swap3A_382], %max3A_380 {strides = array<i32>} : memref<320x128xf32, #tpu.memory_space<vmem>>, vector<16xf32>,
    }
    %while3A_290 = arith.constant 1 : i32
    scf.for %while3A_303 = %while3A_288 to %while3A_284 step %while3A_290  : i32 {
      %get3A = arith.index_cast %while3A_303 : i32 to index
      %get3A_304 = tpu.vector_load %arg8[%get3A] {strides = array<i32>} : memref<528xi32, #tpu.memory_space<vmem>>, vector<16xi32>,
      %slice3A = vector.extract_strided_slice %get3A_304 {offsets = [0], sizes = [1], strides = [1]} : vector<16xi32> to vector<1xi32>
      %squeeze3A = vector.extract %slice3A[0] : i32 from vector<1xi32>
      %get3A_305 = arith.index_cast %squeeze3A : i32 to index
      %get3A_306 = arith.constant 0 : index
      %get3A_307 = tpu.vector_load %arg10[%get3A_305, %get3A_306] {strides = array<i32>} : memref<320x128xf32, #tpu.memory_space<vmem>>, vector<16xf32>,
      %get3A_308 = arith.index_cast %while3A_303 : i32 to index
      %get3A_309 = arith.constant 0 : index
      %get3A_310 = tpu.vector_load %arg9[%get3A_308, %get3A_309] {strides = array<i32>} : memref<512x128xf32, #tpu.memory_space<vmem>>, vector<16xf32>,
      %max3A = arith.maximumf %get3A_307, %get3A_310 : vector<16xf32>
      %swap3A_311 = arith.index_cast %squeeze3A : i32 to index
      %swap3A_312 = arith.constant 0 : index
      %swap3A_313 = tpu.vector_load %arg10[%swap3A_311, %swap3A_312] {strides = array<i32>} : memref<320x128xf32, #tpu.memory_space<vmem>>, vector<16xf32>,
      tpu.vector_store %arg10[%swap3A_311, %swap3A_312], %max3A {strides = array<i32>} : memref<320x128xf32, #tpu.memory_space<vmem>>, vector<16xf32>,
      %get3A_314 = arith.index_cast %squeeze3A : i32 to index
      %get3A_315 = arith.constant 16 : index
      %get3A_316 = tpu.vector_load %arg10[%get3A_314, %get3A_315] {strides = array<i32>} : memref<320x128xf32, #tpu.memory_space<vmem>>, vector<16xf32>,
      %get3A_317 = arith.index_cast %while3A_303 : i32 to index
      %get3A_318 = arith.constant 16 : index
      %get3A_319 = tpu.vector_load %arg9[%get3A_317, %get3A_318] {strides = array<i32>} : memref<512x128xf32, #tpu.memory_space<vmem>>, vector<16xf32>,
      %max3A_320 = arith.maximumf %get3A_316, %get3A_319 : vector<16xf32>
      %swap3A_321 = arith.index_cast %squeeze3A : i32 to index
      %swap3A_322 = arith.constant 16 : index
      %swap3A_323 = tpu.vector_load %arg10[%swap3A_321, %swap3A_322] {strides = array<i32>} : memref<320x128xf32, #tpu.memory_space<vmem>>, vector<16xf32>,
      tpu.vector_store %arg10[%swap3A_321, %swap3A_322], %max3A_320 {strides = array<i32>} : memref<320x128xf32, #tpu.memory_space<vmem>>, vector<16xf32>,
      %get3A_324 = arith.index_cast %squeeze3A : i32 to index
      %get3A_325 = arith.constant 32 : index
      %get3A_326 = tpu.vector_load %arg10[%get3A_324, %get3A_325] {strides = array<i32>} : memref<320x128xf32, #tpu.memory_space<vmem>>, vector<16xf32>,
      %get3A_327 = arith.index_cast %while3A_303 : i32 to index
      %get3A_328 = arith.constant 32 : index
      %get3A_329 = tpu.vector_load %arg9[%get3A_327, %get3A_328] {strides = array<i32>} : memref<512x128xf32, #tpu.memory_space<vmem>>, vector<16xf32>,
      %max3A_330 = arith.maximumf %get3A_326, %get3A_329 : vector<16xf32>
      %swap3A_331 = arith.index_cast %squeeze3A : i32 to index
      %swap3A_332 = arith.constant 32 : index
      %swap3A_333 = tpu.vector_load %arg10[%swap3A_331, %swap3A_332] {strides = array<i32>} : memref<320x128xf32, #tpu.memory_space<vmem>>, vector<16xf32>,
      tpu.vector_store %arg10[%swap3A_331, %swap3A_332], %max3A_330 {strides = array<i32>} : memref<320x128xf32, #tpu.memory_space<vmem>>, vector<16xf32>,
      %get3A_334 = arith.index_cast %squeeze3A : i32 to index
      %get3A_335 = arith.constant 48 : index
      %get3A_336 = tpu.vector_load %arg10[%get3A_334, %get3A_335] {strides = array<i32>} : memref<320x128xf32, #tpu.memory_space<vmem>>, vector<16xf32>,
      %get3A_337 = arith.index_cast %while3A_303 : i32 to index
      %get3A_338 = arith.constant 48 : index
      %get3A_339 = tpu.vector_load %arg9[%get3A_337, %get3A_338] {strides = array<i32>} : memref<512x128xf32, #tpu.memory_space<vmem>>, vector<16xf32>,
      %max3A_340 = arith.maximumf %get3A_336, %get3A_339 : vector<16xf32>
      %swap3A_341 = arith.index_cast %squeeze3A : i32 to index
      %swap3A_342 = arith.constant 48 : index
      %swap3A_343 = tpu.vector_load %arg10[%swap3A_341, %swap3A_342] {strides = array<i32>} : memref<320x128xf32, #tpu.memory_space<vmem>>, vector<16xf32>,
      tpu.vector_store %arg10[%swap3A_341, %swap3A_342], %max3A_340 {strides = array<i32>} : memref<320x128xf32, #tpu.memory_space<vmem>>, vector<16xf32>,
      %get3A_344 = arith.index_cast %squeeze3A : i32 to index
      %get3A_345 = arith.constant 64 : index
      %get3A_346 = tpu.vector_load %arg10[%get3A_344, %get3A_345] {strides = array<i32>} : memref<320x128xf32, #tpu.memory_space<vmem>>, vector<16xf32>,
      %get3A_347 = arith.index_cast %while3A_303 : i32 to index
      %get3A_348 = arith.constant 64 : index
      %get3A_349 = tpu.vector_load %arg9[%get3A_347, %get3A_348] {strides = array<i32>} : memref<512x128xf32, #tpu.memory_space<vmem>>, vector<16xf32>,
      %max3A_350 = arith.maximumf %get3A_346, %get3A_349 : vector<16xf32>
      %swap3A_351 = arith.index_cast %squeeze3A : i32 to index
      %swap3A_352 = arith.constant 64 : index
      %swap3A_353 = tpu.vector_load %arg10[%swap3A_351, %swap3A_352] {strides = array<i32>} : memref<320x128xf32, #tpu.memory_space<vmem>>, vector<16xf32>,
      tpu.vector_store %arg10[%swap3A_351, %swap3A_352], %max3A_350 {strides = array<i32>} : memref<320x128xf32, #tpu.memory_space<vmem>>, vector<16xf32>,
      %get3A_354 = arith.index_cast %squeeze3A : i32 to index
      %get3A_355 = arith.constant 80 : index
      %get3A_356 = tpu.vector_load %arg10[%get3A_354, %get3A_355] {strides = array<i32>} : memref<320x128xf32, #tpu.memory_space<vmem>>, vector<16xf32>,
      %get3A_357 = arith.index_cast %while3A_303 : i32 to index
      %get3A_358 = arith.constant 80 : index
      %get3A_359 = tpu.vector_load %arg9[%get3A_357, %get3A_358] {strides = array<i32>} : memref<512x128xf32, #tpu.memory_space<vmem>>, vector<16xf32>,
      %max3A_360 = arith.maximumf %get3A_356, %get3A_359 : vector<16xf32>
      %swap3A_361 = arith.index_cast %squeeze3A : i32 to index
      %swap3A_362 = arith.constant 80 : index
      %swap3A_363 = tpu.vector_load %arg10[%swap3A_361, %swap3A_362] {strides = array<i32>} : memref<320x128xf32, #tpu.memory_space<vmem>>, vector<16xf32>,
      tpu.vector_store %arg10[%swap3A_361, %swap3A_362], %max3A_360 {strides = array<i32>} : memref<320x128xf32, #tpu.memory_space<vmem>>, vector<16xf32>,
      %get3A_364 = arith.index_cast %squeeze3A : i32 to index
      %get3A_365 = arith.constant 96 : index
      %get3A_366 = tpu.vector_load %arg10[%get3A_364, %get3A_365] {strides = array<i32>} : memref<320x128xf32, #tpu.memory_space<vmem>>, vector<16xf32>,
      %get3A_367 = arith.index_cast %while3A_303 : i32 to index
      %get3A_368 = arith.constant 96 : index
      %get3A_369 = tpu.vector_load %arg9[%get3A_367, %get3A_368] {strides = array<i32>} : memref<512x128xf32, #tpu.memory_space<vmem>>, vector<16xf32>,
      %max3A_370 = arith.maximumf %get3A_366, %get3A_369 : vector<16xf32>
      %swap3A_371 = arith.index_cast %squeeze3A : i32 to index
      %swap3A_372 = arith.constant 96 : index
      %swap3A_373 = tpu.vector_load %arg10[%swap3A_371, %swap3A_372] {strides = array<i32>} : memref<320x128xf32, #tpu.memory_space<vmem>>, vector<16xf32>,
      tpu.vector_store %arg10[%swap3A_371, %swap3A_372], %max3A_370 {strides = array<i32>} : memref<320x128xf32, #tpu.memory_space<vmem>>, vector<16xf32>,
      %get3A_374 = arith.index_cast %squeeze3A : i32 to index
      %get3A_375 = arith.constant 112 : index
      %get3A_376 = tpu.vector_load %arg10[%get3A_374, %get3A_375] {strides = array<i32>} : memref<320x128xf32, #tpu.memory_space<vmem>>, vector<16xf32>,
      %get3A_377 = arith.index_cast %while3A_303 : i32 to index
      %get3A_378 = arith.constant 112 : index
      %get3A_379 = tpu.vector_load %arg9[%get3A_377, %get3A_378] {strides = array<i32>} : memref<512x128xf32, #tpu.memory_space<vmem>>, vector<16xf32>,
      %max3A_380 = arith.maximumf %get3A_376, %get3A_379 : vector<16xf32>
      %swap3A_381 = arith.index_cast %squeeze3A : i32 to index
      %swap3A_382 = arith.constant 112 : index
      %swap3A_383 = tpu.vector_load %arg10[%swap3A_381, %swap3A_382] {strides = array<i32>} : memref<320x128xf32, #tpu.memory_space<vmem>>, vector<16xf32>,
      tpu.vector_store %arg10[%swap3A_381, %swap3A_382], %max3A_380 {strides = array<i32>} : memref<320x128xf32, #tpu.memory_space<vmem>>, vector<16xf32>,
    }
    %scan3A_291 = arith.constant 0 : i32
    %scan3A_292 = arith.constant 0 : i32
    %scan3A_293 = arith.constant 320 : i32
    %scan3A_294 = arith.addi %scan3A_292, %scan3A_293 : i32
    %scan3A_295 = arith.constant 1 : i32
    scf.for %scan3A_303 = %scan3A_292 to %scan3A_294 step %scan3A_295  : i32 {
      %get3A = arith.index_cast %scan3A_303 : i32 to index
      %get3A_304 = arith.constant 0 : index
      %get3A_305 = tpu.vector_load %arg10[%get3A, %get3A_304] {strides = array<i32>} : memref<320x128xf32, #tpu.memory_space<vmem>>, vector<16xf32>,
      %eq3A_306 = arith.constant 0xFF800000 : f32
      %eq3A_307 = vector.broadcast %eq3A_306 : f32 to vector<16xf32>
      %eq3A_308 = arith.cmpf oeq, %get3A_305, %eq3A_307 : vector<16xf32>
      %jit3A = arith.constant 0.000000e+00 : f32
      %broadcast_in_dim3A_309 = vector.broadcast %jit3A : f32 to vector<16xf32>
      %select_n3A = arith.select %eq3A_308, %broadcast_in_dim3A_309, %get3A_305 : vector<16xi1>, vector<16xf32>
      %swap3A_310 = arith.index_cast %scan3A_303 : i32 to index
      %swap3A_311 = arith.constant 0 : index
      %swap3A_312 = tpu.vector_load %arg10[%swap3A_310, %swap3A_311] {strides = array<i32>} : memref<320x128xf32, #tpu.memory_space<vmem>>, vector<16xf32>,
      tpu.vector_store %arg10[%swap3A_310, %swap3A_311], %select_n3A {strides = array<i32>} : memref<320x128xf32, #tpu.memory_space<vmem>>, vector<16xf32>,
      %get3A_313 = arith.index_cast %scan3A_303 : i32 to index
      %get3A_314 = arith.constant 16 : index
      %get3A_315 = tpu.vector_load %arg10[%get3A_313, %get3A_314] {strides = array<i32>} : memref<320x128xf32, #tpu.memory_space<vmem>>, vector<16xf32>,
      %eq3A_316 = arith.constant 0xFF800000 : f32
      %eq3A_317 = vector.broadcast %eq3A_316 : f32 to vector<16xf32>
      %eq3A_318 = arith.cmpf oeq, %get3A_315, %eq3A_317 : vector<16xf32>
      %jit3A_319 = arith.constant 0.000000e+00 : f32
      %broadcast_in_dim3A_320 = vector.broadcast %jit3A_319 : f32 to vector<16xf32>
      %select_n3A_321 = arith.select %eq3A_318, %broadcast_in_dim3A_320, %get3A_315 : vector<16xi1>, vector<16xf32>
      %swap3A_322 = arith.index_cast %scan3A_303 : i32 to index
      %swap3A_323 = arith.constant 16 : index
      %swap3A_324 = tpu.vector_load %arg10[%swap3A_322, %swap3A_323] {strides = array<i32>} : memref<320x128xf32, #tpu.memory_space<vmem>>, vector<16xf32>,
      tpu.vector_store %arg10[%swap3A_322, %swap3A_323], %select_n3A_321 {strides = array<i32>} : memref<320x128xf32, #tpu.memory_space<vmem>>, vector<16xf32>,
      %get3A_325 = arith.index_cast %scan3A_303 : i32 to index
      %get3A_326 = arith.constant 32 : index
      %get3A_327 = tpu.vector_load %arg10[%get3A_325, %get3A_326] {strides = array<i32>} : memref<320x128xf32, #tpu.memory_space<vmem>>, vector<16xf32>,
      %eq3A_328 = arith.constant 0xFF800000 : f32
      %eq3A_329 = vector.broadcast %eq3A_328 : f32 to vector<16xf32>
      %eq3A_330 = arith.cmpf oeq, %get3A_327, %eq3A_329 : vector<16xf32>
      %jit3A_331 = arith.constant 0.000000e+00 : f32
      %broadcast_in_dim3A_332 = vector.broadcast %jit3A_331 : f32 to vector<16xf32>
      %select_n3A_333 = arith.select %eq3A_330, %broadcast_in_dim3A_332, %get3A_327 : vector<16xi1>, vector<16xf32>
      %swap3A_334 = arith.index_cast %scan3A_303 : i32 to index
      %swap3A_335 = arith.constant 32 : index
      %swap3A_336 = tpu.vector_load %arg10[%swap3A_334, %swap3A_335] {strides = array<i32>} : memref<320x128xf32, #tpu.memory_space<vmem>>, vector<16xf32>,
      tpu.vector_store %arg10[%swap3A_334, %swap3A_335], %select_n3A_333 {strides = array<i32>} : memref<320x128xf32, #tpu.memory_space<vmem>>, vector<16xf32>,
      %get3A_337 = arith.index_cast %scan3A_303 : i32 to index
      %get3A_338 = arith.constant 48 : index
      %get3A_339 = tpu.vector_load %arg10[%get3A_337, %get3A_338] {strides = array<i32>} : memref<320x128xf32, #tpu.memory_space<vmem>>, vector<16xf32>,
      %eq3A_340 = arith.constant 0xFF800000 : f32
      %eq3A_341 = vector.broadcast %eq3A_340 : f32 to vector<16xf32>
      %eq3A_342 = arith.cmpf oeq, %get3A_339, %eq3A_341 : vector<16xf32>
      %jit3A_343 = arith.constant 0.000000e+00 : f32
      %broadcast_in_dim3A_344 = vector.broadcast %jit3A_343 : f32 to vector<16xf32>
      %select_n3A_345 = arith.select %eq3A_342, %broadcast_in_dim3A_344, %get3A_339 : vector<16xi1>, vector<16xf32>
      %swap3A_346 = arith.index_cast %scan3A_303 : i32 to index
      %swap3A_347 = arith.constant 48 : index
      %swap3A_348 = tpu.vector_load %arg10[%swap3A_346, %swap3A_347] {strides = array<i32>} : memref<320x128xf32, #tpu.memory_space<vmem>>, vector<16xf32>,
      tpu.vector_store %arg10[%swap3A_346, %swap3A_347], %select_n3A_345 {strides = array<i32>} : memref<320x128xf32, #tpu.memory_space<vmem>>, vector<16xf32>,
      %get3A_349 = arith.index_cast %scan3A_303 : i32 to index
      %get3A_350 = arith.constant 64 : index
      %get3A_351 = tpu.vector_load %arg10[%get3A_349, %get3A_350] {strides = array<i32>} : memref<320x128xf32, #tpu.memory_space<vmem>>, vector<16xf32>,
      %eq3A_352 = arith.constant 0xFF800000 : f32
      %eq3A_353 = vector.broadcast %eq3A_352 : f32 to vector<16xf32>
      %eq3A_354 = arith.cmpf oeq, %get3A_351, %eq3A_353 : vector<16xf32>
      %jit3A_355 = arith.constant 0.000000e+00 : f32
      %broadcast_in_dim3A_356 = vector.broadcast %jit3A_355 : f32 to vector<16xf32>
      %select_n3A_357 = arith.select %eq3A_354, %broadcast_in_dim3A_356, %get3A_351 : vector<16xi1>, vector<16xf32>
      %swap3A_358 = arith.index_cast %scan3A_303 : i32 to index
      %swap3A_359 = arith.constant 64 : index
      %swap3A_360 = tpu.vector_load %arg10[%swap3A_358, %swap3A_359] {strides = array<i32>} : memref<320x128xf32, #tpu.memory_space<vmem>>, vector<16xf32>,
      tpu.vector_store %arg10[%swap3A_358, %swap3A_359], %select_n3A_357 {strides = array<i32>} : memref<320x128xf32, #tpu.memory_space<vmem>>, vector<16xf32>,
      %get3A_361 = arith.index_cast %scan3A_303 : i32 to index
      %get3A_362 = arith.constant 80 : index
      %get3A_363 = tpu.vector_load %arg10[%get3A_361, %get3A_362] {strides = array<i32>} : memref<320x128xf32, #tpu.memory_space<vmem>>, vector<16xf32>,
      %eq3A_364 = arith.constant 0xFF800000 : f32
      %eq3A_365 = vector.broadcast %eq3A_364 : f32 to vector<16xf32>
      %eq3A_366 = arith.cmpf oeq, %get3A_363, %eq3A_365 : vector<16xf32>
      %jit3A_367 = arith.constant 0.000000e+00 : f32
      %broadcast_in_dim3A_368 = vector.broadcast %jit3A_367 : f32 to vector<16xf32>
      %select_n3A_369 = arith.select %eq3A_366, %broadcast_in_dim3A_368, %get3A_363 : vector<16xi1>, vector<16xf32>
      %swap3A_370 = arith.index_cast %scan3A_303 : i32 to index
      %swap3A_371 = arith.constant 80 : index
      %swap3A_372 = tpu.vector_load %arg10[%swap3A_370, %swap3A_371] {strides = array<i32>} : memref<320x128xf32, #tpu.memory_space<vmem>>, vector<16xf32>,
      tpu.vector_store %arg10[%swap3A_370, %swap3A_371], %select_n3A_369 {strides = array<i32>} : memref<320x128xf32, #tpu.memory_space<vmem>>, vector<16xf32>,
      %get3A_373 = arith.index_cast %scan3A_303 : i32 to index
      %get3A_374 = arith.constant 96 : index
      %get3A_375 = tpu.vector_load %arg10[%get3A_373, %get3A_374] {strides = array<i32>} : memref<320x128xf32, #tpu.memory_space<vmem>>, vector<16xf32>,
      %eq3A_376 = arith.constant 0xFF800000 : f32
      %eq3A_377 = vector.broadcast %eq3A_376 : f32 to vector<16xf32>
      %eq3A_378 = arith.cmpf oeq, %get3A_375, %eq3A_377 : vector<16xf32>
      %jit3A_379 = arith.constant 0.000000e+00 : f32
      %broadcast_in_dim3A_380 = vector.broadcast %jit3A_379 : f32 to vector<16xf32>
      %select_n3A_381 = arith.select %eq3A_378, %broadcast_in_dim3A_380, %get3A_375 : vector<16xi1>, vector<16xf32>
      %swap3A_382 = arith.index_cast %scan3A_303 : i32 to index
      %swap3A_383 = arith.constant 96 : index
      %swap3A_384 = tpu.vector_load %arg10[%swap3A_382, %swap3A_383] {strides = array<i32>} : memref<320x128xf32, #tpu.memory_space<vmem>>, vector<16xf32>,
      tpu.vector_store %arg10[%swap3A_382, %swap3A_383], %select_n3A_381 {strides = array<i32>} : memref<320x128xf32, #tpu.memory_space<vmem>>, vector<16xf32>,
      %get3A_385 = arith.index_cast %scan3A_303 : i32 to index
      %get3A_386 = arith.constant 112 : index
      %get3A_387 = tpu.vector_load %arg10[%get3A_385, %get3A_386] {strides = array<i32>} : memref<320x128xf32, #tpu.memory_space<vmem>>, vector<16xf32>,
      %eq3A_388 = arith.constant 0xFF800000 : f32
      %eq3A_389 = vector.broadcast %eq3A_388 : f32 to vector<16xf32>
      %eq3A_390 = arith.cmpf oeq, %get3A_387, %eq3A_389 : vector<16xf32>
      %jit3A_391 = arith.constant 0.000000e+00 : f32
      %broadcast_in_dim3A_392 = vector.broadcast %jit3A_391 : f32 to vector<16xf32>
      %select_n3A_393 = arith.select %eq3A_390, %broadcast_in_dim3A_392, %get3A_387 : vector<16xi1>, vector<16xf32>
      %swap3A_394 = arith.index_cast %scan3A_303 : i32 to index
      %swap3A_395 = arith.constant 112 : index
      %swap3A_396 = tpu.vector_load %arg10[%swap3A_394, %swap3A_395] {strides = array<i32>} : memref<320x128xf32, #tpu.memory_space<vmem>>, vector<16xf32>,
      tpu.vector_store %arg10[%swap3A_394, %swap3A_395], %select_n3A_393 {strides = array<i32>} : memref<320x128xf32, #tpu.memory_space<vmem>>, vector<16xf32>,
    }
    %scan3A_296 = arith.constant 320 : i32
    %lt3A = arith.constant 31 : i32
    %lt3A_297 = arith.cmpi slt, %add3A, %lt3A : i32
    %convert_element_type3A = arith.extui %lt3A_297 : i1 to i32
    %cond3A = arith.constant 0 : i32
    %cond3A_298 = arith.cmpi ne, %convert_element_type3A, %cond3A : i32
    scf.if %cond3A_298 {
      "tpu.region"() ({
        %run_scoped3A = tpu.sem_alloc : memref<!tpu.dma_semaphore, #tpu.memory_space<semaphore_mem>>
        %dma_start3A_303 = arith.constant 0 : i32
        %dma_start3A_304 = tpu.memref_slice %arg4[%mul3A_2, %dma_start3A_303] : memref<10000x128xf32, #tpu.memory_space<hbm>> -> memref<320x128xf32, #tpu.memory_space<hbm>>
        %dma_start3A_305 = arith.constant 0 : i32
        %dma_start3A_306 = tpu.memref_slice %arg4[%mul3A_2, %dma_start3A_305] : memref<10000x128xf32, #tpu.memory_space<hbm>> -> memref<320x128xf32, #tpu.memory_space<hbm>>
        tpu.enqueue_dma source(%arg10 : memref<320x128xf32, #tpu.memory_space<vmem>>) target(%dma_start3A_306 : memref<320x128xf32, #tpu.memory_space<hbm>>) target_semaphore(%run_scoped3A : memref<!tpu.dma_semaphore, #tpu.memory_space<semaphore_mem>>)
        %dma_wait3A_307 = arith.constant 0 : i32
        %dma_wait3A_308 = tpu.memref_slice %arg4[%mul3A_2, %dma_wait3A_307] : memref<10000x128xf32, #tpu.memory_space<hbm>> -> memref<320x128xf32, #tpu.memory_space<hbm>>
        %dma_wait3A_309 = arith.constant 0 : i32
        %dma_wait3A_310 = tpu.memref_slice %arg4[%mul3A_2, %dma_wait3A_309] : memref<10000x128xf32, #tpu.memory_space<hbm>> -> memref<320x128xf32, #tpu.memory_space<hbm>>
        tpu.wait_dma2 semaphore(%run_scoped3A : memref<!tpu.dma_semaphore, #tpu.memory_space<semaphore_mem>>) src(%arg10 : memref<320x128xf32, #tpu.memory_space<vmem>>) dst(%dma_wait3A_310 : memref<320x128xf32, #tpu.memory_space<hbm>>)
        tpu.yield
      }) : () -> ()
    } else {
    }
    %eq3A = arith.constant 31 : i32
    %eq3A_299 = arith.cmpi eq, %add3A, %eq3A : i32
    %convert_element_type3A_300 = arith.extui %eq3A_299 : i1 to i32
    %cond3A_301 = arith.constant 0 : i32
    %cond3A_302 = arith.cmpi ne, %convert_element_type3A_300, %cond3A_301 : i32
    scf.if %cond3A_302 {
      "tpu.region"() ({
        %run_scoped3A = tpu.sem_alloc : memref<!tpu.dma_semaphore, #tpu.memory_space<semaphore_mem>>
        %dma_start3A_303 = arith.constant 0 : i32
        %dma_start3A_304 = arith.constant 0 : i32
        %dma_start3A_305 = tpu.memref_slice %arg10[%dma_start3A_303, %dma_start3A_304] : memref<320x128xf32, #tpu.memory_space<vmem>> -> memref<80x128xf32, #tpu.memory_space<vmem>>
        %dma_start3A_306 = arith.constant 0 : i32
        %dma_start3A_307 = tpu.memref_slice %arg4[%mul3A_2, %dma_start3A_306] : memref<10000x128xf32, #tpu.memory_space<hbm>> -> memref<80x128xf32, #tpu.memory_space<hbm>>
        %dma_start3A_308 = arith.constant 0 : i32
        %dma_start3A_309 = tpu.memref_slice %arg4[%mul3A_2, %dma_start3A_308] : memref<10000x128xf32, #tpu.memory_space<hbm>> -> memref<80x128xf32, #tpu.memory_space<hbm>>
        %dma_start3A_310 = arith.constant 0 : i32
        %dma_start3A_311 = arith.constant 0 : i32
        %dma_start3A_312 = tpu.memref_slice %arg10[%dma_start3A_310, %dma_start3A_311] : memref<320x128xf32, #tpu.memory_space<vmem>> -> memref<80x128xf32, #tpu.memory_space<vmem>>
        tpu.enqueue_dma source(%dma_start3A_312 : memref<80x128xf32, #tpu.memory_space<vmem>>) target(%dma_start3A_309 : memref<80x128xf32, #tpu.memory_space<hbm>>) target_semaphore(%run_scoped3A : memref<!tpu.dma_semaphore, #tpu.memory_space<semaphore_mem>>)
        %dma_wait3A_313 = arith.constant 0 : i32
        %dma_wait3A_314 = arith.constant 0 : i32
        %dma_wait3A_315 = tpu.memref_slice %arg10[%dma_wait3A_313, %dma_wait3A_314] : memref<320x128xf32, #tpu.memory_space<vmem>> -> memref<80x128xf32, #tpu.memory_space<vmem>>
        %dma_wait3A_316 = arith.constant 0 : i32
        %dma_wait3A_317 = tpu.memref_slice %arg4[%mul3A_2, %dma_wait3A_316] : memref<10000x128xf32, #tpu.memory_space<hbm>> -> memref<80x128xf32, #tpu.memory_space<hbm>>
        %dma_wait3A_318 = arith.constant 0 : i32
        %dma_wait3A_319 = tpu.memref_slice %arg4[%mul3A_2, %dma_wait3A_318] : memref<10000x128xf32, #tpu.memory_space<hbm>> -> memref<80x128xf32, #tpu.memory_space<hbm>>
        %dma_wait3A_320 = arith.constant 0 : i32
        %dma_wait3A_321 = arith.constant 0 : i32
        %dma_wait3A_322 = tpu.memref_slice %arg10[%dma_wait3A_320, %dma_wait3A_321] : memref<320x128xf32, #tpu.memory_space<vmem>> -> memref<80x128xf32, #tpu.memory_space<vmem>>
        tpu.wait_dma2 semaphore(%run_scoped3A : memref<!tpu.dma_semaphore, #tpu.memory_space<semaphore_mem>>) src(%dma_wait3A_322 : memref<80x128xf32, #tpu.memory_space<vmem>>) dst(%dma_wait3A_319 : memref<80x128xf32, #tpu.memory_space<hbm>>)
        tpu.yield
      }) : () -> ()
    } else {
    }
    return
  }
}

#map = affine_map<(d0, d1) -> (0, 0)>
#map1 = affine_map<(d0, d1) -> (0)>
module attributes {stable_mosaic.version = 14 : i64} {
  func.func @_gather_body(%arg0: i32, %arg1: i32, %arg2: memref<10000x128xf32, #tpu.memory_space<hbm>>, %arg3: memref<10000x128xf32, #tpu.memory_space<hbm>>, %arg4: memref<320000xi32, #tpu.memory_space<hbm>>, %arg5: memref<320000xi32, #tpu.memory_space<hbm>>, %arg6: memref<320000x128xf32, #tpu.memory_space<hbm>>, %arg7: memref<10000xi32, #tpu.memory_space<vmem>>, %arg8: memref<10000xi32, #tpu.memory_space<vmem>>, %arg9: memref<80x128xf32, #tpu.memory_space<vmem>>, %arg10: memref<80x128xf32, #tpu.memory_space<vmem>>, %arg11: memref<80x128xf32, #tpu.memory_space<vmem>>, %arg12: memref<80x128xf32, #tpu.memory_space<vmem>>, %arg13: memref<!tpu.dma_semaphore, #tpu.memory_space<semaphore_mem>>, %arg14: memref<!tpu.dma_semaphore, #tpu.memory_space<semaphore_mem>>, %arg15: memref<!tpu.dma_semaphore, #tpu.memory_space<semaphore_mem>>, %arg16: memref<!tpu.dma_semaphore, #tpu.memory_space<semaphore_mem>>) attributes {dimension_semantics = [#tpu.dimension_semantics<core_parallel>, #tpu.dimension_semantics<subcore_parallel>], iteration_bounds = array<i64: 2, 16>, scalar_prefetch = 0 : i64, scratch_operands = 10 : i64, tpu.core_type = #tpu.core_type<sc_vector_subcore>, window_params = [{transform_indices = #map}, {transform_indices = #map}, {transform_indices = #map1}, {transform_indices = #map1}, {transform_indices = #map}]} {
    %mul3A = arith.constant 2 : i32
    %mul3A_0 = arith.muli %arg1, %mul3A : i32
    %add3A = arith.addi %mul3A_0, %arg0 : i32
    %mul3A_1 = arith.constant 10000 : i32
    %mul3A_2 = arith.muli %add3A, %mul3A_1 : i32
    "tpu.region"() ({
      %run_scoped3A = tpu.sem_alloc : memref<!tpu.dma_semaphore, #tpu.memory_space<semaphore_mem>>
      %dma_start3A_26 = tpu.memref_slice %arg4[%mul3A_2] : memref<320000xi32, #tpu.memory_space<hbm>> -> memref<10000xi32, #tpu.memory_space<hbm>>
      %dma_start3A_27 = tpu.memref_slice %arg4[%mul3A_2] : memref<320000xi32, #tpu.memory_space<hbm>> -> memref<10000xi32, #tpu.memory_space<hbm>>
      tpu.enqueue_dma source(%dma_start3A_27 : memref<10000xi32, #tpu.memory_space<hbm>>) target(%arg7 : memref<10000xi32, #tpu.memory_space<vmem>>) target_semaphore(%run_scoped3A : memref<!tpu.dma_semaphore, #tpu.memory_space<semaphore_mem>>)
      %dma_wait3A_28 = tpu.memref_slice %arg4[%mul3A_2] : memref<320000xi32, #tpu.memory_space<hbm>> -> memref<10000xi32, #tpu.memory_space<hbm>>
      %dma_wait3A_29 = tpu.memref_slice %arg4[%mul3A_2] : memref<320000xi32, #tpu.memory_space<hbm>> -> memref<10000xi32, #tpu.memory_space<hbm>>
      tpu.wait_dma2 semaphore(%run_scoped3A : memref<!tpu.dma_semaphore, #tpu.memory_space<semaphore_mem>>) src(%dma_wait3A_29 : memref<10000xi32, #tpu.memory_space<hbm>>) dst(%arg7 : memref<10000xi32, #tpu.memory_space<vmem>>)
      tpu.yield
    }) : () -> ()
    "tpu.region"() ({
      %run_scoped3A = tpu.sem_alloc : memref<!tpu.dma_semaphore, #tpu.memory_space<semaphore_mem>>
      %dma_start3A_26 = tpu.memref_slice %arg5[%mul3A_2] : memref<320000xi32, #tpu.memory_space<hbm>> -> memref<10000xi32, #tpu.memory_space<hbm>>
      %dma_start3A_27 = tpu.memref_slice %arg5[%mul3A_2] : memref<320000xi32, #tpu.memory_space<hbm>> -> memref<10000xi32, #tpu.memory_space<hbm>>
      tpu.enqueue_dma source(%dma_start3A_27 : memref<10000xi32, #tpu.memory_space<hbm>>) target(%arg8 : memref<10000xi32, #tpu.memory_space<vmem>>) target_semaphore(%run_scoped3A : memref<!tpu.dma_semaphore, #tpu.memory_space<semaphore_mem>>)
      %dma_wait3A_28 = tpu.memref_slice %arg5[%mul3A_2] : memref<320000xi32, #tpu.memory_space<hbm>> -> memref<10000xi32, #tpu.memory_space<hbm>>
      %dma_wait3A_29 = tpu.memref_slice %arg5[%mul3A_2] : memref<320000xi32, #tpu.memory_space<hbm>> -> memref<10000xi32, #tpu.memory_space<hbm>>
      tpu.wait_dma2 semaphore(%run_scoped3A : memref<!tpu.dma_semaphore, #tpu.memory_space<semaphore_mem>>) src(%dma_wait3A_29 : memref<10000xi32, #tpu.memory_space<hbm>>) dst(%arg8 : memref<10000xi32, #tpu.memory_space<vmem>>)
      tpu.yield
    }) : () -> ()
    %dma_start3A = arith.constant 0 : i32
    %dma_start3A_3 = tpu.memref_slice %arg7[%dma_start3A] : memref<10000xi32, #tpu.memory_space<vmem>> -> memref<80xi32, #tpu.memory_space<vmem>>
    %dma_start3A_4 = arith.constant 0 : i32
    %dma_start3A_5 = arith.constant 0 : i32
    %dma_start3A_6 = tpu.memref_slice %arg2[%dma_start3A_4, %dma_start3A_5] : memref<10000x128xf32, #tpu.memory_space<hbm>> -> memref<10000x128xf32, #tpu.memory_space<hbm>>
    tpu.enqueue_indirect_dma source(%dma_start3A_6 : memref<10000x128xf32, #tpu.memory_space<hbm>>) target(%arg9 : memref<80x128xf32, #tpu.memory_space<vmem>>) offsets(%dma_start3A_3 : memref<80xi32, #tpu.memory_space<vmem>>) semaphore(%arg13 : memref<!tpu.dma_semaphore, #tpu.memory_space<semaphore_mem>>)
    %dma_start3A_7 = arith.constant 0 : i32
    %dma_start3A_8 = tpu.memref_slice %arg8[%dma_start3A_7] : memref<10000xi32, #tpu.memory_space<vmem>> -> memref<80xi32, #tpu.memory_space<vmem>>
    %dma_start3A_9 = arith.constant 0 : i32
    %dma_start3A_10 = arith.constant 0 : i32
    %dma_start3A_11 = tpu.memref_slice %arg3[%dma_start3A_9, %dma_start3A_10] : memref<10000x128xf32, #tpu.memory_space<hbm>> -> memref<10000x128xf32, #tpu.memory_space<hbm>>
    tpu.enqueue_indirect_dma source(%dma_start3A_11 : memref<10000x128xf32, #tpu.memory_space<hbm>>) target(%arg10 : memref<80x128xf32, #tpu.memory_space<vmem>>) offsets(%dma_start3A_8 : memref<80xi32, #tpu.memory_space<vmem>>) semaphore(%arg14 : memref<!tpu.dma_semaphore, #tpu.memory_space<semaphore_mem>>)
    %scan3A = arith.constant 0 : i32
    %scan3A_12 = arith.constant 0 : i32
    %scan3A_13 = arith.constant 63 : i32
    %scan3A_14 = arith.addi %scan3A_12, %scan3A_13 : i32
    %scan3A_15 = arith.constant 1 : i32
    scf.for %scan3A_26 = %scan3A_12 to %scan3A_14 step %scan3A_15  : i32 {
      %mul3A_27 = arith.constant 2 : i32
      %mul3A_28 = arith.muli %mul3A_27, %scan3A_26 : i32
      %mul3A_29 = arith.constant 2 : i32
      %mul3A_30 = arith.muli %mul3A_29, %scan3A_26 : i32
      %add3A_31 = arith.constant 1 : i32
      %add3A_32 = arith.addi %mul3A_30, %add3A_31 : i32
      %min3A = arith.constant 124 : i32
      %min3A_33 = arith.minsi %add3A_32, %min3A : i32
      %mul3A_34 = arith.constant 80 : i32
      %mul3A_35 = arith.muli %min3A_33, %mul3A_34 : i32
      %dma_start3A_36 = tpu.memref_slice %arg7[%mul3A_35] : memref<10000xi32, #tpu.memory_space<vmem>> -> memref<80xi32, #tpu.memory_space<vmem>>
      %dma_start3A_37 = arith.constant 0 : i32
      %dma_start3A_38 = arith.constant 0 : i32
      %dma_start3A_39 = tpu.memref_slice %arg2[%dma_start3A_37, %dma_start3A_38] : memref<10000x128xf32, #tpu.memory_space<hbm>> -> memref<10000x128xf32, #tpu.memory_space<hbm>>
      tpu.enqueue_indirect_dma source(%dma_start3A_39 : memref<10000x128xf32, #tpu.memory_space<hbm>>) target(%arg11 : memref<80x128xf32, #tpu.memory_space<vmem>>) offsets(%dma_start3A_36 : memref<80xi32, #tpu.memory_space<vmem>>) semaphore(%arg15 : memref<!tpu.dma_semaphore, #tpu.memory_space<semaphore_mem>>)
      %dma_start3A_40 = tpu.memref_slice %arg8[%mul3A_35] : memref<10000xi32, #tpu.memory_space<vmem>> -> memref<80xi32, #tpu.memory_space<vmem>>
      %dma_start3A_41 = arith.constant 0 : i32
      %dma_start3A_42 = arith.constant 0 : i32
      %dma_start3A_43 = tpu.memref_slice %arg3[%dma_start3A_41, %dma_start3A_42] : memref<10000x128xf32, #tpu.memory_space<hbm>> -> memref<10000x128xf32, #tpu.memory_space<hbm>>
      tpu.enqueue_indirect_dma source(%dma_start3A_43 : memref<10000x128xf32, #tpu.memory_space<hbm>>) target(%arg12 : memref<80x128xf32, #tpu.memory_space<vmem>>) offsets(%dma_start3A_40 : memref<80xi32, #tpu.memory_space<vmem>>) semaphore(%arg16 : memref<!tpu.dma_semaphore, #tpu.memory_space<semaphore_mem>>)
      %dma_wait3A_44 = arith.constant 0 : i32
      %dma_wait3A_45 = tpu.memref_slice %arg7[%dma_wait3A_44] : memref<10000xi32, #tpu.memory_space<vmem>> -> memref<80xi32, #tpu.memory_space<vmem>>
      %dma_wait3A_46 = arith.constant 0 : i32
      %dma_wait3A_47 = arith.constant 0 : i32
      %dma_wait3A_48 = tpu.memref_slice %arg2[%dma_wait3A_46, %dma_wait3A_47] : memref<10000x128xf32, #tpu.memory_space<hbm>> -> memref<10000x128xf32, #tpu.memory_space<hbm>>
      tpu.wait_indirect_dma semaphore(%arg13 : memref<!tpu.dma_semaphore, #tpu.memory_space<semaphore_mem>>) src(%dma_wait3A_48 : memref<10000x128xf32, #tpu.memory_space<hbm>>) dst(%arg9 : memref<80x128xf32, #tpu.memory_space<vmem>>)
      %dma_wait3A_49 = arith.constant 0 : i32
      %dma_wait3A_50 = tpu.memref_slice %arg8[%dma_wait3A_49] : memref<10000xi32, #tpu.memory_space<vmem>> -> memref<80xi32, #tpu.memory_space<vmem>>
      %dma_wait3A_51 = arith.constant 0 : i32
      %dma_wait3A_52 = arith.constant 0 : i32
      %dma_wait3A_53 = tpu.memref_slice %arg3[%dma_wait3A_51, %dma_wait3A_52] : memref<10000x128xf32, #tpu.memory_space<hbm>> -> memref<10000x128xf32, #tpu.memory_space<hbm>>
      tpu.wait_indirect_dma semaphore(%arg14 : memref<!tpu.dma_semaphore, #tpu.memory_space<semaphore_mem>>) src(%dma_wait3A_53 : memref<10000x128xf32, #tpu.memory_space<hbm>>) dst(%arg10 : memref<80x128xf32, #tpu.memory_space<vmem>>)
      %scan3A_54 = arith.constant 0 : i32
      %scan3A_55 = arith.constant 0 : i32
      %scan3A_56 = arith.constant 40 : i32
      %scan3A_57 = arith.addi %scan3A_55, %scan3A_56 : i32
      %scan3A_58 = arith.constant 1 : i32
      scf.for %scan3A_96 = %scan3A_55 to %scan3A_57 step %scan3A_58  : i32 {
        %mul3A_97 = arith.constant 2 : i32
        %mul3A_98 = arith.muli %mul3A_97, %scan3A_96 : i32
        %mul3A_99 = arith.constant 2 : i32
        %mul3A_100 = arith.muli %mul3A_99, %scan3A_96 : i32
        %add3A_101 = arith.constant 1 : i32
        %add3A_102 = arith.addi %mul3A_100, %add3A_101 : i32
        %get3A = arith.index_cast %mul3A_98 : i32 to index
        %get3A_103 = arith.constant 0 : index
        %get3A_104 = tpu.vector_load %arg10[%get3A, %get3A_103] {strides = array<i32>} : memref<80x128xf32, #tpu.memory_space<vmem>>, vector<16xf32>,
        %swap3A = arith.index_cast %mul3A_98 : i32 to index
        %swap3A_105 = arith.constant 0 : index
        %swap3A_106 = tpu.vector_load %arg9[%swap3A, %swap3A_105] {strides = array<i32>} : memref<80x128xf32, #tpu.memory_space<vmem>>, vector<16xf32>,
        tpu.vector_store %arg9[%swap3A, %swap3A_105], %get3A_104 {add = true, strides = array<i32>} : memref<80x128xf32, #tpu.memory_space<vmem>>, vector<16xf32>,
        %get3A_107 = arith.index_cast %mul3A_98 : i32 to index
        %get3A_108 = arith.constant 16 : index
        %get3A_109 = tpu.vector_load %arg10[%get3A_107, %get3A_108] {strides = array<i32>} : memref<80x128xf32, #tpu.memory_space<vmem>>, vector<16xf32>,
        %swap3A_110 = arith.index_cast %mul3A_98 : i32 to index
        %swap3A_111 = arith.constant 16 : index
        %swap3A_112 = tpu.vector_load %arg9[%swap3A_110, %swap3A_111] {strides = array<i32>} : memref<80x128xf32, #tpu.memory_space<vmem>>, vector<16xf32>,
        tpu.vector_store %arg9[%swap3A_110, %swap3A_111], %get3A_109 {add = true, strides = array<i32>} : memref<80x128xf32, #tpu.memory_space<vmem>>, vector<16xf32>,
        %get3A_113 = arith.index_cast %mul3A_98 : i32 to index
        %get3A_114 = arith.constant 32 : index
        %get3A_115 = tpu.vector_load %arg10[%get3A_113, %get3A_114] {strides = array<i32>} : memref<80x128xf32, #tpu.memory_space<vmem>>, vector<16xf32>,
        %swap3A_116 = arith.index_cast %mul3A_98 : i32 to index
        %swap3A_117 = arith.constant 32 : index
        %swap3A_118 = tpu.vector_load %arg9[%swap3A_116, %swap3A_117] {strides = array<i32>} : memref<80x128xf32, #tpu.memory_space<vmem>>, vector<16xf32>,
        tpu.vector_store %arg9[%swap3A_116, %swap3A_117], %get3A_115 {add = true, strides = array<i32>} : memref<80x128xf32, #tpu.memory_space<vmem>>, vector<16xf32>,
        %get3A_119 = arith.index_cast %mul3A_98 : i32 to index
        %get3A_120 = arith.constant 48 : index
        %get3A_121 = tpu.vector_load %arg10[%get3A_119, %get3A_120] {strides = array<i32>} : memref<80x128xf32, #tpu.memory_space<vmem>>, vector<16xf32>,
        %swap3A_122 = arith.index_cast %mul3A_98 : i32 to index
        %swap3A_123 = arith.constant 48 : index
        %swap3A_124 = tpu.vector_load %arg9[%swap3A_122, %swap3A_123] {strides = array<i32>} : memref<80x128xf32, #tpu.memory_space<vmem>>, vector<16xf32>,
        tpu.vector_store %arg9[%swap3A_122, %swap3A_123], %get3A_121 {add = true, strides = array<i32>} : memref<80x128xf32, #tpu.memory_space<vmem>>, vector<16xf32>,
        %get3A_125 = arith.index_cast %mul3A_98 : i32 to index
        %get3A_126 = arith.constant 64 : index
        %get3A_127 = tpu.vector_load %arg10[%get3A_125, %get3A_126] {strides = array<i32>} : memref<80x128xf32, #tpu.memory_space<vmem>>, vector<16xf32>,
        %swap3A_128 = arith.index_cast %mul3A_98 : i32 to index
        %swap3A_129 = arith.constant 64 : index
        %swap3A_130 = tpu.vector_load %arg9[%swap3A_128, %swap3A_129] {strides = array<i32>} : memref<80x128xf32, #tpu.memory_space<vmem>>, vector<16xf32>,
        tpu.vector_store %arg9[%swap3A_128, %swap3A_129], %get3A_127 {add = true, strides = array<i32>} : memref<80x128xf32, #tpu.memory_space<vmem>>, vector<16xf32>,
        %get3A_131 = arith.index_cast %mul3A_98 : i32 to index
        %get3A_132 = arith.constant 80 : index
        %get3A_133 = tpu.vector_load %arg10[%get3A_131, %get3A_132] {strides = array<i32>} : memref<80x128xf32, #tpu.memory_space<vmem>>, vector<16xf32>,
        %swap3A_134 = arith.index_cast %mul3A_98 : i32 to index
        %swap3A_135 = arith.constant 80 : index
        %swap3A_136 = tpu.vector_load %arg9[%swap3A_134, %swap3A_135] {strides = array<i32>} : memref<80x128xf32, #tpu.memory_space<vmem>>, vector<16xf32>,
        tpu.vector_store %arg9[%swap3A_134, %swap3A_135], %get3A_133 {add = true, strides = array<i32>} : memref<80x128xf32, #tpu.memory_space<vmem>>, vector<16xf32>,
        %get3A_137 = arith.index_cast %mul3A_98 : i32 to index
        %get3A_138 = arith.constant 96 : index
        %get3A_139 = tpu.vector_load %arg10[%get3A_137, %get3A_138] {strides = array<i32>} : memref<80x128xf32, #tpu.memory_space<vmem>>, vector<16xf32>,
        %swap3A_140 = arith.index_cast %mul3A_98 : i32 to index
        %swap3A_141 = arith.constant 96 : index
        %swap3A_142 = tpu.vector_load %arg9[%swap3A_140, %swap3A_141] {strides = array<i32>} : memref<80x128xf32, #tpu.memory_space<vmem>>, vector<16xf32>,
        tpu.vector_store %arg9[%swap3A_140, %swap3A_141], %get3A_139 {add = true, strides = array<i32>} : memref<80x128xf32, #tpu.memory_space<vmem>>, vector<16xf32>,
        %get3A_143 = arith.index_cast %mul3A_98 : i32 to index
        %get3A_144 = arith.constant 112 : index
        %get3A_145 = tpu.vector_load %arg10[%get3A_143, %get3A_144] {strides = array<i32>} : memref<80x128xf32, #tpu.memory_space<vmem>>, vector<16xf32>,
        %swap3A_146 = arith.index_cast %mul3A_98 : i32 to index
        %swap3A_147 = arith.constant 112 : index
        %swap3A_148 = tpu.vector_load %arg9[%swap3A_146, %swap3A_147] {strides = array<i32>} : memref<80x128xf32, #tpu.memory_space<vmem>>, vector<16xf32>,
        tpu.vector_store %arg9[%swap3A_146, %swap3A_147], %get3A_145 {add = true, strides = array<i32>} : memref<80x128xf32, #tpu.memory_space<vmem>>, vector<16xf32>,
        %get3A_149 = arith.index_cast %add3A_102 : i32 to index
        %get3A_150 = arith.constant 0 : index
        %get3A_151 = tpu.vector_load %arg10[%get3A_149, %get3A_150] {strides = array<i32>} : memref<80x128xf32, #tpu.memory_space<vmem>>, vector<16xf32>,
        %swap3A_152 = arith.index_cast %add3A_102 : i32 to index
        %swap3A_153 = arith.constant 0 : index
        %swap3A_154 = tpu.vector_load %arg9[%swap3A_152, %swap3A_153] {strides = array<i32>} : memref<80x128xf32, #tpu.memory_space<vmem>>, vector<16xf32>,
        tpu.vector_store %arg9[%swap3A_152, %swap3A_153], %get3A_151 {add = true, strides = array<i32>} : memref<80x128xf32, #tpu.memory_space<vmem>>, vector<16xf32>,
        %get3A_155 = arith.index_cast %add3A_102 : i32 to index
        %get3A_156 = arith.constant 16 : index
        %get3A_157 = tpu.vector_load %arg10[%get3A_155, %get3A_156] {strides = array<i32>} : memref<80x128xf32, #tpu.memory_space<vmem>>, vector<16xf32>,
        %swap3A_158 = arith.index_cast %add3A_102 : i32 to index
        %swap3A_159 = arith.constant 16 : index
        %swap3A_160 = tpu.vector_load %arg9[%swap3A_158, %swap3A_159] {strides = array<i32>} : memref<80x128xf32, #tpu.memory_space<vmem>>, vector<16xf32>,
        tpu.vector_store %arg9[%swap3A_158, %swap3A_159], %get3A_157 {add = true, strides = array<i32>} : memref<80x128xf32, #tpu.memory_space<vmem>>, vector<16xf32>,
        %get3A_161 = arith.index_cast %add3A_102 : i32 to index
        %get3A_162 = arith.constant 32 : index
        %get3A_163 = tpu.vector_load %arg10[%get3A_161, %get3A_162] {strides = array<i32>} : memref<80x128xf32, #tpu.memory_space<vmem>>, vector<16xf32>,
        %swap3A_164 = arith.index_cast %add3A_102 : i32 to index
        %swap3A_165 = arith.constant 32 : index
        %swap3A_166 = tpu.vector_load %arg9[%swap3A_164, %swap3A_165] {strides = array<i32>} : memref<80x128xf32, #tpu.memory_space<vmem>>, vector<16xf32>,
        tpu.vector_store %arg9[%swap3A_164, %swap3A_165], %get3A_163 {add = true, strides = array<i32>} : memref<80x128xf32, #tpu.memory_space<vmem>>, vector<16xf32>,
        %get3A_167 = arith.index_cast %add3A_102 : i32 to index
        %get3A_168 = arith.constant 48 : index
        %get3A_169 = tpu.vector_load %arg10[%get3A_167, %get3A_168] {strides = array<i32>} : memref<80x128xf32, #tpu.memory_space<vmem>>, vector<16xf32>,
        %swap3A_170 = arith.index_cast %add3A_102 : i32 to index
        %swap3A_171 = arith.constant 48 : index
        %swap3A_172 = tpu.vector_load %arg9[%swap3A_170, %swap3A_171] {strides = array<i32>} : memref<80x128xf32, #tpu.memory_space<vmem>>, vector<16xf32>,
        tpu.vector_store %arg9[%swap3A_170, %swap3A_171], %get3A_169 {add = true, strides = array<i32>} : memref<80x128xf32, #tpu.memory_space<vmem>>, vector<16xf32>,
        %get3A_173 = arith.index_cast %add3A_102 : i32 to index
        %get3A_174 = arith.constant 64 : index
        %get3A_175 = tpu.vector_load %arg10[%get3A_173, %get3A_174] {strides = array<i32>} : memref<80x128xf32, #tpu.memory_space<vmem>>, vector<16xf32>,
        %swap3A_176 = arith.index_cast %add3A_102 : i32 to index
        %swap3A_177 = arith.constant 64 : index
        %swap3A_178 = tpu.vector_load %arg9[%swap3A_176, %swap3A_177] {strides = array<i32>} : memref<80x128xf32, #tpu.memory_space<vmem>>, vector<16xf32>,
        tpu.vector_store %arg9[%swap3A_176, %swap3A_177], %get3A_175 {add = true, strides = array<i32>} : memref<80x128xf32, #tpu.memory_space<vmem>>, vector<16xf32>,
        %get3A_179 = arith.index_cast %add3A_102 : i32 to index
        %get3A_180 = arith.constant 80 : index
        %get3A_181 = tpu.vector_load %arg10[%get3A_179, %get3A_180] {strides = array<i32>} : memref<80x128xf32, #tpu.memory_space<vmem>>, vector<16xf32>,
        %swap3A_182 = arith.index_cast %add3A_102 : i32 to index
        %swap3A_183 = arith.constant 80 : index
        %swap3A_184 = tpu.vector_load %arg9[%swap3A_182, %swap3A_183] {strides = array<i32>} : memref<80x128xf32, #tpu.memory_space<vmem>>, vector<16xf32>,
        tpu.vector_store %arg9[%swap3A_182, %swap3A_183], %get3A_181 {add = true, strides = array<i32>} : memref<80x128xf32, #tpu.memory_space<vmem>>, vector<16xf32>,
        %get3A_185 = arith.index_cast %add3A_102 : i32 to index
        %get3A_186 = arith.constant 96 : index
        %get3A_187 = tpu.vector_load %arg10[%get3A_185, %get3A_186] {strides = array<i32>} : memref<80x128xf32, #tpu.memory_space<vmem>>, vector<16xf32>,
        %swap3A_188 = arith.index_cast %add3A_102 : i32 to index
        %swap3A_189 = arith.constant 96 : index
        %swap3A_190 = tpu.vector_load %arg9[%swap3A_188, %swap3A_189] {strides = array<i32>} : memref<80x128xf32, #tpu.memory_space<vmem>>, vector<16xf32>,
        tpu.vector_store %arg9[%swap3A_188, %swap3A_189], %get3A_187 {add = true, strides = array<i32>} : memref<80x128xf32, #tpu.memory_space<vmem>>, vector<16xf32>,
        %get3A_191 = arith.index_cast %add3A_102 : i32 to index
        %get3A_192 = arith.constant 112 : index
        %get3A_193 = tpu.vector_load %arg10[%get3A_191, %get3A_192] {strides = array<i32>} : memref<80x128xf32, #tpu.memory_space<vmem>>, vector<16xf32>,
        %swap3A_194 = arith.index_cast %add3A_102 : i32 to index
        %swap3A_195 = arith.constant 112 : index
        %swap3A_196 = tpu.vector_load %arg9[%swap3A_194, %swap3A_195] {strides = array<i32>} : memref<80x128xf32, #tpu.memory_space<vmem>>, vector<16xf32>,
        tpu.vector_store %arg9[%swap3A_194, %swap3A_195], %get3A_193 {add = true, strides = array<i32>} : memref<80x128xf32, #tpu.memory_space<vmem>>, vector<16xf32>,
      }
      %scan3A_59 = arith.constant 40 : i32
      %mul3A_60 = arith.constant 80 : i32
      %mul3A_61 = arith.muli %mul3A_28, %mul3A_60 : i32
      %add3A_62 = arith.addi %mul3A_2, %mul3A_61 : i32
      "tpu.region"() ({
        %run_scoped3A = tpu.sem_alloc : memref<!tpu.dma_semaphore, #tpu.memory_space<semaphore_mem>>
        %dma_start3A_96 = arith.constant 0 : i32
        %dma_start3A_97 = tpu.memref_slice %arg6[%add3A_62, %dma_start3A_96] : memref<320000x128xf32, #tpu.memory_space<hbm>> -> memref<80x128xf32, #tpu.memory_space<hbm>>
        %dma_start3A_98 = arith.constant 0 : i32
        %dma_start3A_99 = tpu.memref_slice %arg6[%add3A_62, %dma_start3A_98] : memref<320000x128xf32, #tpu.memory_space<hbm>> -> memref<80x128xf32, #tpu.memory_space<hbm>>
        tpu.enqueue_dma source(%arg9 : memref<80x128xf32, #tpu.memory_space<vmem>>) target(%dma_start3A_99 : memref<80x128xf32, #tpu.memory_space<hbm>>) target_semaphore(%run_scoped3A : memref<!tpu.dma_semaphore, #tpu.memory_space<semaphore_mem>>)
        %dma_wait3A_100 = arith.constant 0 : i32
        %dma_wait3A_101 = tpu.memref_slice %arg6[%add3A_62, %dma_wait3A_100] : memref<320000x128xf32, #tpu.memory_space<hbm>> -> memref<80x128xf32, #tpu.memory_space<hbm>>
        %dma_wait3A_102 = arith.constant 0 : i32
        %dma_wait3A_103 = tpu.memref_slice %arg6[%add3A_62, %dma_wait3A_102] : memref<320000x128xf32, #tpu.memory_space<hbm>> -> memref<80x128xf32, #tpu.memory_space<hbm>>
        tpu.wait_dma2 semaphore(%run_scoped3A : memref<!tpu.dma_semaphore, #tpu.memory_space<semaphore_mem>>) src(%arg9 : memref<80x128xf32, #tpu.memory_space<vmem>>) dst(%dma_wait3A_103 : memref<80x128xf32, #tpu.memory_space<hbm>>)
        tpu.yield
      }) : () -> ()
      %add3A_63 = arith.constant 2 : i32
      %add3A_64 = arith.addi %mul3A_28, %add3A_63 : i32
      %min3A_65 = arith.constant 124 : i32
      %min3A_66 = arith.minsi %add3A_64, %min3A_65 : i32
      %mul3A_67 = arith.constant 80 : i32
      %mul3A_68 = arith.muli %min3A_66, %mul3A_67 : i32
      %dma_start3A_69 = tpu.memref_slice %arg7[%mul3A_68] : memref<10000xi32, #tpu.memory_space<vmem>> -> memref<80xi32, #tpu.memory_space<vmem>>
      %dma_start3A_70 = arith.constant 0 : i32
      %dma_start3A_71 = arith.constant 0 : i32
      %dma_start3A_72 = tpu.memref_slice %arg2[%dma_start3A_70, %dma_start3A_71] : memref<10000x128xf32, #tpu.memory_space<hbm>> -> memref<10000x128xf32, #tpu.memory_space<hbm>>
      tpu.enqueue_indirect_dma source(%dma_start3A_72 : memref<10000x128xf32, #tpu.memory_space<hbm>>) target(%arg9 : memref<80x128xf32, #tpu.memory_space<vmem>>) offsets(%dma_start3A_69 : memref<80xi32, #tpu.memory_space<vmem>>) semaphore(%arg13 : memref<!tpu.dma_semaphore, #tpu.memory_space<semaphore_mem>>)
      %dma_start3A_73 = tpu.memref_slice %arg8[%mul3A_68] : memref<10000xi32, #tpu.memory_space<vmem>> -> memref<80xi32, #tpu.memory_space<vmem>>
      %dma_start3A_74 = arith.constant 0 : i32
      %dma_start3A_75 = arith.constant 0 : i32
      %dma_start3A_76 = tpu.memref_slice %arg3[%dma_start3A_74, %dma_start3A_75] : memref<10000x128xf32, #tpu.memory_space<hbm>> -> memref<10000x128xf32, #tpu.memory_space<hbm>>
      tpu.enqueue_indirect_dma source(%dma_start3A_76 : memref<10000x128xf32, #tpu.memory_space<hbm>>) target(%arg10 : memref<80x128xf32, #tpu.memory_space<vmem>>) offsets(%dma_start3A_73 : memref<80xi32, #tpu.memory_space<vmem>>) semaphore(%arg14 : memref<!tpu.dma_semaphore, #tpu.memory_space<semaphore_mem>>)
      %dma_wait3A_77 = arith.constant 0 : i32
      %dma_wait3A_78 = tpu.memref_slice %arg7[%dma_wait3A_77] : memref<10000xi32, #tpu.memory_space<vmem>> -> memref<80xi32, #tpu.memory_space<vmem>>
      %dma_wait3A_79 = arith.constant 0 : i32
      %dma_wait3A_80 = arith.constant 0 : i32
      %dma_wait3A_81 = tpu.memref_slice %arg2[%dma_wait3A_79, %dma_wait3A_80] : memref<10000x128xf32, #tpu.memory_space<hbm>> -> memref<10000x128xf32, #tpu.memory_space<hbm>>
      tpu.wait_indirect_dma semaphore(%arg15 : memref<!tpu.dma_semaphore, #tpu.memory_space<semaphore_mem>>) src(%dma_wait3A_81 : memref<10000x128xf32, #tpu.memory_space<hbm>>) dst(%arg11 : memref<80x128xf32, #tpu.memory_space<vmem>>)
      %dma_wait3A_82 = arith.constant 0 : i32
      %dma_wait3A_83 = tpu.memref_slice %arg8[%dma_wait3A_82] : memref<10000xi32, #tpu.memory_space<vmem>> -> memref<80xi32, #tpu.memory_space<vmem>>
      %dma_wait3A_84 = arith.constant 0 : i32
      %dma_wait3A_85 = arith.constant 0 : i32
      %dma_wait3A_86 = tpu.memref_slice %arg3[%dma_wait3A_84, %dma_wait3A_85] : memref<10000x128xf32, #tpu.memory_space<hbm>> -> memref<10000x128xf32, #tpu.memory_space<hbm>>
      tpu.wait_indirect_dma semaphore(%arg16 : memref<!tpu.dma_semaphore, #tpu.memory_space<semaphore_mem>>) src(%dma_wait3A_86 : memref<10000x128xf32, #tpu.memory_space<hbm>>) dst(%arg12 : memref<80x128xf32, #tpu.memory_space<vmem>>)
      %scan3A_87 = arith.constant 0 : i32
      %scan3A_88 = arith.constant 0 : i32
      %scan3A_89 = arith.constant 40 : i32
      %scan3A_90 = arith.addi %scan3A_88, %scan3A_89 : i32
      %scan3A_91 = arith.constant 1 : i32
      scf.for %scan3A_96 = %scan3A_88 to %scan3A_90 step %scan3A_91  : i32 {
        %mul3A_97 = arith.constant 2 : i32
        %mul3A_98 = arith.muli %mul3A_97, %scan3A_96 : i32
        %mul3A_99 = arith.constant 2 : i32
        %mul3A_100 = arith.muli %mul3A_99, %scan3A_96 : i32
        %add3A_101 = arith.constant 1 : i32
        %add3A_102 = arith.addi %mul3A_100, %add3A_101 : i32
        %get3A = arith.index_cast %mul3A_98 : i32 to index
        %get3A_103 = arith.constant 0 : index
        %get3A_104 = tpu.vector_load %arg12[%get3A, %get3A_103] {strides = array<i32>} : memref<80x128xf32, #tpu.memory_space<vmem>>, vector<16xf32>,
        %swap3A = arith.index_cast %mul3A_98 : i32 to index
        %swap3A_105 = arith.constant 0 : index
        %swap3A_106 = tpu.vector_load %arg11[%swap3A, %swap3A_105] {strides = array<i32>} : memref<80x128xf32, #tpu.memory_space<vmem>>, vector<16xf32>,
        tpu.vector_store %arg11[%swap3A, %swap3A_105], %get3A_104 {add = true, strides = array<i32>} : memref<80x128xf32, #tpu.memory_space<vmem>>, vector<16xf32>,
        %get3A_107 = arith.index_cast %mul3A_98 : i32 to index
        %get3A_108 = arith.constant 16 : index
        %get3A_109 = tpu.vector_load %arg12[%get3A_107, %get3A_108] {strides = array<i32>} : memref<80x128xf32, #tpu.memory_space<vmem>>, vector<16xf32>,
        %swap3A_110 = arith.index_cast %mul3A_98 : i32 to index
        %swap3A_111 = arith.constant 16 : index
        %swap3A_112 = tpu.vector_load %arg11[%swap3A_110, %swap3A_111] {strides = array<i32>} : memref<80x128xf32, #tpu.memory_space<vmem>>, vector<16xf32>,
        tpu.vector_store %arg11[%swap3A_110, %swap3A_111], %get3A_109 {add = true, strides = array<i32>} : memref<80x128xf32, #tpu.memory_space<vmem>>, vector<16xf32>,
        %get3A_113 = arith.index_cast %mul3A_98 : i32 to index
        %get3A_114 = arith.constant 32 : index
        %get3A_115 = tpu.vector_load %arg12[%get3A_113, %get3A_114] {strides = array<i32>} : memref<80x128xf32, #tpu.memory_space<vmem>>, vector<16xf32>,
        %swap3A_116 = arith.index_cast %mul3A_98 : i32 to index
        %swap3A_117 = arith.constant 32 : index
        %swap3A_118 = tpu.vector_load %arg11[%swap3A_116, %swap3A_117] {strides = array<i32>} : memref<80x128xf32, #tpu.memory_space<vmem>>, vector<16xf32>,
        tpu.vector_store %arg11[%swap3A_116, %swap3A_117], %get3A_115 {add = true, strides = array<i32>} : memref<80x128xf32, #tpu.memory_space<vmem>>, vector<16xf32>,
        %get3A_119 = arith.index_cast %mul3A_98 : i32 to index
        %get3A_120 = arith.constant 48 : index
        %get3A_121 = tpu.vector_load %arg12[%get3A_119, %get3A_120] {strides = array<i32>} : memref<80x128xf32, #tpu.memory_space<vmem>>, vector<16xf32>,
        %swap3A_122 = arith.index_cast %mul3A_98 : i32 to index
        %swap3A_123 = arith.constant 48 : index
        %swap3A_124 = tpu.vector_load %arg11[%swap3A_122, %swap3A_123] {strides = array<i32>} : memref<80x128xf32, #tpu.memory_space<vmem>>, vector<16xf32>,
        tpu.vector_store %arg11[%swap3A_122, %swap3A_123], %get3A_121 {add = true, strides = array<i32>} : memref<80x128xf32, #tpu.memory_space<vmem>>, vector<16xf32>,
        %get3A_125 = arith.index_cast %mul3A_98 : i32 to index
        %get3A_126 = arith.constant 64 : index
        %get3A_127 = tpu.vector_load %arg12[%get3A_125, %get3A_126] {strides = array<i32>} : memref<80x128xf32, #tpu.memory_space<vmem>>, vector<16xf32>,
        %swap3A_128 = arith.index_cast %mul3A_98 : i32 to index
        %swap3A_129 = arith.constant 64 : index
        %swap3A_130 = tpu.vector_load %arg11[%swap3A_128, %swap3A_129] {strides = array<i32>} : memref<80x128xf32, #tpu.memory_space<vmem>>, vector<16xf32>,
        tpu.vector_store %arg11[%swap3A_128, %swap3A_129], %get3A_127 {add = true, strides = array<i32>} : memref<80x128xf32, #tpu.memory_space<vmem>>, vector<16xf32>,
        %get3A_131 = arith.index_cast %mul3A_98 : i32 to index
        %get3A_132 = arith.constant 80 : index
        %get3A_133 = tpu.vector_load %arg12[%get3A_131, %get3A_132] {strides = array<i32>} : memref<80x128xf32, #tpu.memory_space<vmem>>, vector<16xf32>,
        %swap3A_134 = arith.index_cast %mul3A_98 : i32 to index
        %swap3A_135 = arith.constant 80 : index
        %swap3A_136 = tpu.vector_load %arg11[%swap3A_134, %swap3A_135] {strides = array<i32>} : memref<80x128xf32, #tpu.memory_space<vmem>>, vector<16xf32>,
        tpu.vector_store %arg11[%swap3A_134, %swap3A_135], %get3A_133 {add = true, strides = array<i32>} : memref<80x128xf32, #tpu.memory_space<vmem>>, vector<16xf32>,
        %get3A_137 = arith.index_cast %mul3A_98 : i32 to index
        %get3A_138 = arith.constant 96 : index
        %get3A_139 = tpu.vector_load %arg12[%get3A_137, %get3A_138] {strides = array<i32>} : memref<80x128xf32, #tpu.memory_space<vmem>>, vector<16xf32>,
        %swap3A_140 = arith.index_cast %mul3A_98 : i32 to index
        %swap3A_141 = arith.constant 96 : index
        %swap3A_142 = tpu.vector_load %arg11[%swap3A_140, %swap3A_141] {strides = array<i32>} : memref<80x128xf32, #tpu.memory_space<vmem>>, vector<16xf32>,
        tpu.vector_store %arg11[%swap3A_140, %swap3A_141], %get3A_139 {add = true, strides = array<i32>} : memref<80x128xf32, #tpu.memory_space<vmem>>, vector<16xf32>,
        %get3A_143 = arith.index_cast %mul3A_98 : i32 to index
        %get3A_144 = arith.constant 112 : index
        %get3A_145 = tpu.vector_load %arg12[%get3A_143, %get3A_144] {strides = array<i32>} : memref<80x128xf32, #tpu.memory_space<vmem>>, vector<16xf32>,
        %swap3A_146 = arith.index_cast %mul3A_98 : i32 to index
        %swap3A_147 = arith.constant 112 : index
        %swap3A_148 = tpu.vector_load %arg11[%swap3A_146, %swap3A_147] {strides = array<i32>} : memref<80x128xf32, #tpu.memory_space<vmem>>, vector<16xf32>,
        tpu.vector_store %arg11[%swap3A_146, %swap3A_147], %get3A_145 {add = true, strides = array<i32>} : memref<80x128xf32, #tpu.memory_space<vmem>>, vector<16xf32>,
        %get3A_149 = arith.index_cast %add3A_102 : i32 to index
        %get3A_150 = arith.constant 0 : index
        %get3A_151 = tpu.vector_load %arg12[%get3A_149, %get3A_150] {strides = array<i32>} : memref<80x128xf32, #tpu.memory_space<vmem>>, vector<16xf32>,
        %swap3A_152 = arith.index_cast %add3A_102 : i32 to index
        %swap3A_153 = arith.constant 0 : index
        %swap3A_154 = tpu.vector_load %arg11[%swap3A_152, %swap3A_153] {strides = array<i32>} : memref<80x128xf32, #tpu.memory_space<vmem>>, vector<16xf32>,
        tpu.vector_store %arg11[%swap3A_152, %swap3A_153], %get3A_151 {add = true, strides = array<i32>} : memref<80x128xf32, #tpu.memory_space<vmem>>, vector<16xf32>,
        %get3A_155 = arith.index_cast %add3A_102 : i32 to index
        %get3A_156 = arith.constant 16 : index
        %get3A_157 = tpu.vector_load %arg12[%get3A_155, %get3A_156] {strides = array<i32>} : memref<80x128xf32, #tpu.memory_space<vmem>>, vector<16xf32>,
        %swap3A_158 = arith.index_cast %add3A_102 : i32 to index
        %swap3A_159 = arith.constant 16 : index
        %swap3A_160 = tpu.vector_load %arg11[%swap3A_158, %swap3A_159] {strides = array<i32>} : memref<80x128xf32, #tpu.memory_space<vmem>>, vector<16xf32>,
        tpu.vector_store %arg11[%swap3A_158, %swap3A_159], %get3A_157 {add = true, strides = array<i32>} : memref<80x128xf32, #tpu.memory_space<vmem>>, vector<16xf32>,
        %get3A_161 = arith.index_cast %add3A_102 : i32 to index
        %get3A_162 = arith.constant 32 : index
        %get3A_163 = tpu.vector_load %arg12[%get3A_161, %get3A_162] {strides = array<i32>} : memref<80x128xf32, #tpu.memory_space<vmem>>, vector<16xf32>,
        %swap3A_164 = arith.index_cast %add3A_102 : i32 to index
        %swap3A_165 = arith.constant 32 : index
        %swap3A_166 = tpu.vector_load %arg11[%swap3A_164, %swap3A_165] {strides = array<i32>} : memref<80x128xf32, #tpu.memory_space<vmem>>, vector<16xf32>,
        tpu.vector_store %arg11[%swap3A_164, %swap3A_165], %get3A_163 {add = true, strides = array<i32>} : memref<80x128xf32, #tpu.memory_space<vmem>>, vector<16xf32>,
        %get3A_167 = arith.index_cast %add3A_102 : i32 to index
        %get3A_168 = arith.constant 48 : index
        %get3A_169 = tpu.vector_load %arg12[%get3A_167, %get3A_168] {strides = array<i32>} : memref<80x128xf32, #tpu.memory_space<vmem>>, vector<16xf32>,
        %swap3A_170 = arith.index_cast %add3A_102 : i32 to index
        %swap3A_171 = arith.constant 48 : index
        %swap3A_172 = tpu.vector_load %arg11[%swap3A_170, %swap3A_171] {strides = array<i32>} : memref<80x128xf32, #tpu.memory_space<vmem>>, vector<16xf32>,
        tpu.vector_store %arg11[%swap3A_170, %swap3A_171], %get3A_169 {add = true, strides = array<i32>} : memref<80x128xf32, #tpu.memory_space<vmem>>, vector<16xf32>,
        %get3A_173 = arith.index_cast %add3A_102 : i32 to index
        %get3A_174 = arith.constant 64 : index
        %get3A_175 = tpu.vector_load %arg12[%get3A_173, %get3A_174] {strides = array<i32>} : memref<80x128xf32, #tpu.memory_space<vmem>>, vector<16xf32>,
        %swap3A_176 = arith.index_cast %add3A_102 : i32 to index
        %swap3A_177 = arith.constant 64 : index
        %swap3A_178 = tpu.vector_load %arg11[%swap3A_176, %swap3A_177] {strides = array<i32>} : memref<80x128xf32, #tpu.memory_space<vmem>>, vector<16xf32>,
        tpu.vector_store %arg11[%swap3A_176, %swap3A_177], %get3A_175 {add = true, strides = array<i32>} : memref<80x128xf32, #tpu.memory_space<vmem>>, vector<16xf32>,
        %get3A_179 = arith.index_cast %add3A_102 : i32 to index
        %get3A_180 = arith.constant 80 : index
        %get3A_181 = tpu.vector_load %arg12[%get3A_179, %get3A_180] {strides = array<i32>} : memref<80x128xf32, #tpu.memory_space<vmem>>, vector<16xf32>,
        %swap3A_182 = arith.index_cast %add3A_102 : i32 to index
        %swap3A_183 = arith.constant 80 : index
        %swap3A_184 = tpu.vector_load %arg11[%swap3A_182, %swap3A_183] {strides = array<i32>} : memref<80x128xf32, #tpu.memory_space<vmem>>, vector<16xf32>,
        tpu.vector_store %arg11[%swap3A_182, %swap3A_183], %get3A_181 {add = true, strides = array<i32>} : memref<80x128xf32, #tpu.memory_space<vmem>>, vector<16xf32>,
        %get3A_185 = arith.index_cast %add3A_102 : i32 to index
        %get3A_186 = arith.constant 96 : index
        %get3A_187 = tpu.vector_load %arg12[%get3A_185, %get3A_186] {strides = array<i32>} : memref<80x128xf32, #tpu.memory_space<vmem>>, vector<16xf32>,
        %swap3A_188 = arith.index_cast %add3A_102 : i32 to index
        %swap3A_189 = arith.constant 96 : index
        %swap3A_190 = tpu.vector_load %arg11[%swap3A_188, %swap3A_189] {strides = array<i32>} : memref<80x128xf32, #tpu.memory_space<vmem>>, vector<16xf32>,
        tpu.vector_store %arg11[%swap3A_188, %swap3A_189], %get3A_187 {add = true, strides = array<i32>} : memref<80x128xf32, #tpu.memory_space<vmem>>, vector<16xf32>,
        %get3A_191 = arith.index_cast %add3A_102 : i32 to index
        %get3A_192 = arith.constant 112 : index
        %get3A_193 = tpu.vector_load %arg12[%get3A_191, %get3A_192] {strides = array<i32>} : memref<80x128xf32, #tpu.memory_space<vmem>>, vector<16xf32>,
        %swap3A_194 = arith.index_cast %add3A_102 : i32 to index
        %swap3A_195 = arith.constant 112 : index
        %swap3A_196 = tpu.vector_load %arg11[%swap3A_194, %swap3A_195] {strides = array<i32>} : memref<80x128xf32, #tpu.memory_space<vmem>>, vector<16xf32>,
        tpu.vector_store %arg11[%swap3A_194, %swap3A_195], %get3A_193 {add = true, strides = array<i32>} : memref<80x128xf32, #tpu.memory_space<vmem>>, vector<16xf32>,
      }
      %scan3A_92 = arith.constant 40 : i32
      %mul3A_93 = arith.constant 80 : i32
      %mul3A_94 = arith.muli %min3A_33, %mul3A_93 : i32
      %add3A_95 = arith.addi %mul3A_2, %mul3A_94 : i32
      "tpu.region"() ({
        %run_scoped3A = tpu.sem_alloc : memref<!tpu.dma_semaphore, #tpu.memory_space<semaphore_mem>>
        %dma_start3A_96 = arith.constant 0 : i32
        %dma_start3A_97 = tpu.memref_slice %arg6[%add3A_95, %dma_start3A_96] : memref<320000x128xf32, #tpu.memory_space<hbm>> -> memref<80x128xf32, #tpu.memory_space<hbm>>
        %dma_start3A_98 = arith.constant 0 : i32
        %dma_start3A_99 = tpu.memref_slice %arg6[%add3A_95, %dma_start3A_98] : memref<320000x128xf32, #tpu.memory_space<hbm>> -> memref<80x128xf32, #tpu.memory_space<hbm>>
        tpu.enqueue_dma source(%arg11 : memref<80x128xf32, #tpu.memory_space<vmem>>) target(%dma_start3A_99 : memref<80x128xf32, #tpu.memory_space<hbm>>) target_semaphore(%run_scoped3A : memref<!tpu.dma_semaphore, #tpu.memory_space<semaphore_mem>>)
        %dma_wait3A_100 = arith.constant 0 : i32
        %dma_wait3A_101 = tpu.memref_slice %arg6[%add3A_95, %dma_wait3A_100] : memref<320000x128xf32, #tpu.memory_space<hbm>> -> memref<80x128xf32, #tpu.memory_space<hbm>>
        %dma_wait3A_102 = arith.constant 0 : i32
        %dma_wait3A_103 = tpu.memref_slice %arg6[%add3A_95, %dma_wait3A_102] : memref<320000x128xf32, #tpu.memory_space<hbm>> -> memref<80x128xf32, #tpu.memory_space<hbm>>
        tpu.wait_dma2 semaphore(%run_scoped3A : memref<!tpu.dma_semaphore, #tpu.memory_space<semaphore_mem>>) src(%arg11 : memref<80x128xf32, #tpu.memory_space<vmem>>) dst(%dma_wait3A_103 : memref<80x128xf32, #tpu.memory_space<hbm>>)
        tpu.yield
      }) : () -> ()
    }
    %scan3A_16 = arith.constant 63 : i32
    %dma_wait3A = arith.constant 0 : i32
    %dma_wait3A_17 = tpu.memref_slice %arg7[%dma_wait3A] : memref<10000xi32, #tpu.memory_space<vmem>> -> memref<80xi32, #tpu.memory_space<vmem>>
    %dma_wait3A_18 = arith.constant 0 : i32
    %dma_wait3A_19 = arith.constant 0 : i32
    %dma_wait3A_20 = tpu.memref_slice %arg2[%dma_wait3A_18, %dma_wait3A_19] : memref<10000x128xf32, #tpu.memory_space<hbm>> -> memref<10000x128xf32, #tpu.memory_space<hbm>>
    tpu.wait_indirect_dma semaphore(%arg13 : memref<!tpu.dma_semaphore, #tpu.memory_space<semaphore_mem>>) src(%dma_wait3A_20 : memref<10000x128xf32, #tpu.memory_space<hbm>>) dst(%arg9 : memref<80x128xf32, #tpu.memory_space<vmem>>)
    %dma_wait3A_21 = arith.constant 0 : i32
    %dma_wait3A_22 = tpu.memref_slice %arg8[%dma_wait3A_21] : memref<10000xi32, #tpu.memory_space<vmem>> -> memref<80xi32, #tpu.memory_space<vmem>>
    %dma_wait3A_23 = arith.constant 0 : i32
    %dma_wait3A_24 = arith.constant 0 : i32
    %dma_wait3A_25 = tpu.memref_slice %arg3[%dma_wait3A_23, %dma_wait3A_24] : memref<10000x128xf32, #tpu.memory_space<hbm>> -> memref<10000x128xf32, #tpu.memory_space<hbm>>
    tpu.wait_indirect_dma semaphore(%arg14 : memref<!tpu.dma_semaphore, #tpu.memory_space<semaphore_mem>>) src(%dma_wait3A_25 : memref<10000x128xf32, #tpu.memory_space<hbm>>) dst(%arg10 : memref<80x128xf32, #tpu.memory_space<vmem>>)
    return
  }
}

module attributes {stable_mosaic.version = 14 : i64} {
  func.func @_mlp_body(%arg0: i32, %arg1: memref<2560x128xf32, #tpu.memory_space<vmem>>, %arg2: memref<2560x128xf32, #tpu.memory_space<vmem>>, %arg3: memref<128x128xf32, #tpu.memory_space<vmem>>, %arg4: memref<128x128xf32, #tpu.memory_space<vmem>>, %arg5: memref<1x128xf32, #tpu.memory_space<vmem>>, %arg6: memref<2560x128xf32, #tpu.memory_space<vmem>>) attributes {dimension_semantics = [#tpu.dimension_semantics<arbitrary>], iteration_bounds = array<i64: 125>, scalar_prefetch = 0 : i64, scratch_operands = 0 : i64, tpu.core_type = #tpu.core_type<tc>, window_params = [{transform_indices = @transform_0, window_bounds = array<i64: 2560, 128>}, {transform_indices = @transform_1, window_bounds = array<i64: 2560, 128>}, {pipeline_mode = #tpu.pipeline_mode<synchronous>, transform_indices = @transform_2, window_bounds = array<i64: 128, 128>}, {pipeline_mode = #tpu.pipeline_mode<synchronous>, transform_indices = @transform_3, window_bounds = array<i64: 128, 128>}, {pipeline_mode = #tpu.pipeline_mode<synchronous>, transform_indices = @transform_4, window_bounds = array<i64: 1, 128>}, {transform_indices = @transform_5, window_bounds = array<i64: 2560, 128>}]} {
    %get3A = arith.constant 0 : index
    %get3A_0 = arith.constant 0 : index
    %get3A_1 = vector.load %arg1[%get3A, %get3A_0] : memref<2560x128xf32, #tpu.memory_space<vmem>>, vector<2560x128xf32>
    %get3A_2 = arith.constant 0 : index
    %get3A_3 = arith.constant 0 : index
    %get3A_4 = vector.load %arg3[%get3A_2, %get3A_3] : memref<128x128xf32, #tpu.memory_space<vmem>>, vector<128x128xf32>
    %dot_general3A = arith.constant dense<0.000000e+00> : vector<2560x128xf32>
    %dot_general3A_5 = tpu.matmul %get3A_1, %get3A_4, %dot_general3A {dimension_numbers = #tpu.dot_dimension_numbers<[1], [0], [0], [1], [0, 0, 1, 1], [], []>, transpose_lhs_hint = false} : vector<2560x128xf32>, vector<128x128xf32>, vector<2560x128xf32> -> vector<2560x128xf32>
    %get3A_6 = arith.constant 0 : index
    %get3A_7 = arith.constant 0 : index
    %get3A_8 = vector.load %arg2[%get3A_6, %get3A_7] : memref<2560x128xf32, #tpu.memory_space<vmem>>, vector<2560x128xf32>
    %add3A = arith.addf %get3A_8, %dot_general3A_5 : vector<2560x128xf32>
    %max3A = arith.constant 0.000000e+00 : f32
    %max3A_9 = vector.broadcast %max3A : f32 to vector<2560x128xf32>
    %max3A_10 = arith.maximumf %add3A, %max3A_9 : vector<2560x128xf32>
    %get3A_11 = arith.constant 0 : index
    %get3A_12 = arith.constant 0 : index
    %get3A_13 = vector.load %arg4[%get3A_11, %get3A_12] : memref<128x128xf32, #tpu.memory_space<vmem>>, vector<128x128xf32>
    %dot_general3A_14 = arith.constant dense<0.000000e+00> : vector<2560x128xf32>
    %dot_general3A_15 = tpu.matmul %max3A_10, %get3A_13, %dot_general3A_14 {dimension_numbers = #tpu.dot_dimension_numbers<[1], [0], [0], [1], [0, 0, 1, 1], [], []>, transpose_lhs_hint = false} : vector<2560x128xf32>, vector<128x128xf32>, vector<2560x128xf32> -> vector<2560x128xf32>
    %get3A_16 = arith.constant 0 : index
    %get3A_17 = arith.constant 0 : index
    %get3A_18 = vector.load %arg5[%get3A_16, %get3A_17] : memref<1x128xf32, #tpu.memory_space<vmem>>, vector<1x128xf32>
    %add3A_19 = vector.broadcast %get3A_18 : vector<1x128xf32> to vector<2560x128xf32>
    %add3A_20 = arith.addf %dot_general3A_15, %add3A_19 : vector<2560x128xf32>
    %swap3A = arith.constant 0 : index
    %swap3A_21 = arith.constant 0 : index
    %swap3A_22 = vector.load %arg6[%swap3A, %swap3A_21] : memref<2560x128xf32, #tpu.memory_space<vmem>>, vector<2560x128xf32>
    tpu.vector_store %arg6[%swap3A, %swap3A_21], %add3A_20 {strides = array<i32>} : memref<2560x128xf32, #tpu.memory_space<vmem>>, vector<2560x128xf32>,
    return
  }
  func.func @transform_0(%arg0: i32) -> (i32, i32) {
    %c0_i32 = arith.constant 0 : i32
    %c0_i32_0 = arith.constant 0 : i32
    return %arg0, %c0_i32 : i32, i32
  }
  func.func @transform_1(%arg0: i32) -> (i32, i32) {
    %c0_i32 = arith.constant 0 : i32
    %c0_i32_0 = arith.constant 0 : i32
    return %arg0, %c0_i32 : i32, i32
  }
  func.func @transform_2(%arg0: i32) -> (i32, i32) {
    %c0_i32 = arith.constant 0 : i32
    %c0_i32_0 = arith.constant 0 : i32
    %c0_i32_1 = arith.constant 0 : i32
    return %c0_i32, %c0_i32_0 : i32, i32
  }
  func.func @transform_3(%arg0: i32) -> (i32, i32) {
    %c0_i32 = arith.constant 0 : i32
    %c0_i32_0 = arith.constant 0 : i32
    %c0_i32_1 = arith.constant 0 : i32
    return %c0_i32, %c0_i32_0 : i32, i32
  }
  func.func @transform_4(%arg0: i32) -> (i32, i32) {
    %c0_i32 = arith.constant 0 : i32
    %c0_i32_0 = arith.constant 0 : i32
    %c0_i32_1 = arith.constant 0 : i32
    return %c0_i32, %c0_i32_0 : i32, i32
  }
  func.func @transform_5(%arg0: i32) -> (i32, i32) {
    %c0_i32 = arith.constant 0 : i32
    %c0_i32_0 = arith.constant 0 : i32
    return %arg0, %c0_i32 : i32, i32
  }
}

module attributes {stable_mosaic.version = 14 : i64} {
  func.func @_uv_body(%arg0: i32, %arg1: memref<1000x128xf32, #tpu.memory_space<vmem>>, %arg2: memref<128x256xf32, #tpu.memory_space<vmem>>, %arg3: memref<1x256xf32, #tpu.memory_space<vmem>>, %arg4: memref<1000x128xf32, #tpu.memory_space<vmem>>, %arg5: memref<1000x128xf32, #tpu.memory_space<vmem>>) attributes {dimension_semantics = [#tpu.dimension_semantics<arbitrary>], iteration_bounds = array<i64: 10>, scalar_prefetch = 0 : i64, scratch_operands = 0 : i64, tpu.core_type = #tpu.core_type<tc>, window_params = [{transform_indices = @transform_0, window_bounds = array<i64: 1000, 128>}, {pipeline_mode = #tpu.pipeline_mode<synchronous>, transform_indices = @transform_1, window_bounds = array<i64: 128, 256>}, {pipeline_mode = #tpu.pipeline_mode<synchronous>, transform_indices = @transform_2, window_bounds = array<i64: 1, 256>}, {transform_indices = @transform_3, window_bounds = array<i64: 1000, 128>}, {transform_indices = @transform_4, window_bounds = array<i64: 1000, 128>}]} {
    %get3A = arith.constant 0 : index
    %get3A_0 = arith.constant 0 : index
    %get3A_1 = vector.load %arg1[%get3A, %get3A_0] : memref<1000x128xf32, #tpu.memory_space<vmem>>, vector<1000x128xf32>
    %get3A_2 = arith.constant 0 : index
    %get3A_3 = arith.constant 0 : index
    %get3A_4 = vector.load %arg2[%get3A_2, %get3A_3] : memref<128x256xf32, #tpu.memory_space<vmem>>, vector<128x256xf32>
    %dot_general3A = arith.constant dense<0.000000e+00> : vector<1000x256xf32>
    %dot_general3A_5 = tpu.matmul %get3A_1, %get3A_4, %dot_general3A {dimension_numbers = #tpu.dot_dimension_numbers<[1], [0], [0], [1], [0, 0, 1, 1], [], []>, transpose_lhs_hint = false} : vector<1000x128xf32>, vector<128x256xf32>, vector<1000x256xf32> -> vector<1000x256xf32>
    %get3A_6 = arith.constant 0 : index
    %get3A_7 = arith.constant 0 : index
    %get3A_8 = vector.load %arg3[%get3A_6, %get3A_7] : memref<1x256xf32, #tpu.memory_space<vmem>>, vector<1x256xf32>
    %add3A = vector.broadcast %get3A_8 : vector<1x256xf32> to vector<1000x256xf32>
    %add3A_9 = arith.addf %dot_general3A_5, %add3A : vector<1000x256xf32>
    %slice3A = vector.extract_strided_slice %add3A_9 {offsets = [0, 0], sizes = [1000, 128], strides = [1, 1]} : vector<1000x256xf32> to vector<1000x128xf32>
    %swap3A = arith.constant 0 : index
    %swap3A_10 = arith.constant 0 : index
    %swap3A_11 = vector.load %arg4[%swap3A, %swap3A_10] : memref<1000x128xf32, #tpu.memory_space<vmem>>, vector<1000x128xf32>
    tpu.vector_store %arg4[%swap3A, %swap3A_10], %slice3A {strides = array<i32>} : memref<1000x128xf32, #tpu.memory_space<vmem>>, vector<1000x128xf32>,
    %slice3A_12 = vector.extract_strided_slice %add3A_9 {offsets = [0, 128], sizes = [1000, 128], strides = [1, 1]} : vector<1000x256xf32> to vector<1000x128xf32>
    %swap3A_13 = arith.constant 0 : index
    %swap3A_14 = arith.constant 0 : index
    %swap3A_15 = vector.load %arg5[%swap3A_13, %swap3A_14] : memref<1000x128xf32, #tpu.memory_space<vmem>>, vector<1000x128xf32>
    tpu.vector_store %arg5[%swap3A_13, %swap3A_14], %slice3A_12 {strides = array<i32>} : memref<1000x128xf32, #tpu.memory_space<vmem>>, vector<1000x128xf32>,
    return
  }
  func.func @transform_0(%arg0: i32) -> (i32, i32) {
    %c0_i32 = arith.constant 0 : i32
    %c0_i32_0 = arith.constant 0 : i32
    return %arg0, %c0_i32 : i32, i32
  }
  func.func @transform_1(%arg0: i32) -> (i32, i32) {
    %c0_i32 = arith.constant 0 : i32
    %c0_i32_0 = arith.constant 0 : i32
    %c0_i32_1 = arith.constant 0 : i32
    return %c0_i32, %c0_i32_0 : i32, i32
  }
  func.func @transform_2(%arg0: i32) -> (i32, i32) {
    %c0_i32 = arith.constant 0 : i32
    %c0_i32_0 = arith.constant 0 : i32
    %c0_i32_1 = arith.constant 0 : i32
    return %c0_i32, %c0_i32_0 : i32, i32
  }
  func.func @transform_3(%arg0: i32) -> (i32, i32) {
    %c0_i32 = arith.constant 0 : i32
    %c0_i32_0 = arith.constant 0 : i32
    return %arg0, %c0_i32 : i32, i32
  }
  func.func @transform_4(%arg0: i32) -> (i32, i32) {
    %c0_i32 = arith.constant 0 : i32
    %c0_i32_0 = arith.constant 0 : i32
    return %arg0, %c0_i32 : i32, i32
  }
}

</mosaic_0001>

<sc_bundles>
// kernel: kernel.6.cloned.1.call-start
scs
__scs_entry_jumppad:
0x0: {  	(pc) =	sbr.rel $0x88, $3  }
0x1: {  	(tag) =	ssettag $0x0;
	lr =	simm.s32 $0x1  }
0x2: {  	[smem:$0x3F99] =	sst lr;
	_ =	strace $0xD0000000  }
0x3: {  	_ = 	snop  }
0x4: {  	_ = 	snop  }
0x5: {  	_ = 	snop  }
0x6: {  	_ = 	snop  }
0x7: {  	_ = 	snop  }
__scs_overlays_trampoline_lowered:
0x8: {  	[smem:$0x3FA8] =	sst s0  }
0x9: {  	[smem:$0x3FA9] =	sst s1  }
0xa: {  	[smem:$0x3FAA] =	sst s2  }
0xb: {  	[smem:$0x3FAB] =	sst s3  }
0xc: {  	[smem:$0x3FAC] =	sst s4  }
0xd: {  	[smem:$0x3FAD] =	sst s5  }
0xe: {  	[smem:$0x3FAE] =	sst s6  }
0xf: {  	[smem:$0x3FAF] =	sst s7  }
0x10: {  	[smem:$0x3FB0] =	sst s8  }
0x11: {  	[smem:$0x3FB1] =	sst s9;
	s0 =	simm.s32 @!p0 $0x0  }
0x12: {  	s1 =	sld [smem:$0x3F97];
	s0 =	simm.s32 @p0 $0x1  }
0x13: {  	[smem:$0x3FB2] =	sst s0;
	s0 =	simm.s32 @!p1 $0x0  }
0x14: {  	s2 =	sld [smem:$0x3F96];
	s0 =	simm.s32 @p1 $0x1  }
0x15: {  	[smem:$0x3FB3] =	sst s0;
	s0 =	simm.s32 @!p2 $0x0  }
0x16: {  	s3 =	sld [smem:$0x3FDB];
	s0 =	simm.s32 @p2 $0x1  }
0x17: {  	s4 =	simm.s32 $0x1BF5;
	[smem:$0x3FB5] =	sst s0  }
0x18: {  	s0 =	sld [smem:$0x3F98];
	_ =	swait.ge [sflag:s4], $0x0  }
0x19: {  	s7 =	sld [smem:$0x3F99]  }
0x1a: {  	s8 =	sadd.s32 $0xFFFFE003, lr  }
0x1b: {  	s9 =	sadd.s32 $0xFFFFFEF7, lr;
	s5 =	simm.s32 $0xFFFFFFFF;
	p2 =	slt.u32 s8, $0xFFFFF086  }
0x1c: {  	p1 =	slt.u32 s9, $0xF7A;
	s5 =	simm.s32 @!p2 $0x0  }
0x1d: {  	s5 =	simm.s32 @p1 $0x1;
	p0 =	seq.s32 s7, s2  }
0x1e: {  	s7 =	smul.u32 @!p0 $0xF7A, s2;
	p2 =	seq.s32 @!p0 s5, $0x0  }
0x1f: {  	s9 =	smul.u32 $0xF7A, s1;
	s8 =	simm.s32 @!p0 $0x1BF5;
	p2 =	por !p2, p0  }
0x20: {  	[sflag:s8] =	ssyncset.s32 @!p0 $0xFFFFF086;
	s6 =	sadd.s32 @!p0 s3, s7;
	s7 =	simm.s32 @!p0 $0x108  }
0x21: {  	s3 =	sadd.s32 s3, s9;
	s6 =	sadd.s32 @!p0 $0x88, s6;
	s7 =	simm.s32 @p2 $0x1082  }
0x22: {  	[simem:s7], [sflag:s8] =	dma.local @!p0 [hbm:s6], $0xF7A  }
0x23: {  	s9 =	sor.u32 $0xD0000000, s2;
	s6 =	simm.s32 $0x108;
	_ =	swait.ge @!p0 [sflag:s8], $0x0  }
0x24: {  	s3 =	sadd.s32 $0x88, s3;
	s6 =	simm.s32 @!p1 $0x1082;
	[sflag:s4] =	ssyncset.s32 $0xFFFFF086  }
0x25: {  	[simem:s6], [sflag:s4] =	dma.local [hbm:s3], $0xF7A  }
0x26: {  	[smem:$0x3F99] =	sst s1;
	(tag) =	ssettag s2;
	_ =	strace s9  }
0x27: {  	s1 =	sld [smem:$0x3FA9]  }
0x28: {  	s2 =	sld [smem:$0x3FAA]  }
0x29: {  	s4 =	sld [smem:$0x3FAC]  }
0x2a: {  	p0 =	seq.s32 s5, $0x0;
	s5 =	sld [smem:$0x3FAD]  }
0x2b: {  	s6 =	sld [smem:$0x3FAE]  }
0x2c: {  	s7 =	sld [smem:$0x3FAF]  }
0x2d: {  	s3 =	simm.s32 $0x108;
	s8 =	sld [smem:$0x3FB0]  }
0x2e: {  	s3 =	simm.s32 @!p0 $0x1082;
	s9 =	sld [smem:$0x3FB1]  }
0x2f: {  	lr =	sadd.s32 s0, s3;
	s0 =	sld [smem:$0x3FA8]  }
0x30: {  	s3 =	sld [smem:$0x3FAB]  }
0x31: {  	[smem:$0x3FB4] =	sst s10  }
0x32: {  	s10 =	sld [smem:$0x3FB2];
	_ =	sdelay $0x3  }
0x33: {  	p0 =	seq.s32 s10, $0x1;
	s10 =	sld [smem:$0x3FB4];
	_ =	sdelay $0x3  }
0x34: {  	[smem:$0x3FB4] =	sst s10  }
0x35: {  	s10 =	sld [smem:$0x3FB3];
	_ =	sdelay $0x3  }
0x36: {  	p1 =	seq.s32 s10, $0x1;
	s10 =	sld [smem:$0x3FB4];
	_ =	sdelay $0x3  }
0x37: {  	[smem:$0x3FB4] =	sst s10  }
0x38: {  	s10 =	sld [smem:$0x3FB5]  }
0x39: {  	_ = 	snop;
	(pc) =	sbr.ind lr, $3  }
0x3a: {  	_ = 	snop  }
0x3b: {  	_ = 	snop  }
0x3c: {  	p2 =	seq.s32 s10, $0x1;
	s10 =	sld [smem:$0x3FB4]  }
0x3d: {  	_ =	shalt  }
0x3e: {  	_ =	shalt  }
0x3f: {  	_ =	shalt  }
0x40: {  	_ =	shalt  }
0x41: {  	_ =	shalt  }
0x42: {  	_ =	shalt  }
0x43: {  	_ =	shalt  }
0x44: {  	_ =	shalt  }
0x45: {  	_ =	shalt  }
0x46: {  	_ =	shalt  }
0x47: {  	_ =	shalt  }
0x48: {  	_ =	shalt  }
0x49: {  	_ =	shalt  }
0x4a: {  	_ =	shalt  }
0x4b: {  	_ =	shalt  }
0x4c: {  	_ =	shalt  }
0x4d: {  	_ =	shalt  }
0x4e: {  	_ =	shalt  }
0x4f: {  	_ =	shalt  }
0x50: {  	_ =	shalt  }
0x51: {  	_ =	shalt  }
0x52: {  	_ =	shalt  }
0x53: {  	_ =	shalt  }
0x54: {  	_ =	shalt  }
0x55: {  	_ =	shalt  }
0x56: {  	_ =	shalt  }
0x57: {  	_ =	shalt  }
0x58: {  	_ =	shalt  }
0x59: {  	_ =	shalt  }
0x5a: {  	_ =	shalt  }
0x5b: {  	_ =	shalt  }
0x5c: {  	_ =	shalt  }
0x5d: {  	_ =	shalt  }
0x5e: {  	_ =	shalt  }
0x5f: {  	_ =	shalt  }
0x60: {  	_ =	shalt  }
0x61: {  	_ =	shalt  }
0x62: {  	_ =	shalt  }
0x63: {  	_ =	shalt  }
0x64: {  	_ =	shalt  }
0x65: {  	_ =	shalt  }
0x66: {  	_ =	shalt  }
0x67: {  	_ =	shalt  }
0x68: {  	_ =	shalt  }
0x69: {  	_ =	shalt  }
0x6a: {  	_ =	shalt  }
0x6b: {  	_ =	shalt  }
0x6c: {  	_ =	shalt  }
0x6d: {  	_ =	shalt  }
0x6e: {  	_ =	shalt  }
0x6f: {  	_ =	shalt  }
0x70: {  	_ =	shalt  }
0x71: {  	_ =	shalt  }
0x72: {  	_ =	shalt  }
0x73: {  	_ =	shalt  }
0x74: {  	_ =	shalt  }
0x75: {  	_ =	shalt  }
0x76: {  	_ =	shalt  }
0x77: {  	_ =	shalt  }
0x78: {  	_ =	shalt  }
0x79: {  	_ =	shalt  }
0x7a: {  	_ =	shalt  }
0x7b: {  	_ =	shalt  }
0x7c: {  	_ =	shalt  }
0x7d: {  	_ =	shalt  }
0x7e: {  	_ =	shalt  }
0x7f: {  	_ =	shalt  }
0x80: {  	_ =	shalt  }
0x81: {  	_ =	shalt  }
0x82: {  	_ =	shalt  }
0x83: {  	_ =	shalt  }
0x84: {  	_ =	shalt  }
0x85: {  	_ =	shalt  }
0x86: {  	_ =	shalt  }
0x87: {  	_ =	shalt  }
.Lfunc_end0:
.L_simem_size_0:
called_computation_lowered:
.L_overlay_start_0:
0x88: {  	s2 =	sld [smem:$0x3FD9]  }
0x89: {  	s3 =	sld [smem:$0x3FFE];
	_ =	sdelay $0x1  }
0x8a: {  	s1 =	srdreg.scid  }
0x8b: {  	s0 =	sand.u32 $0x1, s1  }
0x8c: {  	s17 =	sshll.u32 s0, $0xA;
	s2 =	sadd.s32 s3, s2  }
0x8d: {  	s2 =	sadd.s32 s2, s17  }
0x8e: {  	[smem:$0x3FC0] =	sst s2  }
0x8f: {  	_ = 	snop  }
0x90: {  	s2 =	sld [smem:$0x3FD0];
	(tm) =	ssettm $0x1  }
0x91: {  	s18 =	sld [smem:$0x3FFB];
	_ =	sdelay $0x3  }
0x92: {  	_ =	strace s18  }
0x93: {  	s3 =	sld [smem:$0x3FFC];
	_ =	sdelay $0x3  }
0x94: {  	_ =	strace s3  }
0x95: {  	s3 =	sld [smem:$0x3FFD];
	_ =	sdelay $0x3  }
0x96: {  	_ =	strace s3  }
0x97: {  	_ =	strace $0x8FFFFFFF  }
0x98: {  	s19 =	sld [smem:$0x3FDB];
	_ =	sdelay $0x1  }
0x99: {  	s4 =	simm.s32 $_scs_section_size  }
0x9a: {  	s5 =	simm.s32 $_size__tile_overlayer_lowered;
	s6 =	simm.s32 $_tile_overlayer_lowered  }
0x9b: {  	s22 =	simm.s32 $0x1BFF;
	s21 =	sshll.u32 s6, $0x1;
	s3 =	sadd.s32 s4, s19  }
0x9c: {  	s7 =	simm.s32 $0x0;
	s20 =	sshll.u32 s5, $0x1;
	s5 =	sadd.s32 s21, s3  }
0x9d: {  	[timem:s7], [sflag:s22] =	dma.local [hbm:s5], s20  }
0x9e: {  	_ =	swait.ge [sflag:s22], s20  }
0x9f: {  	s4 =	ssub.s32 $0x0, s20;
	[sflag:s22] =	ssyncset.done $0x0  }
0xa0: {  	[sflag:s22] =	ssyncadd.s32 s4;
	_ =	sdelay $0x1  }
0xa1: {  	s23 =	simm.s32 $0x1B8B  }
0xa2: {  	_ =	swait.ge [sflag:s23], $0x1  }
0xa3: {  	[sflag:s23] =	ssyncset.done $0x0  }
0xa4: {  	s25 =	simm.s32 $0x1B8E;
	s24 =	sld [smem:$0x3FFE];
	[sflag:s23] =	ssyncadd.s32 $0xFFFFFFFF  }
0xa5: {  	s26 =	simm.s32 $execute0_lowered;
	[smem:$0x3FD2] =	sst s25  }
0xa6: {  	s5 =	sshll.u32 s26, $0x1;
	_ =	strace $0x80000046;
	[dreg:$0x1] =	wrdreg $0xFFFFFFFF  }
0xa7: {  	s28 =	simm.s32 $_size_execute0_lowered;
	s3 =	sadd.s32 s3, s5;
	[dreg:$0x0] =	wrdreg $0x0  }
0xa8: {  	s5 =	sshll.u32 s28, $0x1;
	[dreg:$0x2] =	wrdreg s3  }
0xa9: {  	[dreg:$0x3] =	wrdreg s5  }
0xaa: {  	[dreg:$0x4] =	wrdreg $0xC0  }
0xab: {  	_ =	task [dreg:s7], $0x5FFFF  }
0xac: {  	[dreg:$0x1] =	wrdreg $0xFFFFFFFF  }
0xad: {  	[dreg:$0x0] =	wrdreg $0x60  }
0xae: {  	[dreg:$0x2] =	wrdreg s2  }
0xaf: {  	[dreg:$0x3] =	wrdreg s24  }
0xb0: {  	[dreg:$0x4] =	wrdreg $0x9  }
0xb1: {  	_ =	task.clear_ibuf [dreg:s7], $0x5FFFF;
	_ =	strace $0x90000046  }
0xb2: {  	s29 =	simm.s32 $0x9;
	_ =	strace $0x80000048  }
0xb3: {  	_ =	swait.ge [sflag:s29], $0x1  }
0xb4: {  	[sflag:s29] =	ssyncadd.s32 $0xFFFFFFFF  }
0xb5: {  	_ =	strace $0x90000048  }
0xb6: {  	_ =	sfence  }
0xb7: {  	s30 =	sld [smem:$0x0];
	_ =	sdelay $0x2  }
0xb8: {  	s31 =	sshll.u32 s1, $0xD;
	s1 =	sshrl.u32 s1, $0x2  }
0xb9: {  	s3 =	sand.u32 $0x4000, s31;
	s1 =	sadd.s32 s1, s30  }
0xba: {  	s0 =	sor.u32 s3, s0;
	s1 =	sshll.u32 s1, $0x11  }
0xbb: {  	s0 =	sor.u32 s1, s0  }
0xbc: {  	s0 =	sadd.s32 $0x8F2B, s0  }
0xbd: {  	[sflag:s0] =	ssyncadd.remote.s32 $0x1  }
0xbe: {  	_ =	sfence.sel $0xFFFF  }
0xbf: {  	[dreg:$0x0] =	wrdreg $0xFFFFFFFF;
	(pc) =	sbr.abs _section_cstart, $3  }
0xc0: {  	[dreg:$0x1] =	wrdreg $0xFFFFFFFF  }
0xc1: {  	_ =	task.clear_ibuf [dreg:s7], $0x2FFFF;
	_ =	strace $0x9FFFFFFF  }
0xc2: {  	(tm) =	ssettm $0x7FFFFFFF  }
0xc3: {  	_ =	shalt  }
tec
execute0_lowered:
.L_overlay_start_1:
0x0: {  	(tag) =	ssettag $0x1  }
0x1: {  	s2 =	rddreg [dreg:$0x0];
	s1 =	srdreg.scid  }
0x2: {  	s0 =	stileid.u32;
	s6 =	rddreg [dreg:$0x1]  }
0x3: {  	s3 =	simm.s32 $0x0;
	s10 =	simm.s32 $0x5;
	s11 =	simm.s32 $0x2780  }
0x4: {  	s12 =	simm.s32 $0x50;
	s13 =	simm.s32 $0x4F00;
	s14 =	simm.s32 $0x7700  }
0x5: {  	s15 =	simm.s32 $0x9F00;
	s16 =	simm.s32 $0xC700;
	s17 =	simm.s32 $0x1  }
0x6: {  	s18 =	simm.s32 $0x2;
	s5 =	sand.u32 $0x1, s1;
	s4 =	sshll.u32 s0, $0x1  }
0x7: {  	s19 =	simm.s32 $0x3;
	s20 =	simm.s32 $0x4;
	s4 =	sor.u32 s5, s4  }
0x8: {  	s1 =	rddreg [dreg:$0x2];
	s7 =	ssub.s32 $0x2, s5;
	s4 =	smul.u32 $0x2710, s4  }
0x9: {  	s21 =	simm.s32 $0x0;
	[smem:$0x7FF] =	sst s3;
	s9 =	sshrl.u32 s7, $0x1  }
0xa: {  	_ =	strace $0x80000047;
	s9 =	ssub.s32 s7, s9;
	s8 =	sshrl.u32 s4, $0x3  }
0xb: {  	s5 =	sadd.s32 $0x14C00, s6;
	s9 =	smax.u32 s9, $0x1;
	s8 =	sadd.s32 s8, s6  }
0xc: {  	s6 =	sadd.s32 $0x3BE00, s6;
	s7 =	sadd.s32 $0xAE00, s8;
	s8 =	sadd.s32 $0x1000, s8  }
.LBB2_1:
0xd: {  	[tilespmem:s3], [sflag:$0x5] =	stream.linear.gather [hbm4b:s7+s3], $0x2710, $0x38;
	[tilespmem:$0xEF00] =	vst v63  }
0xe: {  	_ =	swait.ge [sflag:s10], $0x2710  }
0xf: {  	[sflag:s10] =	ssyncset.done $0x0  }
0x10: {  	[sflag:s10] =	ssyncadd.s32 $0xFFFFD8F0  }
0x11: {  	[tilespmem:s11], [sflag:$0x5] =	stream.linear.gather [hbm4b:s8+s3], $0x2710, $0x38;
	[tilespmem:$0xEF00] =	vst v63  }
0x12: {  	_ =	swait.ge [sflag:s10], $0x2710  }
0x13: {  	[sflag:s10] =	ssyncset.done $0x0  }
0x14: {  	[sflag:s10] =	ssyncadd.s32 $0xFFFFD8F0  }
0x15: {  	[tilespmem:s13], [sflag:$0x1] =	stream.indirect.gather [hbm4b:s2+s12], $0x80, s3, s12, $0xb8;
	[tilespmem:$0xEF00] =	vst v63  }
0x16: {  	s22 =	simm.s32 $0x0  }
0x17: {  	[tilespmem:s14], [sflag:$0x2] =	stream.indirect.gather [hbm4b:s5+s12], $0x80, s11, s12, $0xb8;
	[tilespmem:$0xEF00] =	vst v63  }
.LBB2_2:
0x18: {  	s23 =	sshllo.u32 s22, $0x1  }
0x19: {  	s23 =	smin.u32 s23, $0x7C  }
0x1a: {  	s23 =	smul.u32 $0x50, s23;
	_ =	sdelay $0x1  }
0x1b: {  	[tilespmem:s15], [sflag:$0x3] =	stream.indirect.gather [hbm4b:s2+s12], $0x80, s23, s12, $0xb8;
	[tilespmem:$0xEF00] =	vst v63  }
0x1c: {  	s24 =	sadd.s32 $0x2780, s23  }
0x1d: {  	[tilespmem:s16], [sflag:$0x4] =	stream.indirect.gather [hbm4b:s5+s12], $0x80, s24, s12, $0xb8;
	[tilespmem:$0xEF00] =	vst v63  }
0x1e: {  	_ =	swait.ge [sflag:s17], $0x2800  }
0x1f: {  	[sflag:s17] =	ssyncset.done $0x0  }
0x20: {  	[sflag:s17] =	ssyncadd.s32 $0xFFFFD800  }
0x21: {  	_ =	swait.ge [sflag:s18], $0x2800  }
0x22: {  	s25 =	simm.s32 $0x0;
	[sflag:s18] =	ssyncset.done $0x0  }
0x23: {  	s26 =	simm.s32 $0x400;
	s24 =	sshll.u32 s22, $0x1;
	[sflag:s18] =	ssyncadd.s32 $0xFFFFD800  }
.LBB2_3:
0x24: {  	p0 =	sne.s32 s26, $0x9C00;
	v0 =	vld [tilespmem:s25+$0x77F0]  }
0x25: {  	v1 =	vld [tilespmem:s25+$0x7700]  }
0x26: {  	v2 =	vld [tilespmem:s25+$0x7710]  }
0x27: {  	v3 =	vld [tilespmem:s25+$0x7720]  }
0x28: {  	v4 =	vld [tilespmem:s25+$0x7730]  }
0x29: {  	[tilespmem:s25+$0x4FF0] =	vst.add.f32.msk $0xffff, v0  }
0x2a: {  	v0 =	vld [tilespmem:s25+$0x7740]  }
0x2b: {  	v5 =	vld [tilespmem:s25+$0x7750]  }
0x2c: {  	v6 =	vld [tilespmem:s25+$0x7760]  }
0x2d: {  	v7 =	vld [tilespmem:s25+$0x7770]  }
0x2e: {  	v8 =	vld [tilespmem:s25+$0x7780]  }
0x2f: {  	v9 =	vld [tilespmem:s25+$0x7790]  }
0x30: {  	v10 =	vld [tilespmem:s25+$0x77A0]  }
0x31: {  	v11 =	vld [tilespmem:s25+$0x77B0]  }
0x32: {  	v12 =	vld [tilespmem:s25+$0x77C0]  }
0x33: {  	v13 =	vld [tilespmem:s25+$0x77D0]  }
0x34: {  	v14 =	vld [tilespmem:s25+$0x77E0]  }
0x35: {  	[tilespmem:s25+$0x4F00] =	vst.add.f32.msk $0xffff, v1  }
0x36: {  	[tilespmem:s25+$0x4F10] =	vst.add.f32.msk $0xffff, v2  }
0x37: {  	[tilespmem:s25+$0x4F20] =	vst.add.f32.msk $0xffff, v3  }
0x38: {  	[tilespmem:s25+$0x4F30] =	vst.add.f32.msk $0xffff, v4  }
0x39: {  	[tilespmem:s25+$0x4F40] =	vst.add.f32.msk $0xffff, v0  }
0x3a: {  	[tilespmem:s25+$0x4F50] =	vst.add.f32.msk $0xffff, v5  }
0x3b: {  	[tilespmem:s25+$0x4F60] =	vst.add.f32.msk $0xffff, v6  }
0x3c: {  	[tilespmem:s25+$0x4F70] =	vst.add.f32.msk $0xffff, v7  }
0x3d: {  	[tilespmem:s25+$0x4F80] =	vst.add.f32.msk $0xffff, v8  }
0x3e: {  	[tilespmem:s25+$0x4F90] =	vst.add.f32.msk $0xffff, v9  }
.Ltmp0:
0x3f: {  	[tilespmem:s25+$0x4FA0] =	vst.add.f32.msk $0xffff, v10;
	(pc) =	sbr.rel @p0 .LBB2_3-.Ltmp0, $4  }
0x40: {  	[tilespmem:s25+$0x4FB0] =	vst.add.f32.msk $0xffff, v11  }
0x41: {  	[tilespmem:s25+$0x4FC0] =	vst.add.f32.msk $0xffff, v12  }
0x42: {  	[tilespmem:s25+$0x4FD0] =	vst.add.f32.msk $0xffff, v13  }
0x43: {  	[tilespmem:s25+$0x4FE0] =	vst.add.f32.msk $0xffff, v14;
	s25 =	sshra.s32 s26, $0x2;
	s26 =	sadd.s32 $0x400, s26  }
0x44: {  	v0 =	vld [tilespmem:s25+$0x77F0]  }
0x45: {  	v1 =	vld [tilespmem:s25+$0x7700]  }
0x46: {  	v2 =	vld [tilespmem:s25+$0x7710]  }
0x47: {  	v3 =	vld [tilespmem:s25+$0x7720]  }
0x48: {  	v4 =	vld [tilespmem:s25+$0x7730]  }
0x49: {  	v63 =	vld [tilespmem:s25+$0x7740]  }
0x4a: {  	v5 =	vld [tilespmem:s25+$0x7750]  }
0x4b: {  	v6 =	vld [tilespmem:s25+$0x7760]  }
0x4c: {  	v7 =	vld [tilespmem:s25+$0x7770]  }
0x4d: {  	v8 =	vld [tilespmem:s25+$0x7780]  }
0x4e: {  	v9 =	vld [tilespmem:s25+$0x7790]  }
0x4f: {  	v10 =	vld [tilespmem:s25+$0x77A0]  }
0x50: {  	v11 =	vld [tilespmem:s25+$0x77B0]  }
0x51: {  	v12 =	vld [tilespmem:s25+$0x77C0]  }
0x52: {  	v13 =	vld [tilespmem:s25+$0x77D0]  }
0x53: {  	v14 =	vld [tilespmem:s25+$0x77E0]  }
0x54: {  	[tilespmem:s25+$0x4FF0] =	vst.add.f32.msk $0xffff, v0  }
0x55: {  	[tilespmem:s25+$0x4F00] =	vst.add.f32.msk $0xffff, v1  }
0x56: {  	[tilespmem:s25+$0x4F10] =	vst.add.f32.msk $0xffff, v2  }
0x57: {  	[tilespmem:s25+$0x4F20] =	vst.add.f32.msk $0xffff, v3  }
0x58: {  	[tilespmem:s25+$0x4F30] =	vst.add.f32.msk $0xffff, v4  }
0x59: {  	[tilespmem:s25+$0x4F40] =	vst.add.f32.msk $0xffff, v63  }
0x5a: {  	[tilespmem:s25+$0x4F50] =	vst.add.f32.msk $0xffff, v5  }
0x5b: {  	[tilespmem:s25+$0x4F60] =	vst.add.f32.msk $0xffff, v6  }
0x5c: {  	[tilespmem:s25+$0x4F70] =	vst.add.f32.msk $0xffff, v7  }
0x5d: {  	[tilespmem:s25+$0x4F80] =	vst.add.f32.msk $0xffff, v8  }
0x5e: {  	[tilespmem:s25+$0x4F90] =	vst.add.f32.msk $0xffff, v9  }
0x5f: {  	s26 =	smul.u32 $0xA0, s22;
	[tilespmem:s25+$0x4FA0] =	vst.add.f32.msk $0xffff, v10  }
0x60: {  	[tilespmem:s25+$0x4FB0] =	vst.add.f32.msk $0xffff, v11  }
0x61: {  	s26 =	sadd.s32 s4, s26;
	[tilespmem:s25+$0x4FC0] =	vst.add.f32.msk $0xffff, v12  }
0x62: {  	s26 =	sshll.u32 s26, $0x4;
	[tilespmem:s25+$0x4FD0] =	vst.add.f32.msk $0xffff, v13  }
0x63: {  	s30 =	simm.s32 $0x0;
	s24 =	smin.u32 s24, $0x7A;
	s29 =	sadd.s32 s6, s26;
	[tilespmem:s25+$0x4FE0] =	vst.add.f32.msk $0xffff, v14  }
0x64: {  	[hbm4b:s29+s30] =	stream.linear.scatter [tilespmem:s13], [sflag:$0x5], $0x2800, $0x38;
	[tilespmem:$0xEF00] =	vst v63  }
0x65: {  	s24 =	smul.u32 $0x50, s24;
	_ =	swait.ge [sflag:s10], $0x2800  }
0x66: {  	[sflag:s10] =	ssyncset.done $0x0  }
0x67: {  	s31 =	sadd.s32 $0xA0, s24;
	[sflag:s10] =	ssyncadd.s32 $0xFFFFD800  }
0x68: {  	[tilespmem:s13], [sflag:$0x1] =	stream.indirect.gather [hbm4b:s2+s12], $0x80, s31, s12, $0xb8;
	[tilespmem:$0xEF00] =	vst v63  }
0x69: {  	s24 =	sadd.s32 $0x2820, s24  }
0x6a: {  	[tilespmem:s14], [sflag:$0x2] =	stream.indirect.gather [hbm4b:s5+s12], $0x80, s24, s12, $0xb8;
	[tilespmem:$0xEF00] =	vst v63  }
0x6b: {  	_ =	swait.ge [sflag:s19], $0x2800  }
0x6c: {  	[sflag:s19] =	ssyncset.done $0x0  }
0x6d: {  	[sflag:s19] =	ssyncadd.s32 $0xFFFFD800  }
0x6e: {  	_ =	swait.ge [sflag:s20], $0x2800  }
0x6f: {  	[sflag:s20] =	ssyncset.done $0x0  }
0x70: {  	s25 =	simm.s32 $0x400;
	s24 =	simm.s32 $0x0;
	[sflag:s20] =	ssyncadd.s32 $0xFFFFD800  }
.LBB2_5:
0x71: {  	p0 =	sne.s32 s25, $0x9C00;
	v0 =	vld [tilespmem:s24+$0xC7F0]  }
0x72: {  	v1 =	vld [tilespmem:s24+$0xC700]  }
0x73: {  	v2 =	vld [tilespmem:s24+$0xC710]  }
0x74: {  	v3 =	vld [tilespmem:s24+$0xC720]  }
0x75: {  	v4 =	vld [tilespmem:s24+$0xC730]  }
0x76: {  	[tilespmem:s24+$0x9FF0] =	vst.add.f32.msk $0xffff, v0  }
0x77: {  	v0 =	vld [tilespmem:s24+$0xC740]  }
0x78: {  	v5 =	vld [tilespmem:s24+$0xC750]  }
0x79: {  	v6 =	vld [tilespmem:s24+$0xC760]  }
0x7a: {  	v7 =	vld [tilespmem:s24+$0xC770]  }
0x7b: {  	v8 =	vld [tilespmem:s24+$0xC780]  }
0x7c: {  	v9 =	vld [tilespmem:s24+$0xC790]  }
0x7d: {  	v10 =	vld [tilespmem:s24+$0xC7A0]  }
0x7e: {  	v11 =	vld [tilespmem:s24+$0xC7B0]  }
0x7f: {  	v12 =	vld [tilespmem:s24+$0xC7C0]  }
0x80: {  	v13 =	vld [tilespmem:s24+$0xC7D0]  }
0x81: {  	v14 =	vld [tilespmem:s24+$0xC7E0]  }
0x82: {  	[tilespmem:s24+$0x9F00] =	vst.add.f32.msk $0xffff, v1  }
0x83: {  	[tilespmem:s24+$0x9F10] =	vst.add.f32.msk $0xffff, v2  }
0x84: {  	[tilespmem:s24+$0x9F20] =	vst.add.f32.msk $0xffff, v3  }
0x85: {  	[tilespmem:s24+$0x9F30] =	vst.add.f32.msk $0xffff, v4  }
0x86: {  	[tilespmem:s24+$0x9F40] =	vst.add.f32.msk $0xffff, v0  }
0x87: {  	[tilespmem:s24+$0x9F50] =	vst.add.f32.msk $0xffff, v5  }
0x88: {  	[tilespmem:s24+$0x9F60] =	vst.add.f32.msk $0xffff, v6  }
0x89: {  	[tilespmem:s24+$0x9F70] =	vst.add.f32.msk $0xffff, v7  }
0x8a: {  	[tilespmem:s24+$0x9F80] =	vst.add.f32.msk $0xffff, v8  }
0x8b: {  	[tilespmem:s24+$0x9F90] =	vst.add.f32.msk $0xffff, v9  }
.Ltmp1:
0x8c: {  	[tilespmem:s24+$0x9FA0] =	vst.add.f32.msk $0xffff, v10;
	(pc) =	sbr.rel @p0 .LBB2_5-.Ltmp1, $4  }
0x8d: {  	[tilespmem:s24+$0x9FB0] =	vst.add.f32.msk $0xffff, v11  }
0x8e: {  	[tilespmem:s24+$0x9FC0] =	vst.add.f32.msk $0xffff, v12  }
0x8f: {  	[tilespmem:s24+$0x9FD0] =	vst.add.f32.msk $0xffff, v13  }
0x90: {  	[tilespmem:s24+$0x9FE0] =	vst.add.f32.msk $0xffff, v14;
	s24 =	sshra.s32 s25, $0x2;
	s25 =	sadd.s32 $0x400, s25  }
0x91: {  	v0 =	vld [tilespmem:s24+$0xC7F0]  }
0x92: {  	v1 =	vld [tilespmem:s24+$0xC700]  }
0x93: {  	v2 =	vld [tilespmem:s24+$0xC710]  }
0x94: {  	v3 =	vld [tilespmem:s24+$0xC720]  }
0x95: {  	v4 =	vld [tilespmem:s24+$0xC730]  }
0x96: {  	v63 =	vld [tilespmem:s24+$0xC740]  }
0x97: {  	v5 =	vld [tilespmem:s24+$0xC750]  }
0x98: {  	v6 =	vld [tilespmem:s24+$0xC760]  }
0x99: {  	v7 =	vld [tilespmem:s24+$0xC770]  }
0x9a: {  	v8 =	vld [tilespmem:s24+$0xC780]  }
0x9b: {  	v9 =	vld [tilespmem:s24+$0xC790]  }
0x9c: {  	v10 =	vld [tilespmem:s24+$0xC7A0]  }
0x9d: {  	v11 =	vld [tilespmem:s24+$0xC7B0]  }
0x9e: {  	v12 =	vld [tilespmem:s24+$0xC7C0]  }
0x9f: {  	v13 =	vld [tilespmem:s24+$0xC7D0]  }
0xa0: {  	v14 =	vld [tilespmem:s24+$0xC7E0]  }
0xa1: {  	[tilespmem:s24+$0x9FF0] =	vst.add.f32.msk $0xffff, v0  }
0xa2: {  	[tilespmem:s24+$0x9F00] =	vst.add.f32.msk $0xffff, v1  }
0xa3: {  	[tilespmem:s24+$0x9F10] =	vst.add.f32.msk $0xffff, v2  }
0xa4: {  	[tilespmem:s24+$0x9F20] =	vst.add.f32.msk $0xffff, v3  }
0xa5: {  	[tilespmem:s24+$0x9F30] =	vst.add.f32.msk $0xffff, v4  }
0xa6: {  	[tilespmem:s24+$0x9F40] =	vst.add.f32.msk $0xffff, v63  }
0xa7: {  	[tilespmem:s24+$0x9F50] =	vst.add.f32.msk $0xffff, v5  }
0xa8: {  	[tilespmem:s24+$0x9F60] =	vst.add.f32.msk $0xffff, v6  }
0xa9: {  	[tilespmem:s24+$0x9F70] =	vst.add.f32.msk $0xffff, v7  }
0xaa: {  	[tilespmem:s24+$0x9F80] =	vst.add.f32.msk $0xffff, v8  }
0xab: {  	[tilespmem:s24+$0x9F90] =	vst.add.f32.msk $0xffff, v9  }
0xac: {  	[tilespmem:s24+$0x9FA0] =	vst.add.f32.msk $0xffff, v10  }
0xad: {  	[tilespmem:s24+$0x9FB0] =	vst.add.f32.msk $0xffff, v11  }
0xae: {  	s23 =	sadd.s32 s4, s23;
	s22 =	sadd.s32 $0x1, s22;
	[tilespmem:s24+$0x9FC0] =	vst.add.f32.msk $0xffff, v12  }
0xaf: {  	s23 =	sshll.u32 s23, $0x4;
	p0 =	sne.s32 s22, $0x3F;
	[tilespmem:s24+$0x9FD0] =	vst.add.f32.msk $0xffff, v13  }
.Ltmp2:
0xb0: {  	s23 =	sadd.s32 s6, s23;
	[tilespmem:s24+$0x9FE0] =	vst.add.f32.msk $0xffff, v14;
	(pc) =	sbr.rel @p0 .LBB2_2-.Ltmp2, $4  }
0xb1: {  	[hbm4b:s23+s3] =	stream.linear.scatter [tilespmem:s15], [sflag:$0x5], $0x2800, $0x38;
	[tilespmem:$0xEF00] =	vst v63  }
0xb2: {  	_ =	swait.ge [sflag:s10], $0x2800  }
0xb3: {  	[sflag:s10] =	ssyncset.done $0x0  }
0xb4: {  	[sflag:s10] =	ssyncadd.s32 $0xFFFFD800  }
0xb5: {  	s21 =	sadd.s32 $0x1, s21  }
0xb6: {  	_ =	swait.ge [sflag:s17], $0x2800;
	p0 =	sne.s32 s21, s9  }
.Ltmp3:
0xb7: {  	[sflag:s17] =	ssyncset.done $0x0;
	(pc) =	sbr.rel @p0 .LBB2_1-.Ltmp3, $4  }
0xb8: {  	[sflag:s17] =	ssyncadd.s32 $0xFFFFD800  }
0xb9: {  	_ =	swait.ge [sflag:s18], $0x2800  }
0xba: {  	[sflag:s18] =	ssyncset.done $0x0  }
0xbb: {  	[sflag:s18] =	ssyncadd.s32 $0xFFFFD800  }
0xbc: {  	_ =	sfence.sel $0x180000  }
0xbd: {  	[bflag:$0x0] =	sbarrier.arrive $0xFFFF  }
0xbe: {  	p0 =	sne.s32 s0, $0x0;
	_ =	strace $0x90000047  }
0xbf: {  	s0 =	sadd.s32 @!p0 $0x100000, s1;
	[bflag:$0x2] =	sbarrier.arrive $0xFFFF  }
0xc0: {  	[sflag:s0] =	ssyncadd.tile.s32 @!p0 $0x1;
	_ =	shalt  }
.Lfunc_end2:
_tile_overlayer_lowered:
.L_overlay_start_2:
0xc1: {  	(tag) =	ssettag $0x2  }
0xc2: {  	s0 =	rddreg [dreg:$0x0];
	s2 =	stileid.u32  }
0xc3: {  	s1 =	rddreg [dreg:$0x1];
	p0 =	sne.s32 s2, $0x0  }
0xc4: {  	s3 =	rddreg [dreg:$0x2];
	[bflag:$0x3] =	sbarrier.arrive $0xFFFF;
	s2 =	simm.s32 @!p0 $0x1C05  }
0xc5: {  	[timem:s3], [sflag:s2] =	dma.local @!p0 [hbm:s0], s1  }
0xc6: {  	s0 =	simm.s32 @!p0 $0x5  }
0xc7: {  	_ =	swait.ge @!p0 [sflag:s0], s1  }
0xc8: {  	s1 =	ssub.s32 @!p0 $0x0, s1;
	[sflag:s0] =	ssyncset.done @!p0 $0x0  }
0xc9: {  	[sflag:s0] =	ssyncadd.s32 @!p0 s1  }
0xca: {  	[bflag:$0x3] =	sbarrier.arrive $0xFFFF  }
0xcb: {  	_ =	shalt  }

// kernel: kernel.9.cloned.1.call-start
scs
__scs_entry_jumppad:
0x0: {  	(pc) =	sbr.rel $0x88, $3  }
0x1: {  	(tag) =	ssettag $0x0;
	lr =	simm.s32 $0x1  }
0x2: {  	[smem:$0x3F99] =	sst lr;
	_ =	strace $0xD0000000  }
0x3: {  	_ = 	snop  }
0x4: {  	_ = 	snop  }
0x5: {  	_ = 	snop  }
0x6: {  	_ = 	snop  }
0x7: {  	_ = 	snop  }
__scs_overlays_trampoline_lowered:
0x8: {  	[smem:$0x3FA8] =	sst s0  }
0x9: {  	[smem:$0x3FA9] =	sst s1  }
0xa: {  	[smem:$0x3FAA] =	sst s2  }
0xb: {  	[smem:$0x3FAB] =	sst s3  }
0xc: {  	[smem:$0x3FAC] =	sst s4  }
0xd: {  	[smem:$0x3FAD] =	sst s5  }
0xe: {  	[smem:$0x3FAE] =	sst s6  }
0xf: {  	[smem:$0x3FAF] =	sst s7  }
0x10: {  	[smem:$0x3FB0] =	sst s8  }
0x11: {  	[smem:$0x3FB1] =	sst s9;
	s0 =	simm.s32 @!p0 $0x0  }
0x12: {  	s1 =	sld [smem:$0x3F97];
	s0 =	simm.s32 @p0 $0x1  }
0x13: {  	[smem:$0x3FB2] =	sst s0;
	s0 =	simm.s32 @!p1 $0x0  }
0x14: {  	s2 =	sld [smem:$0x3F96];
	s0 =	simm.s32 @p1 $0x1  }
0x15: {  	[smem:$0x3FB3] =	sst s0;
	s0 =	simm.s32 @!p2 $0x0  }
0x16: {  	s3 =	sld [smem:$0x3FDB];
	s0 =	simm.s32 @p2 $0x1  }
0x17: {  	s4 =	simm.s32 $0x1BF5;
	[smem:$0x3FB5] =	sst s0  }
0x18: {  	s0 =	sld [smem:$0x3F98];
	_ =	swait.ge [sflag:s4], $0x0  }
0x19: {  	s7 =	sld [smem:$0x3F99]  }
0x1a: {  	s8 =	sadd.s32 $0xFFFFE003, lr  }
0x1b: {  	s9 =	sadd.s32 $0xFFFFFEF7, lr;
	s5 =	simm.s32 $0xFFFFFFFF;
	p2 =	slt.u32 s8, $0xFFFFF086  }
0x1c: {  	p1 =	slt.u32 s9, $0xF7A;
	s5 =	simm.s32 @!p2 $0x0  }
0x1d: {  	s5 =	simm.s32 @p1 $0x1;
	p0 =	seq.s32 s7, s2  }
0x1e: {  	s7 =	smul.u32 @!p0 $0xF7A, s2;
	p2 =	seq.s32 @!p0 s5, $0x0  }
0x1f: {  	s9 =	smul.u32 $0xF7A, s1;
	s8 =	simm.s32 @!p0 $0x1BF5;
	p2 =	por !p2, p0  }
0x20: {  	[sflag:s8] =	ssyncset.s32 @!p0 $0xFFFFF086;
	s6 =	sadd.s32 @!p0 s3, s7;
	s7 =	simm.s32 @!p0 $0x108  }
0x21: {  	s3 =	sadd.s32 s3, s9;
	s6 =	sadd.s32 @!p0 $0x88, s6;
	s7 =	simm.s32 @p2 $0x1082  }
0x22: {  	[simem:s7], [sflag:s8] =	dma.local @!p0 [hbm:s6], $0xF7A  }
0x23: {  	s9 =	sor.u32 $0xD0000000, s2;
	s6 =	simm.s32 $0x108;
	_ =	swait.ge @!p0 [sflag:s8], $0x0  }
0x24: {  	s3 =	sadd.s32 $0x88, s3;
	s6 =	simm.s32 @!p1 $0x1082;
	[sflag:s4] =	ssyncset.s32 $0xFFFFF086  }
0x25: {  	[simem:s6], [sflag:s4] =	dma.local [hbm:s3], $0xF7A  }
0x26: {  	[smem:$0x3F99] =	sst s1;
	(tag) =	ssettag s2;
	_ =	strace s9  }
0x27: {  	s1 =	sld [smem:$0x3FA9]  }
0x28: {  	s2 =	sld [smem:$0x3FAA]  }
0x29: {  	s4 =	sld [smem:$0x3FAC]  }
0x2a: {  	p0 =	seq.s32 s5, $0x0;
	s5 =	sld [smem:$0x3FAD]  }
0x2b: {  	s6 =	sld [smem:$0x3FAE]  }
0x2c: {  	s7 =	sld [smem:$0x3FAF]  }
0x2d: {  	s3 =	simm.s32 $0x108;
	s8 =	sld [smem:$0x3FB0]  }
0x2e: {  	s3 =	simm.s32 @!p0 $0x1082;
	s9 =	sld [smem:$0x3FB1]  }
0x2f: {  	lr =	sadd.s32 s0, s3;
	s0 =	sld [smem:$0x3FA8]  }
0x30: {  	s3 =	sld [smem:$0x3FAB]  }
0x31: {  	[smem:$0x3FB4] =	sst s10  }
0x32: {  	s10 =	sld [smem:$0x3FB2];
	_ =	sdelay $0x3  }
0x33: {  	p0 =	seq.s32 s10, $0x1;
	s10 =	sld [smem:$0x3FB4];
	_ =	sdelay $0x3  }
0x34: {  	[smem:$0x3FB4] =	sst s10  }
0x35: {  	s10 =	sld [smem:$0x3FB3];
	_ =	sdelay $0x3  }
0x36: {  	p1 =	seq.s32 s10, $0x1;
	s10 =	sld [smem:$0x3FB4];
	_ =	sdelay $0x3  }
0x37: {  	[smem:$0x3FB4] =	sst s10  }
0x38: {  	s10 =	sld [smem:$0x3FB5]  }
0x39: {  	_ = 	snop;
	(pc) =	sbr.ind lr, $3  }
0x3a: {  	_ = 	snop  }
0x3b: {  	_ = 	snop  }
0x3c: {  	p2 =	seq.s32 s10, $0x1;
	s10 =	sld [smem:$0x3FB4]  }
0x3d: {  	_ =	shalt  }
0x3e: {  	_ =	shalt  }
0x3f: {  	_ =	shalt  }
0x40: {  	_ =	shalt  }
0x41: {  	_ =	shalt  }
0x42: {  	_ =	shalt  }
0x43: {  	_ =	shalt  }
0x44: {  	_ =	shalt  }
0x45: {  	_ =	shalt  }
0x46: {  	_ =	shalt  }
0x47: {  	_ =	shalt  }
0x48: {  	_ =	shalt  }
0x49: {  	_ =	shalt  }
0x4a: {  	_ =	shalt  }
0x4b: {  	_ =	shalt  }
0x4c: {  	_ =	shalt  }
0x4d: {  	_ =	shalt  }
0x4e: {  	_ =	shalt  }
0x4f: {  	_ =	shalt  }
0x50: {  	_ =	shalt  }
0x51: {  	_ =	shalt  }
0x52: {  	_ =	shalt  }
0x53: {  	_ =	shalt  }
0x54: {  	_ =	shalt  }
0x55: {  	_ =	shalt  }
0x56: {  	_ =	shalt  }
0x57: {  	_ =	shalt  }
0x58: {  	_ =	shalt  }
0x59: {  	_ =	shalt  }
0x5a: {  	_ =	shalt  }
0x5b: {  	_ =	shalt  }
0x5c: {  	_ =	shalt  }
0x5d: {  	_ =	shalt  }
0x5e: {  	_ =	shalt  }
0x5f: {  	_ =	shalt  }
0x60: {  	_ =	shalt  }
0x61: {  	_ =	shalt  }
0x62: {  	_ =	shalt  }
0x63: {  	_ =	shalt  }
0x64: {  	_ =	shalt  }
0x65: {  	_ =	shalt  }
0x66: {  	_ =	shalt  }
0x67: {  	_ =	shalt  }
0x68: {  	_ =	shalt  }
0x69: {  	_ =	shalt  }
0x6a: {  	_ =	shalt  }
0x6b: {  	_ =	shalt  }
0x6c: {  	_ =	shalt  }
0x6d: {  	_ =	shalt  }
0x6e: {  	_ =	shalt  }
0x6f: {  	_ =	shalt  }
0x70: {  	_ =	shalt  }
0x71: {  	_ =	shalt  }
0x72: {  	_ =	shalt  }
0x73: {  	_ =	shalt  }
0x74: {  	_ =	shalt  }
0x75: {  	_ =	shalt  }
0x76: {  	_ =	shalt  }
0x77: {  	_ =	shalt  }
0x78: {  	_ =	shalt  }
0x79: {  	_ =	shalt  }
0x7a: {  	_ =	shalt  }
0x7b: {  	_ =	shalt  }
0x7c: {  	_ =	shalt  }
0x7d: {  	_ =	shalt  }
0x7e: {  	_ =	shalt  }
0x7f: {  	_ =	shalt  }
0x80: {  	_ =	shalt  }
0x81: {  	_ =	shalt  }
0x82: {  	_ =	shalt  }
0x83: {  	_ =	shalt  }
0x84: {  	_ =	shalt  }
0x85: {  	_ =	shalt  }
0x86: {  	_ =	shalt  }
0x87: {  	_ =	shalt  }
.Lfunc_end0:
.L_simem_size_0:
called_computation.1_lowered:
.L_overlay_start_0:
0x88: {  	s2 =	sld [smem:$0x3FD9]  }
0x89: {  	s3 =	sld [smem:$0x3FFE];
	_ =	sdelay $0x1  }
0x8a: {  	s1 =	srdreg.scid  }
0x8b: {  	s0 =	sand.u32 $0x1, s1  }
0x8c: {  	s17 =	sshll.u32 s0, $0xA;
	s2 =	sadd.s32 s3, s2  }
0x8d: {  	s2 =	sadd.s32 s2, s17  }
0x8e: {  	[smem:$0x3FC0] =	sst s2  }
0x8f: {  	_ = 	snop  }
0x90: {  	s2 =	sld [smem:$0x3FD0];
	(tm) =	ssettm $0x1  }
0x91: {  	s18 =	sld [smem:$0x3FFB];
	_ =	sdelay $0x3  }
0x92: {  	_ =	strace s18  }
0x93: {  	s3 =	sld [smem:$0x3FFC];
	_ =	sdelay $0x3  }
0x94: {  	_ =	strace s3  }
0x95: {  	s3 =	sld [smem:$0x3FFD];
	_ =	sdelay $0x3  }
0x96: {  	_ =	strace s3  }
0x97: {  	_ =	strace $0x8FFFFFFF  }
0x98: {  	s19 =	sld [smem:$0x3FDB];
	_ =	sdelay $0x1  }
0x99: {  	s4 =	simm.s32 $_scs_section_size  }
0x9a: {  	s5 =	simm.s32 $_size__tile_overlayer_lowered;
	s6 =	simm.s32 $_tile_overlayer_lowered  }
0x9b: {  	s22 =	simm.s32 $0x1BFF;
	s21 =	sshll.u32 s6, $0x1;
	s3 =	sadd.s32 s4, s19  }
0x9c: {  	s7 =	simm.s32 $0x0;
	s20 =	sshll.u32 s5, $0x1;
	s5 =	sadd.s32 s21, s3  }
0x9d: {  	[timem:s7], [sflag:s22] =	dma.local [hbm:s5], s20  }
0x9e: {  	_ =	swait.ge [sflag:s22], s20  }
0x9f: {  	s4 =	ssub.s32 $0x0, s20;
	[sflag:s22] =	ssyncset.done $0x0  }
0xa0: {  	[sflag:s22] =	ssyncadd.s32 s4;
	_ =	sdelay $0x1  }
0xa1: {  	s23 =	simm.s32 $0x1B8B  }
0xa2: {  	_ =	swait.ge [sflag:s23], $0x1  }
0xa3: {  	[sflag:s23] =	ssyncset.done $0x0  }
0xa4: {  	s25 =	simm.s32 $0x1B8E;
	s24 =	sld [smem:$0x3FFE];
	[sflag:s23] =	ssyncadd.s32 $0xFFFFFFFF  }
0xa5: {  	s26 =	simm.s32 $execute0_lowered;
	[smem:$0x3FD2] =	sst s25  }
0xa6: {  	s5 =	sshll.u32 s26, $0x1;
	_ =	strace $0x80000049;
	[dreg:$0x1] =	wrdreg $0xFFFFFFFF  }
0xa7: {  	s28 =	simm.s32 $_size_execute0_lowered;
	s3 =	sadd.s32 s3, s5;
	[dreg:$0x0] =	wrdreg $0x0  }
0xa8: {  	s5 =	sshll.u32 s28, $0x1;
	[dreg:$0x2] =	wrdreg s3  }
0xa9: {  	[dreg:$0x3] =	wrdreg s5  }
0xaa: {  	[dreg:$0x4] =	wrdreg $0xC0  }
0xab: {  	_ =	task [dreg:s7], $0x5FFFF  }
0xac: {  	[dreg:$0x1] =	wrdreg $0xFFFFFFFF  }
0xad: {  	[dreg:$0x0] =	wrdreg $0x60  }
0xae: {  	[dreg:$0x2] =	wrdreg s24  }
0xaf: {  	[dreg:$0x3] =	wrdreg s2  }
0xb0: {  	[dreg:$0x4] =	wrdreg $0x9  }
0xb1: {  	_ =	task.clear_ibuf [dreg:s7], $0x5FFFF;
	_ =	strace $0x90000049  }
0xb2: {  	s29 =	simm.s32 $0x9;
	_ =	strace $0x8000004B  }
0xb3: {  	_ =	swait.ge [sflag:s29], $0x1  }
0xb4: {  	[sflag:s29] =	ssyncadd.s32 $0xFFFFFFFF  }
0xb5: {  	_ =	strace $0x9000004B  }
0xb6: {  	_ =	sfence  }
0xb7: {  	s30 =	sld [smem:$0x0];
	_ =	sdelay $0x2  }
0xb8: {  	s31 =	sshll.u32 s1, $0xD;
	s1 =	sshrl.u32 s1, $0x2  }
0xb9: {  	s3 =	sand.u32 $0x4000, s31;
	s1 =	sadd.s32 s1, s30  }
0xba: {  	s0 =	sor.u32 s3, s0;
	s1 =	sshll.u32 s1, $0x11  }
0xbb: {  	s0 =	sor.u32 s1, s0  }
0xbc: {  	s0 =	sadd.s32 $0x8F2B, s0  }
0xbd: {  	[sflag:s0] =	ssyncadd.remote.s32 $0x1  }
0xbe: {  	_ =	sfence.sel $0xFFFF  }
0xbf: {  	[dreg:$0x0] =	wrdreg $0xFFFFFFFF;
	(pc) =	sbr.abs _section_cstart, $3  }
0xc0: {  	[dreg:$0x1] =	wrdreg $0xFFFFFFFF  }
0xc1: {  	_ =	task.clear_ibuf [dreg:s7], $0x2FFFF;
	_ =	strace $0x9FFFFFFF  }
0xc2: {  	(tm) =	ssettm $0x7FFFFFFF  }
0xc3: {  	_ =	shalt  }
tec
execute0_lowered:
.L_overlay_start_1:
0x0: {  	(tag) =	ssettag $0x1  }
0x1: {  	s0 =	rddreg [dreg:$0x0]  }
0x2: {  	s1 =	rddreg [dreg:$0x1]  }
0x3: {  	s3 =	srdreg.scid;
	s4 =	stileid.u32  }
0x4: {  	s2 =	simm.s32 $0x0;
	s9 =	simm.s32 $0x5;
	s10 =	simm.s32 $0x80  }
0x5: {  	s11 =	simm.s32 $0x2000;
	s12 =	simm.s32 $0x2480;
	s13 =	simm.s32 $0x2080  }
0x6: {  	s14 =	simm.s32 $0x6480;
	s15 =	simm.s32 $0x2100;
	s16 =	simm.s32 $0xA480  }
0x7: {  	s17 =	simm.s32 $0x2180;
	s18 =	simm.s32 $0xE480;
	s19 =	simm.s32 $0x1  }
0x8: {  	s20 =	simm.s32 $0x2;
	s3 =	sand.u32 $0x1, s3;
	s4 =	sshll.u32 s4, $0x1  }
0x9: {  	s21 =	simm.s32 $0x3;
	s22 =	simm.s32 $0x4;
	s6 =	sor.u32 s3, s4  }
0xa: {  	s23 =	simm.s32 $0x6;
	[smem:$0x7FF] =	sst s2;
	s8 =	smul.u32 $0x1400, s6  }
0xb: {  	s5 =	ssub.s32 $0x2, s3;
	_ =	strace $0x8000004A;
	s3 =	sadd.s32 $0xAE00, s0  }
0xc: {  	s7 =	sshrl.u32 s5, $0x1;
	s30 =	smul.u32 $0x140, s6;
	s31 =	sadd.s32 s1, s8  }
0xd: {  	s29 =	ssub.s32 s5, s7;
	s1 =	sadd.s32 $0x26C00, s1;
	[dreg:$0x3] =	wrdreg s31  }
0xe: {  	v1 =	vimm.f32 $-Inf;
	s4 =	sadd.s32 $0x51DE00, s0;
	s0 =	smax.u32 s29, $0x1;
	[dreg:$0x4] =	wrdreg s1  }
0xf: {  	v2 =	vimm.s32 $0x0;
	v3 =	vlaneseq.u32;
	p0 =	seq.s32 s6, $0x1F;
	s8 =	simm.s32 $0x1000;
	v0 =	vmov s30;
	[dreg:$0x5] =	wrdreg s0  }
.LBB2_1:
0x10: {  	s0 =	simm.s32 $0x0;
	s1 =	simm.s32 $0x200  }
.LBB2_2:
0x11: {  	p1 =	sne.s32 s1, $0x27E00;
	[tilespmem:s0+$0x124F0] =	vst v1  }
0x12: {  	[tilespmem:s0+$0x12480] =	vst v1  }
0x13: {  	[tilespmem:s0+$0x12490] =	vst v1  }
.Ltmp0:
0x14: {  	[tilespmem:s0+$0x124A0] =	vst v1;
	(pc) =	sbr.rel @p1 .LBB2_2-.Ltmp0, $4  }
0x15: {  	[tilespmem:s0+$0x124B0] =	vst v1  }
0x16: {  	[tilespmem:s0+$0x124C0] =	vst v1  }
0x17: {  	[tilespmem:s0+$0x124D0] =	vst v1  }
0x18: {  	[tilespmem:s0+$0x124E0] =	vst v1;
	s0 =	sshra.s32 s1, $0x2;
	s1 =	sadd.s32 $0x200, s1  }
0x19: {  	[tilespmem:s0+$0x124F0] =	vst v1  }
0x1a: {  	[tilespmem:s0+$0x12480] =	vst v1  }
0x1b: {  	[tilespmem:s0+$0x12490] =	vst v1  }
0x1c: {  	[tilespmem:s0+$0x124A0] =	vst v1  }
0x1d: {  	[tilespmem:s0+$0x124B0] =	vst v1  }
0x1e: {  	[tilespmem:s0+$0x124C0] =	vst v1  }
0x1f: {  	[tilespmem:s0+$0x124D0] =	vst v1  }
0x20: {  	[tilespmem:s0+$0x124E0] =	vst v1  }
0x21: {  	[tilespmem:$0x2000] =	vst v2  }
0x22: {  	[tilespmem:$0x2010] =	vst v2  }
0x23: {  	[tilespmem:$0x2020] =	vst v2  }
0x24: {  	[tilespmem:$0x2030] =	vst v2  }
0x25: {  	[tilespmem:$0x2040] =	vst v2  }
0x26: {  	[tilespmem:$0x2050] =	vst v2  }
0x27: {  	[tilespmem:$0x2060] =	vst v2  }
0x28: {  	[tilespmem:$0x2070] =	vst v2  }
0x29: {  	[tilespmem:$0x2080] =	vst v2  }
0x2a: {  	[tilespmem:$0x2090] =	vst v2  }
0x2b: {  	[tilespmem:$0x20A0] =	vst v2  }
0x2c: {  	[tilespmem:$0x20B0] =	vst v2  }
0x2d: {  	[tilespmem:$0x20C0] =	vst v2  }
0x2e: {  	[tilespmem:$0x20D0] =	vst v2  }
0x2f: {  	[tilespmem:$0x20E0] =	vst v2  }
0x30: {  	[tilespmem:$0x20F0] =	vst v2  }
0x31: {  	[tilespmem:$0x2100] =	vst v2  }
0x32: {  	[tilespmem:$0x2110] =	vst v2  }
0x33: {  	[tilespmem:$0x2120] =	vst v2  }
0x34: {  	[tilespmem:$0x2130] =	vst v2  }
0x35: {  	[tilespmem:$0x2140] =	vst v2  }
0x36: {  	[tilespmem:$0x2150] =	vst v2  }
0x37: {  	[tilespmem:$0x2160] =	vst v2  }
0x38: {  	[tilespmem:$0x2170] =	vst v2  }
0x39: {  	[tilespmem:$0x2180] =	vst v2  }
0x3a: {  	[tilespmem:$0x2190] =	vst v2  }
0x3b: {  	[tilespmem:$0x21A0] =	vst v2  }
0x3c: {  	[tilespmem:$0x21B0] =	vst v2  }
0x3d: {  	[tilespmem:$0x21C0] =	vst v2  }
0x3e: {  	[tilespmem:$0x21D0] =	vst v2  }
0x3f: {  	[tilespmem:$0x21E0] =	vst v2  }
0x40: {  	[tilespmem:$0x21F0] =	vst v2  }
0x41: {  	[tilespmem:$0x2200] =	vst v2  }
0x42: {  	[tilespmem:$0x2210] =	vst v2  }
0x43: {  	[tilespmem:$0x2220] =	vst v2  }
0x44: {  	[tilespmem:$0x2230] =	vst v2  }
0x45: {  	[tilespmem:$0x2240] =	vst v2  }
0x46: {  	[tilespmem:$0x2250] =	vst v2  }
0x47: {  	[tilespmem:$0x2260] =	vst v2  }
0x48: {  	[tilespmem:$0x2270] =	vst v2  }
0x49: {  	[tilespmem:$0x2280] =	vst v2  }
0x4a: {  	[tilespmem:$0x2290] =	vst v2  }
0x4b: {  	[tilespmem:$0x22A0] =	vst v2  }
0x4c: {  	[tilespmem:$0x22B0] =	vst v2  }
0x4d: {  	[tilespmem:$0x22C0] =	vst v2  }
0x4e: {  	[tilespmem:$0x22D0] =	vst v2  }
0x4f: {  	[tilespmem:$0x22E0] =	vst v2  }
0x50: {  	[tilespmem:$0x22F0] =	vst v2  }
0x51: {  	[tilespmem:$0x2300] =	vst v2  }
0x52: {  	[tilespmem:$0x2310] =	vst v2  }
0x53: {  	[tilespmem:$0x2320] =	vst v2  }
0x54: {  	[tilespmem:$0x2330] =	vst v2  }
0x55: {  	[tilespmem:$0x2340] =	vst v2  }
0x56: {  	[tilespmem:$0x2350] =	vst v2  }
0x57: {  	[tilespmem:$0x2360] =	vst v2  }
0x58: {  	[tilespmem:$0x2370] =	vst v2  }
0x59: {  	[tilespmem:$0x2380] =	vst v2  }
0x5a: {  	[tilespmem:$0x2390] =	vst v2  }
0x5b: {  	[tilespmem:$0x23A0] =	vst v2  }
0x5c: {  	[tilespmem:$0x23B0] =	vst v2  }
0x5d: {  	[tilespmem:$0x23C0] =	vst v2  }
.Ltmp1:
0x5e: {  	[tilespmem:$0x23D0] =	vst v2;
	(pc) =	sbr.rel .LBB2_4-.Ltmp1, $4  }
0x5f: {  	[tilespmem:$0x23E0] =	vst v2  }
0x60: {  	[tilespmem:$0x23F0] =	vst v2  }
0x61: {  	s25 =	simm.s32 $0x0;
	s24 =	simm.s32 $0x0;
	s26 =	simm.s32 $0x0;
	[tilespmem:$0x2400] =	vst v2  }
0x62: {  	[tilespmem:s25], [sflag:$0x5] =	stream.linear.gather [hbm4b:s3+s25], $0xFA0, $0x38;
	[tilespmem:$0x1C480] =	vst v63  }
.LBB2_28:
0x63: {  	s26 =	sadd.s32 $0x1, s26  }
0x64: {  	p1 =	sne.s32 s26, $0x28  }
.Ltmp2:
0x65: {  	_ = 	snop;
	(pc) =	sbr.rel @!p1 .LBB2_29-.Ltmp2, $1  }
0x66: {  	_ =	sdelay $0x3  }
.LBB2_4:
0x67: {  	s29 =	smul.u32 $0x1F40, s26;
	_ =	sdelay $0x1  }
0x68: {  	s28 =	sadd.s32 $0xFA0, s29  }
0x69: {  	s0 =	sshrl.u32 s28, $0x3  }
.Ltmp3:
0x6a: {  	s0 =	sadd.s32 s3, s0;
	(pc) =	sbr.rel .LBB2_5-.Ltmp3, $4  }
0x6b: {  	[tilespmem:s8], [sflag:$0x6] =	stream.linear.gather [hbm4b:s0+s25], $0xFA0, $0x38;
	[tilespmem:$0x1C480] =	vst v63  }
0x6c: {  	_ =	swait.ge [sflag:s9], $0xFA0  }
0x6d: {  	[sflag:s9] =	ssyncset.done $0x0  }
0x6e: {  	s30 =	simm.s32 $0x0;
	[sflag:s9] =	ssyncadd.s32 $0xFFFFF060  }
.LBB2_14:
0x6f: {  	[tilespmem:s1+$0x124F0] =	vst v4  }
.LBB2_15:
0x70: {  	s30 =	sadd.s32 $0x1, s30  }
0x71: {  	p2 =	sne.s32 s30, $0xFA  }
.Ltmp4:
0x72: {  	_ = 	snop;
	(pc) =	sbr.rel @!p2 .LBB2_16-.Ltmp4, $3  }
0x73: {  	_ =	sdelay $0x1  }
0x74: {  	p1 =	sgt.s32 s24, $0x1EF  }
0x75: {  	s24 =	simm.s32 @p1 $0x0  }
.LBB2_5:
0x76: {  	s0 =	sshll.u32 s30, $0x4  }
0x77: {  	v4 =	vld [tilespmem:s0+$0x0];
	_ =	sdelay $0x4  }
0x78: {  	v4 =	vsub.s32 v4, v0  }
0x79: {  	vm0 =	vlt.u32 v4, $0x140  }
0x7a: {  	v5 =	vmpcnt.ones.xlane vm0;
	_ =	sdelay $0x1  }
0x7b: {  	(v2sf) =	vpush v5, $0x0;
	_ =	sdelay $0xc  }
0x7c: {  	s0 =	sadd.s32 s29, s0  }
0x7d: {  	v5 =	vor.u32 s0, v3  }
0x7e: {  	[tilespmem:s24+$0x2000] =	vst.msk vm0, v5;
	s31 =	spop (v2sf)  }
0x7f: {  	[tilespmem:s24+$0x2200] =	vst.msk vm0, v4;
	s24 =	sadd.s32 s24, s31  }
0x80: {  	p1 =	slt.s32 s24, $0x1F0  }
.Ltmp5:
0x81: {  	_ = 	snop;
	(pc) =	sbr.rel @p1 .LBB2_15-.Ltmp5, $1  }
0x82: {  	_ =	sdelay $0x3  }
0x83: {  	[tilespmem:s12], [sflag:$0x1] =	stream.indirect.gather [hbm4b:s4+s10], $0x80, s11, s10, $0xb8;
	[tilespmem:$0x1C480] =	vst v63  }
0x84: {  	_ = 	snop  }
0x85: {  	[tilespmem:s14], [sflag:$0x2] =	stream.indirect.gather [hbm4b:s4+s10], $0x80, s13, s10, $0xb8;
	[tilespmem:$0x1C480] =	vst v63  }
0x86: {  	_ = 	snop  }
0x87: {  	[tilespmem:s16], [sflag:$0x3] =	stream.indirect.gather [hbm4b:s4+s10], $0x80, s15, s10, $0xb8;
	[tilespmem:$0x1C480] =	vst v63  }
0x88: {  	_ = 	snop  }
0x89: {  	[tilespmem:s18], [sflag:$0x4] =	stream.indirect.gather [hbm4b:s4+s10], $0x80, s17, s10, $0xb8;
	[tilespmem:$0x1C480] =	vst v63  }
0x8a: {  	_ =	swait.ge [sflag:s19], $0x4000  }
0x8b: {  	[sflag:s19] =	ssyncset.done $0x0  }
0x8c: {  	s0 =	simm.s32 $0x0;
	[sflag:s19] =	ssyncadd.s32 $0xFFFFC000  }
0x8d: {  	v4 =	vld [tilespmem:s0+$0x2200];
	_ =	sdelay $0x4  }
0x8e: {  	(v2sf) =	vpush v4, $0x0;
	_ =	sdelay $0xe  }
0x8f: {  	s7 =	spop (v2sf)  }
0x90: {  	s31 =	simm.s32 $0x24C0;
	s0 =	sshll.u32 s7, $0x9  }
0x91: {  	v4 =	vld [tilespmem:s31+$0xFFFFFFC0];
	s0 =	sshra.s32 s0, $0x2  }
0x92: {  	v5 =	vld [tilespmem:s0+$0x12480];
	_ =	sdelay $0x4  }
0x93: {  	v4 =	vmax.f32 v5, v4  }
0x94: {  	[tilespmem:s0+$0x12480] =	vst v4;
	v4 =	vld [tilespmem:s0+$0x12490]  }
0x95: {  	v5 =	vld [tilespmem:s31+$0xFFFFFFD0];
	_ =	sdelay $0x4  }
0x96: {  	v4 =	vmax.f32 v4, v5  }
0x97: {  	[tilespmem:s0+$0x12490] =	vst v4;
	v4 =	vld [tilespmem:s0+$0x124A0]  }
0x98: {  	v5 =	vld [tilespmem:s31+$0xFFFFFFE0];
	_ =	sdelay $0x4  }
0x99: {  	v4 =	vmax.f32 v4, v5  }
0x9a: {  	[tilespmem:s0+$0x124A0] =	vst v4;
	v4 =	vld [tilespmem:s0+$0x124B0]  }
0x9b: {  	v5 =	vld [tilespmem:s31+$0xFFFFFFF0];
	_ =	sdelay $0x4  }
0x9c: {  	v4 =	vmax.f32 v4, v5  }
0x9d: {  	[tilespmem:s0+$0x124B0] =	vst v4;
	v4 =	vld [tilespmem:s0+$0x124C0]  }
0x9e: {  	v5 =	vld [tilespmem:s31+$0x0];
	_ =	sdelay $0x4  }
0x9f: {  	v4 =	vmax.f32 v4, v5  }
0xa0: {  	[tilespmem:s0+$0x124C0] =	vst v4;
	v4 =	vld [tilespmem:s0+$0x124D0]  }
0xa1: {  	v5 =	vld [tilespmem:s31+$0x10];
	_ =	sdelay $0x4  }
0xa2: {  	v4 =	vmax.f32 v4, v5  }
0xa3: {  	[tilespmem:s0+$0x124D0] =	vst v4;
	v4 =	vld [tilespmem:s0+$0x124E0]  }
0xa4: {  	v5 =	vld [tilespmem:s31+$0x20];
	_ =	sdelay $0x4  }
0xa5: {  	v4 =	vmax.f32 v4, v5  }
0xa6: {  	[tilespmem:s0+$0x124E0] =	vst v4;
	v4 =	vld [tilespmem:s0+$0x124F0]  }
0xa7: {  	v5 =	vld [tilespmem:s31+$0x30];
	_ =	sdelay $0x4  }
0xa8: {  	s1 =	simm.s32 $0x4;
	s5 =	simm.s32 $0x8;
	v4 =	vmax.f32 v4, v5  }
.LBB2_7:
0xa9: {  	s7 =	sshra.s32 s1, $0x2  }
0xaa: {  	[tilespmem:s0+$0x124F0] =	vst v4;
	s31 =	sadd.s32 $0x80, s31;
	s1 =	smov.u32 s5;
	s6 =	sadd.s32 $0x4, s5  }
0xab: {  	p1 =	sne.s32 s5, $0x1FC;
	v4 =	vld [tilespmem:s7+$0x2200];
	_ =	sdelay $0x4  }
0xac: {  	(v2sf) =	vpush v4, $0x0;
	_ =	sdelay $0xe  }
0xad: {  	s0 =	spop (v2sf)  }
0xae: {  	s0 =	sshll.u32 s0, $0x9  }
0xaf: {  	s0 =	sshra.s32 s0, $0x2;
	v4 =	vld [tilespmem:s31+$0xFFFFFFC0]  }
0xb0: {  	v5 =	vld [tilespmem:s0+$0x12480];
	_ =	sdelay $0x4  }
0xb1: {  	v4 =	vmax.f32 v5, v4  }
0xb2: {  	[tilespmem:s0+$0x12480] =	vst v4;
	v4 =	vld [tilespmem:s0+$0x12490]  }
0xb3: {  	v5 =	vld [tilespmem:s31+$0xFFFFFFD0];
	_ =	sdelay $0x4  }
0xb4: {  	v4 =	vmax.f32 v4, v5  }
0xb5: {  	[tilespmem:s0+$0x12490] =	vst v4;
	v4 =	vld [tilespmem:s0+$0x124A0]  }
0xb6: {  	v5 =	vld [tilespmem:s31+$0xFFFFFFE0];
	_ =	sdelay $0x4  }
0xb7: {  	v4 =	vmax.f32 v4, v5  }
0xb8: {  	[tilespmem:s0+$0x124A0] =	vst v4;
	v4 =	vld [tilespmem:s0+$0x124B0]  }
0xb9: {  	v5 =	vld [tilespmem:s31+$0xFFFFFFF0];
	_ =	sdelay $0x4  }
0xba: {  	v4 =	vmax.f32 v4, v5  }
0xbb: {  	[tilespmem:s0+$0x124B0] =	vst v4;
	v4 =	vld [tilespmem:s0+$0x124C0]  }
0xbc: {  	v5 =	vld [tilespmem:s31+$0x0];
	_ =	sdelay $0x4  }
0xbd: {  	v4 =	vmax.f32 v4, v5  }
0xbe: {  	[tilespmem:s0+$0x124C0] =	vst v4;
	v4 =	vld [tilespmem:s0+$0x124D0]  }
0xbf: {  	v5 =	vld [tilespmem:s31+$0x10];
	_ =	sdelay $0x4  }
0xc0: {  	v4 =	vmax.f32 v4, v5  }
0xc1: {  	[tilespmem:s0+$0x124D0] =	vst v4;
	v4 =	vld [tilespmem:s0+$0x124E0]  }
0xc2: {  	v5 =	vld [tilespmem:s31+$0x20];
	_ =	sdelay $0x4  }
0xc3: {  	v4 =	vmax.f32 v4, v5  }
0xc4: {  	[tilespmem:s0+$0x124E0] =	vst v4;
	v4 =	vld [tilespmem:s0+$0x124F0]  }
0xc5: {  	v5 =	vld [tilespmem:s31+$0x30]  }
.Ltmp6:
0xc6: {  	(pc) =	sbr.rel @p1 .LBB2_7-.Ltmp6, $2  }
0xc7: {  	_ =	sdelay $0x2  }
0xc8: {  	s5 =	smov.u32 s6;
	v4 =	vmax.f32 v4, v5  }
0xc9: {  	s1 =	sshra.s32 s1, $0x2;
	[tilespmem:s0+$0x124F0] =	vst v4  }
0xca: {  	v4 =	vld [tilespmem:s1+$0x2200];
	_ =	sdelay $0x4  }
0xcb: {  	(v2sf) =	vpush v4, $0x0;
	_ =	sdelay $0xe  }
0xcc: {  	s6 =	spop (v2sf)  }
0xcd: {  	s7 =	sadd.s32 $0x80, s31;
	s0 =	sshll.u32 s6, $0x9  }
0xce: {  	v4 =	vld [tilespmem:s7+$0xFFFFFFC0];
	s0 =	sshra.s32 s0, $0x2  }
0xcf: {  	v5 =	vld [tilespmem:s0+$0x12480];
	_ =	sdelay $0x4  }
0xd0: {  	v4 =	vmax.f32 v5, v4  }
0xd1: {  	[tilespmem:s0+$0x12480] =	vst v4;
	v4 =	vld [tilespmem:s0+$0x12490]  }
0xd2: {  	v5 =	vld [tilespmem:s7+$0xFFFFFFD0];
	_ =	sdelay $0x4  }
0xd3: {  	v4 =	vmax.f32 v4, v5  }
0xd4: {  	[tilespmem:s0+$0x12490] =	vst v4;
	v4 =	vld [tilespmem:s0+$0x124A0]  }
0xd5: {  	v5 =	vld [tilespmem:s7+$0xFFFFFFE0];
	_ =	sdelay $0x4  }
0xd6: {  	v4 =	vmax.f32 v4, v5  }
0xd7: {  	[tilespmem:s0+$0x124A0] =	vst v4;
	v4 =	vld [tilespmem:s0+$0x124B0]  }
0xd8: {  	v5 =	vld [tilespmem:s7+$0xFFFFFFF0];
	_ =	sdelay $0x4  }
0xd9: {  	v4 =	vmax.f32 v4, v5  }
0xda: {  	[tilespmem:s0+$0x124B0] =	vst v4;
	v4 =	vld [tilespmem:s0+$0x124C0]  }
0xdb: {  	v5 =	vld [tilespmem:s7+$0x0];
	_ =	sdelay $0x4  }
0xdc: {  	v4 =	vmax.f32 v4, v5  }
0xdd: {  	[tilespmem:s0+$0x124C0] =	vst v4;
	v4 =	vld [tilespmem:s0+$0x124D0]  }
0xde: {  	v5 =	vld [tilespmem:s7+$0x10];
	_ =	sdelay $0x4  }
0xdf: {  	v4 =	vmax.f32 v4, v5  }
0xe0: {  	[tilespmem:s0+$0x124D0] =	vst v4;
	v4 =	vld [tilespmem:s0+$0x124E0]  }
0xe1: {  	v5 =	vld [tilespmem:s7+$0x20];
	_ =	sdelay $0x4  }
0xe2: {  	v4 =	vmax.f32 v4, v5  }
0xe3: {  	[tilespmem:s0+$0x124E0] =	vst v4;
	v4 =	vld [tilespmem:s0+$0x124F0]  }
0xe4: {  	v5 =	vld [tilespmem:s7+$0x30];
	_ =	sdelay $0x4  }
0xe5: {  	v4 =	vmax.f32 v4, v5  }
0xe6: {  	[tilespmem:s0+$0x124F0] =	vst v4  }
0xe7: {  	_ =	swait.ge [sflag:s20], $0x4000  }
0xe8: {  	[sflag:s20] =	ssyncset.done $0x0  }
0xe9: {  	s0 =	simm.s32 $0x2280;
	[sflag:s20] =	ssyncadd.s32 $0xFFFFC000  }
0xea: {  	v4 =	vld [tilespmem:s0+$0x0];
	_ =	sdelay $0x4  }
0xeb: {  	(v2sf) =	vpush v4, $0x0;
	_ =	sdelay $0xe  }
0xec: {  	s31 =	spop (v2sf)  }
0xed: {  	s6 =	simm.s32 $0x0;
	s1 =	sshll.u32 s31, $0x9  }
0xee: {  	v4 =	vld [tilespmem:s6+$0x6480];
	s1 =	sshra.s32 s1, $0x2  }
0xef: {  	v5 =	vld [tilespmem:s1+$0x12480];
	_ =	sdelay $0x4  }
0xf0: {  	v4 =	vmax.f32 v5, v4  }
0xf1: {  	[tilespmem:s1+$0x12480] =	vst v4;
	v4 =	vld [tilespmem:s1+$0x12490]  }
0xf2: {  	v5 =	vld [tilespmem:s6+$0x6490];
	_ =	sdelay $0x4  }
0xf3: {  	v4 =	vmax.f32 v4, v5  }
0xf4: {  	[tilespmem:s1+$0x12490] =	vst v4;
	v4 =	vld [tilespmem:s1+$0x124A0]  }
0xf5: {  	v5 =	vld [tilespmem:s6+$0x64A0];
	_ =	sdelay $0x4  }
0xf6: {  	v4 =	vmax.f32 v4, v5  }
0xf7: {  	[tilespmem:s1+$0x124A0] =	vst v4;
	v4 =	vld [tilespmem:s1+$0x124B0]  }
0xf8: {  	v5 =	vld [tilespmem:s6+$0x64B0];
	_ =	sdelay $0x4  }
0xf9: {  	v4 =	vmax.f32 v4, v5  }
0xfa: {  	[tilespmem:s1+$0x124B0] =	vst v4;
	v4 =	vld [tilespmem:s1+$0x124C0]  }
0xfb: {  	v5 =	vld [tilespmem:s6+$0x64C0];
	_ =	sdelay $0x4  }
0xfc: {  	v4 =	vmax.f32 v4, v5  }
0xfd: {  	[tilespmem:s1+$0x124C0] =	vst v4;
	v4 =	vld [tilespmem:s1+$0x124D0]  }
0xfe: {  	v5 =	vld [tilespmem:s6+$0x64D0];
	_ =	sdelay $0x4  }
0xff: {  	v4 =	vmax.f32 v4, v5  }
0x100: {  	[tilespmem:s1+$0x124D0] =	vst v4;
	v4 =	vld [tilespmem:s1+$0x124E0]  }
0x101: {  	v5 =	vld [tilespmem:s6+$0x64E0];
	_ =	sdelay $0x4  }
0x102: {  	v4 =	vmax.f32 v4, v5  }
0x103: {  	[tilespmem:s1+$0x124E0] =	vst v4;
	v4 =	vld [tilespmem:s1+$0x124F0]  }
0x104: {  	s5 =	simm.s32 $0x200;
	v5 =	vld [tilespmem:s6+$0x64F0]  }
.LBB2_9:
0x105: {  	_ =	sdelay $0x2  }
0x106: {  	p1 =	sne.s32 s5, $0xFE00  }
0x107: {  	s0 =	sadd.s32 $0x1, s0;
	s6 =	smov.u32 s5;
	s5 =	sadd.s32 $0x200, s5;
	v4 =	vmax.f32 v4, v5  }
0x108: {  	[tilespmem:s1+$0x124F0] =	vst v4  }
0x109: {  	v4 =	vld [tilespmem:s0+$0x0];
	_ =	sdelay $0x4  }
0x10a: {  	(v2sf) =	vpush v4, $0x0;
	_ =	sdelay $0xe  }
0x10b: {  	s1 =	spop (v2sf)  }
0x10c: {  	s31 =	sshra.s32 s6, $0x2;
	s1 =	sshll.u32 s1, $0x9  }
0x10d: {  	s1 =	sshra.s32 s1, $0x2;
	v4 =	vld [tilespmem:s31+$0x6480]  }
0x10e: {  	v5 =	vld [tilespmem:s1+$0x12480];
	_ =	sdelay $0x4  }
0x10f: {  	v4 =	vmax.f32 v5, v4  }
0x110: {  	[tilespmem:s1+$0x12480] =	vst v4;
	v4 =	vld [tilespmem:s1+$0x12490]  }
0x111: {  	v5 =	vld [tilespmem:s31+$0x6490];
	_ =	sdelay $0x4  }
0x112: {  	v4 =	vmax.f32 v4, v5  }
0x113: {  	[tilespmem:s1+$0x12490] =	vst v4;
	v4 =	vld [tilespmem:s1+$0x124A0]  }
0x114: {  	v5 =	vld [tilespmem:s31+$0x64A0];
	_ =	sdelay $0x4  }
0x115: {  	v4 =	vmax.f32 v4, v5  }
0x116: {  	[tilespmem:s1+$0x124A0] =	vst v4;
	v4 =	vld [tilespmem:s1+$0x124B0]  }
0x117: {  	v5 =	vld [tilespmem:s31+$0x64B0];
	_ =	sdelay $0x4  }
0x118: {  	v4 =	vmax.f32 v4, v5  }
0x119: {  	[tilespmem:s1+$0x124B0] =	vst v4;
	v4 =	vld [tilespmem:s1+$0x124C0]  }
0x11a: {  	v5 =	vld [tilespmem:s31+$0x64C0];
	_ =	sdelay $0x4  }
0x11b: {  	v4 =	vmax.f32 v4, v5  }
0x11c: {  	[tilespmem:s1+$0x124C0] =	vst v4;
	v4 =	vld [tilespmem:s1+$0x124D0]  }
0x11d: {  	v5 =	vld [tilespmem:s31+$0x64D0];
	_ =	sdelay $0x4  }
0x11e: {  	v4 =	vmax.f32 v4, v5  }
0x11f: {  	[tilespmem:s1+$0x124D0] =	vst v4;
	v4 =	vld [tilespmem:s1+$0x124E0]  }
0x120: {  	v5 =	vld [tilespmem:s31+$0x64E0];
	_ =	sdelay $0x2  }
.Ltmp7:
0x121: {  	(pc) =	sbr.rel @p1 .LBB2_9-.Ltmp7, $4  }
0x122: {  	_ = 	snop  }
0x123: {  	v4 =	vmax.f32 v4, v5  }
0x124: {  	[tilespmem:s1+$0x124E0] =	vst v4;
	v4 =	vld [tilespmem:s1+$0x124F0]  }
0x125: {  	v5 =	vld [tilespmem:s31+$0x64F0]  }
0x126: {  	_ =	sdelay $0x3  }
0x127: {  	v4 =	vmax.f32 v4, v5  }
0x128: {  	[tilespmem:s1+$0x124F0] =	vst v4  }
0x129: {  	_ =	swait.ge [sflag:s21], $0x4000  }
0x12a: {  	[sflag:s21] =	ssyncset.done $0x0  }
0x12b: {  	s0 =	simm.s32 $0x2300;
	[sflag:s21] =	ssyncadd.s32 $0xFFFFC000  }
0x12c: {  	v4 =	vld [tilespmem:s0+$0x0];
	_ =	sdelay $0x4  }
0x12d: {  	(v2sf) =	vpush v4, $0x0;
	_ =	sdelay $0xe  }
0x12e: {  	s31 =	spop (v2sf)  }
0x12f: {  	s6 =	simm.s32 $0x0;
	s1 =	sshll.u32 s31, $0x9  }
0x130: {  	v4 =	vld [tilespmem:s6+$0xA480];
	s1 =	sshra.s32 s1, $0x2  }
0x131: {  	v5 =	vld [tilespmem:s1+$0x12480];
	_ =	sdelay $0x4  }
0x132: {  	v4 =	vmax.f32 v5, v4  }
0x133: {  	[tilespmem:s1+$0x12480] =	vst v4;
	v4 =	vld [tilespmem:s1+$0x12490]  }
0x134: {  	v5 =	vld [tilespmem:s6+$0xA490];
	_ =	sdelay $0x4  }
0x135: {  	v4 =	vmax.f32 v4, v5  }
0x136: {  	[tilespmem:s1+$0x12490] =	vst v4;
	v4 =	vld [tilespmem:s1+$0x124A0]  }
0x137: {  	v5 =	vld [tilespmem:s6+$0xA4A0];
	_ =	sdelay $0x4  }
0x138: {  	v4 =	vmax.f32 v4, v5  }
0x139: {  	[tilespmem:s1+$0x124A0] =	vst v4;
	v4 =	vld [tilespmem:s1+$0x124B0]  }
0x13a: {  	v5 =	vld [tilespmem:s6+$0xA4B0];
	_ =	sdelay $0x4  }
0x13b: {  	v4 =	vmax.f32 v4, v5  }
0x13c: {  	[tilespmem:s1+$0x124B0] =	vst v4;
	v4 =	vld [tilespmem:s1+$0x124C0]  }
0x13d: {  	v5 =	vld [tilespmem:s6+$0xA4C0];
	_ =	sdelay $0x4  }
0x13e: {  	v4 =	vmax.f32 v4, v5  }
0x13f: {  	[tilespmem:s1+$0x124C0] =	vst v4;
	v4 =	vld [tilespmem:s1+$0x124D0]  }
0x140: {  	v5 =	vld [tilespmem:s6+$0xA4D0];
	_ =	sdelay $0x4  }
0x141: {  	v4 =	vmax.f32 v4, v5  }
0x142: {  	[tilespmem:s1+$0x124D0] =	vst v4;
	v4 =	vld [tilespmem:s1+$0x124E0]  }
0x143: {  	v5 =	vld [tilespmem:s6+$0xA4E0];
	_ =	sdelay $0x4  }
0x144: {  	v4 =	vmax.f32 v4, v5  }
0x145: {  	[tilespmem:s1+$0x124E0] =	vst v4;
	v4 =	vld [tilespmem:s1+$0x124F0]  }
0x146: {  	s5 =	simm.s32 $0x200;
	v5 =	vld [tilespmem:s6+$0xA4F0]  }
.LBB2_11:
0x147: {  	_ =	sdelay $0x2  }
0x148: {  	p1 =	sne.s32 s5, $0xFE00  }
0x149: {  	s0 =	sadd.s32 $0x1, s0;
	s6 =	smov.u32 s5;
	s5 =	sadd.s32 $0x200, s5;
	v4 =	vmax.f32 v4, v5  }
0x14a: {  	[tilespmem:s1+$0x124F0] =	vst v4  }
0x14b: {  	v4 =	vld [tilespmem:s0+$0x0];
	_ =	sdelay $0x4  }
0x14c: {  	(v2sf) =	vpush v4, $0x0;
	_ =	sdelay $0xe  }
0x14d: {  	s1 =	spop (v2sf)  }
0x14e: {  	s31 =	sshra.s32 s6, $0x2;
	s1 =	sshll.u32 s1, $0x9  }
0x14f: {  	s1 =	sshra.s32 s1, $0x2;
	v4 =	vld [tilespmem:s31+$0xA480]  }
0x150: {  	v5 =	vld [tilespmem:s1+$0x12480];
	_ =	sdelay $0x4  }
0x151: {  	v4 =	vmax.f32 v5, v4  }
0x152: {  	[tilespmem:s1+$0x12480] =	vst v4;
	v4 =	vld [tilespmem:s1+$0x12490]  }
0x153: {  	v5 =	vld [tilespmem:s31+$0xA490];
	_ =	sdelay $0x4  }
0x154: {  	v4 =	vmax.f32 v4, v5  }
0x155: {  	[tilespmem:s1+$0x12490] =	vst v4;
	v4 =	vld [tilespmem:s1+$0x124A0]  }
0x156: {  	v5 =	vld [tilespmem:s31+$0xA4A0];
	_ =	sdelay $0x4  }
0x157: {  	v4 =	vmax.f32 v4, v5  }
0x158: {  	[tilespmem:s1+$0x124A0] =	vst v4;
	v4 =	vld [tilespmem:s1+$0x124B0]  }
0x159: {  	v5 =	vld [tilespmem:s31+$0xA4B0];
	_ =	sdelay $0x4  }
0x15a: {  	v4 =	vmax.f32 v4, v5  }
0x15b: {  	[tilespmem:s1+$0x124B0] =	vst v4;
	v4 =	vld [tilespmem:s1+$0x124C0]  }
0x15c: {  	v5 =	vld [tilespmem:s31+$0xA4C0];
	_ =	sdelay $0x4  }
0x15d: {  	v4 =	vmax.f32 v4, v5  }
0x15e: {  	[tilespmem:s1+$0x124C0] =	vst v4;
	v4 =	vld [tilespmem:s1+$0x124D0]  }
0x15f: {  	v5 =	vld [tilespmem:s31+$0xA4D0];
	_ =	sdelay $0x4  }
0x160: {  	v4 =	vmax.f32 v4, v5  }
0x161: {  	[tilespmem:s1+$0x124D0] =	vst v4;
	v4 =	vld [tilespmem:s1+$0x124E0]  }
0x162: {  	v5 =	vld [tilespmem:s31+$0xA4E0];
	_ =	sdelay $0x2  }
.Ltmp8:
0x163: {  	(pc) =	sbr.rel @p1 .LBB2_11-.Ltmp8, $4  }
0x164: {  	_ = 	snop  }
0x165: {  	v4 =	vmax.f32 v4, v5  }
0x166: {  	[tilespmem:s1+$0x124E0] =	vst v4;
	v4 =	vld [tilespmem:s1+$0x124F0]  }
0x167: {  	v5 =	vld [tilespmem:s31+$0xA4F0]  }
0x168: {  	_ =	sdelay $0x3  }
0x169: {  	v4 =	vmax.f32 v4, v5  }
0x16a: {  	[tilespmem:s1+$0x124F0] =	vst v4  }
0x16b: {  	_ =	swait.ge [sflag:s22], $0x4000  }
0x16c: {  	[sflag:s22] =	ssyncset.done $0x0  }
0x16d: {  	s31 =	simm.s32 $0x2380;
	[sflag:s22] =	ssyncadd.s32 $0xFFFFC000  }
0x16e: {  	v4 =	vld [tilespmem:s31+$0x0];
	_ =	sdelay $0x4  }
0x16f: {  	(v2sf) =	vpush v4, $0x0;
	_ =	sdelay $0xe  }
0x170: {  	s7 =	spop (v2sf)  }
0x171: {  	s0 =	simm.s32 $0xE480;
	s1 =	sshll.u32 s7, $0x9  }
0x172: {  	v4 =	vld [tilespmem:s0+$0x0];
	s1 =	sshra.s32 s1, $0x2  }
0x173: {  	v5 =	vld [tilespmem:s1+$0x12480];
	_ =	sdelay $0x4  }
0x174: {  	v4 =	vmax.f32 v5, v4  }
0x175: {  	[tilespmem:s1+$0x12480] =	vst v4;
	v4 =	vld [tilespmem:s1+$0x12490]  }
0x176: {  	v5 =	vld [tilespmem:s0+$0x10];
	_ =	sdelay $0x4  }
0x177: {  	v4 =	vmax.f32 v4, v5  }
0x178: {  	[tilespmem:s1+$0x12490] =	vst v4;
	v4 =	vld [tilespmem:s1+$0x124A0]  }
0x179: {  	v5 =	vld [tilespmem:s0+$0x20];
	_ =	sdelay $0x4  }
0x17a: {  	v4 =	vmax.f32 v4, v5  }
0x17b: {  	[tilespmem:s1+$0x124A0] =	vst v4;
	v4 =	vld [tilespmem:s1+$0x124B0]  }
0x17c: {  	v5 =	vld [tilespmem:s0+$0x30];
	_ =	sdelay $0x4  }
0x17d: {  	v4 =	vmax.f32 v4, v5  }
0x17e: {  	[tilespmem:s1+$0x124B0] =	vst v4;
	v4 =	vld [tilespmem:s1+$0x124C0]  }
0x17f: {  	v5 =	vld [tilespmem:s0+$0x40];
	_ =	sdelay $0x4  }
0x180: {  	v4 =	vmax.f32 v4, v5  }
0x181: {  	[tilespmem:s1+$0x124C0] =	vst v4;
	v4 =	vld [tilespmem:s1+$0x124D0]  }
0x182: {  	v5 =	vld [tilespmem:s0+$0x50];
	_ =	sdelay $0x4  }
0x183: {  	v4 =	vmax.f32 v4, v5  }
0x184: {  	[tilespmem:s1+$0x124D0] =	vst v4;
	v4 =	vld [tilespmem:s1+$0x124E0]  }
0x185: {  	v5 =	vld [tilespmem:s0+$0x60];
	_ =	sdelay $0x4  }
0x186: {  	s5 =	smin.u32 s24, $0x200;
	v4 =	vmax.f32 v4, v5  }
0x187: {  	s5 =	sadd.s32 $0xFFFFFE80, s5;
	[tilespmem:s1+$0x124E0] =	vst v4;
	v4 =	vld [tilespmem:s1+$0x124F0]  }
0x188: {  	p1 =	sne.s32 s5, $0x1;
	v5 =	vld [tilespmem:s0+$0x70]  }
.Ltmp9:
0x189: {  	_ = 	snop;
	(pc) =	sbr.rel @!p1 .LBB2_14-.Ltmp9, $2  }
0x18a: {  	_ =	sdelay $0x2  }
0x18b: {  	s5 =	sadd.s32 $0xFFFFFFFF, s5;
	v4 =	vmax.f32 v4, v5  }
.LBB2_13:
0x18c: {  	p1 =	sne.s32 s5, $0x1;
	[tilespmem:s1+$0x124F0] =	vst v4;
	s31 =	sadd.s32 $0x1, s31;
	s0 =	sadd.s32 $0x80, s0  }
0x18d: {  	s5 =	sadd.s32 $0xFFFFFFFF, s5;
	v4 =	vld [tilespmem:s31+$0x0];
	_ =	sdelay $0x4  }
0x18e: {  	(v2sf) =	vpush v4, $0x0;
	_ =	sdelay $0xe  }
0x18f: {  	s1 =	spop (v2sf)  }
0x190: {  	s1 =	sshll.u32 s1, $0x9  }
0x191: {  	s1 =	sshra.s32 s1, $0x2;
	v4 =	vld [tilespmem:s0+$0x0]  }
0x192: {  	v5 =	vld [tilespmem:s1+$0x12480];
	_ =	sdelay $0x4  }
0x193: {  	v4 =	vmax.f32 v5, v4  }
0x194: {  	[tilespmem:s1+$0x12480] =	vst v4;
	v4 =	vld [tilespmem:s1+$0x12490]  }
0x195: {  	v5 =	vld [tilespmem:s0+$0x10];
	_ =	sdelay $0x4  }
0x196: {  	v4 =	vmax.f32 v4, v5  }
0x197: {  	[tilespmem:s1+$0x12490] =	vst v4;
	v4 =	vld [tilespmem:s1+$0x124A0]  }
0x198: {  	v5 =	vld [tilespmem:s0+$0x20];
	_ =	sdelay $0x4  }
0x199: {  	v4 =	vmax.f32 v4, v5  }
0x19a: {  	[tilespmem:s1+$0x124A0] =	vst v4;
	v4 =	vld [tilespmem:s1+$0x124B0]  }
0x19b: {  	v5 =	vld [tilespmem:s0+$0x30];
	_ =	sdelay $0x4  }
0x19c: {  	v4 =	vmax.f32 v4, v5  }
0x19d: {  	[tilespmem:s1+$0x124B0] =	vst v4;
	v4 =	vld [tilespmem:s1+$0x124C0]  }
0x19e: {  	v5 =	vld [tilespmem:s0+$0x40];
	_ =	sdelay $0x4  }
0x19f: {  	v4 =	vmax.f32 v4, v5  }
0x1a0: {  	[tilespmem:s1+$0x124C0] =	vst v4;
	v4 =	vld [tilespmem:s1+$0x124D0]  }
0x1a1: {  	v5 =	vld [tilespmem:s0+$0x50];
	_ =	sdelay $0x4  }
0x1a2: {  	v4 =	vmax.f32 v4, v5  }
0x1a3: {  	[tilespmem:s1+$0x124D0] =	vst v4;
	v4 =	vld [tilespmem:s1+$0x124E0]  }
0x1a4: {  	v5 =	vld [tilespmem:s0+$0x60];
	_ =	sdelay $0x4  }
0x1a5: {  	v4 =	vmax.f32 v4, v5  }
0x1a6: {  	[tilespmem:s1+$0x124E0] =	vst v4;
	v4 =	vld [tilespmem:s1+$0x124F0]  }
0x1a7: {  	v5 =	vld [tilespmem:s0+$0x70]  }
.Ltmp10:
0x1a8: {  	(pc) =	sbr.rel @p1 .LBB2_13-.Ltmp10, $2  }
0x1a9: {  	_ =	sdelay $0x2  }
0x1aa: {  	v4 =	vmax.f32 v4, v5  }
.Ltmp11:
0x1ab: {  	_ = 	snop;
	(pc) =	sbr.rel .LBB2_14-.Ltmp11, $1  }
0x1ac: {  	_ =	sdelay $0x3  }
.LBB2_16:
0x1ad: {  	s0 =	sshll.u32 s26, $0x1  }
0x1ae: {  	s0 =	smin.u32 s0, $0x4D  }
0x1af: {  	s0 =	smul.u32 $0xFA0, s0;
	_ =	sdelay $0x1  }
0x1b0: {  	s0 =	sshrl.u32 s0, $0x3  }
0x1b1: {  	s0 =	sadd.s32 s3, s0  }
.Ltmp12:
0x1b2: {  	s29 =	simm.s32 $0x0;
	s0 =	sadd.s32 $0x3E8, s0;
	(pc) =	sbr.rel .LBB2_17-.Ltmp12, $4  }
0x1b3: {  	[tilespmem:s29], [sflag:$0x5] =	stream.linear.gather [hbm4b:s0+s29], $0xFA0, $0x38;
	[tilespmem:$0x1C480] =	vst v63  }
0x1b4: {  	_ =	swait.ge [sflag:s23], $0xFA0  }
0x1b5: {  	[sflag:s23] =	ssyncset.done $0x0  }
0x1b6: {  	[sflag:s23] =	ssyncadd.s32 $0xFFFFF060  }
.LBB2_26:
0x1b7: {  	[tilespmem:s1+$0x124F0] =	vst v4  }
.LBB2_27:
0x1b8: {  	s29 =	sadd.s32 $0x1, s29  }
0x1b9: {  	p2 =	sne.s32 s29, $0xFA  }
.Ltmp13:
0x1ba: {  	_ = 	snop;
	(pc) =	sbr.rel @!p2 .LBB2_28-.Ltmp13, $3  }
0x1bb: {  	_ =	sdelay $0x1  }
0x1bc: {  	p1 =	sgt.s32 s24, $0x1EF  }
0x1bd: {  	s24 =	simm.s32 @p1 $0x0  }
.LBB2_17:
0x1be: {  	s0 =	sshll.u32 s29, $0x4  }
0x1bf: {  	v4 =	vld [tilespmem:s0+$0x1000];
	_ =	sdelay $0x4  }
0x1c0: {  	v4 =	vsub.s32 v4, v0  }
0x1c1: {  	vm0 =	vlt.u32 v4, $0x140  }
0x1c2: {  	v5 =	vmpcnt.ones.xlane vm0;
	_ =	sdelay $0x1  }
0x1c3: {  	(v2sf) =	vpush v5, $0x0;
	_ =	sdelay $0xc  }
0x1c4: {  	s0 =	sadd.s32 s28, s0  }
0x1c5: {  	v5 =	vor.u32 s0, v3  }
0x1c6: {  	[tilespmem:s24+$0x2000] =	vst.msk vm0, v5;
	s31 =	spop (v2sf)  }
0x1c7: {  	[tilespmem:s24+$0x2200] =	vst.msk vm0, v4;
	s24 =	sadd.s32 s24, s31  }
0x1c8: {  	p1 =	slt.s32 s24, $0x1F0  }
.Ltmp14:
0x1c9: {  	_ = 	snop;
	(pc) =	sbr.rel @p1 .LBB2_27-.Ltmp14, $1  }
0x1ca: {  	_ =	sdelay $0x3  }
0x1cb: {  	[tilespmem:s12], [sflag:$0x1] =	stream.indirect.gather [hbm4b:s4+s10], $0x80, s11, s10, $0xb8;
	[tilespmem:$0x1C480] =	vst v63  }
0x1cc: {  	_ = 	snop  }
0x1cd: {  	[tilespmem:s14], [sflag:$0x2] =	stream.indirect.gather [hbm4b:s4+s10], $0x80, s13, s10, $0xb8;
	[tilespmem:$0x1C480] =	vst v63  }
0x1ce: {  	_ = 	snop  }
0x1cf: {  	[tilespmem:s16], [sflag:$0x3] =	stream.indirect.gather [hbm4b:s4+s10], $0x80, s15, s10, $0xb8;
	[tilespmem:$0x1C480] =	vst v63  }
0x1d0: {  	_ = 	snop  }
0x1d1: {  	[tilespmem:s18], [sflag:$0x4] =	stream.indirect.gather [hbm4b:s4+s10], $0x80, s17, s10, $0xb8;
	[tilespmem:$0x1C480] =	vst v63  }
0x1d2: {  	_ =	swait.ge [sflag:s19], $0x4000  }
0x1d3: {  	[sflag:s19] =	ssyncset.done $0x0  }
0x1d4: {  	s0 =	simm.s32 $0x0;
	[sflag:s19] =	ssyncadd.s32 $0xFFFFC000  }
0x1d5: {  	v4 =	vld [tilespmem:s0+$0x2200];
	_ =	sdelay $0x4  }
0x1d6: {  	(v2sf) =	vpush v4, $0x0;
	_ =	sdelay $0xe  }
0x1d7: {  	s31 =	spop (v2sf)  }
0x1d8: {  	s30 =	simm.s32 $0x24C0;
	s0 =	sshll.u32 s31, $0x9  }
0x1d9: {  	v4 =	vld [tilespmem:s30+$0xFFFFFFC0];
	s0 =	sshra.s32 s0, $0x2  }
0x1da: {  	v5 =	vld [tilespmem:s0+$0x12480];
	_ =	sdelay $0x4  }
0x1db: {  	v4 =	vmax.f32 v5, v4  }
0x1dc: {  	[tilespmem:s0+$0x12480] =	vst v4;
	v4 =	vld [tilespmem:s0+$0x12490]  }
0x1dd: {  	v5 =	vld [tilespmem:s30+$0xFFFFFFD0];
	_ =	sdelay $0x4  }
0x1de: {  	v4 =	vmax.f32 v4, v5  }
0x1df: {  	[tilespmem:s0+$0x12490] =	vst v4;
	v4 =	vld [tilespmem:s0+$0x124A0]  }
0x1e0: {  	v5 =	vld [tilespmem:s30+$0xFFFFFFE0];
	_ =	sdelay $0x4  }
0x1e1: {  	v4 =	vmax.f32 v4, v5  }
0x1e2: {  	[tilespmem:s0+$0x124A0] =	vst v4;
	v4 =	vld [tilespmem:s0+$0x124B0]  }
0x1e3: {  	v5 =	vld [tilespmem:s30+$0xFFFFFFF0];
	_ =	sdelay $0x4  }
0x1e4: {  	v4 =	vmax.f32 v4, v5  }
0x1e5: {  	[tilespmem:s0+$0x124B0] =	vst v4;
	v4 =	vld [tilespmem:s0+$0x124C0]  }
0x1e6: {  	v5 =	vld [tilespmem:s30+$0x0];
	_ =	sdelay $0x4  }
0x1e7: {  	v4 =	vmax.f32 v4, v5  }
0x1e8: {  	[tilespmem:s0+$0x124C0] =	vst v4;
	v4 =	vld [tilespmem:s0+$0x124D0]  }
0x1e9: {  	v5 =	vld [tilespmem:s30+$0x10];
	_ =	sdelay $0x4  }
0x1ea: {  	v4 =	vmax.f32 v4, v5  }
0x1eb: {  	[tilespmem:s0+$0x124D0] =	vst v4;
	v4 =	vld [tilespmem:s0+$0x124E0]  }
0x1ec: {  	v5 =	vld [tilespmem:s30+$0x20];
	_ =	sdelay $0x4  }
0x1ed: {  	v4 =	vmax.f32 v4, v5  }
0x1ee: {  	[tilespmem:s0+$0x124E0] =	vst v4;
	v4 =	vld [tilespmem:s0+$0x124F0]  }
0x1ef: {  	v5 =	vld [tilespmem:s30+$0x30];
	_ =	sdelay $0x4  }
0x1f0: {  	s1 =	simm.s32 $0x4;
	s6 =	simm.s32 $0x8;
	v4 =	vmax.f32 v4, v5  }
.LBB2_19:
0x1f1: {  	s7 =	sshra.s32 s1, $0x2  }
0x1f2: {  	[tilespmem:s0+$0x124F0] =	vst v4;
	s30 =	sadd.s32 $0x80, s30;
	s1 =	smov.u32 s6;
	s5 =	sadd.s32 $0x4, s6  }
0x1f3: {  	p1 =	sne.s32 s6, $0x1FC;
	v4 =	vld [tilespmem:s7+$0x2200];
	_ =	sdelay $0x4  }
0x1f4: {  	(v2sf) =	vpush v4, $0x0;
	_ =	sdelay $0xe  }
0x1f5: {  	s0 =	spop (v2sf)  }
0x1f6: {  	s0 =	sshll.u32 s0, $0x9  }
0x1f7: {  	s0 =	sshra.s32 s0, $0x2;
	v4 =	vld [tilespmem:s30+$0xFFFFFFC0]  }
0x1f8: {  	v5 =	vld [tilespmem:s0+$0x12480];
	_ =	sdelay $0x4  }
0x1f9: {  	v4 =	vmax.f32 v5, v4  }
0x1fa: {  	[tilespmem:s0+$0x12480] =	vst v4;
	v4 =	vld [tilespmem:s0+$0x12490]  }
0x1fb: {  	v5 =	vld [tilespmem:s30+$0xFFFFFFD0];
	_ =	sdelay $0x4  }
0x1fc: {  	v4 =	vmax.f32 v4, v5  }
0x1fd: {  	[tilespmem:s0+$0x12490] =	vst v4;
	v4 =	vld [tilespmem:s0+$0x124A0]  }
0x1fe: {  	v5 =	vld [tilespmem:s30+$0xFFFFFFE0];
	_ =	sdelay $0x4  }
0x1ff: {  	v4 =	vmax.f32 v4, v5  }
0x200: {  	[tilespmem:s0+$0x124A0] =	vst v4;
	v4 =	vld [tilespmem:s0+$0x124B0]  }
0x201: {  	v5 =	vld [tilespmem:s30+$0xFFFFFFF0];
	_ =	sdelay $0x4  }
0x202: {  	v4 =	vmax.f32 v4, v5  }
0x203: {  	[tilespmem:s0+$0x124B0] =	vst v4;
	v4 =	vld [tilespmem:s0+$0x124C0]  }
0x204: {  	v5 =	vld [tilespmem:s30+$0x0];
	_ =	sdelay $0x4  }
0x205: {  	v4 =	vmax.f32 v4, v5  }
0x206: {  	[tilespmem:s0+$0x124C0] =	vst v4;
	v4 =	vld [tilespmem:s0+$0x124D0]  }
0x207: {  	v5 =	vld [tilespmem:s30+$0x10];
	_ =	sdelay $0x4  }
0x208: {  	v4 =	vmax.f32 v4, v5  }
0x209: {  	[tilespmem:s0+$0x124D0] =	vst v4;
	v4 =	vld [tilespmem:s0+$0x124E0]  }
0x20a: {  	v5 =	vld [tilespmem:s30+$0x20];
	_ =	sdelay $0x4  }
0x20b: {  	v4 =	vmax.f32 v4, v5  }
0x20c: {  	[tilespmem:s0+$0x124E0] =	vst v4;
	v4 =	vld [tilespmem:s0+$0x124F0]  }
0x20d: {  	v5 =	vld [tilespmem:s30+$0x30]  }
.Ltmp15:
0x20e: {  	(pc) =	sbr.rel @p1 .LBB2_19-.Ltmp15, $2  }
0x20f: {  	_ =	sdelay $0x2  }
0x210: {  	s6 =	smov.u32 s5;
	v4 =	vmax.f32 v4, v5  }
0x211: {  	s1 =	sshra.s32 s1, $0x2;
	[tilespmem:s0+$0x124F0] =	vst v4  }
0x212: {  	v4 =	vld [tilespmem:s1+$0x2200];
	_ =	sdelay $0x4  }
0x213: {  	(v2sf) =	vpush v4, $0x0;
	_ =	sdelay $0xe  }
0x214: {  	s7 =	spop (v2sf)  }
0x215: {  	s30 =	sadd.s32 $0x80, s30;
	s0 =	sshll.u32 s7, $0x9  }
0x216: {  	v4 =	vld [tilespmem:s30+$0xFFFFFFC0];
	s0 =	sshra.s32 s0, $0x2  }
0x217: {  	v5 =	vld [tilespmem:s0+$0x12480];
	_ =	sdelay $0x4  }
0x218: {  	v4 =	vmax.f32 v5, v4  }
0x219: {  	[tilespmem:s0+$0x12480] =	vst v4;
	v4 =	vld [tilespmem:s0+$0x12490]  }
0x21a: {  	v5 =	vld [tilespmem:s30+$0xFFFFFFD0];
	_ =	sdelay $0x4  }
0x21b: {  	v4 =	vmax.f32 v4, v5  }
0x21c: {  	[tilespmem:s0+$0x12490] =	vst v4;
	v4 =	vld [tilespmem:s0+$0x124A0]  }
0x21d: {  	v5 =	vld [tilespmem:s30+$0xFFFFFFE0];
	_ =	sdelay $0x4  }
0x21e: {  	v4 =	vmax.f32 v4, v5  }
0x21f: {  	[tilespmem:s0+$0x124A0] =	vst v4;
	v4 =	vld [tilespmem:s0+$0x124B0]  }
0x220: {  	v5 =	vld [tilespmem:s30+$0xFFFFFFF0];
	_ =	sdelay $0x4  }
0x221: {  	v4 =	vmax.f32 v4, v5  }
0x222: {  	[tilespmem:s0+$0x124B0] =	vst v4;
	v4 =	vld [tilespmem:s0+$0x124C0]  }
0x223: {  	v5 =	vld [tilespmem:s30+$0x0];
	_ =	sdelay $0x4  }
0x224: {  	v4 =	vmax.f32 v4, v5  }
0x225: {  	[tilespmem:s0+$0x124C0] =	vst v4;
	v4 =	vld [tilespmem:s0+$0x124D0]  }
0x226: {  	v5 =	vld [tilespmem:s30+$0x10];
	_ =	sdelay $0x4  }
0x227: {  	v4 =	vmax.f32 v4, v5  }
0x228: {  	[tilespmem:s0+$0x124D0] =	vst v4;
	v4 =	vld [tilespmem:s0+$0x124E0]  }
0x229: {  	v5 =	vld [tilespmem:s30+$0x20];
	_ =	sdelay $0x4  }
0x22a: {  	v4 =	vmax.f32 v4, v5  }
0x22b: {  	[tilespmem:s0+$0x124E0] =	vst v4;
	v4 =	vld [tilespmem:s0+$0x124F0]  }
0x22c: {  	v5 =	vld [tilespmem:s30+$0x30];
	_ =	sdelay $0x4  }
0x22d: {  	v4 =	vmax.f32 v4, v5  }
0x22e: {  	[tilespmem:s0+$0x124F0] =	vst v4  }
0x22f: {  	_ =	swait.ge [sflag:s20], $0x4000  }
0x230: {  	[sflag:s20] =	ssyncset.done $0x0  }
0x231: {  	s0 =	simm.s32 $0x2280;
	[sflag:s20] =	ssyncadd.s32 $0xFFFFC000  }
0x232: {  	v4 =	vld [tilespmem:s0+$0x0];
	_ =	sdelay $0x4  }
0x233: {  	(v2sf) =	vpush v4, $0x0;
	_ =	sdelay $0xe  }
0x234: {  	s31 =	spop (v2sf)  }
0x235: {  	s6 =	simm.s32 $0x0;
	s1 =	sshll.u32 s31, $0x9  }
0x236: {  	v4 =	vld [tilespmem:s6+$0x6480];
	s1 =	sshra.s32 s1, $0x2  }
0x237: {  	v5 =	vld [tilespmem:s1+$0x12480];
	_ =	sdelay $0x4  }
0x238: {  	v4 =	vmax.f32 v5, v4  }
0x239: {  	[tilespmem:s1+$0x12480] =	vst v4;
	v4 =	vld [tilespmem:s1+$0x12490]  }
0x23a: {  	v5 =	vld [tilespmem:s6+$0x6490];
	_ =	sdelay $0x4  }
0x23b: {  	v4 =	vmax.f32 v4, v5  }
0x23c: {  	[tilespmem:s1+$0x12490] =	vst v4;
	v4 =	vld [tilespmem:s1+$0x124A0]  }
0x23d: {  	v5 =	vld [tilespmem:s6+$0x64A0];
	_ =	sdelay $0x4  }
0x23e: {  	v4 =	vmax.f32 v4, v5  }
0x23f: {  	[tilespmem:s1+$0x124A0] =	vst v4;
	v4 =	vld [tilespmem:s1+$0x124B0]  }
0x240: {  	v5 =	vld [tilespmem:s6+$0x64B0];
	_ =	sdelay $0x4  }
0x241: {  	v4 =	vmax.f32 v4, v5  }
0x242: {  	[tilespmem:s1+$0x124B0] =	vst v4;
	v4 =	vld [tilespmem:s1+$0x124C0]  }
0x243: {  	v5 =	vld [tilespmem:s6+$0x64C0];
	_ =	sdelay $0x4  }
0x244: {  	v4 =	vmax.f32 v4, v5  }
0x245: {  	[tilespmem:s1+$0x124C0] =	vst v4;
	v4 =	vld [tilespmem:s1+$0x124D0]  }
0x246: {  	v5 =	vld [tilespmem:s6+$0x64D0];
	_ =	sdelay $0x4  }
0x247: {  	v4 =	vmax.f32 v4, v5  }
0x248: {  	[tilespmem:s1+$0x124D0] =	vst v4;
	v4 =	vld [tilespmem:s1+$0x124E0]  }
0x249: {  	v5 =	vld [tilespmem:s6+$0x64E0];
	_ =	sdelay $0x4  }
0x24a: {  	v4 =	vmax.f32 v4, v5  }
0x24b: {  	[tilespmem:s1+$0x124E0] =	vst v4;
	v4 =	vld [tilespmem:s1+$0x124F0]  }
0x24c: {  	s5 =	simm.s32 $0x200;
	v5 =	vld [tilespmem:s6+$0x64F0]  }
.LBB2_21:
0x24d: {  	_ =	sdelay $0x2  }
0x24e: {  	p1 =	sne.s32 s5, $0xFE00  }
0x24f: {  	s0 =	sadd.s32 $0x1, s0;
	s6 =	smov.u32 s5;
	s5 =	sadd.s32 $0x200, s5;
	v4 =	vmax.f32 v4, v5  }
0x250: {  	[tilespmem:s1+$0x124F0] =	vst v4  }
0x251: {  	v4 =	vld [tilespmem:s0+$0x0];
	_ =	sdelay $0x4  }
0x252: {  	(v2sf) =	vpush v4, $0x0;
	_ =	sdelay $0xe  }
0x253: {  	s1 =	spop (v2sf)  }
0x254: {  	s30 =	sshra.s32 s6, $0x2;
	s1 =	sshll.u32 s1, $0x9  }
0x255: {  	s1 =	sshra.s32 s1, $0x2;
	v4 =	vld [tilespmem:s30+$0x6480]  }
0x256: {  	v5 =	vld [tilespmem:s1+$0x12480];
	_ =	sdelay $0x4  }
0x257: {  	v4 =	vmax.f32 v5, v4  }
0x258: {  	[tilespmem:s1+$0x12480] =	vst v4;
	v4 =	vld [tilespmem:s1+$0x12490]  }
0x259: {  	v5 =	vld [tilespmem:s30+$0x6490];
	_ =	sdelay $0x4  }
0x25a: {  	v4 =	vmax.f32 v4, v5  }
0x25b: {  	[tilespmem:s1+$0x12490] =	vst v4;
	v4 =	vld [tilespmem:s1+$0x124A0]  }
0x25c: {  	v5 =	vld [tilespmem:s30+$0x64A0];
	_ =	sdelay $0x4  }
0x25d: {  	v4 =	vmax.f32 v4, v5  }
0x25e: {  	[tilespmem:s1+$0x124A0] =	vst v4;
	v4 =	vld [tilespmem:s1+$0x124B0]  }
0x25f: {  	v5 =	vld [tilespmem:s30+$0x64B0];
	_ =	sdelay $0x4  }
0x260: {  	v4 =	vmax.f32 v4, v5  }
0x261: {  	[tilespmem:s1+$0x124B0] =	vst v4;
	v4 =	vld [tilespmem:s1+$0x124C0]  }
0x262: {  	v5 =	vld [tilespmem:s30+$0x64C0];
	_ =	sdelay $0x4  }
0x263: {  	v4 =	vmax.f32 v4, v5  }
0x264: {  	[tilespmem:s1+$0x124C0] =	vst v4;
	v4 =	vld [tilespmem:s1+$0x124D0]  }
0x265: {  	v5 =	vld [tilespmem:s30+$0x64D0];
	_ =	sdelay $0x4  }
0x266: {  	v4 =	vmax.f32 v4, v5  }
0x267: {  	[tilespmem:s1+$0x124D0] =	vst v4;
	v4 =	vld [tilespmem:s1+$0x124E0]  }
0x268: {  	v5 =	vld [tilespmem:s30+$0x64E0];
	_ =	sdelay $0x2  }
.Ltmp16:
0x269: {  	(pc) =	sbr.rel @p1 .LBB2_21-.Ltmp16, $4  }
0x26a: {  	_ = 	snop  }
0x26b: {  	v4 =	vmax.f32 v4, v5  }
0x26c: {  	[tilespmem:s1+$0x124E0] =	vst v4;
	v4 =	vld [tilespmem:s1+$0x124F0]  }
0x26d: {  	v5 =	vld [tilespmem:s30+$0x64F0]  }
0x26e: {  	_ =	sdelay $0x3  }
0x26f: {  	v4 =	vmax.f32 v4, v5  }
0x270: {  	[tilespmem:s1+$0x124F0] =	vst v4  }
0x271: {  	_ =	swait.ge [sflag:s21], $0x4000  }
0x272: {  	[sflag:s21] =	ssyncset.done $0x0  }
0x273: {  	s0 =	simm.s32 $0x2300;
	[sflag:s21] =	ssyncadd.s32 $0xFFFFC000  }
0x274: {  	v4 =	vld [tilespmem:s0+$0x0];
	_ =	sdelay $0x4  }
0x275: {  	(v2sf) =	vpush v4, $0x0;
	_ =	sdelay $0xe  }
0x276: {  	s31 =	spop (v2sf)  }
0x277: {  	s6 =	simm.s32 $0x0;
	s1 =	sshll.u32 s31, $0x9  }
0x278: {  	v4 =	vld [tilespmem:s6+$0xA480];
	s1 =	sshra.s32 s1, $0x2  }
0x279: {  	v5 =	vld [tilespmem:s1+$0x12480];
	_ =	sdelay $0x4  }
0x27a: {  	v4 =	vmax.f32 v5, v4  }
0x27b: {  	[tilespmem:s1+$0x12480] =	vst v4;
	v4 =	vld [tilespmem:s1+$0x12490]  }
0x27c: {  	v5 =	vld [tilespmem:s6+$0xA490];
	_ =	sdelay $0x4  }
0x27d: {  	v4 =	vmax.f32 v4, v5  }
0x27e: {  	[tilespmem:s1+$0x12490] =	vst v4;
	v4 =	vld [tilespmem:s1+$0x124A0]  }
0x27f: {  	v5 =	vld [tilespmem:s6+$0xA4A0];
	_ =	sdelay $0x4  }
0x280: {  	v4 =	vmax.f32 v4, v5  }
0x281: {  	[tilespmem:s1+$0x124A0] =	vst v4;
	v4 =	vld [tilespmem:s1+$0x124B0]  }
0x282: {  	v5 =	vld [tilespmem:s6+$0xA4B0];
	_ =	sdelay $0x4  }
0x283: {  	v4 =	vmax.f32 v4, v5  }
0x284: {  	[tilespmem:s1+$0x124B0] =	vst v4;
	v4 =	vld [tilespmem:s1+$0x124C0]  }
0x285: {  	v5 =	vld [tilespmem:s6+$0xA4C0];
	_ =	sdelay $0x4  }
0x286: {  	v4 =	vmax.f32 v4, v5  }
0x287: {  	[tilespmem:s1+$0x124C0] =	vst v4;
	v4 =	vld [tilespmem:s1+$0x124D0]  }
0x288: {  	v5 =	vld [tilespmem:s6+$0xA4D0];
	_ =	sdelay $0x4  }
0x289: {  	v4 =	vmax.f32 v4, v5  }
0x28a: {  	[tilespmem:s1+$0x124D0] =	vst v4;
	v4 =	vld [tilespmem:s1+$0x124E0]  }
0x28b: {  	v5 =	vld [tilespmem:s6+$0xA4E0];
	_ =	sdelay $0x4  }
0x28c: {  	v4 =	vmax.f32 v4, v5  }
0x28d: {  	[tilespmem:s1+$0x124E0] =	vst v4;
	v4 =	vld [tilespmem:s1+$0x124F0]  }
0x28e: {  	s5 =	simm.s32 $0x200;
	v5 =	vld [tilespmem:s6+$0xA4F0]  }
.LBB2_23:
0x28f: {  	_ =	sdelay $0x2  }
0x290: {  	p1 =	sne.s32 s5, $0xFE00  }
0x291: {  	s0 =	sadd.s32 $0x1, s0;
	s6 =	smov.u32 s5;
	s5 =	sadd.s32 $0x200, s5;
	v4 =	vmax.f32 v4, v5  }
0x292: {  	[tilespmem:s1+$0x124F0] =	vst v4  }
0x293: {  	v4 =	vld [tilespmem:s0+$0x0];
	_ =	sdelay $0x4  }
0x294: {  	(v2sf) =	vpush v4, $0x0;
	_ =	sdelay $0xe  }
0x295: {  	s1 =	spop (v2sf)  }
0x296: {  	s30 =	sshra.s32 s6, $0x2;
	s1 =	sshll.u32 s1, $0x9  }
0x297: {  	s1 =	sshra.s32 s1, $0x2;
	v4 =	vld [tilespmem:s30+$0xA480]  }
0x298: {  	v5 =	vld [tilespmem:s1+$0x12480];
	_ =	sdelay $0x4  }
0x299: {  	v4 =	vmax.f32 v5, v4  }
0x29a: {  	[tilespmem:s1+$0x12480] =	vst v4;
	v4 =	vld [tilespmem:s1+$0x12490]  }
0x29b: {  	v5 =	vld [tilespmem:s30+$0xA490];
	_ =	sdelay $0x4  }
0x29c: {  	v4 =	vmax.f32 v4, v5  }
0x29d: {  	[tilespmem:s1+$0x12490] =	vst v4;
	v4 =	vld [tilespmem:s1+$0x124A0]  }
0x29e: {  	v5 =	vld [tilespmem:s30+$0xA4A0];
	_ =	sdelay $0x4  }
0x29f: {  	v4 =	vmax.f32 v4, v5  }
0x2a0: {  	[tilespmem:s1+$0x124A0] =	vst v4;
	v4 =	vld [tilespmem:s1+$0x124B0]  }
0x2a1: {  	v5 =	vld [tilespmem:s30+$0xA4B0];
	_ =	sdelay $0x4  }
0x2a2: {  	v4 =	vmax.f32 v4, v5  }
0x2a3: {  	[tilespmem:s1+$0x124B0] =	vst v4;
	v4 =	vld [tilespmem:s1+$0x124C0]  }
0x2a4: {  	v5 =	vld [tilespmem:s30+$0xA4C0];
	_ =	sdelay $0x4  }
0x2a5: {  	v4 =	vmax.f32 v4, v5  }
0x2a6: {  	[tilespmem:s1+$0x124C0] =	vst v4;
	v4 =	vld [tilespmem:s1+$0x124D0]  }
0x2a7: {  	v5 =	vld [tilespmem:s30+$0xA4D0];
	_ =	sdelay $0x4  }
0x2a8: {  	v4 =	vmax.f32 v4, v5  }
0x2a9: {  	[tilespmem:s1+$0x124D0] =	vst v4;
	v4 =	vld [tilespmem:s1+$0x124E0]  }
0x2aa: {  	v5 =	vld [tilespmem:s30+$0xA4E0];
	_ =	sdelay $0x2  }
.Ltmp17:
0x2ab: {  	(pc) =	sbr.rel @p1 .LBB2_23-.Ltmp17, $4  }
0x2ac: {  	_ = 	snop  }
0x2ad: {  	v4 =	vmax.f32 v4, v5  }
0x2ae: {  	[tilespmem:s1+$0x124E0] =	vst v4;
	v4 =	vld [tilespmem:s1+$0x124F0]  }
0x2af: {  	v5 =	vld [tilespmem:s30+$0xA4F0]  }
0x2b0: {  	_ =	sdelay $0x3  }
0x2b1: {  	v4 =	vmax.f32 v4, v5  }
0x2b2: {  	[tilespmem:s1+$0x124F0] =	vst v4  }
0x2b3: {  	_ =	swait.ge [sflag:s22], $0x4000  }
0x2b4: {  	[sflag:s22] =	ssyncset.done $0x0  }
0x2b5: {  	s30 =	simm.s32 $0x2380;
	[sflag:s22] =	ssyncadd.s32 $0xFFFFC000  }
0x2b6: {  	v4 =	vld [tilespmem:s30+$0x0];
	_ =	sdelay $0x4  }
0x2b7: {  	(v2sf) =	vpush v4, $0x0;
	_ =	sdelay $0xe  }
0x2b8: {  	s31 =	spop (v2sf)  }
0x2b9: {  	s0 =	simm.s32 $0xE480;
	s1 =	sshll.u32 s31, $0x9  }
0x2ba: {  	v4 =	vld [tilespmem:s0+$0x0];
	s1 =	sshra.s32 s1, $0x2  }
0x2bb: {  	v5 =	vld [tilespmem:s1+$0x12480];
	_ =	sdelay $0x4  }
0x2bc: {  	v4 =	vmax.f32 v5, v4  }
0x2bd: {  	[tilespmem:s1+$0x12480] =	vst v4;
	v4 =	vld [tilespmem:s1+$0x12490]  }
0x2be: {  	v5 =	vld [tilespmem:s0+$0x10];
	_ =	sdelay $0x4  }
0x2bf: {  	v4 =	vmax.f32 v4, v5  }
0x2c0: {  	[tilespmem:s1+$0x12490] =	vst v4;
	v4 =	vld [tilespmem:s1+$0x124A0]  }
0x2c1: {  	v5 =	vld [tilespmem:s0+$0x20];
	_ =	sdelay $0x4  }
0x2c2: {  	v4 =	vmax.f32 v4, v5  }
0x2c3: {  	[tilespmem:s1+$0x124A0] =	vst v4;
	v4 =	vld [tilespmem:s1+$0x124B0]  }
0x2c4: {  	v5 =	vld [tilespmem:s0+$0x30];
	_ =	sdelay $0x4  }
0x2c5: {  	v4 =	vmax.f32 v4, v5  }
0x2c6: {  	[tilespmem:s1+$0x124B0] =	vst v4;
	v4 =	vld [tilespmem:s1+$0x124C0]  }
0x2c7: {  	v5 =	vld [tilespmem:s0+$0x40];
	_ =	sdelay $0x4  }
0x2c8: {  	v4 =	vmax.f32 v4, v5  }
0x2c9: {  	[tilespmem:s1+$0x124C0] =	vst v4;
	v4 =	vld [tilespmem:s1+$0x124D0]  }
0x2ca: {  	v5 =	vld [tilespmem:s0+$0x50];
	_ =	sdelay $0x4  }
0x2cb: {  	v4 =	vmax.f32 v4, v5  }
0x2cc: {  	[tilespmem:s1+$0x124D0] =	vst v4;
	v4 =	vld [tilespmem:s1+$0x124E0]  }
0x2cd: {  	v5 =	vld [tilespmem:s0+$0x60];
	_ =	sdelay $0x4  }
0x2ce: {  	s5 =	smin.u32 s24, $0x200;
	v4 =	vmax.f32 v4, v5  }
0x2cf: {  	s5 =	sadd.s32 $0xFFFFFE80, s5;
	[tilespmem:s1+$0x124E0] =	vst v4;
	v4 =	vld [tilespmem:s1+$0x124F0]  }
0x2d0: {  	p1 =	sne.s32 s5, $0x1;
	v5 =	vld [tilespmem:s0+$0x70]  }
.Ltmp18:
0x2d1: {  	_ = 	snop;
	(pc) =	sbr.rel @!p1 .LBB2_26-.Ltmp18, $2  }
0x2d2: {  	_ =	sdelay $0x2  }
0x2d3: {  	s5 =	sadd.s32 $0xFFFFFFFF, s5;
	v4 =	vmax.f32 v4, v5  }
.LBB2_25:
0x2d4: {  	p1 =	sne.s32 s5, $0x1;
	[tilespmem:s1+$0x124F0] =	vst v4;
	s30 =	sadd.s32 $0x1, s30;
	s0 =	sadd.s32 $0x80, s0  }
0x2d5: {  	s5 =	sadd.s32 $0xFFFFFFFF, s5;
	v4 =	vld [tilespmem:s30+$0x0];
	_ =	sdelay $0x4  }
0x2d6: {  	(v2sf) =	vpush v4, $0x0;
	_ =	sdelay $0xe  }
0x2d7: {  	s1 =	spop (v2sf)  }
0x2d8: {  	s1 =	sshll.u32 s1, $0x9  }
0x2d9: {  	s1 =	sshra.s32 s1, $0x2;
	v4 =	vld [tilespmem:s0+$0x0]  }
0x2da: {  	v5 =	vld [tilespmem:s1+$0x12480];
	_ =	sdelay $0x4  }
0x2db: {  	v4 =	vmax.f32 v5, v4  }
0x2dc: {  	[tilespmem:s1+$0x12480] =	vst v4;
	v4 =	vld [tilespmem:s1+$0x12490]  }
0x2dd: {  	v5 =	vld [tilespmem:s0+$0x10];
	_ =	sdelay $0x4  }
0x2de: {  	v4 =	vmax.f32 v4, v5  }
0x2df: {  	[tilespmem:s1+$0x12490] =	vst v4;
	v4 =	vld [tilespmem:s1+$0x124A0]  }
0x2e0: {  	v5 =	vld [tilespmem:s0+$0x20];
	_ =	sdelay $0x4  }
0x2e1: {  	v4 =	vmax.f32 v4, v5  }
0x2e2: {  	[tilespmem:s1+$0x124A0] =	vst v4;
	v4 =	vld [tilespmem:s1+$0x124B0]  }
0x2e3: {  	v5 =	vld [tilespmem:s0+$0x30];
	_ =	sdelay $0x4  }
0x2e4: {  	v4 =	vmax.f32 v4, v5  }
0x2e5: {  	[tilespmem:s1+$0x124B0] =	vst v4;
	v4 =	vld [tilespmem:s1+$0x124C0]  }
0x2e6: {  	v5 =	vld [tilespmem:s0+$0x40];
	_ =	sdelay $0x4  }
0x2e7: {  	v4 =	vmax.f32 v4, v5  }
0x2e8: {  	[tilespmem:s1+$0x124C0] =	vst v4;
	v4 =	vld [tilespmem:s1+$0x124D0]  }
0x2e9: {  	v5 =	vld [tilespmem:s0+$0x50];
	_ =	sdelay $0x4  }
0x2ea: {  	v4 =	vmax.f32 v4, v5  }
0x2eb: {  	[tilespmem:s1+$0x124D0] =	vst v4;
	v4 =	vld [tilespmem:s1+$0x124E0]  }
0x2ec: {  	v5 =	vld [tilespmem:s0+$0x60];
	_ =	sdelay $0x4  }
0x2ed: {  	v4 =	vmax.f32 v4, v5  }
0x2ee: {  	[tilespmem:s1+$0x124E0] =	vst v4;
	v4 =	vld [tilespmem:s1+$0x124F0]  }
0x2ef: {  	v5 =	vld [tilespmem:s0+$0x70]  }
.Ltmp19:
0x2f0: {  	(pc) =	sbr.rel @p1 .LBB2_25-.Ltmp19, $2  }
0x2f1: {  	_ =	sdelay $0x2  }
0x2f2: {  	v4 =	vmax.f32 v4, v5  }
.Ltmp20:
0x2f3: {  	_ = 	snop;
	(pc) =	sbr.rel .LBB2_26-.Ltmp20, $1  }
0x2f4: {  	_ =	sdelay $0x3  }
.LBB2_29:
0x2f5: {  	_ =	swait.ge [sflag:s9], $0xFA0  }
0x2f6: {  	[sflag:s9] =	ssyncset.done $0x0  }
0x2f7: {  	[sflag:s9] =	ssyncadd.s32 $0xFFFFF060  }
0x2f8: {  	[tilespmem:s12], [sflag:$0x1] =	stream.indirect.gather [hbm4b:s4+s10], $0x80, s11, s10, $0xb8;
	[tilespmem:$0x1C480] =	vst v63  }
0x2f9: {  	_ = 	snop  }
0x2fa: {  	[tilespmem:s14], [sflag:$0x2] =	stream.indirect.gather [hbm4b:s4+s10], $0x80, s13, s10, $0xb8;
	[tilespmem:$0x1C480] =	vst v63  }
0x2fb: {  	p2 =	slt.s32 s24, $0x1  }
0x2fc: {  	[tilespmem:s16], [sflag:$0x3] =	stream.indirect.gather [hbm4b:s4+s10], $0x80, s15, s10, $0xb8;
	[tilespmem:$0x1C480] =	vst v63  }
.Ltmp21:
0x2fd: {  	_ = 	snop;
	(pc) =	sbr.rel @p2 .LBB2_33-.Ltmp21, $4  }
0x2fe: {  	[tilespmem:s18], [sflag:$0x4] =	stream.indirect.gather [hbm4b:s4+s10], $0x80, s17, s10, $0xb8;
	[tilespmem:$0x1C480] =	vst v63  }
0x2ff: {  	_ =	swait.ge [sflag:s19], $0x4000  }
0x300: {  	p1 =	slt.s32 s24, $0x80;
	s26 =	smov.u32 s24;
	[sflag:s19] =	ssyncset.done $0x0  }
0x301: {  	s26 =	simm.s32 @!p1 $0x80;
	[sflag:s19] =	ssyncadd.s32 $0xFFFFC000  }
0x302: {  	s25 =	simm.s32 $0x2200  }
0x303: {  	v4 =	vld [tilespmem:s25+$0x0];
	_ =	sdelay $0x4  }
0x304: {  	(v2sf) =	vpush v4, $0x0;
	_ =	sdelay $0xe  }
0x305: {  	s1 =	spop (v2sf)  }
0x306: {  	s0 =	simm.s32 $0x24C0;
	s1 =	sshll.u32 s1, $0x9  }
0x307: {  	v4 =	vld [tilespmem:s0+$0xFFFFFFC0];
	s1 =	sshra.s32 s1, $0x2  }
0x308: {  	v5 =	vld [tilespmem:s1+$0x12480];
	_ =	sdelay $0x4  }
0x309: {  	v4 =	vmax.f32 v5, v4  }
0x30a: {  	[tilespmem:s1+$0x12480] =	vst v4;
	v4 =	vld [tilespmem:s1+$0x12490]  }
0x30b: {  	v5 =	vld [tilespmem:s0+$0xFFFFFFD0];
	_ =	sdelay $0x4  }
0x30c: {  	v4 =	vmax.f32 v4, v5  }
0x30d: {  	[tilespmem:s1+$0x12490] =	vst v4;
	v4 =	vld [tilespmem:s1+$0x124A0]  }
0x30e: {  	v5 =	vld [tilespmem:s0+$0xFFFFFFE0];
	_ =	sdelay $0x4  }
0x30f: {  	v4 =	vmax.f32 v4, v5  }
0x310: {  	[tilespmem:s1+$0x124A0] =	vst v4;
	v4 =	vld [tilespmem:s1+$0x124B0]  }
0x311: {  	v5 =	vld [tilespmem:s0+$0xFFFFFFF0];
	_ =	sdelay $0x4  }
0x312: {  	v4 =	vmax.f32 v4, v5  }
0x313: {  	[tilespmem:s1+$0x124B0] =	vst v4;
	v4 =	vld [tilespmem:s1+$0x124C0]  }
0x314: {  	v5 =	vld [tilespmem:s0+$0x0];
	_ =	sdelay $0x4  }
0x315: {  	v4 =	vmax.f32 v4, v5  }
0x316: {  	[tilespmem:s1+$0x124C0] =	vst v4;
	v4 =	vld [tilespmem:s1+$0x124D0]  }
0x317: {  	v5 =	vld [tilespmem:s0+$0x10];
	_ =	sdelay $0x4  }
0x318: {  	v4 =	vmax.f32 v4, v5  }
0x319: {  	[tilespmem:s1+$0x124D0] =	vst v4;
	v4 =	vld [tilespmem:s1+$0x124E0]  }
0x31a: {  	v5 =	vld [tilespmem:s0+$0x20];
	_ =	sdelay $0x4  }
0x31b: {  	v4 =	vmax.f32 v4, v5  }
0x31c: {  	[tilespmem:s1+$0x124E0] =	vst v4;
	v4 =	vld [tilespmem:s1+$0x124F0]  }
0x31d: {  	p1 =	sne.s32 s26, $0x1;
	v5 =	vld [tilespmem:s0+$0x30]  }
.Ltmp22:
0x31e: {  	_ = 	snop;
	(pc) =	sbr.rel @!p1 .LBB2_32-.Ltmp22, $2  }
0x31f: {  	_ =	sdelay $0x2  }
0x320: {  	s5 =	sadd.s32 $0xFFFFFFFF, s26;
	v4 =	vmax.f32 v4, v5  }
.LBB2_31:
0x321: {  	p1 =	sne.s32 s5, $0x1;
	[tilespmem:s1+$0x124F0] =	vst v4;
	s25 =	sadd.s32 $0x1, s25;
	s0 =	sadd.s32 $0x80, s0  }
0x322: {  	s5 =	sadd.s32 $0xFFFFFFFF, s5;
	v4 =	vld [tilespmem:s25+$0x0];
	_ =	sdelay $0x4  }
0x323: {  	(v2sf) =	vpush v4, $0x0;
	_ =	sdelay $0xe  }
0x324: {  	s1 =	spop (v2sf)  }
0x325: {  	s1 =	sshll.u32 s1, $0x9  }
0x326: {  	s1 =	sshra.s32 s1, $0x2;
	v4 =	vld [tilespmem:s0+$0xFFFFFFC0]  }
0x327: {  	v5 =	vld [tilespmem:s1+$0x12480];
	_ =	sdelay $0x4  }
0x328: {  	v4 =	vmax.f32 v5, v4  }
0x329: {  	[tilespmem:s1+$0x12480] =	vst v4;
	v4 =	vld [tilespmem:s1+$0x12490]  }
0x32a: {  	v5 =	vld [tilespmem:s0+$0xFFFFFFD0];
	_ =	sdelay $0x4  }
0x32b: {  	v4 =	vmax.f32 v4, v5  }
0x32c: {  	[tilespmem:s1+$0x12490] =	vst v4;
	v4 =	vld [tilespmem:s1+$0x124A0]  }
0x32d: {  	v5 =	vld [tilespmem:s0+$0xFFFFFFE0];
	_ =	sdelay $0x4  }
0x32e: {  	v4 =	vmax.f32 v4, v5  }
0x32f: {  	[tilespmem:s1+$0x124A0] =	vst v4;
	v4 =	vld [tilespmem:s1+$0x124B0]  }
0x330: {  	v5 =	vld [tilespmem:s0+$0xFFFFFFF0];
	_ =	sdelay $0x4  }
0x331: {  	v4 =	vmax.f32 v4, v5  }
0x332: {  	[tilespmem:s1+$0x124B0] =	vst v4;
	v4 =	vld [tilespmem:s1+$0x124C0]  }
0x333: {  	v5 =	vld [tilespmem:s0+$0x0];
	_ =	sdelay $0x4  }
0x334: {  	v4 =	vmax.f32 v4, v5  }
0x335: {  	[tilespmem:s1+$0x124C0] =	vst v4;
	v4 =	vld [tilespmem:s1+$0x124D0]  }
0x336: {  	v5 =	vld [tilespmem:s0+$0x10];
	_ =	sdelay $0x4  }
0x337: {  	v4 =	vmax.f32 v4, v5  }
0x338: {  	[tilespmem:s1+$0x124D0] =	vst v4;
	v4 =	vld [tilespmem:s1+$0x124E0]  }
0x339: {  	v5 =	vld [tilespmem:s0+$0x20];
	_ =	sdelay $0x4  }
0x33a: {  	v4 =	vmax.f32 v4, v5  }
0x33b: {  	[tilespmem:s1+$0x124E0] =	vst v4;
	v4 =	vld [tilespmem:s1+$0x124F0]  }
0x33c: {  	v5 =	vld [tilespmem:s0+$0x30]  }
.Ltmp23:
0x33d: {  	(pc) =	sbr.rel @p1 .LBB2_31-.Ltmp23, $2  }
0x33e: {  	_ =	sdelay $0x2  }
0x33f: {  	v4 =	vmax.f32 v4, v5  }
.LBB2_32:
0x340: {  	[tilespmem:s1+$0x124F0] =	vst v4  }
.LBB2_33:
0x341: {  	p2 =	slt.s32 s24, $0x81  }
.Ltmp24:
0x342: {  	_ = 	snop;
	(pc) =	sbr.rel @p2 .LBB2_37-.Ltmp24, $4  }
0x343: {  	_ = 	snop  }
0x344: {  	_ =	swait.ge [sflag:s20], $0x4000  }
0x345: {  	p1 =	slt.s32 s24, $0x100;
	s25 =	smov.u32 s24;
	[sflag:s20] =	ssyncset.done $0x0  }
0x346: {  	s25 =	simm.s32 @!p1 $0x100;
	[sflag:s20] =	ssyncadd.s32 $0xFFFFC000  }
0x347: {  	s0 =	sshll.u32 s26, $0x2  }
0x348: {  	s0 =	sshra.s32 s0, $0x2  }
0x349: {  	s28 =	sadd.s32 $0x2200, s0  }
0x34a: {  	v4 =	vld [tilespmem:s28+$0x0];
	_ =	sdelay $0x4  }
0x34b: {  	(v2sf) =	vpush v4, $0x0;
	_ =	sdelay $0xd  }
0x34c: {  	s31 =	sshll.u32 s26, $0x9  }
0x34d: {  	s0 =	sshra.s32 s31, $0x2;
	s1 =	spop (v2sf)  }
0x34e: {  	s0 =	sadd.s32 $0x24C0, s0;
	s1 =	sshll.u32 s1, $0x9  }
0x34f: {  	v4 =	vld [tilespmem:s0+$0xFFFFFFC0];
	s1 =	sshra.s32 s1, $0x2  }
0x350: {  	v5 =	vld [tilespmem:s1+$0x12480];
	_ =	sdelay $0x4  }
0x351: {  	v4 =	vmax.f32 v5, v4  }
0x352: {  	[tilespmem:s1+$0x12480] =	vst v4;
	v4 =	vld [tilespmem:s1+$0x12490]  }
0x353: {  	v5 =	vld [tilespmem:s0+$0xFFFFFFD0];
	_ =	sdelay $0x4  }
0x354: {  	v4 =	vmax.f32 v4, v5  }
0x355: {  	[tilespmem:s1+$0x12490] =	vst v4;
	v4 =	vld [tilespmem:s1+$0x124A0]  }
0x356: {  	v5 =	vld [tilespmem:s0+$0xFFFFFFE0];
	_ =	sdelay $0x4  }
0x357: {  	v4 =	vmax.f32 v4, v5  }
0x358: {  	[tilespmem:s1+$0x124A0] =	vst v4;
	v4 =	vld [tilespmem:s1+$0x124B0]  }
0x359: {  	v5 =	vld [tilespmem:s0+$0xFFFFFFF0];
	_ =	sdelay $0x4  }
0x35a: {  	v4 =	vmax.f32 v4, v5  }
0x35b: {  	[tilespmem:s1+$0x124B0] =	vst v4;
	v4 =	vld [tilespmem:s1+$0x124C0]  }
0x35c: {  	v5 =	vld [tilespmem:s0+$0x0];
	_ =	sdelay $0x4  }
0x35d: {  	v4 =	vmax.f32 v4, v5  }
0x35e: {  	[tilespmem:s1+$0x124C0] =	vst v4;
	v4 =	vld [tilespmem:s1+$0x124D0]  }
0x35f: {  	v5 =	vld [tilespmem:s0+$0x10];
	_ =	sdelay $0x4  }
0x360: {  	v4 =	vmax.f32 v4, v5  }
0x361: {  	[tilespmem:s1+$0x124D0] =	vst v4;
	v4 =	vld [tilespmem:s1+$0x124E0]  }
0x362: {  	v5 =	vld [tilespmem:s0+$0x20];
	_ =	sdelay $0x4  }
0x363: {  	v4 =	vmax.f32 v4, v5  }
0x364: {  	s5 =	ssub.s32 s25, s26;
	[tilespmem:s1+$0x124E0] =	vst v4;
	v4 =	vld [tilespmem:s1+$0x124F0]  }
0x365: {  	p1 =	sne.s32 s5, $0x1;
	v5 =	vld [tilespmem:s0+$0x30]  }
.Ltmp25:
0x366: {  	_ = 	snop;
	(pc) =	sbr.rel @!p1 .LBB2_36-.Ltmp25, $2  }
0x367: {  	_ =	sdelay $0x2  }
0x368: {  	s5 =	sadd.s32 $0xFFFFFFFF, s5;
	v4 =	vmax.f32 v4, v5  }
.LBB2_35:
0x369: {  	p1 =	sne.s32 s5, $0x1;
	[tilespmem:s1+$0x124F0] =	vst v4;
	s28 =	sadd.s32 $0x1, s28;
	s0 =	sadd.s32 $0x80, s0  }
0x36a: {  	s5 =	sadd.s32 $0xFFFFFFFF, s5;
	v4 =	vld [tilespmem:s28+$0x0];
	_ =	sdelay $0x4  }
0x36b: {  	(v2sf) =	vpush v4, $0x0;
	_ =	sdelay $0xe  }
0x36c: {  	s1 =	spop (v2sf)  }
0x36d: {  	s1 =	sshll.u32 s1, $0x9  }
0x36e: {  	s1 =	sshra.s32 s1, $0x2;
	v4 =	vld [tilespmem:s0+$0xFFFFFFC0]  }
0x36f: {  	v5 =	vld [tilespmem:s1+$0x12480];
	_ =	sdelay $0x4  }
0x370: {  	v4 =	vmax.f32 v5, v4  }
0x371: {  	[tilespmem:s1+$0x12480] =	vst v4;
	v4 =	vld [tilespmem:s1+$0x12490]  }
0x372: {  	v5 =	vld [tilespmem:s0+$0xFFFFFFD0];
	_ =	sdelay $0x4  }
0x373: {  	v4 =	vmax.f32 v4, v5  }
0x374: {  	[tilespmem:s1+$0x12490] =	vst v4;
	v4 =	vld [tilespmem:s1+$0x124A0]  }
0x375: {  	v5 =	vld [tilespmem:s0+$0xFFFFFFE0];
	_ =	sdelay $0x4  }
0x376: {  	v4 =	vmax.f32 v4, v5  }
0x377: {  	[tilespmem:s1+$0x124A0] =	vst v4;
	v4 =	vld [tilespmem:s1+$0x124B0]  }
0x378: {  	v5 =	vld [tilespmem:s0+$0xFFFFFFF0];
	_ =	sdelay $0x4  }
0x379: {  	v4 =	vmax.f32 v4, v5  }
0x37a: {  	[tilespmem:s1+$0x124B0] =	vst v4;
	v4 =	vld [tilespmem:s1+$0x124C0]  }
0x37b: {  	v5 =	vld [tilespmem:s0+$0x0];
	_ =	sdelay $0x4  }
0x37c: {  	v4 =	vmax.f32 v4, v5  }
0x37d: {  	[tilespmem:s1+$0x124C0] =	vst v4;
	v4 =	vld [tilespmem:s1+$0x124D0]  }
0x37e: {  	v5 =	vld [tilespmem:s0+$0x10];
	_ =	sdelay $0x4  }
0x37f: {  	v4 =	vmax.f32 v4, v5  }
0x380: {  	[tilespmem:s1+$0x124D0] =	vst v4;
	v4 =	vld [tilespmem:s1+$0x124E0]  }
0x381: {  	v5 =	vld [tilespmem:s0+$0x20];
	_ =	sdelay $0x4  }
0x382: {  	v4 =	vmax.f32 v4, v5  }
0x383: {  	[tilespmem:s1+$0x124E0] =	vst v4;
	v4 =	vld [tilespmem:s1+$0x124F0]  }
0x384: {  	v5 =	vld [tilespmem:s0+$0x30]  }
.Ltmp26:
0x385: {  	(pc) =	sbr.rel @p1 .LBB2_35-.Ltmp26, $2  }
0x386: {  	_ =	sdelay $0x2  }
0x387: {  	v4 =	vmax.f32 v4, v5  }
.LBB2_36:
0x388: {  	[tilespmem:s1+$0x124F0] =	vst v4  }
.LBB2_37:
0x389: {  	p2 =	slt.s32 s24, $0x101  }
.Ltmp27:
0x38a: {  	_ = 	snop;
	(pc) =	sbr.rel @p2 .LBB2_41-.Ltmp27, $4  }
0x38b: {  	_ = 	snop  }
0x38c: {  	_ =	swait.ge [sflag:s21], $0x4000  }
0x38d: {  	p1 =	slt.s32 s24, $0x180;
	s26 =	smov.u32 s24;
	[sflag:s21] =	ssyncset.done $0x0  }
0x38e: {  	s26 =	simm.s32 @!p1 $0x180;
	[sflag:s21] =	ssyncadd.s32 $0xFFFFC000  }
0x38f: {  	s0 =	sshll.u32 s25, $0x2  }
0x390: {  	s0 =	sshra.s32 s0, $0x2  }
0x391: {  	s28 =	sadd.s32 $0x2200, s0  }
0x392: {  	v4 =	vld [tilespmem:s28+$0x0];
	_ =	sdelay $0x4  }
0x393: {  	(v2sf) =	vpush v4, $0x0;
	_ =	sdelay $0xd  }
0x394: {  	s31 =	sshll.u32 s25, $0x9  }
0x395: {  	s0 =	sshra.s32 s31, $0x2;
	s1 =	spop (v2sf)  }
0x396: {  	s0 =	sadd.s32 $0x24C0, s0;
	s1 =	sshll.u32 s1, $0x9  }
0x397: {  	v4 =	vld [tilespmem:s0+$0xFFFFFFC0];
	s1 =	sshra.s32 s1, $0x2  }
0x398: {  	v5 =	vld [tilespmem:s1+$0x12480];
	_ =	sdelay $0x4  }
0x399: {  	v4 =	vmax.f32 v5, v4  }
0x39a: {  	[tilespmem:s1+$0x12480] =	vst v4;
	v4 =	vld [tilespmem:s1+$0x12490]  }
0x39b: {  	v5 =	vld [tilespmem:s0+$0xFFFFFFD0];
	_ =	sdelay $0x4  }
0x39c: {  	v4 =	vmax.f32 v4, v5  }
0x39d: {  	[tilespmem:s1+$0x12490] =	vst v4;
	v4 =	vld [tilespmem:s1+$0x124A0]  }
0x39e: {  	v5 =	vld [tilespmem:s0+$0xFFFFFFE0];
	_ =	sdelay $0x4  }
0x39f: {  	v4 =	vmax.f32 v4, v5  }
0x3a0: {  	[tilespmem:s1+$0x124A0] =	vst v4;
	v4 =	vld [tilespmem:s1+$0x124B0]  }
0x3a1: {  	v5 =	vld [tilespmem:s0+$0xFFFFFFF0];
	_ =	sdelay $0x4  }
0x3a2: {  	v4 =	vmax.f32 v4, v5  }
0x3a3: {  	[tilespmem:s1+$0x124B0] =	vst v4;
	v4 =	vld [tilespmem:s1+$0x124C0]  }
0x3a4: {  	v5 =	vld [tilespmem:s0+$0x0];
	_ =	sdelay $0x4  }
0x3a5: {  	v4 =	vmax.f32 v4, v5  }
0x3a6: {  	[tilespmem:s1+$0x124C0] =	vst v4;
	v4 =	vld [tilespmem:s1+$0x124D0]  }
0x3a7: {  	v5 =	vld [tilespmem:s0+$0x10];
	_ =	sdelay $0x4  }
0x3a8: {  	v4 =	vmax.f32 v4, v5  }
0x3a9: {  	[tilespmem:s1+$0x124D0] =	vst v4;
	v4 =	vld [tilespmem:s1+$0x124E0]  }
0x3aa: {  	v5 =	vld [tilespmem:s0+$0x20];
	_ =	sdelay $0x4  }
0x3ab: {  	v4 =	vmax.f32 v4, v5  }
0x3ac: {  	s5 =	ssub.s32 s26, s25;
	[tilespmem:s1+$0x124E0] =	vst v4;
	v4 =	vld [tilespmem:s1+$0x124F0]  }
0x3ad: {  	p1 =	sne.s32 s5, $0x1;
	v5 =	vld [tilespmem:s0+$0x30]  }
.Ltmp28:
0x3ae: {  	_ = 	snop;
	(pc) =	sbr.rel @!p1 .LBB2_40-.Ltmp28, $2  }
0x3af: {  	_ =	sdelay $0x2  }
0x3b0: {  	s5 =	sadd.s32 $0xFFFFFFFF, s5;
	v4 =	vmax.f32 v4, v5  }
.LBB2_39:
0x3b1: {  	p1 =	sne.s32 s5, $0x1;
	[tilespmem:s1+$0x124F0] =	vst v4;
	s28 =	sadd.s32 $0x1, s28;
	s0 =	sadd.s32 $0x80, s0  }
0x3b2: {  	s5 =	sadd.s32 $0xFFFFFFFF, s5;
	v4 =	vld [tilespmem:s28+$0x0];
	_ =	sdelay $0x4  }
0x3b3: {  	(v2sf) =	vpush v4, $0x0;
	_ =	sdelay $0xe  }
0x3b4: {  	s1 =	spop (v2sf)  }
0x3b5: {  	s1 =	sshll.u32 s1, $0x9  }
0x3b6: {  	s1 =	sshra.s32 s1, $0x2;
	v4 =	vld [tilespmem:s0+$0xFFFFFFC0]  }
0x3b7: {  	v5 =	vld [tilespmem:s1+$0x12480];
	_ =	sdelay $0x4  }
0x3b8: {  	v4 =	vmax.f32 v5, v4  }
0x3b9: {  	[tilespmem:s1+$0x12480] =	vst v4;
	v4 =	vld [tilespmem:s1+$0x12490]  }
0x3ba: {  	v5 =	vld [tilespmem:s0+$0xFFFFFFD0];
	_ =	sdelay $0x4  }
0x3bb: {  	v4 =	vmax.f32 v4, v5  }
0x3bc: {  	[tilespmem:s1+$0x12490] =	vst v4;
	v4 =	vld [tilespmem:s1+$0x124A0]  }
0x3bd: {  	v5 =	vld [tilespmem:s0+$0xFFFFFFE0];
	_ =	sdelay $0x4  }
0x3be: {  	v4 =	vmax.f32 v4, v5  }
0x3bf: {  	[tilespmem:s1+$0x124A0] =	vst v4;
	v4 =	vld [tilespmem:s1+$0x124B0]  }
0x3c0: {  	v5 =	vld [tilespmem:s0+$0xFFFFFFF0];
	_ =	sdelay $0x4  }
0x3c1: {  	v4 =	vmax.f32 v4, v5  }
0x3c2: {  	[tilespmem:s1+$0x124B0] =	vst v4;
	v4 =	vld [tilespmem:s1+$0x124C0]  }
0x3c3: {  	v5 =	vld [tilespmem:s0+$0x0];
	_ =	sdelay $0x4  }
0x3c4: {  	v4 =	vmax.f32 v4, v5  }
0x3c5: {  	[tilespmem:s1+$0x124C0] =	vst v4;
	v4 =	vld [tilespmem:s1+$0x124D0]  }
0x3c6: {  	v5 =	vld [tilespmem:s0+$0x10];
	_ =	sdelay $0x4  }
0x3c7: {  	v4 =	vmax.f32 v4, v5  }
0x3c8: {  	[tilespmem:s1+$0x124D0] =	vst v4;
	v4 =	vld [tilespmem:s1+$0x124E0]  }
0x3c9: {  	v5 =	vld [tilespmem:s0+$0x20];
	_ =	sdelay $0x4  }
0x3ca: {  	v4 =	vmax.f32 v4, v5  }
0x3cb: {  	[tilespmem:s1+$0x124E0] =	vst v4;
	v4 =	vld [tilespmem:s1+$0x124F0]  }
0x3cc: {  	v5 =	vld [tilespmem:s0+$0x30]  }
.Ltmp29:
0x3cd: {  	(pc) =	sbr.rel @p1 .LBB2_39-.Ltmp29, $2  }
0x3ce: {  	_ =	sdelay $0x2  }
0x3cf: {  	v4 =	vmax.f32 v4, v5  }
.LBB2_40:
0x3d0: {  	[tilespmem:s1+$0x124F0] =	vst v4  }
.LBB2_41:
0x3d1: {  	p1 =	slt.s32 s24, $0x181  }
.Ltmp30:
0x3d2: {  	_ = 	snop;
	(pc) =	sbr.rel @p1 .LBB2_45-.Ltmp30, $4  }
0x3d3: {  	_ = 	snop  }
0x3d4: {  	_ =	swait.ge [sflag:s22], $0x4000  }
0x3d5: {  	[sflag:s22] =	ssyncset.done $0x0  }
0x3d6: {  	[sflag:s22] =	ssyncadd.s32 $0xFFFFC000  }
0x3d7: {  	s0 =	sshll.u32 s26, $0x2  }
0x3d8: {  	s0 =	sshra.s32 s0, $0x2  }
0x3d9: {  	s25 =	sadd.s32 $0x2200, s0  }
0x3da: {  	v4 =	vld [tilespmem:s25+$0x0];
	_ =	sdelay $0x4  }
0x3db: {  	(v2sf) =	vpush v4, $0x0;
	_ =	sdelay $0xd  }
0x3dc: {  	s31 =	sshll.u32 s26, $0x9  }
0x3dd: {  	s0 =	sshra.s32 s31, $0x2;
	s1 =	spop (v2sf)  }
0x3de: {  	s0 =	sadd.s32 $0x24C0, s0;
	s1 =	sshll.u32 s1, $0x9  }
0x3df: {  	v4 =	vld [tilespmem:s0+$0xFFFFFFC0];
	s1 =	sshra.s32 s1, $0x2  }
0x3e0: {  	v5 =	vld [tilespmem:s1+$0x12480];
	_ =	sdelay $0x4  }
0x3e1: {  	v4 =	vmax.f32 v5, v4  }
0x3e2: {  	[tilespmem:s1+$0x12480] =	vst v4;
	v4 =	vld [tilespmem:s1+$0x12490]  }
0x3e3: {  	v5 =	vld [tilespmem:s0+$0xFFFFFFD0];
	_ =	sdelay $0x4  }
0x3e4: {  	v4 =	vmax.f32 v4, v5  }
0x3e5: {  	[tilespmem:s1+$0x12490] =	vst v4;
	v4 =	vld [tilespmem:s1+$0x124A0]  }
0x3e6: {  	v5 =	vld [tilespmem:s0+$0xFFFFFFE0];
	_ =	sdelay $0x4  }
0x3e7: {  	v4 =	vmax.f32 v4, v5  }
0x3e8: {  	[tilespmem:s1+$0x124A0] =	vst v4;
	v4 =	vld [tilespmem:s1+$0x124B0]  }
0x3e9: {  	v5 =	vld [tilespmem:s0+$0xFFFFFFF0];
	_ =	sdelay $0x4  }
0x3ea: {  	v4 =	vmax.f32 v4, v5  }
0x3eb: {  	[tilespmem:s1+$0x124B0] =	vst v4;
	v4 =	vld [tilespmem:s1+$0x124C0]  }
0x3ec: {  	v5 =	vld [tilespmem:s0+$0x0];
	_ =	sdelay $0x4  }
0x3ed: {  	v4 =	vmax.f32 v4, v5  }
0x3ee: {  	[tilespmem:s1+$0x124C0] =	vst v4;
	v4 =	vld [tilespmem:s1+$0x124D0]  }
0x3ef: {  	v5 =	vld [tilespmem:s0+$0x10];
	_ =	sdelay $0x4  }
0x3f0: {  	v4 =	vmax.f32 v4, v5  }
0x3f1: {  	[tilespmem:s1+$0x124D0] =	vst v4;
	v4 =	vld [tilespmem:s1+$0x124E0]  }
0x3f2: {  	v5 =	vld [tilespmem:s0+$0x20];
	_ =	sdelay $0x4  }
0x3f3: {  	v4 =	vmax.f32 v4, v5  }
0x3f4: {  	s5 =	ssub.s32 s24, s26;
	[tilespmem:s1+$0x124E0] =	vst v4;
	v4 =	vld [tilespmem:s1+$0x124F0]  }
0x3f5: {  	p1 =	sne.s32 s5, $0x1;
	v5 =	vld [tilespmem:s0+$0x30]  }
.Ltmp31:
0x3f6: {  	_ = 	snop;
	(pc) =	sbr.rel @!p1 .LBB2_44-.Ltmp31, $2  }
0x3f7: {  	_ =	sdelay $0x2  }
0x3f8: {  	s5 =	sadd.s32 $0xFFFFFFFF, s5;
	v4 =	vmax.f32 v4, v5  }
.LBB2_43:
0x3f9: {  	p1 =	sne.s32 s5, $0x1;
	[tilespmem:s1+$0x124F0] =	vst v4;
	s25 =	sadd.s32 $0x1, s25;
	s0 =	sadd.s32 $0x80, s0  }
0x3fa: {  	s5 =	sadd.s32 $0xFFFFFFFF, s5;
	v4 =	vld [tilespmem:s25+$0x0];
	_ =	sdelay $0x4  }
0x3fb: {  	(v2sf) =	vpush v4, $0x0;
	_ =	sdelay $0xe  }
0x3fc: {  	s1 =	spop (v2sf)  }
0x3fd: {  	s1 =	sshll.u32 s1, $0x9  }
0x3fe: {  	s1 =	sshra.s32 s1, $0x2;
	v4 =	vld [tilespmem:s0+$0xFFFFFFC0]  }
0x3ff: {  	v5 =	vld [tilespmem:s1+$0x12480];
	_ =	sdelay $0x4  }
0x400: {  	v4 =	vmax.f32 v5, v4  }
0x401: {  	[tilespmem:s1+$0x12480] =	vst v4;
	v4 =	vld [tilespmem:s1+$0x12490]  }
0x402: {  	v5 =	vld [tilespmem:s0+$0xFFFFFFD0];
	_ =	sdelay $0x4  }
0x403: {  	v4 =	vmax.f32 v4, v5  }
0x404: {  	[tilespmem:s1+$0x12490] =	vst v4;
	v4 =	vld [tilespmem:s1+$0x124A0]  }
0x405: {  	v5 =	vld [tilespmem:s0+$0xFFFFFFE0];
	_ =	sdelay $0x4  }
0x406: {  	v4 =	vmax.f32 v4, v5  }
0x407: {  	[tilespmem:s1+$0x124A0] =	vst v4;
	v4 =	vld [tilespmem:s1+$0x124B0]  }
0x408: {  	v5 =	vld [tilespmem:s0+$0xFFFFFFF0];
	_ =	sdelay $0x4  }
0x409: {  	v4 =	vmax.f32 v4, v5  }
0x40a: {  	[tilespmem:s1+$0x124B0] =	vst v4;
	v4 =	vld [tilespmem:s1+$0x124C0]  }
0x40b: {  	v5 =	vld [tilespmem:s0+$0x0];
	_ =	sdelay $0x4  }
0x40c: {  	v4 =	vmax.f32 v4, v5  }
0x40d: {  	[tilespmem:s1+$0x124C0] =	vst v4;
	v4 =	vld [tilespmem:s1+$0x124D0]  }
0x40e: {  	v5 =	vld [tilespmem:s0+$0x10];
	_ =	sdelay $0x4  }
0x40f: {  	v4 =	vmax.f32 v4, v5  }
0x410: {  	[tilespmem:s1+$0x124D0] =	vst v4;
	v4 =	vld [tilespmem:s1+$0x124E0]  }
0x411: {  	v5 =	vld [tilespmem:s0+$0x20];
	_ =	sdelay $0x4  }
0x412: {  	v4 =	vmax.f32 v4, v5  }
0x413: {  	[tilespmem:s1+$0x124E0] =	vst v4;
	v4 =	vld [tilespmem:s1+$0x124F0]  }
0x414: {  	v5 =	vld [tilespmem:s0+$0x30]  }
.Ltmp32:
0x415: {  	(pc) =	sbr.rel @p1 .LBB2_43-.Ltmp32, $2  }
0x416: {  	_ =	sdelay $0x2  }
0x417: {  	v4 =	vmax.f32 v4, v5  }
.LBB2_44:
0x418: {  	[tilespmem:s1+$0x124F0] =	vst v4  }
.LBB2_45:
0x419: {  	s0 =	simm.s32 $0x0  }
0x41a: {  	v6 =	vld [tilespmem:s0+$0x12480]  }
0x41b: {  	v9 =	vld [tilespmem:s0+$0x12490]  }
0x41c: {  	v8 =	vld [tilespmem:s0+$0x124A0]  }
0x41d: {  	v7 =	vld [tilespmem:s0+$0x124B0]  }
0x41e: {  	v4 =	vld [tilespmem:s0+$0x124C0]  }
0x41f: {  	v5 =	vld [tilespmem:s0+$0x124D0];
	vm0 =	veq.f32 v6, $-Inf  }
0x420: {  	s1 =	simm.s32 $0x200;
	v10 =	vsel vm0, $0x0, v6;
	vm0 =	veq.f32 v9, $-Inf;
	v6 =	vld [tilespmem:s0+$0x124E0]  }
.LBB2_46:
0x421: {  	s5 =	sshra.s32 s1, $0x2;
	p1 =	sne.s32 s1, $0x27E00;
	[tilespmem:s0+$0x12480] =	vst v10;
	v9 =	vsel vm0, $0x0, v9;
	vm0 =	veq.f32 v8, $-Inf;
	v10 =	vld [tilespmem:s0+$0x124F0]  }
0x422: {  	v11 =	vld [tilespmem:s5+$0x12480];
	[tilespmem:s0+$0x12490] =	vst v9;
	v8 =	vsel vm0, $0x0, v8;
	vm0 =	veq.f32 v7, $-Inf  }
0x423: {  	v9 =	vld [tilespmem:s5+$0x12490];
	[tilespmem:s0+$0x124A0] =	vst v8;
	v7 =	vsel vm0, $0x0, v7;
	vm0 =	veq.f32 v4, $-Inf  }
.Ltmp33:
0x424: {  	v8 =	vld [tilespmem:s5+$0x124A0];
	[tilespmem:s0+$0x124B0] =	vst v7;
	v4 =	vsel vm0, $0x0, v4;
	vm0 =	veq.f32 v5, $-Inf;
	(pc) =	sbr.rel @p1 .LBB2_46-.Ltmp33, $4  }
0x425: {  	v7 =	vld [tilespmem:s5+$0x124B0];
	[tilespmem:s0+$0x124C0] =	vst v4;
	v5 =	vsel vm0, $0x0, v5;
	vm0 =	veq.f32 v6, $-Inf  }
0x426: {  	v4 =	vld [tilespmem:s5+$0x124C0];
	[tilespmem:s0+$0x124D0] =	vst v5;
	v6 =	vsel vm0, $0x0, v6;
	vm0 =	veq.f32 v10, $-Inf  }
0x427: {  	vm1 =	veq.f32 v11, $-Inf;
	v5 =	vld [tilespmem:s5+$0x124D0];
	[tilespmem:s0+$0x124E0] =	vst v6;
	v12 =	vsel vm0, $0x0, v10  }
0x428: {  	s1 =	sadd.s32 $0x200, s1;
	v10 =	vsel vm1, $0x0, v11;
	vm0 =	veq.f32 v9, $-Inf;
	v6 =	vld [tilespmem:s5+$0x124E0];
	[tilespmem:s0+$0x124F0] =	vst v12;
	s0 =	smov.u32 s5  }
0x429: {  	[tilespmem:s0+$0x12480] =	vst v10;
	v9 =	vsel vm0, $0x0, v9;
	vm10 =	veq.f32 v8, $-Inf;
	v63 =	vld [tilespmem:s0+$0x124F0]  }
0x42a: {  	[tilespmem:s0+$0x12490] =	vst v9;
	v8 =	vsel vm10, $0x0, v8;
	vm11 =	veq.f32 v7, $-Inf  }
0x42b: {  	[tilespmem:s0+$0x124A0] =	vst v8;
	v7 =	vsel vm11, $0x0, v7;
	vm12 =	veq.f32 v4, $-Inf  }
0x42c: {  	[tilespmem:s0+$0x124B0] =	vst v7;
	v4 =	vsel vm12, $0x0, v4;
	vm13 =	veq.f32 v5, $-Inf  }
0x42d: {  	[tilespmem:s0+$0x124C0] =	vst v4;
	v4 =	vsel vm13, $0x0, v5;
	vm14 =	veq.f32 v6, $-Inf  }
0x42e: {  	[tilespmem:s0+$0x124D0] =	vst v4;
	v4 =	vsel vm14, $0x0, v6;
	vm15 =	veq.f32 v63, $-Inf  }
0x42f: {  	[tilespmem:s0+$0x124E0] =	vst v4;
	v4 =	vsel vm15, $0x0, v63  }
0x430: {  	s1 =	simm.s32 @p0 $0x12480;
	s5 =	rddreg [dreg:$0x4];
	[tilespmem:s0+$0x124F0] =	vst v4;
	s0 =	simm.s32 @p0 $0x0  }
0x431: {  	[hbm4b:s5+s0] =	stream.linear.scatter @p0 [tilespmem:s1], [sflag:$0x7], $0x2800, $0x38;
	[tilespmem:$0x1C480] =	vst v63  }
0x432: {  	s0 =	simm.s32 @p0 $0x7  }
0x433: {  	_ =	swait.ge @p0 [sflag:s0], $0x2800  }
0x434: {  	s1 =	simm.s32 @!p0 $0x12480;
	[sflag:s0] =	ssyncset.done @p0 $0x0  }
0x435: {  	s5 =	rddreg [dreg:$0x3];
	[sflag:s0] =	ssyncadd.s32 @p0 $0xFFFFD800;
	s0 =	simm.s32 @!p0 $0x0  }
0x436: {  	[hbm4b:s5+s0] =	stream.linear.scatter @!p0 [tilespmem:s1], [sflag:$0x7], $0xA000, $0x38;
	[tilespmem:$0x1C480] =	vst v63  }
0x437: {  	s0 =	simm.s32 @!p0 $0x7  }
0x438: {  	_ =	swait.ge @!p0 [sflag:s0], $0xA000  }
0x439: {  	s2 =	sadd.s32 $0x1, s2;
	s31 =	rddreg [dreg:$0x5]  }
0x43a: {  	p1 =	sne.s32 s2, s31  }
.Ltmp34:
0x43b: {  	_ = 	snop;
	(pc) =	sbr.rel @p1 .LBB2_1-.Ltmp34, $3  }
0x43c: {  	_ =	sdelay $0x1  }
0x43d: {  	[sflag:s0] =	ssyncset.done @!p0 $0x0  }
0x43e: {  	[sflag:s0] =	ssyncadd.s32 @!p0 $0xFFFF6000  }
0x43f: {  	_ =	sfence.sel $0x180000  }
0x440: {  	[bflag:$0x0] =	sbarrier.arrive $0xFFFF  }
0x441: {  	_ =	strace $0x9000004A  }
0x442: {  	s0 =	stileid.u32;
	[bflag:$0x2] =	sbarrier.arrive $0xFFFF  }
0x443: {  	p0 =	sne.s32 s0, $0x0;
	s0 =	rddreg [dreg:$0x2]  }
0x444: {  	s0 =	sadd.s32 @!p0 $0x100000, s0  }
0x445: {  	[sflag:s0] =	ssyncadd.tile.s32 @!p0 $0x1;
	_ =	shalt  }
.Lfunc_end2:
_tile_overlayer_lowered:
.L_overlay_start_2:
0x446: {  	(tag) =	ssettag $0x2  }
0x447: {  	s0 =	rddreg [dreg:$0x0];
	s2 =	stileid.u32  }
0x448: {  	s1 =	rddreg [dreg:$0x1];
	p0 =	sne.s32 s2, $0x0  }
0x449: {  	s3 =	rddreg [dreg:$0x2];
	[bflag:$0x3] =	sbarrier.arrive $0xFFFF;
	s2 =	simm.s32 @!p0 $0x1C07  }
0x44a: {  	[timem:s3], [sflag:s2] =	dma.local @!p0 [hbm:s0], s1  }
0x44b: {  	s0 =	simm.s32 @!p0 $0x7  }
0x44c: {  	_ =	swait.ge @!p0 [sflag:s0], s1  }
0x44d: {  	s1 =	ssub.s32 @!p0 $0x0, s1;
	[sflag:s0] =	ssyncset.done @!p0 $0x0  }
0x44e: {  	[sflag:s0] =	ssyncadd.s32 @!p0 s1  }
0x44f: {  	[bflag:$0x3] =	sbarrier.arrive $0xFFFF  }
0x450: {  	_ =	shalt  }

</sc_bundles>
